<compile_context>
chip_gen: v7x
topology: tpu7x:2x2x1
jax: 0.10.2.dev20260603
libtpu: 0.0.44.dev20260713+nightly
codegen_flags: <defaults>
</compile_context>

<pallas_src>
import functools

import jax
import jax.numpy as jnp
from jax import lax
from jax.experimental import pallas as pl
from jax.experimental.pallas import tpu as pltpu
from jax.experimental.pallas import tpu_sc as plsc

N = 10000
D = 256
HALF = 128
E = 160000

NC = 2
NS = 16
CHUNK = 128
CHUNKS = 80
EPT = CHUNKS * CHUNK
E_PAD = NS * EPT
N_ACC = 10112
ZROWS = N_ACC // NS

_mesh = plsc.VectorSubcoreMesh(core_axis_name="c", subcore_axis_name="s")


@functools.partial(
    pl.kernel,
    out_type=jax.ShapeDtypeStruct((2, N_ACC), jnp.float32),
    mesh=_mesh,
    scratch_types=[
        pltpu.VMEM((CHUNKS // 2, 2, CHUNK), jnp.int32),
        pltpu.VMEM((CHUNK,), jnp.float32),
        pltpu.VMEM_SHARED((N_ACC,), jnp.float32),
    ],
)
def _deg_kernel(rc_hbm, zdeg_hbm, deg_out, col_v, ones_v, deg_sh):
    c = lax.axis_index("c")
    s = lax.axis_index("s")
    hc = CHUNKS // 2
    pltpu.sync_copy(rc_hbm.at[s, pl.ds(c * hc, hc)], col_v)
    for k in range(CHUNK // 16):
        ones_v[pl.ds(k * 16, 16)] = jnp.ones((16,), jnp.float32)

    @pl.when(s == 0)
    def _():
        pltpu.sync_copy(zdeg_hbm, deg_sh)

    plsc.subcore_barrier()

    def body(j, carry):
        pltpu.sync_copy(ones_v, deg_sh.at[col_v.at[j, 1]], add=True)
        return carry

    lax.fori_loop(0, hc, body, 0)
    plsc.subcore_barrier()

    @pl.when(s == 0)
    def _():
        pltpu.sync_copy(deg_sh, deg_out.at[c])


@functools.partial(
    pl.kernel,
    out_type=(
        jax.ShapeDtypeStruct((N_ACC, HALF), jnp.float32),
        jax.ShapeDtypeStruct((N_ACC, HALF), jnp.float32),
    ),
    mesh=_mesh,
    scratch_types=[
        pltpu.VMEM((4, 2, CHUNK), jnp.int32),
        pltpu.VMEM((2, CHUNK, HALF), jnp.float32),
        pltpu.VMEM_SHARED((N_ACC, HALF), jnp.float32),
        [pltpu.SemaphoreType.DMA] * 4,
        [pltpu.SemaphoreType.DMA] * 2,
        [pltpu.SemaphoreType.DMA] * 2,
    ],
)
def _mp_kernel(rc_hbm, xs_lo, xs_hi, zacc_hbm, out_lo, out_hi,
               rc_v, buf_v, acc_sh, sem_i, sem_g, sem_s):
    c = lax.axis_index("c")
    s = lax.axis_index("s")

    def run(xs_hbm, out_hbm):
        def i_copy(j, js):
            return pltpu.make_async_copy(
                rc_hbm.at[s, j], rc_v.at[js], sem_i[js])

        def g_copy(js, db):
            return pltpu.make_async_copy(
                xs_hbm.at[rc_v.at[js, 0]], buf_v.at[db], sem_g[db])

        def s_copy(js, db):
            return pltpu.make_async_copy(
                buf_v.at[db], acc_sh.at[rc_v.at[js, 1]], sem_s[db])

        for k in range(4):
            i_copy(k, k).start()
        i_copy(0, 0).wait()
        g_copy(0, 0).start()
        pltpu.sync_copy(zacc_hbm, acc_sh.at[pl.ds(s * ZROWS, ZROWS)])
        plsc.subcore_barrier()

        H = CHUNKS // 4

        def body(h, carry):
            j0 = 4 * h
            for k in range(4):
                j = j0 + k
                js = k
                ps = (k + 3) % 4
                db = k % 2
                pb = 1 - db
                g_copy(js, db).wait()
                s_copy(js, db).start(add=True)

                if k == 0:
                    @pl.when(h > 0)
                    def _():
                        s_copy(ps, pb).wait()
                        i_copy(j + 3, ps).start()
                    i_copy(j + 1, (k + 1) % 4).wait()
                    g_copy((k + 1) % 4, pb).start()
                elif k < 3:
                    s_copy(ps, pb).wait()

                    @pl.when(h < H - 1)
                    def _():
                        i_copy(j + 3, ps).start()
                    i_copy(j + 1, (k + 1) % 4).wait()
                    g_copy((k + 1) % 4, pb).start()
                else:
                    s_copy(ps, pb).wait()

                    @pl.when(h < H - 1)
                    def _():
                        i_copy(j + 3, ps).start()
                        i_copy(j + 1, (k + 1) % 4).wait()
                        g_copy((k + 1) % 4, pb).start()

            return carry

        lax.fori_loop(0, H, body, 0)
        s_copy(3, 1).wait()
        plsc.subcore_barrier()
        pltpu.sync_copy(acc_sh.at[pl.ds(s * ZROWS, ZROWS)],
                        out_hbm.at[pl.ds(s * ZROWS, ZROWS)])

    @pl.when(c == 0)
    def _():
        run(xs_lo, out_lo)

    @pl.when(c == 1)
    def _():
        run(xs_hi, out_hi)


_BLK = 1000
_GRID = N // _BLK


def _row_spec(width):
    return pl.BlockSpec((_BLK, width), lambda i: (i, 0))


def _full_spec(r, cdim):
    return pl.BlockSpec((r, cdim), lambda i: (0, 0))


def _tc1_body(x_ref, w_ref, d0_ref, d1_ref, lo_ref, hi_ref):
    dinv = lax.rsqrt(d0_ref[...] + d1_ref[...] + 1.0)
    xw = jnp.dot(x_ref[...], w_ref[...], preferred_element_type=jnp.float32)
    xs = xw * dinv
    lo_ref[...] = xs[:, :HALF]
    hi_ref[...] = xs[:, HALF:]


_tc1 = pl.pallas_call(
    _tc1_body,
    grid=(_GRID,),
    in_specs=[_row_spec(D), _full_spec(D, D), _row_spec(1), _row_spec(1)],
    out_specs=[_row_spec(HALF), _row_spec(HALF)],
    out_shape=[
        jax.ShapeDtypeStruct((N, HALF), jnp.float32),
        jax.ShapeDtypeStruct((N, HALF), jnp.float32),
    ],
)


def _tc_mid_body(alo_ref, ahi_ref, xlo_ref, xhi_ref, d0_ref, d1_ref, w_ref,
                 b_ref, lo_ref, hi_ref):
    dinv = lax.rsqrt(d0_ref[...] + d1_ref[...] + 1.0)
    t = jnp.concatenate(
        [alo_ref[...] + xlo_ref[...], ahi_ref[...] + xhi_ref[...]], axis=1)
    h = jnp.maximum(t * dinv + b_ref[...], 0.0)
    xw = jnp.dot(h, w_ref[...], preferred_element_type=jnp.float32)
    xs = xw * dinv
    lo_ref[...] = xs[:, :HALF]
    hi_ref[...] = xs[:, HALF:]


_tc_mid = pl.pallas_call(
    _tc_mid_body,
    grid=(_GRID,),
    in_specs=[_row_spec(HALF), _row_spec(HALF), _row_spec(HALF),
              _row_spec(HALF), _row_spec(1), _row_spec(1),
              _full_spec(D, D), _full_spec(1, D)],
    out_specs=[_row_spec(HALF), _row_spec(HALF)],
    out_shape=[
        jax.ShapeDtypeStruct((N, HALF), jnp.float32),
        jax.ShapeDtypeStruct((N, HALF), jnp.float32),
    ],
)


def _tc_fin_body(alo_ref, ahi_ref, xlo_ref, xhi_ref, d0_ref, d1_ref, b_ref,
                 wc_ref, bc_ref, out_ref):
    dinv = lax.rsqrt(d0_ref[...] + d1_ref[...] + 1.0)
    t = jnp.concatenate(
        [alo_ref[...] + xlo_ref[...], ahi_ref[...] + xhi_ref[...]], axis=1)
    h = jnp.maximum(t * dinv + b_ref[...], 0.0)
    out_ref[...] = jnp.dot(
        h, wc_ref[...], preferred_element_type=jnp.float32) + bc_ref[...]


_tc_fin = pl.pallas_call(
    _tc_fin_body,
    grid=(_GRID,),
    in_specs=[_row_spec(HALF), _row_spec(HALF), _row_spec(HALF),
              _row_spec(HALF), _row_spec(1), _row_spec(1),
              _full_spec(1, D), _full_spec(D, 1), _full_spec(1, 1)],
    out_specs=[_row_spec(1)],
    out_shape=[jax.ShapeDtypeStruct((N, 1), jnp.float32)],
)


def kernel(x, edge_index, W1, b1, W2, b2, Wc, bc):
    row = edge_index[0].astype(jnp.int32)
    col = edge_index[1].astype(jnp.int32)
    pad = E_PAD - E
    prow = (jnp.arange(pad, dtype=jnp.int32) * 79) % N
    pcol = N + jnp.arange(pad, dtype=jnp.int32) % (N_ACC - N)
    row_t = jnp.concatenate([row, prow]).reshape(NS, CHUNKS, CHUNK)
    col_t = jnp.concatenate([col, pcol]).reshape(NS, CHUNKS, CHUNK)
    rc_t = jnp.stack([row_t, col_t], axis=2)
    zdeg = jnp.zeros((N_ACC,), jnp.float32)
    zacc = jnp.zeros((ZROWS, HALF), jnp.float32)

    degp = _deg_kernel(rc_t, zdeg)
    d0 = degp[0, :N].reshape(N, 1)
    d1 = degp[1, :N].reshape(N, 1)
    b1r = b1.reshape(1, D)
    b2r = b2.reshape(1, D)
    bcr = bc.reshape(1, 1)

    xs_lo, xs_hi = _tc1(x, W1, d0, d1)
    acc_lo, acc_hi = _mp_kernel(rc_t, xs_lo, xs_hi, zacc)
    xs_lo, xs_hi = _tc_mid(acc_lo, acc_hi, xs_lo, xs_hi, d0, d1, W2, b1r)
    acc_lo, acc_hi = _mp_kernel(rc_t, xs_lo, xs_hi, zacc)
    xs_lo, xs_hi = _tc_mid(acc_lo, acc_hi, xs_lo, xs_hi, d0, d1, W2, b2r)
    acc_lo, acc_hi = _mp_kernel(rc_t, xs_lo, xs_hi, zacc)
    (out,) = _tc_fin(acc_lo, acc_hi, xs_lo, xs_hi, d0, d1, b2r, Wc, bcr)
    return out

# --- scband reference (transcript-rebuilt; emitter-appended) ---
"""Pipeline reference for scband-gcnr-8581344657718 (READ-ONLY COPY).

The authoritative reference and input builder live on the scoring server;
editing this copy changes nothing except your own understanding.
"""

import jax, jax.numpy as jnp
import numpy as np

N_NODES = 10000
N_EDGES = 160000
D_FEAT = 256
HIDDEN = 256
LAYERS = 3

def setup_inputs(seed: int = 0) -> dict:
    key = jax.random.key(seed)
    ks = jax.random.split(key, 8)
    x = jax.random.normal(ks[0], (N_NODES, D_FEAT), dtype=jnp.float32)
    edge_index = jax.random.randint(ks[1], (2, N_EDGES), 0, N_NODES, dtype=jnp.int64)
    W1 = jax.random.normal(ks[2], (D_FEAT, HIDDEN), dtype=jnp.float32) * (1.0 / np.sqrt(D_FEAT))
    b1 = jnp.zeros((HIDDEN,), dtype=jnp.float32)
    W2 = jax.random.normal(ks[3], (HIDDEN, HIDDEN), dtype=jnp.float32) * (1.0 / np.sqrt(HIDDEN))
    b2 = jnp.zeros((HIDDEN,), dtype=jnp.float32)
    Wc = jax.random.normal(ks[4], (HIDDEN, 1), dtype=jnp.float32) * (1.0 / np.sqrt(HIDDEN))
    bc = jnp.zeros((1,), dtype=jnp.float32)
    return {"x": x, "edge_index": edge_index, "W1": W1, "b1": b1, "W2": W2, "b2": b2, "Wc": Wc, "bc": bc}

def gcn_conv(x, row, col, W, b, num_nodes):
    # GCNConv: add self-loops, symmetric normalization D^-1/2 (A+I) D^-1/2 X W + b
    loop = jnp.arange(num_nodes, dtype=row.dtype)
    r = jnp.concatenate([row, loop])
    c = jnp.concatenate([col, loop])
    deg = jnp.zeros((num_nodes,), dtype=x.dtype).at[c].add(1.0)
    dinv = jnp.where(deg > 0, jax.lax.rsqrt(deg), 0.0)
    norm = dinv[r] * dinv[c]
    xw = x @ W
    msg = jnp.take(xw, r, axis=0) * norm[:, None]
    out = jax.ops.segment_sum(msg, c, num_segments=num_nodes)
    return out + b

def reference(x, edge_index, W1, b1, W2, b2, Wc, bc):
    row, col = edge_index[0], edge_index[1]
    h = gcn_conv(x, row, col, W1, b1, N_NODES)
    h = jax.nn.relu(h)
    for _ in range(1, LAYERS):
        h = gcn_conv(h, row, col, W2, b2, N_NODES)
        h = jax.nn.relu(h)
    out = h @ Wc + bc
    return out

if __name__ == "__main__":
    import jax
    _d = setup_inputs()
    print(jax.jit(kernel)(*tuple(_d.values())))

</pallas_src>

<mosaic_0001>
#map = affine_map<(d0, d1) -> (0, 0, 0, 0)>
#map1 = affine_map<(d0, d1) -> (0)>
#map2 = affine_map<(d0, d1) -> (0, 0)>
module attributes {stable_mosaic.version = 14 : i64} {
  func.func @_deg_kernel(%arg0: i32, %arg1: i32, %arg2: memref<16x80x2x128xi32, #tpu.memory_space<hbm>>, %arg3: memref<10112xf32, #tpu.memory_space<hbm>>, %arg4: memref<2x10112xf32, #tpu.memory_space<hbm>>, %arg5: memref<40x2x128xi32, #tpu.memory_space<vmem>>, %arg6: memref<128xf32, #tpu.memory_space<vmem>>, %arg7: memref<10112xf32, #tpu.memory_space<vmem_shared>>) attributes {dimension_semantics = [#tpu.dimension_semantics<core_parallel>, #tpu.dimension_semantics<subcore_parallel>], iteration_bounds = array<i64: 2, 16>, scalar_prefetch = 0 : i64, scratch_operands = 3 : i64, tpu.core_type = #tpu.core_type<sc_vector_subcore>, window_params = [{transform_indices = #map}, {transform_indices = #map1}, {transform_indices = #map2}]} {
    %mul3A = arith.constant 40 : i32
    %mul3A_0 = arith.muli %arg0, %mul3A : i32
    "tpu.region"() ({
      %run_scoped3A = tpu.sem_alloc : memref<!tpu.dma_semaphore, #tpu.memory_space<semaphore_mem>>
      %dma_start3A = arith.constant 0 : i32
      %dma_start3A_60 = arith.constant 0 : i32
      %dma_start3A_61 = tpu.memref_slice %arg2[%arg1, %mul3A_0, %dma_start3A, %dma_start3A_60] : memref<16x80x2x128xi32, #tpu.memory_space<hbm>> -> memref<1x40x2x128xi32, #tpu.memory_space<hbm>>
      %dma_start3A_62 = tpu.memref_squeeze %dma_start3A_61 : memref<1x40x2x128xi32, #tpu.memory_space<hbm>> -> memref<40x2x128xi32, #tpu.memory_space<hbm>>
      %dma_start3A_63 = arith.constant 0 : i32
      %dma_start3A_64 = arith.constant 0 : i32
      %dma_start3A_65 = tpu.memref_slice %arg2[%arg1, %mul3A_0, %dma_start3A_63, %dma_start3A_64] : memref<16x80x2x128xi32, #tpu.memory_space<hbm>> -> memref<1x40x2x128xi32, #tpu.memory_space<hbm>>
      %dma_start3A_66 = tpu.memref_squeeze %dma_start3A_65 : memref<1x40x2x128xi32, #tpu.memory_space<hbm>> -> memref<40x2x128xi32, #tpu.memory_space<hbm>>
      tpu.enqueue_dma source(%dma_start3A_66 : memref<40x2x128xi32, #tpu.memory_space<hbm>>) target(%arg5 : memref<40x2x128xi32, #tpu.memory_space<vmem>>) target_semaphore(%run_scoped3A : memref<!tpu.dma_semaphore, #tpu.memory_space<semaphore_mem>>)
      %dma_wait3A = arith.constant 0 : i32
      %dma_wait3A_67 = arith.constant 0 : i32
      %dma_wait3A_68 = tpu.memref_slice %arg2[%arg1, %mul3A_0, %dma_wait3A, %dma_wait3A_67] : memref<16x80x2x128xi32, #tpu.memory_space<hbm>> -> memref<1x40x2x128xi32, #tpu.memory_space<hbm>>
      %dma_wait3A_69 = tpu.memref_squeeze %dma_wait3A_68 : memref<1x40x2x128xi32, #tpu.memory_space<hbm>> -> memref<40x2x128xi32, #tpu.memory_space<hbm>>
      %dma_wait3A_70 = arith.constant 0 : i32
      %dma_wait3A_71 = arith.constant 0 : i32
      %dma_wait3A_72 = tpu.memref_slice %arg2[%arg1, %mul3A_0, %dma_wait3A_70, %dma_wait3A_71] : memref<16x80x2x128xi32, #tpu.memory_space<hbm>> -> memref<1x40x2x128xi32, #tpu.memory_space<hbm>>
      %dma_wait3A_73 = tpu.memref_squeeze %dma_wait3A_72 : memref<1x40x2x128xi32, #tpu.memory_space<hbm>> -> memref<40x2x128xi32, #tpu.memory_space<hbm>>
      tpu.wait_dma2 semaphore(%run_scoped3A : memref<!tpu.dma_semaphore, #tpu.memory_space<semaphore_mem>>) src(%dma_wait3A_73 : memref<40x2x128xi32, #tpu.memory_space<hbm>>) dst(%arg5 : memref<40x2x128xi32, #tpu.memory_space<vmem>>)
      tpu.yield
    }) : () -> ()
    %broadcast_in_dim3A = arith.constant 1.000000e+00 : f32
    %broadcast_in_dim3A_1 = vector.broadcast %broadcast_in_dim3A : f32 to vector<16xf32>
    %swap3A = arith.constant 0 : index
    %swap3A_2 = tpu.vector_load %arg6[%swap3A] {strides = array<i32>} : memref<128xf32, #tpu.memory_space<vmem>>, vector<16xf32>,
    %swap3A_3 = vector.shape_cast %swap3A_2 : vector<16xf32> to vector<16xf32>
    %swap3A_4 = vector.shape_cast %broadcast_in_dim3A_1 : vector<16xf32> to vector<16xf32>
    tpu.vector_store %arg6[%swap3A], %swap3A_4 {strides = array<i32>} : memref<128xf32, #tpu.memory_space<vmem>>, vector<16xf32>,
    %broadcast_in_dim3A_5 = arith.constant 1.000000e+00 : f32
    %broadcast_in_dim3A_6 = vector.broadcast %broadcast_in_dim3A_5 : f32 to vector<16xf32>
    %swap3A_7 = arith.constant 16 : index
    %swap3A_8 = tpu.vector_load %arg6[%swap3A_7] {strides = array<i32>} : memref<128xf32, #tpu.memory_space<vmem>>, vector<16xf32>,
    %swap3A_9 = vector.shape_cast %swap3A_8 : vector<16xf32> to vector<16xf32>
    %swap3A_10 = vector.shape_cast %broadcast_in_dim3A_6 : vector<16xf32> to vector<16xf32>
    tpu.vector_store %arg6[%swap3A_7], %swap3A_10 {strides = array<i32>} : memref<128xf32, #tpu.memory_space<vmem>>, vector<16xf32>,
    %broadcast_in_dim3A_11 = arith.constant 1.000000e+00 : f32
    %broadcast_in_dim3A_12 = vector.broadcast %broadcast_in_dim3A_11 : f32 to vector<16xf32>
    %swap3A_13 = arith.constant 32 : index
    %swap3A_14 = tpu.vector_load %arg6[%swap3A_13] {strides = array<i32>} : memref<128xf32, #tpu.memory_space<vmem>>, vector<16xf32>,
    %swap3A_15 = vector.shape_cast %swap3A_14 : vector<16xf32> to vector<16xf32>
    %swap3A_16 = vector.shape_cast %broadcast_in_dim3A_12 : vector<16xf32> to vector<16xf32>
    tpu.vector_store %arg6[%swap3A_13], %swap3A_16 {strides = array<i32>} : memref<128xf32, #tpu.memory_space<vmem>>, vector<16xf32>,
    %broadcast_in_dim3A_17 = arith.constant 1.000000e+00 : f32
    %broadcast_in_dim3A_18 = vector.broadcast %broadcast_in_dim3A_17 : f32 to vector<16xf32>
    %swap3A_19 = arith.constant 48 : index
    %swap3A_20 = tpu.vector_load %arg6[%swap3A_19] {strides = array<i32>} : memref<128xf32, #tpu.memory_space<vmem>>, vector<16xf32>,
    %swap3A_21 = vector.shape_cast %swap3A_20 : vector<16xf32> to vector<16xf32>
    %swap3A_22 = vector.shape_cast %broadcast_in_dim3A_18 : vector<16xf32> to vector<16xf32>
    tpu.vector_store %arg6[%swap3A_19], %swap3A_22 {strides = array<i32>} : memref<128xf32, #tpu.memory_space<vmem>>, vector<16xf32>,
    %broadcast_in_dim3A_23 = arith.constant 1.000000e+00 : f32
    %broadcast_in_dim3A_24 = vector.broadcast %broadcast_in_dim3A_23 : f32 to vector<16xf32>
    %swap3A_25 = arith.constant 64 : index
    %swap3A_26 = tpu.vector_load %arg6[%swap3A_25] {strides = array<i32>} : memref<128xf32, #tpu.memory_space<vmem>>, vector<16xf32>,
    %swap3A_27 = vector.shape_cast %swap3A_26 : vector<16xf32> to vector<16xf32>
    %swap3A_28 = vector.shape_cast %broadcast_in_dim3A_24 : vector<16xf32> to vector<16xf32>
    tpu.vector_store %arg6[%swap3A_25], %swap3A_28 {strides = array<i32>} : memref<128xf32, #tpu.memory_space<vmem>>, vector<16xf32>,
    %broadcast_in_dim3A_29 = arith.constant 1.000000e+00 : f32
    %broadcast_in_dim3A_30 = vector.broadcast %broadcast_in_dim3A_29 : f32 to vector<16xf32>
    %swap3A_31 = arith.constant 80 : index
    %swap3A_32 = tpu.vector_load %arg6[%swap3A_31] {strides = array<i32>} : memref<128xf32, #tpu.memory_space<vmem>>, vector<16xf32>,
    %swap3A_33 = vector.shape_cast %swap3A_32 : vector<16xf32> to vector<16xf32>
    %swap3A_34 = vector.shape_cast %broadcast_in_dim3A_30 : vector<16xf32> to vector<16xf32>
    tpu.vector_store %arg6[%swap3A_31], %swap3A_34 {strides = array<i32>} : memref<128xf32, #tpu.memory_space<vmem>>, vector<16xf32>,
    %broadcast_in_dim3A_35 = arith.constant 1.000000e+00 : f32
    %broadcast_in_dim3A_36 = vector.broadcast %broadcast_in_dim3A_35 : f32 to vector<16xf32>
    %swap3A_37 = arith.constant 96 : index
    %swap3A_38 = tpu.vector_load %arg6[%swap3A_37] {strides = array<i32>} : memref<128xf32, #tpu.memory_space<vmem>>, vector<16xf32>,
    %swap3A_39 = vector.shape_cast %swap3A_38 : vector<16xf32> to vector<16xf32>
    %swap3A_40 = vector.shape_cast %broadcast_in_dim3A_36 : vector<16xf32> to vector<16xf32>
    tpu.vector_store %arg6[%swap3A_37], %swap3A_40 {strides = array<i32>} : memref<128xf32, #tpu.memory_space<vmem>>, vector<16xf32>,
    %broadcast_in_dim3A_41 = arith.constant 1.000000e+00 : f32
    %broadcast_in_dim3A_42 = vector.broadcast %broadcast_in_dim3A_41 : f32 to vector<16xf32>
    %swap3A_43 = arith.constant 112 : index
    %swap3A_44 = tpu.vector_load %arg6[%swap3A_43] {strides = array<i32>} : memref<128xf32, #tpu.memory_space<vmem>>, vector<16xf32>,
    %swap3A_45 = vector.shape_cast %swap3A_44 : vector<16xf32> to vector<16xf32>
    %swap3A_46 = vector.shape_cast %broadcast_in_dim3A_42 : vector<16xf32> to vector<16xf32>
    tpu.vector_store %arg6[%swap3A_43], %swap3A_46 {strides = array<i32>} : memref<128xf32, #tpu.memory_space<vmem>>, vector<16xf32>,
    %eq3A = arith.constant 0 : i32
    %eq3A_47 = arith.cmpi eq, %arg1, %eq3A : i32
    %convert_element_type3A = arith.extui %eq3A_47 : i1 to i32
    %cond3A = arith.constant 0 : i32
    %cond3A_48 = arith.cmpi ne, %convert_element_type3A, %cond3A : i32
    scf.if %cond3A_48 {
      "tpu.region"() ({
        %run_scoped3A = tpu.sem_alloc : memref<!tpu.dma_semaphore, #tpu.memory_space<semaphore_mem>>
        tpu.enqueue_dma source(%arg3 : memref<10112xf32, #tpu.memory_space<hbm>>) target(%arg7 : memref<10112xf32, #tpu.memory_space<vmem_shared>>) target_semaphore(%run_scoped3A : memref<!tpu.dma_semaphore, #tpu.memory_space<semaphore_mem>>)
        tpu.wait_dma2 semaphore(%run_scoped3A : memref<!tpu.dma_semaphore, #tpu.memory_space<semaphore_mem>>) src(%arg3 : memref<10112xf32, #tpu.memory_space<hbm>>) dst(%arg7 : memref<10112xf32, #tpu.memory_space<vmem_shared>>)
        tpu.yield
      }) : () -> ()
    } else {
    }
    %barrier3A = arith.constant 0 : index
    tpu.barrier barrier_id(%barrier3A)
    %scan3A = arith.constant 0 : i32
    %scan3A_49 = arith.constant 0 : i32
    %scan3A_50 = arith.constant 40 : i32
    %scan3A_51 = arith.addi %scan3A_49, %scan3A_50 : i32
    %scan3A_52 = arith.constant 1 : i32
    scf.for %scan3A_60 = %scan3A_49 to %scan3A_51 step %scan3A_52  : i32 {
      %run_scoped3A = arith.constant 1 : i32
      "tpu.region"() ({
        %run_scoped3A_61 = tpu.sem_alloc : memref<!tpu.dma_semaphore, #tpu.memory_space<semaphore_mem>>
        %dma_start3A = arith.constant 0 : i32
        %dma_start3A_62 = tpu.memref_slice %arg5[%scan3A_60, %run_scoped3A, %dma_start3A] : memref<40x2x128xi32, #tpu.memory_space<vmem>> -> memref<1x1x128xi32, #tpu.memory_space<vmem>>
        %dma_start3A_63 = tpu.memref_squeeze %dma_start3A_62 : memref<1x1x128xi32, #tpu.memory_space<vmem>> -> memref<128xi32, #tpu.memory_space<vmem>>
        %dma_start3A_64 = arith.constant 0 : i32
        %dma_start3A_65 = tpu.memref_slice %arg7[%dma_start3A_64] : memref<10112xf32, #tpu.memory_space<vmem_shared>> -> memref<10112xf32, #tpu.memory_space<vmem_shared>>
        tpu.enqueue_indirect_dma source(%arg6 : memref<128xf32, #tpu.memory_space<vmem>>) target(%dma_start3A_65 : memref<10112xf32, #tpu.memory_space<vmem_shared>>) offsets(%dma_start3A_63 : memref<128xi32, #tpu.memory_space<vmem>>) semaphore(%run_scoped3A_61 : memref<!tpu.dma_semaphore, #tpu.memory_space<semaphore_mem>>) {add = true}
        %dma_wait3A = arith.constant 0 : i32
        %dma_wait3A_66 = tpu.memref_slice %arg5[%scan3A_60, %run_scoped3A, %dma_wait3A] : memref<40x2x128xi32, #tpu.memory_space<vmem>> -> memref<1x1x128xi32, #tpu.memory_space<vmem>>
        %dma_wait3A_67 = tpu.memref_squeeze %dma_wait3A_66 : memref<1x1x128xi32, #tpu.memory_space<vmem>> -> memref<128xi32, #tpu.memory_space<vmem>>
        %dma_wait3A_68 = arith.constant 0 : i32
        %dma_wait3A_69 = tpu.memref_slice %arg7[%dma_wait3A_68] : memref<10112xf32, #tpu.memory_space<vmem_shared>> -> memref<10112xf32, #tpu.memory_space<vmem_shared>>
        tpu.wait_indirect_dma semaphore(%run_scoped3A_61 : memref<!tpu.dma_semaphore, #tpu.memory_space<semaphore_mem>>) src(%arg6 : memref<128xf32, #tpu.memory_space<vmem>>) dst(%dma_wait3A_69 : memref<10112xf32, #tpu.memory_space<vmem_shared>>)
        tpu.yield
      }) : () -> ()
    }
    %scan3A_53 = arith.constant 40 : i32
    %barrier3A_54 = arith.constant 0 : index
    tpu.barrier barrier_id(%barrier3A_54)
    %eq3A_55 = arith.constant 0 : i32
    %eq3A_56 = arith.cmpi eq, %arg1, %eq3A_55 : i32
    %convert_element_type3A_57 = arith.extui %eq3A_56 : i1 to i32
    %cond3A_58 = arith.constant 0 : i32
    %cond3A_59 = arith.cmpi ne, %convert_element_type3A_57, %cond3A_58 : i32
    scf.if %cond3A_59 {
      "tpu.region"() ({
        %run_scoped3A = tpu.sem_alloc : memref<!tpu.dma_semaphore, #tpu.memory_space<semaphore_mem>>
        %dma_start3A = arith.constant 0 : i32
        %dma_start3A_60 = tpu.memref_slice %arg4[%arg0, %dma_start3A] : memref<2x10112xf32, #tpu.memory_space<hbm>> -> memref<1x10112xf32, #tpu.memory_space<hbm>>
        %dma_start3A_61 = tpu.memref_squeeze %dma_start3A_60 : memref<1x10112xf32, #tpu.memory_space<hbm>> -> memref<10112xf32, #tpu.memory_space<hbm>>
        tpu.enqueue_dma source(%arg7 : memref<10112xf32, #tpu.memory_space<vmem_shared>>) target(%dma_start3A_61 : memref<10112xf32, #tpu.memory_space<hbm>>) target_semaphore(%run_scoped3A : memref<!tpu.dma_semaphore, #tpu.memory_space<semaphore_mem>>)
        %dma_wait3A = arith.constant 0 : i32
        %dma_wait3A_62 = tpu.memref_slice %arg4[%arg0, %dma_wait3A] : memref<2x10112xf32, #tpu.memory_space<hbm>> -> memref<1x10112xf32, #tpu.memory_space<hbm>>
        %dma_wait3A_63 = tpu.memref_squeeze %dma_wait3A_62 : memref<1x10112xf32, #tpu.memory_space<hbm>> -> memref<10112xf32, #tpu.memory_space<hbm>>
        tpu.wait_dma2 semaphore(%run_scoped3A : memref<!tpu.dma_semaphore, #tpu.memory_space<semaphore_mem>>) src(%arg7 : memref<10112xf32, #tpu.memory_space<vmem_shared>>) dst(%dma_wait3A_63 : memref<10112xf32, #tpu.memory_space<hbm>>)
        tpu.yield
      }) : () -> ()
    } else {
    }
    return
  }
}

#map = affine_map<(d0, d1) -> (0, 0, 0, 0)>
#map1 = affine_map<(d0, d1) -> (0, 0)>
module attributes {stable_mosaic.version = 14 : i64} {
  func.func @_mp_kernel(%arg0: i32, %arg1: i32, %arg2: memref<16x80x2x128xi32, #tpu.memory_space<hbm>>, %arg3: memref<10000x128xf32, #tpu.memory_space<hbm>>, %arg4: memref<10000x128xf32, #tpu.memory_space<hbm>>, %arg5: memref<632x128xf32, #tpu.memory_space<hbm>>, %arg6: memref<10112x128xf32, #tpu.memory_space<hbm>>, %arg7: memref<10112x128xf32, #tpu.memory_space<hbm>>, %arg8: memref<4x2x128xi32, #tpu.memory_space<vmem>>, %arg9: memref<2x128x128xf32, #tpu.memory_space<vmem>>, %arg10: memref<10112x128xf32, #tpu.memory_space<vmem_shared>>, %arg11: memref<!tpu.dma_semaphore, #tpu.memory_space<semaphore_mem>>, %arg12: memref<!tpu.dma_semaphore, #tpu.memory_space<semaphore_mem>>, %arg13: memref<!tpu.dma_semaphore, #tpu.memory_space<semaphore_mem>>, %arg14: memref<!tpu.dma_semaphore, #tpu.memory_space<semaphore_mem>>, %arg15: memref<!tpu.dma_semaphore, #tpu.memory_space<semaphore_mem>>, %arg16: memref<!tpu.dma_semaphore, #tpu.memory_space<semaphore_mem>>, %arg17: memref<!tpu.dma_semaphore, #tpu.memory_space<semaphore_mem>>, %arg18: memref<!tpu.dma_semaphore, #tpu.memory_space<semaphore_mem>>) attributes {dimension_semantics = [#tpu.dimension_semantics<core_parallel>, #tpu.dimension_semantics<subcore_parallel>], iteration_bounds = array<i64: 2, 16>, scalar_prefetch = 0 : i64, scratch_operands = 11 : i64, tpu.core_type = #tpu.core_type<sc_vector_subcore>, window_params = [{transform_indices = #map}, {transform_indices = #map1}, {transform_indices = #map1}, {transform_indices = #map1}, {transform_indices = #map1}, {transform_indices = #map1}]} {
    %eq3A = arith.constant 0 : i32
    %eq3A_0 = arith.cmpi eq, %arg0, %eq3A : i32
    %convert_element_type3A = arith.extui %eq3A_0 : i1 to i32
    %cond3A = arith.constant 0 : i32
    %cond3A_1 = arith.cmpi ne, %convert_element_type3A, %cond3A : i32
    scf.if %cond3A_1 {
      %dma_start3A = arith.constant 0 : i32
      %dma_start3A_7 = arith.constant 0 : i32
      %dma_start3A_8 = arith.constant 0 : i32
      %dma_start3A_9 = arith.constant 0 : i32
      %dma_start3A_10 = tpu.memref_slice %arg8[%dma_start3A_7, %dma_start3A_8, %dma_start3A_9] : memref<4x2x128xi32, #tpu.memory_space<vmem>> -> memref<1x2x128xi32, #tpu.memory_space<vmem>>
      %dma_start3A_11 = tpu.memref_squeeze %dma_start3A_10 : memref<1x2x128xi32, #tpu.memory_space<vmem>> -> memref<2x128xi32, #tpu.memory_space<vmem>>
      %dma_start3A_12 = arith.constant 0 : i32
      %dma_start3A_13 = arith.constant 0 : i32
      %dma_start3A_14 = tpu.memref_slice %arg2[%arg1, %dma_start3A, %dma_start3A_12, %dma_start3A_13] : memref<16x80x2x128xi32, #tpu.memory_space<hbm>> -> memref<1x1x2x128xi32, #tpu.memory_space<hbm>>
      %dma_start3A_15 = tpu.memref_squeeze %dma_start3A_14 : memref<1x1x2x128xi32, #tpu.memory_space<hbm>> -> memref<2x128xi32, #tpu.memory_space<hbm>>
      %dma_start3A_16 = arith.constant 0 : i32
      %dma_start3A_17 = arith.constant 0 : i32
      %dma_start3A_18 = tpu.memref_slice %arg8[%dma_start3A_7, %dma_start3A_16, %dma_start3A_17] : memref<4x2x128xi32, #tpu.memory_space<vmem>> -> memref<1x2x128xi32, #tpu.memory_space<vmem>>
      %dma_start3A_19 = tpu.memref_squeeze %dma_start3A_18 : memref<1x2x128xi32, #tpu.memory_space<vmem>> -> memref<2x128xi32, #tpu.memory_space<vmem>>
      %dma_start3A_20 = arith.constant 0 : i32
      %dma_start3A_21 = arith.constant 0 : i32
      %dma_start3A_22 = tpu.memref_slice %arg2[%arg1, %dma_start3A, %dma_start3A_20, %dma_start3A_21] : memref<16x80x2x128xi32, #tpu.memory_space<hbm>> -> memref<1x1x2x128xi32, #tpu.memory_space<hbm>>
      %dma_start3A_23 = tpu.memref_squeeze %dma_start3A_22 : memref<1x1x2x128xi32, #tpu.memory_space<hbm>> -> memref<2x128xi32, #tpu.memory_space<hbm>>
      tpu.enqueue_dma source(%dma_start3A_23 : memref<2x128xi32, #tpu.memory_space<hbm>>) target(%dma_start3A_19 : memref<2x128xi32, #tpu.memory_space<vmem>>) target_semaphore(%arg11 : memref<!tpu.dma_semaphore, #tpu.memory_space<semaphore_mem>>)
      %dma_start3A_24 = arith.constant 1 : i32
      %dma_start3A_25 = arith.constant 1 : i32
      %dma_start3A_26 = arith.constant 0 : i32
      %dma_start3A_27 = arith.constant 0 : i32
      %dma_start3A_28 = tpu.memref_slice %arg8[%dma_start3A_25, %dma_start3A_26, %dma_start3A_27] : memref<4x2x128xi32, #tpu.memory_space<vmem>> -> memref<1x2x128xi32, #tpu.memory_space<vmem>>
      %dma_start3A_29 = tpu.memref_squeeze %dma_start3A_28 : memref<1x2x128xi32, #tpu.memory_space<vmem>> -> memref<2x128xi32, #tpu.memory_space<vmem>>
      %dma_start3A_30 = arith.constant 0 : i32
      %dma_start3A_31 = arith.constant 0 : i32
      %dma_start3A_32 = tpu.memref_slice %arg2[%arg1, %dma_start3A_24, %dma_start3A_30, %dma_start3A_31] : memref<16x80x2x128xi32, #tpu.memory_space<hbm>> -> memref<1x1x2x128xi32, #tpu.memory_space<hbm>>
      %dma_start3A_33 = tpu.memref_squeeze %dma_start3A_32 : memref<1x1x2x128xi32, #tpu.memory_space<hbm>> -> memref<2x128xi32, #tpu.memory_space<hbm>>
      %dma_start3A_34 = arith.constant 0 : i32
      %dma_start3A_35 = arith.constant 0 : i32
      %dma_start3A_36 = tpu.memref_slice %arg8[%dma_start3A_25, %dma_start3A_34, %dma_start3A_35] : memref<4x2x128xi32, #tpu.memory_space<vmem>> -> memref<1x2x128xi32, #tpu.memory_space<vmem>>
      %dma_start3A_37 = tpu.memref_squeeze %dma_start3A_36 : memref<1x2x128xi32, #tpu.memory_space<vmem>> -> memref<2x128xi32, #tpu.memory_space<vmem>>
      %dma_start3A_38 = arith.constant 0 : i32
      %dma_start3A_39 = arith.constant 0 : i32
      %dma_start3A_40 = tpu.memref_slice %arg2[%arg1, %dma_start3A_24, %dma_start3A_38, %dma_start3A_39] : memref<16x80x2x128xi32, #tpu.memory_space<hbm>> -> memref<1x1x2x128xi32, #tpu.memory_space<hbm>>
      %dma_start3A_41 = tpu.memref_squeeze %dma_start3A_40 : memref<1x1x2x128xi32, #tpu.memory_space<hbm>> -> memref<2x128xi32, #tpu.memory_space<hbm>>
      tpu.enqueue_dma source(%dma_start3A_41 : memref<2x128xi32, #tpu.memory_space<hbm>>) target(%dma_start3A_37 : memref<2x128xi32, #tpu.memory_space<vmem>>) target_semaphore(%arg12 : memref<!tpu.dma_semaphore, #tpu.memory_space<semaphore_mem>>)
      %dma_start3A_42 = arith.constant 2 : i32
      %dma_start3A_43 = arith.constant 2 : i32
      %dma_start3A_44 = arith.constant 0 : i32
      %dma_start3A_45 = arith.constant 0 : i32
      %dma_start3A_46 = tpu.memref_slice %arg8[%dma_start3A_43, %dma_start3A_44, %dma_start3A_45] : memref<4x2x128xi32, #tpu.memory_space<vmem>> -> memref<1x2x128xi32, #tpu.memory_space<vmem>>
      %dma_start3A_47 = tpu.memref_squeeze %dma_start3A_46 : memref<1x2x128xi32, #tpu.memory_space<vmem>> -> memref<2x128xi32, #tpu.memory_space<vmem>>
      %dma_start3A_48 = arith.constant 0 : i32
      %dma_start3A_49 = arith.constant 0 : i32
      %dma_start3A_50 = tpu.memref_slice %arg2[%arg1, %dma_start3A_42, %dma_start3A_48, %dma_start3A_49] : memref<16x80x2x128xi32, #tpu.memory_space<hbm>> -> memref<1x1x2x128xi32, #tpu.memory_space<hbm>>
      %dma_start3A_51 = tpu.memref_squeeze %dma_start3A_50 : memref<1x1x2x128xi32, #tpu.memory_space<hbm>> -> memref<2x128xi32, #tpu.memory_space<hbm>>
      %dma_start3A_52 = arith.constant 0 : i32
      %dma_start3A_53 = arith.constant 0 : i32
      %dma_start3A_54 = tpu.memref_slice %arg8[%dma_start3A_43, %dma_start3A_52, %dma_start3A_53] : memref<4x2x128xi32, #tpu.memory_space<vmem>> -> memref<1x2x128xi32, #tpu.memory_space<vmem>>
      %dma_start3A_55 = tpu.memref_squeeze %dma_start3A_54 : memref<1x2x128xi32, #tpu.memory_space<vmem>> -> memref<2x128xi32, #tpu.memory_space<vmem>>
      %dma_start3A_56 = arith.constant 0 : i32
      %dma_start3A_57 = arith.constant 0 : i32
      %dma_start3A_58 = tpu.memref_slice %arg2[%arg1, %dma_start3A_42, %dma_start3A_56, %dma_start3A_57] : memref<16x80x2x128xi32, #tpu.memory_space<hbm>> -> memref<1x1x2x128xi32, #tpu.memory_space<hbm>>
      %dma_start3A_59 = tpu.memref_squeeze %dma_start3A_58 : memref<1x1x2x128xi32, #tpu.memory_space<hbm>> -> memref<2x128xi32, #tpu.memory_space<hbm>>
      tpu.enqueue_dma source(%dma_start3A_59 : memref<2x128xi32, #tpu.memory_space<hbm>>) target(%dma_start3A_55 : memref<2x128xi32, #tpu.memory_space<vmem>>) target_semaphore(%arg13 : memref<!tpu.dma_semaphore, #tpu.memory_space<semaphore_mem>>)
      %dma_start3A_60 = arith.constant 3 : i32
      %dma_start3A_61 = arith.constant 3 : i32
      %dma_start3A_62 = arith.constant 0 : i32
      %dma_start3A_63 = arith.constant 0 : i32
      %dma_start3A_64 = tpu.memref_slice %arg8[%dma_start3A_61, %dma_start3A_62, %dma_start3A_63] : memref<4x2x128xi32, #tpu.memory_space<vmem>> -> memref<1x2x128xi32, #tpu.memory_space<vmem>>
      %dma_start3A_65 = tpu.memref_squeeze %dma_start3A_64 : memref<1x2x128xi32, #tpu.memory_space<vmem>> -> memref<2x128xi32, #tpu.memory_space<vmem>>
      %dma_start3A_66 = arith.constant 0 : i32
      %dma_start3A_67 = arith.constant 0 : i32
      %dma_start3A_68 = tpu.memref_slice %arg2[%arg1, %dma_start3A_60, %dma_start3A_66, %dma_start3A_67] : memref<16x80x2x128xi32, #tpu.memory_space<hbm>> -> memref<1x1x2x128xi32, #tpu.memory_space<hbm>>
      %dma_start3A_69 = tpu.memref_squeeze %dma_start3A_68 : memref<1x1x2x128xi32, #tpu.memory_space<hbm>> -> memref<2x128xi32, #tpu.memory_space<hbm>>
      %dma_start3A_70 = arith.constant 0 : i32
      %dma_start3A_71 = arith.constant 0 : i32
      %dma_start3A_72 = tpu.memref_slice %arg8[%dma_start3A_61, %dma_start3A_70, %dma_start3A_71] : memref<4x2x128xi32, #tpu.memory_space<vmem>> -> memref<1x2x128xi32, #tpu.memory_space<vmem>>
      %dma_start3A_73 = tpu.memref_squeeze %dma_start3A_72 : memref<1x2x128xi32, #tpu.memory_space<vmem>> -> memref<2x128xi32, #tpu.memory_space<vmem>>
      %dma_start3A_74 = arith.constant 0 : i32
      %dma_start3A_75 = arith.constant 0 : i32
      %dma_start3A_76 = tpu.memref_slice %arg2[%arg1, %dma_start3A_60, %dma_start3A_74, %dma_start3A_75] : memref<16x80x2x128xi32, #tpu.memory_space<hbm>> -> memref<1x1x2x128xi32, #tpu.memory_space<hbm>>
      %dma_start3A_77 = tpu.memref_squeeze %dma_start3A_76 : memref<1x1x2x128xi32, #tpu.memory_space<hbm>> -> memref<2x128xi32, #tpu.memory_space<hbm>>
      tpu.enqueue_dma source(%dma_start3A_77 : memref<2x128xi32, #tpu.memory_space<hbm>>) target(%dma_start3A_73 : memref<2x128xi32, #tpu.memory_space<vmem>>) target_semaphore(%arg14 : memref<!tpu.dma_semaphore, #tpu.memory_space<semaphore_mem>>)
      %dma_wait3A = arith.constant 0 : i32
      %dma_wait3A_78 = arith.constant 0 : i32
      %dma_wait3A_79 = arith.constant 0 : i32
      %dma_wait3A_80 = arith.constant 0 : i32
      %dma_wait3A_81 = tpu.memref_slice %arg8[%dma_wait3A_78, %dma_wait3A_79, %dma_wait3A_80] : memref<4x2x128xi32, #tpu.memory_space<vmem>> -> memref<1x2x128xi32, #tpu.memory_space<vmem>>
      %dma_wait3A_82 = tpu.memref_squeeze %dma_wait3A_81 : memref<1x2x128xi32, #tpu.memory_space<vmem>> -> memref<2x128xi32, #tpu.memory_space<vmem>>
      %dma_wait3A_83 = arith.constant 0 : i32
      %dma_wait3A_84 = arith.constant 0 : i32
      %dma_wait3A_85 = tpu.memref_slice %arg2[%arg1, %dma_wait3A, %dma_wait3A_83, %dma_wait3A_84] : memref<16x80x2x128xi32, #tpu.memory_space<hbm>> -> memref<1x1x2x128xi32, #tpu.memory_space<hbm>>
      %dma_wait3A_86 = tpu.memref_squeeze %dma_wait3A_85 : memref<1x1x2x128xi32, #tpu.memory_space<hbm>> -> memref<2x128xi32, #tpu.memory_space<hbm>>
      %dma_wait3A_87 = arith.constant 0 : i32
      %dma_wait3A_88 = arith.constant 0 : i32
      %dma_wait3A_89 = tpu.memref_slice %arg8[%dma_wait3A_78, %dma_wait3A_87, %dma_wait3A_88] : memref<4x2x128xi32, #tpu.memory_space<vmem>> -> memref<1x2x128xi32, #tpu.memory_space<vmem>>
      %dma_wait3A_90 = tpu.memref_squeeze %dma_wait3A_89 : memref<1x2x128xi32, #tpu.memory_space<vmem>> -> memref<2x128xi32, #tpu.memory_space<vmem>>
      %dma_wait3A_91 = arith.constant 0 : i32
      %dma_wait3A_92 = arith.constant 0 : i32
      %dma_wait3A_93 = tpu.memref_slice %arg2[%arg1, %dma_wait3A, %dma_wait3A_91, %dma_wait3A_92] : memref<16x80x2x128xi32, #tpu.memory_space<hbm>> -> memref<1x1x2x128xi32, #tpu.memory_space<hbm>>
      %dma_wait3A_94 = tpu.memref_squeeze %dma_wait3A_93 : memref<1x1x2x128xi32, #tpu.memory_space<hbm>> -> memref<2x128xi32, #tpu.memory_space<hbm>>
      tpu.wait_dma2 semaphore(%arg11 : memref<!tpu.dma_semaphore, #tpu.memory_space<semaphore_mem>>) src(%dma_wait3A_94 : memref<2x128xi32, #tpu.memory_space<hbm>>) dst(%dma_wait3A_90 : memref<2x128xi32, #tpu.memory_space<vmem>>)
      %dma_start3A_95 = arith.constant 0 : i32
      %dma_start3A_96 = arith.constant 0 : i32
      %dma_start3A_97 = arith.constant 0 : i32
      %dma_start3A_98 = arith.constant 0 : i32
      %dma_start3A_99 = arith.constant 0 : i32
      %dma_start3A_100 = tpu.memref_slice %arg9[%dma_start3A_97, %dma_start3A_98, %dma_start3A_99] : memref<2x128x128xf32, #tpu.memory_space<vmem>> -> memref<1x128x128xf32, #tpu.memory_space<vmem>>
      %dma_start3A_101 = tpu.memref_squeeze %dma_start3A_100 : memref<1x128x128xf32, #tpu.memory_space<vmem>> -> memref<128x128xf32, #tpu.memory_space<vmem>>
      %dma_start3A_102 = arith.constant 0 : i32
      %dma_start3A_103 = tpu.memref_slice %arg8[%dma_start3A_95, %dma_start3A_96, %dma_start3A_102] : memref<4x2x128xi32, #tpu.memory_space<vmem>> -> memref<1x1x128xi32, #tpu.memory_space<vmem>>
      %dma_start3A_104 = tpu.memref_squeeze %dma_start3A_103 : memref<1x1x128xi32, #tpu.memory_space<vmem>> -> memref<128xi32, #tpu.memory_space<vmem>>
      %dma_start3A_105 = arith.constant 0 : i32
      %dma_start3A_106 = arith.constant 0 : i32
      %dma_start3A_107 = tpu.memref_slice %arg3[%dma_start3A_105, %dma_start3A_106] : memref<10000x128xf32, #tpu.memory_space<hbm>> -> memref<10000x128xf32, #tpu.memory_space<hbm>>
      tpu.enqueue_indirect_dma source(%dma_start3A_107 : memref<10000x128xf32, #tpu.memory_space<hbm>>) target(%dma_start3A_101 : memref<128x128xf32, #tpu.memory_space<vmem>>) offsets(%dma_start3A_104 : memref<128xi32, #tpu.memory_space<vmem>>) semaphore(%arg15 : memref<!tpu.dma_semaphore, #tpu.memory_space<semaphore_mem>>)
      %mul3A = arith.constant 632 : i32
      %mul3A_108 = arith.muli %arg1, %mul3A : i32
      "tpu.region"() ({
        %run_scoped3A = tpu.sem_alloc : memref<!tpu.dma_semaphore, #tpu.memory_space<semaphore_mem>>
        %dma_start3A_132 = arith.constant 0 : i32
        %dma_start3A_133 = tpu.memref_slice %arg10[%mul3A_108, %dma_start3A_132] : memref<10112x128xf32, #tpu.memory_space<vmem_shared>> -> memref<632x128xf32, #tpu.memory_space<vmem_shared>>
        tpu.enqueue_dma source(%arg5 : memref<632x128xf32, #tpu.memory_space<hbm>>) target(%dma_start3A_133 : memref<632x128xf32, #tpu.memory_space<vmem_shared>>) target_semaphore(%run_scoped3A : memref<!tpu.dma_semaphore, #tpu.memory_space<semaphore_mem>>)
        %dma_wait3A_134 = arith.constant 0 : i32
        %dma_wait3A_135 = tpu.memref_slice %arg10[%mul3A_108, %dma_wait3A_134] : memref<10112x128xf32, #tpu.memory_space<vmem_shared>> -> memref<632x128xf32, #tpu.memory_space<vmem_shared>>
        tpu.wait_dma2 semaphore(%run_scoped3A : memref<!tpu.dma_semaphore, #tpu.memory_space<semaphore_mem>>) src(%arg5 : memref<632x128xf32, #tpu.memory_space<hbm>>) dst(%dma_wait3A_135 : memref<632x128xf32, #tpu.memory_space<vmem_shared>>)
        tpu.yield
      }) : () -> ()
      %barrier3A = arith.constant 0 : index
      tpu.barrier barrier_id(%barrier3A)
      %scan3A = arith.constant 0 : i32
      %scan3A_109 = arith.constant 0 : i32
      %scan3A_110 = arith.constant 20 : i32
      %scan3A_111 = arith.addi %scan3A_109, %scan3A_110 : i32
      %scan3A_112 = arith.constant 1 : i32
      scf.for %scan3A_132 = %scan3A_109 to %scan3A_111 step %scan3A_112  : i32 {
        %mul3A_133 = arith.constant 4 : i32
        %mul3A_134 = arith.muli %mul3A_133, %scan3A_132 : i32
        %add3A = arith.constant 0 : i32
        %add3A_135 = arith.addi %mul3A_134, %add3A : i32
        %dma_wait3A_136 = arith.constant 0 : i32
        %dma_wait3A_137 = arith.constant 0 : i32
        %dma_wait3A_138 = arith.constant 0 : i32
        %dma_wait3A_139 = arith.constant 0 : i32
        %dma_wait3A_140 = arith.constant 0 : i32
        %dma_wait3A_141 = tpu.memref_slice %arg9[%dma_wait3A_138, %dma_wait3A_139, %dma_wait3A_140] : memref<2x128x128xf32, #tpu.memory_space<vmem>> -> memref<1x128x128xf32, #tpu.memory_space<vmem>>
        %dma_wait3A_142 = tpu.memref_squeeze %dma_wait3A_141 : memref<1x128x128xf32, #tpu.memory_space<vmem>> -> memref<128x128xf32, #tpu.memory_space<vmem>>
        %dma_wait3A_143 = arith.constant 0 : i32
        %dma_wait3A_144 = tpu.memref_slice %arg8[%dma_wait3A_136, %dma_wait3A_137, %dma_wait3A_143] : memref<4x2x128xi32, #tpu.memory_space<vmem>> -> memref<1x1x128xi32, #tpu.memory_space<vmem>>
        %dma_wait3A_145 = tpu.memref_squeeze %dma_wait3A_144 : memref<1x1x128xi32, #tpu.memory_space<vmem>> -> memref<128xi32, #tpu.memory_space<vmem>>
        %dma_wait3A_146 = arith.constant 0 : i32
        %dma_wait3A_147 = arith.constant 0 : i32
        %dma_wait3A_148 = tpu.memref_slice %arg3[%dma_wait3A_146, %dma_wait3A_147] : memref<10000x128xf32, #tpu.memory_space<hbm>> -> memref<10000x128xf32, #tpu.memory_space<hbm>>
        tpu.wait_indirect_dma semaphore(%arg15 : memref<!tpu.dma_semaphore, #tpu.memory_space<semaphore_mem>>) src(%dma_wait3A_148 : memref<10000x128xf32, #tpu.memory_space<hbm>>) dst(%dma_wait3A_142 : memref<128x128xf32, #tpu.memory_space<vmem>>)
        %dma_start3A_149 = arith.constant 0 : i32
        %dma_start3A_150 = arith.constant 0 : i32
        %dma_start3A_151 = arith.constant 1 : i32
        %dma_start3A_152 = arith.constant 0 : i32
        %dma_start3A_153 = arith.constant 0 : i32
        %dma_start3A_154 = tpu.memref_slice %arg9[%dma_start3A_149, %dma_start3A_152, %dma_start3A_153] : memref<2x128x128xf32, #tpu.memory_space<vmem>> -> memref<1x128x128xf32, #tpu.memory_space<vmem>>
        %dma_start3A_155 = tpu.memref_squeeze %dma_start3A_154 : memref<1x128x128xf32, #tpu.memory_space<vmem>> -> memref<128x128xf32, #tpu.memory_space<vmem>>
        %dma_start3A_156 = arith.constant 0 : i32
        %dma_start3A_157 = tpu.memref_slice %arg8[%dma_start3A_150, %dma_start3A_151, %dma_start3A_156] : memref<4x2x128xi32, #tpu.memory_space<vmem>> -> memref<1x1x128xi32, #tpu.memory_space<vmem>>
        %dma_start3A_158 = tpu.memref_squeeze %dma_start3A_157 : memref<1x1x128xi32, #tpu.memory_space<vmem>> -> memref<128xi32, #tpu.memory_space<vmem>>
        %dma_start3A_159 = arith.constant 0 : i32
        %dma_start3A_160 = arith.constant 0 : i32
        %dma_start3A_161 = tpu.memref_slice %arg10[%dma_start3A_159, %dma_start3A_160] : memref<10112x128xf32, #tpu.memory_space<vmem_shared>> -> memref<10112x128xf32, #tpu.memory_space<vmem_shared>>
        tpu.enqueue_indirect_dma source(%dma_start3A_155 : memref<128x128xf32, #tpu.memory_space<vmem>>) target(%dma_start3A_161 : memref<10112x128xf32, #tpu.memory_space<vmem_shared>>) offsets(%dma_start3A_158 : memref<128xi32, #tpu.memory_space<vmem>>) semaphore(%arg17 : memref<!tpu.dma_semaphore, #tpu.memory_space<semaphore_mem>>) {add = true}
        %gt3A = arith.constant 0 : i32
        %gt3A_162 = arith.cmpi sgt, %scan3A_132, %gt3A : i32
        %convert_element_type3A_163 = arith.extui %gt3A_162 : i1 to i32
        %cond3A_164 = arith.constant 0 : i32
        %cond3A_165 = arith.cmpi ne, %convert_element_type3A_163, %cond3A_164 : i32
        scf.if %cond3A_165 {
          %dma_wait3A_399 = arith.constant 1 : i32
          %dma_wait3A_400 = arith.constant 3 : i32
          %dma_wait3A_401 = arith.constant 1 : i32
          %dma_wait3A_402 = arith.constant 0 : i32
          %dma_wait3A_403 = arith.constant 0 : i32
          %dma_wait3A_404 = tpu.memref_slice %arg9[%dma_wait3A_399, %dma_wait3A_402, %dma_wait3A_403] : memref<2x128x128xf32, #tpu.memory_space<vmem>> -> memref<1x128x128xf32, #tpu.memory_space<vmem>>
          %dma_wait3A_405 = tpu.memref_squeeze %dma_wait3A_404 : memref<1x128x128xf32, #tpu.memory_space<vmem>> -> memref<128x128xf32, #tpu.memory_space<vmem>>
          %dma_wait3A_406 = arith.constant 0 : i32
          %dma_wait3A_407 = tpu.memref_slice %arg8[%dma_wait3A_400, %dma_wait3A_401, %dma_wait3A_406] : memref<4x2x128xi32, #tpu.memory_space<vmem>> -> memref<1x1x128xi32, #tpu.memory_space<vmem>>
          %dma_wait3A_408 = tpu.memref_squeeze %dma_wait3A_407 : memref<1x1x128xi32, #tpu.memory_space<vmem>> -> memref<128xi32, #tpu.memory_space<vmem>>
          %dma_wait3A_409 = arith.constant 0 : i32
          %dma_wait3A_410 = arith.constant 0 : i32
          %dma_wait3A_411 = tpu.memref_slice %arg10[%dma_wait3A_409, %dma_wait3A_410] : memref<10112x128xf32, #tpu.memory_space<vmem_shared>> -> memref<10112x128xf32, #tpu.memory_space<vmem_shared>>
          tpu.wait_indirect_dma semaphore(%arg18 : memref<!tpu.dma_semaphore, #tpu.memory_space<semaphore_mem>>) src(%dma_wait3A_405 : memref<128x128xf32, #tpu.memory_space<vmem>>) dst(%dma_wait3A_411 : memref<10112x128xf32, #tpu.memory_space<vmem_shared>>)
          %add3A_412 = arith.constant 3 : i32
          %add3A_413 = arith.addi %add3A_135, %add3A_412 : i32
          %dma_start3A_414 = arith.constant 3 : i32
          %dma_start3A_415 = arith.constant 0 : i32
          %dma_start3A_416 = arith.constant 0 : i32
          %dma_start3A_417 = tpu.memref_slice %arg8[%dma_start3A_414, %dma_start3A_415, %dma_start3A_416] : memref<4x2x128xi32, #tpu.memory_space<vmem>> -> memref<1x2x128xi32, #tpu.memory_space<vmem>>
          %dma_start3A_418 = tpu.memref_squeeze %dma_start3A_417 : memref<1x2x128xi32, #tpu.memory_space<vmem>> -> memref<2x128xi32, #tpu.memory_space<vmem>>
          %dma_start3A_419 = arith.constant 0 : i32
          %dma_start3A_420 = arith.constant 0 : i32
          %dma_start3A_421 = tpu.memref_slice %arg2[%arg1, %add3A_413, %dma_start3A_419, %dma_start3A_420] : memref<16x80x2x128xi32, #tpu.memory_space<hbm>> -> memref<1x1x2x128xi32, #tpu.memory_space<hbm>>
          %dma_start3A_422 = tpu.memref_squeeze %dma_start3A_421 : memref<1x1x2x128xi32, #tpu.memory_space<hbm>> -> memref<2x128xi32, #tpu.memory_space<hbm>>
          %dma_start3A_423 = arith.constant 0 : i32
          %dma_start3A_424 = arith.constant 0 : i32
          %dma_start3A_425 = tpu.memref_slice %arg8[%dma_start3A_414, %dma_start3A_423, %dma_start3A_424] : memref<4x2x128xi32, #tpu.memory_space<vmem>> -> memref<1x2x128xi32, #tpu.memory_space<vmem>>
          %dma_start3A_426 = tpu.memref_squeeze %dma_start3A_425 : memref<1x2x128xi32, #tpu.memory_space<vmem>> -> memref<2x128xi32, #tpu.memory_space<vmem>>
          %dma_start3A_427 = arith.constant 0 : i32
          %dma_start3A_428 = arith.constant 0 : i32
          %dma_start3A_429 = tpu.memref_slice %arg2[%arg1, %add3A_413, %dma_start3A_427, %dma_start3A_428] : memref<16x80x2x128xi32, #tpu.memory_space<hbm>> -> memref<1x1x2x128xi32, #tpu.memory_space<hbm>>
          %dma_start3A_430 = tpu.memref_squeeze %dma_start3A_429 : memref<1x1x2x128xi32, #tpu.memory_space<hbm>> -> memref<2x128xi32, #tpu.memory_space<hbm>>
          tpu.enqueue_dma source(%dma_start3A_430 : memref<2x128xi32, #tpu.memory_space<hbm>>) target(%dma_start3A_426 : memref<2x128xi32, #tpu.memory_space<vmem>>) target_semaphore(%arg14 : memref<!tpu.dma_semaphore, #tpu.memory_space<semaphore_mem>>)
        } else {
        }
        %add3A_166 = arith.constant 1 : i32
        %add3A_167 = arith.addi %add3A_135, %add3A_166 : i32
        %dma_wait3A_168 = arith.constant 1 : i32
        %dma_wait3A_169 = arith.constant 0 : i32
        %dma_wait3A_170 = arith.constant 0 : i32
        %dma_wait3A_171 = tpu.memref_slice %arg8[%dma_wait3A_168, %dma_wait3A_169, %dma_wait3A_170] : memref<4x2x128xi32, #tpu.memory_space<vmem>> -> memref<1x2x128xi32, #tpu.memory_space<vmem>>
        %dma_wait3A_172 = tpu.memref_squeeze %dma_wait3A_171 : memref<1x2x128xi32, #tpu.memory_space<vmem>> -> memref<2x128xi32, #tpu.memory_space<vmem>>
        %dma_wait3A_173 = arith.constant 0 : i32
        %dma_wait3A_174 = arith.constant 0 : i32
        %dma_wait3A_175 = tpu.memref_slice %arg2[%arg1, %add3A_167, %dma_wait3A_173, %dma_wait3A_174] : memref<16x80x2x128xi32, #tpu.memory_space<hbm>> -> memref<1x1x2x128xi32, #tpu.memory_space<hbm>>
        %dma_wait3A_176 = tpu.memref_squeeze %dma_wait3A_175 : memref<1x1x2x128xi32, #tpu.memory_space<hbm>> -> memref<2x128xi32, #tpu.memory_space<hbm>>
        %dma_wait3A_177 = arith.constant 0 : i32
        %dma_wait3A_178 = arith.constant 0 : i32
        %dma_wait3A_179 = tpu.memref_slice %arg8[%dma_wait3A_168, %dma_wait3A_177, %dma_wait3A_178] : memref<4x2x128xi32, #tpu.memory_space<vmem>> -> memref<1x2x128xi32, #tpu.memory_space<vmem>>
        %dma_wait3A_180 = tpu.memref_squeeze %dma_wait3A_179 : memref<1x2x128xi32, #tpu.memory_space<vmem>> -> memref<2x128xi32, #tpu.memory_space<vmem>>
        %dma_wait3A_181 = arith.constant 0 : i32
        %dma_wait3A_182 = arith.constant 0 : i32
        %dma_wait3A_183 = tpu.memref_slice %arg2[%arg1, %add3A_167, %dma_wait3A_181, %dma_wait3A_182] : memref<16x80x2x128xi32, #tpu.memory_space<hbm>> -> memref<1x1x2x128xi32, #tpu.memory_space<hbm>>
        %dma_wait3A_184 = tpu.memref_squeeze %dma_wait3A_183 : memref<1x1x2x128xi32, #tpu.memory_space<hbm>> -> memref<2x128xi32, #tpu.memory_space<hbm>>
        tpu.wait_dma2 semaphore(%arg12 : memref<!tpu.dma_semaphore, #tpu.memory_space<semaphore_mem>>) src(%dma_wait3A_184 : memref<2x128xi32, #tpu.memory_space<hbm>>) dst(%dma_wait3A_180 : memref<2x128xi32, #tpu.memory_space<vmem>>)
        %dma_start3A_185 = arith.constant 1 : i32
        %dma_start3A_186 = arith.constant 0 : i32
        %dma_start3A_187 = arith.constant 1 : i32
        %dma_start3A_188 = arith.constant 0 : i32
        %dma_start3A_189 = arith.constant 0 : i32
        %dma_start3A_190 = tpu.memref_slice %arg9[%dma_start3A_187, %dma_start3A_188, %dma_start3A_189] : memref<2x128x128xf32, #tpu.memory_space<vmem>> -> memref<1x128x128xf32, #tpu.memory_space<vmem>>
        %dma_start3A_191 = tpu.memref_squeeze %dma_start3A_190 : memref<1x128x128xf32, #tpu.memory_space<vmem>> -> memref<128x128xf32, #tpu.memory_space<vmem>>
        %dma_start3A_192 = arith.constant 0 : i32
        %dma_start3A_193 = tpu.memref_slice %arg8[%dma_start3A_185, %dma_start3A_186, %dma_start3A_192] : memref<4x2x128xi32, #tpu.memory_space<vmem>> -> memref<1x1x128xi32, #tpu.memory_space<vmem>>
        %dma_start3A_194 = tpu.memref_squeeze %dma_start3A_193 : memref<1x1x128xi32, #tpu.memory_space<vmem>> -> memref<128xi32, #tpu.memory_space<vmem>>
        %dma_start3A_195 = arith.constant 0 : i32
        %dma_start3A_196 = arith.constant 0 : i32
        %dma_start3A_197 = tpu.memref_slice %arg3[%dma_start3A_195, %dma_start3A_196] : memref<10000x128xf32, #tpu.memory_space<hbm>> -> memref<10000x128xf32, #tpu.memory_space<hbm>>
        tpu.enqueue_indirect_dma source(%dma_start3A_197 : memref<10000x128xf32, #tpu.memory_space<hbm>>) target(%dma_start3A_191 : memref<128x128xf32, #tpu.memory_space<vmem>>) offsets(%dma_start3A_194 : memref<128xi32, #tpu.memory_space<vmem>>) semaphore(%arg16 : memref<!tpu.dma_semaphore, #tpu.memory_space<semaphore_mem>>)
        %add3A_198 = arith.constant 1 : i32
        %add3A_199 = arith.addi %mul3A_134, %add3A_198 : i32
        %dma_wait3A_200 = arith.constant 1 : i32
        %dma_wait3A_201 = arith.constant 0 : i32
        %dma_wait3A_202 = arith.constant 1 : i32
        %dma_wait3A_203 = arith.constant 0 : i32
        %dma_wait3A_204 = arith.constant 0 : i32
        %dma_wait3A_205 = tpu.memref_slice %arg9[%dma_wait3A_202, %dma_wait3A_203, %dma_wait3A_204] : memref<2x128x128xf32, #tpu.memory_space<vmem>> -> memref<1x128x128xf32, #tpu.memory_space<vmem>>
        %dma_wait3A_206 = tpu.memref_squeeze %dma_wait3A_205 : memref<1x128x128xf32, #tpu.memory_space<vmem>> -> memref<128x128xf32, #tpu.memory_space<vmem>>
        %dma_wait3A_207 = arith.constant 0 : i32
        %dma_wait3A_208 = tpu.memref_slice %arg8[%dma_wait3A_200, %dma_wait3A_201, %dma_wait3A_207] : memref<4x2x128xi32, #tpu.memory_space<vmem>> -> memref<1x1x128xi32, #tpu.memory_space<vmem>>
        %dma_wait3A_209 = tpu.memref_squeeze %dma_wait3A_208 : memref<1x1x128xi32, #tpu.memory_space<vmem>> -> memref<128xi32, #tpu.memory_space<vmem>>
        %dma_wait3A_210 = arith.constant 0 : i32
        %dma_wait3A_211 = arith.constant 0 : i32
        %dma_wait3A_212 = tpu.memref_slice %arg3[%dma_wait3A_210, %dma_wait3A_211] : memref<10000x128xf32, #tpu.memory_space<hbm>> -> memref<10000x128xf32, #tpu.memory_space<hbm>>
        tpu.wait_indirect_dma semaphore(%arg16 : memref<!tpu.dma_semaphore, #tpu.memory_space<semaphore_mem>>) src(%dma_wait3A_212 : memref<10000x128xf32, #tpu.memory_space<hbm>>) dst(%dma_wait3A_206 : memref<128x128xf32, #tpu.memory_space<vmem>>)
        %dma_start3A_213 = arith.constant 1 : i32
        %dma_start3A_214 = arith.constant 1 : i32
        %dma_start3A_215 = arith.constant 1 : i32
        %dma_start3A_216 = arith.constant 0 : i32
        %dma_start3A_217 = arith.constant 0 : i32
        %dma_start3A_218 = tpu.memref_slice %arg9[%dma_start3A_213, %dma_start3A_216, %dma_start3A_217] : memref<2x128x128xf32, #tpu.memory_space<vmem>> -> memref<1x128x128xf32, #tpu.memory_space<vmem>>
        %dma_start3A_219 = tpu.memref_squeeze %dma_start3A_218 : memref<1x128x128xf32, #tpu.memory_space<vmem>> -> memref<128x128xf32, #tpu.memory_space<vmem>>
        %dma_start3A_220 = arith.constant 0 : i32
        %dma_start3A_221 = tpu.memref_slice %arg8[%dma_start3A_214, %dma_start3A_215, %dma_start3A_220] : memref<4x2x128xi32, #tpu.memory_space<vmem>> -> memref<1x1x128xi32, #tpu.memory_space<vmem>>
        %dma_start3A_222 = tpu.memref_squeeze %dma_start3A_221 : memref<1x1x128xi32, #tpu.memory_space<vmem>> -> memref<128xi32, #tpu.memory_space<vmem>>
        %dma_start3A_223 = arith.constant 0 : i32
        %dma_start3A_224 = arith.constant 0 : i32
        %dma_start3A_225 = tpu.memref_slice %arg10[%dma_start3A_223, %dma_start3A_224] : memref<10112x128xf32, #tpu.memory_space<vmem_shared>> -> memref<10112x128xf32, #tpu.memory_space<vmem_shared>>
        tpu.enqueue_indirect_dma source(%dma_start3A_219 : memref<128x128xf32, #tpu.memory_space<vmem>>) target(%dma_start3A_225 : memref<10112x128xf32, #tpu.memory_space<vmem_shared>>) offsets(%dma_start3A_222 : memref<128xi32, #tpu.memory_space<vmem>>) semaphore(%arg18 : memref<!tpu.dma_semaphore, #tpu.memory_space<semaphore_mem>>) {add = true}
        %dma_wait3A_226 = arith.constant 0 : i32
        %dma_wait3A_227 = arith.constant 0 : i32
        %dma_wait3A_228 = arith.constant 1 : i32
        %dma_wait3A_229 = arith.constant 0 : i32
        %dma_wait3A_230 = arith.constant 0 : i32
        %dma_wait3A_231 = tpu.memref_slice %arg9[%dma_wait3A_226, %dma_wait3A_229, %dma_wait3A_230] : memref<2x128x128xf32, #tpu.memory_space<vmem>> -> memref<1x128x128xf32, #tpu.memory_space<vmem>>
        %dma_wait3A_232 = tpu.memref_squeeze %dma_wait3A_231 : memref<1x128x128xf32, #tpu.memory_space<vmem>> -> memref<128x128xf32, #tpu.memory_space<vmem>>
        %dma_wait3A_233 = arith.constant 0 : i32
        %dma_wait3A_234 = tpu.memref_slice %arg8[%dma_wait3A_227, %dma_wait3A_228, %dma_wait3A_233] : memref<4x2x128xi32, #tpu.memory_space<vmem>> -> memref<1x1x128xi32, #tpu.memory_space<vmem>>
        %dma_wait3A_235 = tpu.memref_squeeze %dma_wait3A_234 : memref<1x1x128xi32, #tpu.memory_space<vmem>> -> memref<128xi32, #tpu.memory_space<vmem>>
        %dma_wait3A_236 = arith.constant 0 : i32
        %dma_wait3A_237 = arith.constant 0 : i32
        %dma_wait3A_238 = tpu.memref_slice %arg10[%dma_wait3A_236, %dma_wait3A_237] : memref<10112x128xf32, #tpu.memory_space<vmem_shared>> -> memref<10112x128xf32, #tpu.memory_space<vmem_shared>>
        tpu.wait_indirect_dma semaphore(%arg17 : memref<!tpu.dma_semaphore, #tpu.memory_space<semaphore_mem>>) src(%dma_wait3A_232 : memref<128x128xf32, #tpu.memory_space<vmem>>) dst(%dma_wait3A_238 : memref<10112x128xf32, #tpu.memory_space<vmem_shared>>)
        %lt3A = arith.constant 19 : i32
        %lt3A_239 = arith.cmpi slt, %scan3A_132, %lt3A : i32
        %convert_element_type3A_240 = arith.extui %lt3A_239 : i1 to i32
        %cond3A_241 = arith.constant 0 : i32
        %cond3A_242 = arith.cmpi ne, %convert_element_type3A_240, %cond3A_241 : i32
        scf.if %cond3A_242 {
          %add3A_399 = arith.constant 3 : i32
          %add3A_400 = arith.addi %add3A_199, %add3A_399 : i32
          %dma_start3A_401 = arith.constant 0 : i32
          %dma_start3A_402 = arith.constant 0 : i32
          %dma_start3A_403 = arith.constant 0 : i32
          %dma_start3A_404 = tpu.memref_slice %arg8[%dma_start3A_401, %dma_start3A_402, %dma_start3A_403] : memref<4x2x128xi32, #tpu.memory_space<vmem>> -> memref<1x2x128xi32, #tpu.memory_space<vmem>>
          %dma_start3A_405 = tpu.memref_squeeze %dma_start3A_404 : memref<1x2x128xi32, #tpu.memory_space<vmem>> -> memref<2x128xi32, #tpu.memory_space<vmem>>
          %dma_start3A_406 = arith.constant 0 : i32
          %dma_start3A_407 = arith.constant 0 : i32
          %dma_start3A_408 = tpu.memref_slice %arg2[%arg1, %add3A_400, %dma_start3A_406, %dma_start3A_407] : memref<16x80x2x128xi32, #tpu.memory_space<hbm>> -> memref<1x1x2x128xi32, #tpu.memory_space<hbm>>
          %dma_start3A_409 = tpu.memref_squeeze %dma_start3A_408 : memref<1x1x2x128xi32, #tpu.memory_space<hbm>> -> memref<2x128xi32, #tpu.memory_space<hbm>>
          %dma_start3A_410 = arith.constant 0 : i32
          %dma_start3A_411 = arith.constant 0 : i32
          %dma_start3A_412 = tpu.memref_slice %arg8[%dma_start3A_401, %dma_start3A_410, %dma_start3A_411] : memref<4x2x128xi32, #tpu.memory_space<vmem>> -> memref<1x2x128xi32, #tpu.memory_space<vmem>>
          %dma_start3A_413 = tpu.memref_squeeze %dma_start3A_412 : memref<1x2x128xi32, #tpu.memory_space<vmem>> -> memref<2x128xi32, #tpu.memory_space<vmem>>
          %dma_start3A_414 = arith.constant 0 : i32
          %dma_start3A_415 = arith.constant 0 : i32
          %dma_start3A_416 = tpu.memref_slice %arg2[%arg1, %add3A_400, %dma_start3A_414, %dma_start3A_415] : memref<16x80x2x128xi32, #tpu.memory_space<hbm>> -> memref<1x1x2x128xi32, #tpu.memory_space<hbm>>
          %dma_start3A_417 = tpu.memref_squeeze %dma_start3A_416 : memref<1x1x2x128xi32, #tpu.memory_space<hbm>> -> memref<2x128xi32, #tpu.memory_space<hbm>>
          tpu.enqueue_dma source(%dma_start3A_417 : memref<2x128xi32, #tpu.memory_space<hbm>>) target(%dma_start3A_413 : memref<2x128xi32, #tpu.memory_space<vmem>>) target_semaphore(%arg11 : memref<!tpu.dma_semaphore, #tpu.memory_space<semaphore_mem>>)
        } else {
        }
        %add3A_243 = arith.constant 1 : i32
        %add3A_244 = arith.addi %add3A_199, %add3A_243 : i32
        %dma_wait3A_245 = arith.constant 2 : i32
        %dma_wait3A_246 = arith.constant 0 : i32
        %dma_wait3A_247 = arith.constant 0 : i32
        %dma_wait3A_248 = tpu.memref_slice %arg8[%dma_wait3A_245, %dma_wait3A_246, %dma_wait3A_247] : memref<4x2x128xi32, #tpu.memory_space<vmem>> -> memref<1x2x128xi32, #tpu.memory_space<vmem>>
        %dma_wait3A_249 = tpu.memref_squeeze %dma_wait3A_248 : memref<1x2x128xi32, #tpu.memory_space<vmem>> -> memref<2x128xi32, #tpu.memory_space<vmem>>
        %dma_wait3A_250 = arith.constant 0 : i32
        %dma_wait3A_251 = arith.constant 0 : i32
        %dma_wait3A_252 = tpu.memref_slice %arg2[%arg1, %add3A_244, %dma_wait3A_250, %dma_wait3A_251] : memref<16x80x2x128xi32, #tpu.memory_space<hbm>> -> memref<1x1x2x128xi32, #tpu.memory_space<hbm>>
        %dma_wait3A_253 = tpu.memref_squeeze %dma_wait3A_252 : memref<1x1x2x128xi32, #tpu.memory_space<hbm>> -> memref<2x128xi32, #tpu.memory_space<hbm>>
        %dma_wait3A_254 = arith.constant 0 : i32
        %dma_wait3A_255 = arith.constant 0 : i32
        %dma_wait3A_256 = tpu.memref_slice %arg8[%dma_wait3A_245, %dma_wait3A_254, %dma_wait3A_255] : memref<4x2x128xi32, #tpu.memory_space<vmem>> -> memref<1x2x128xi32, #tpu.memory_space<vmem>>
        %dma_wait3A_257 = tpu.memref_squeeze %dma_wait3A_256 : memref<1x2x128xi32, #tpu.memory_space<vmem>> -> memref<2x128xi32, #tpu.memory_space<vmem>>
        %dma_wait3A_258 = arith.constant 0 : i32
        %dma_wait3A_259 = arith.constant 0 : i32
        %dma_wait3A_260 = tpu.memref_slice %arg2[%arg1, %add3A_244, %dma_wait3A_258, %dma_wait3A_259] : memref<16x80x2x128xi32, #tpu.memory_space<hbm>> -> memref<1x1x2x128xi32, #tpu.memory_space<hbm>>
        %dma_wait3A_261 = tpu.memref_squeeze %dma_wait3A_260 : memref<1x1x2x128xi32, #tpu.memory_space<hbm>> -> memref<2x128xi32, #tpu.memory_space<hbm>>
        tpu.wait_dma2 semaphore(%arg13 : memref<!tpu.dma_semaphore, #tpu.memory_space<semaphore_mem>>) src(%dma_wait3A_261 : memref<2x128xi32, #tpu.memory_space<hbm>>) dst(%dma_wait3A_257 : memref<2x128xi32, #tpu.memory_space<vmem>>)
        %dma_start3A_262 = arith.constant 2 : i32
        %dma_start3A_263 = arith.constant 0 : i32
        %dma_start3A_264 = arith.constant 0 : i32
        %dma_start3A_265 = arith.constant 0 : i32
        %dma_start3A_266 = arith.constant 0 : i32
        %dma_start3A_267 = tpu.memref_slice %arg9[%dma_start3A_264, %dma_start3A_265, %dma_start3A_266] : memref<2x128x128xf32, #tpu.memory_space<vmem>> -> memref<1x128x128xf32, #tpu.memory_space<vmem>>
        %dma_start3A_268 = tpu.memref_squeeze %dma_start3A_267 : memref<1x128x128xf32, #tpu.memory_space<vmem>> -> memref<128x128xf32, #tpu.memory_space<vmem>>
        %dma_start3A_269 = arith.constant 0 : i32
        %dma_start3A_270 = tpu.memref_slice %arg8[%dma_start3A_262, %dma_start3A_263, %dma_start3A_269] : memref<4x2x128xi32, #tpu.memory_space<vmem>> -> memref<1x1x128xi32, #tpu.memory_space<vmem>>
        %dma_start3A_271 = tpu.memref_squeeze %dma_start3A_270 : memref<1x1x128xi32, #tpu.memory_space<vmem>> -> memref<128xi32, #tpu.memory_space<vmem>>
        %dma_start3A_272 = arith.constant 0 : i32
        %dma_start3A_273 = arith.constant 0 : i32
        %dma_start3A_274 = tpu.memref_slice %arg3[%dma_start3A_272, %dma_start3A_273] : memref<10000x128xf32, #tpu.memory_space<hbm>> -> memref<10000x128xf32, #tpu.memory_space<hbm>>
        tpu.enqueue_indirect_dma source(%dma_start3A_274 : memref<10000x128xf32, #tpu.memory_space<hbm>>) target(%dma_start3A_268 : memref<128x128xf32, #tpu.memory_space<vmem>>) offsets(%dma_start3A_271 : memref<128xi32, #tpu.memory_space<vmem>>) semaphore(%arg15 : memref<!tpu.dma_semaphore, #tpu.memory_space<semaphore_mem>>)
        %add3A_275 = arith.constant 2 : i32
        %add3A_276 = arith.addi %mul3A_134, %add3A_275 : i32
        %dma_wait3A_277 = arith.constant 2 : i32
        %dma_wait3A_278 = arith.constant 0 : i32
        %dma_wait3A_279 = arith.constant 0 : i32
        %dma_wait3A_280 = arith.constant 0 : i32
        %dma_wait3A_281 = arith.constant 0 : i32
        %dma_wait3A_282 = tpu.memref_slice %arg9[%dma_wait3A_279, %dma_wait3A_280, %dma_wait3A_281] : memref<2x128x128xf32, #tpu.memory_space<vmem>> -> memref<1x128x128xf32, #tpu.memory_space<vmem>>
        %dma_wait3A_283 = tpu.memref_squeeze %dma_wait3A_282 : memref<1x128x128xf32, #tpu.memory_space<vmem>> -> memref<128x128xf32, #tpu.memory_space<vmem>>
        %dma_wait3A_284 = arith.constant 0 : i32
        %dma_wait3A_285 = tpu.memref_slice %arg8[%dma_wait3A_277, %dma_wait3A_278, %dma_wait3A_284] : memref<4x2x128xi32, #tpu.memory_space<vmem>> -> memref<1x1x128xi32, #tpu.memory_space<vmem>>
        %dma_wait3A_286 = tpu.memref_squeeze %dma_wait3A_285 : memref<1x1x128xi32, #tpu.memory_space<vmem>> -> memref<128xi32, #tpu.memory_space<vmem>>
        %dma_wait3A_287 = arith.constant 0 : i32
        %dma_wait3A_288 = arith.constant 0 : i32
        %dma_wait3A_289 = tpu.memref_slice %arg3[%dma_wait3A_287, %dma_wait3A_288] : memref<10000x128xf32, #tpu.memory_space<hbm>> -> memref<10000x128xf32, #tpu.memory_space<hbm>>
        tpu.wait_indirect_dma semaphore(%arg15 : memref<!tpu.dma_semaphore, #tpu.memory_space<semaphore_mem>>) src(%dma_wait3A_289 : memref<10000x128xf32, #tpu.memory_space<hbm>>) dst(%dma_wait3A_283 : memref<128x128xf32, #tpu.memory_space<vmem>>)
        %dma_start3A_290 = arith.constant 0 : i32
        %dma_start3A_291 = arith.constant 2 : i32
        %dma_start3A_292 = arith.constant 1 : i32
        %dma_start3A_293 = arith.constant 0 : i32
        %dma_start3A_294 = arith.constant 0 : i32
        %dma_start3A_295 = tpu.memref_slice %arg9[%dma_start3A_290, %dma_start3A_293, %dma_start3A_294] : memref<2x128x128xf32, #tpu.memory_space<vmem>> -> memref<1x128x128xf32, #tpu.memory_space<vmem>>
        %dma_start3A_296 = tpu.memref_squeeze %dma_start3A_295 : memref<1x128x128xf32, #tpu.memory_space<vmem>> -> memref<128x128xf32, #tpu.memory_space<vmem>>
        %dma_start3A_297 = arith.constant 0 : i32
        %dma_start3A_298 = tpu.memref_slice %arg8[%dma_start3A_291, %dma_start3A_292, %dma_start3A_297] : memref<4x2x128xi32, #tpu.memory_space<vmem>> -> memref<1x1x128xi32, #tpu.memory_space<vmem>>
        %dma_start3A_299 = tpu.memref_squeeze %dma_start3A_298 : memref<1x1x128xi32, #tpu.memory_space<vmem>> -> memref<128xi32, #tpu.memory_space<vmem>>
        %dma_start3A_300 = arith.constant 0 : i32
        %dma_start3A_301 = arith.constant 0 : i32
        %dma_start3A_302 = tpu.memref_slice %arg10[%dma_start3A_300, %dma_start3A_301] : memref<10112x128xf32, #tpu.memory_space<vmem_shared>> -> memref<10112x128xf32, #tpu.memory_space<vmem_shared>>
        tpu.enqueue_indirect_dma source(%dma_start3A_296 : memref<128x128xf32, #tpu.memory_space<vmem>>) target(%dma_start3A_302 : memref<10112x128xf32, #tpu.memory_space<vmem_shared>>) offsets(%dma_start3A_299 : memref<128xi32, #tpu.memory_space<vmem>>) semaphore(%arg17 : memref<!tpu.dma_semaphore, #tpu.memory_space<semaphore_mem>>) {add = true}
        %dma_wait3A_303 = arith.constant 1 : i32
        %dma_wait3A_304 = arith.constant 1 : i32
        %dma_wait3A_305 = arith.constant 1 : i32
        %dma_wait3A_306 = arith.constant 0 : i32
        %dma_wait3A_307 = arith.constant 0 : i32
        %dma_wait3A_308 = tpu.memref_slice %arg9[%dma_wait3A_303, %dma_wait3A_306, %dma_wait3A_307] : memref<2x128x128xf32, #tpu.memory_space<vmem>> -> memref<1x128x128xf32, #tpu.memory_space<vmem>>
        %dma_wait3A_309 = tpu.memref_squeeze %dma_wait3A_308 : memref<1x128x128xf32, #tpu.memory_space<vmem>> -> memref<128x128xf32, #tpu.memory_space<vmem>>
        %dma_wait3A_310 = arith.constant 0 : i32
        %dma_wait3A_311 = tpu.memref_slice %arg8[%dma_wait3A_304, %dma_wait3A_305, %dma_wait3A_310] : memref<4x2x128xi32, #tpu.memory_space<vmem>> -> memref<1x1x128xi32, #tpu.memory_space<vmem>>
        %dma_wait3A_312 = tpu.memref_squeeze %dma_wait3A_311 : memref<1x1x128xi32, #tpu.memory_space<vmem>> -> memref<128xi32, #tpu.memory_space<vmem>>
        %dma_wait3A_313 = arith.constant 0 : i32
        %dma_wait3A_314 = arith.constant 0 : i32
        %dma_wait3A_315 = tpu.memref_slice %arg10[%dma_wait3A_313, %dma_wait3A_314] : memref<10112x128xf32, #tpu.memory_space<vmem_shared>> -> memref<10112x128xf32, #tpu.memory_space<vmem_shared>>
        tpu.wait_indirect_dma semaphore(%arg18 : memref<!tpu.dma_semaphore, #tpu.memory_space<semaphore_mem>>) src(%dma_wait3A_309 : memref<128x128xf32, #tpu.memory_space<vmem>>) dst(%dma_wait3A_315 : memref<10112x128xf32, #tpu.memory_space<vmem_shared>>)
        %lt3A_316 = arith.constant 19 : i32
        %lt3A_317 = arith.cmpi slt, %scan3A_132, %lt3A_316 : i32
        %convert_element_type3A_318 = arith.extui %lt3A_317 : i1 to i32
        %cond3A_319 = arith.constant 0 : i32
        %cond3A_320 = arith.cmpi ne, %convert_element_type3A_318, %cond3A_319 : i32
        scf.if %cond3A_320 {
          %add3A_399 = arith.constant 3 : i32
          %add3A_400 = arith.addi %add3A_276, %add3A_399 : i32
          %dma_start3A_401 = arith.constant 1 : i32
          %dma_start3A_402 = arith.constant 0 : i32
          %dma_start3A_403 = arith.constant 0 : i32
          %dma_start3A_404 = tpu.memref_slice %arg8[%dma_start3A_401, %dma_start3A_402, %dma_start3A_403] : memref<4x2x128xi32, #tpu.memory_space<vmem>> -> memref<1x2x128xi32, #tpu.memory_space<vmem>>
          %dma_start3A_405 = tpu.memref_squeeze %dma_start3A_404 : memref<1x2x128xi32, #tpu.memory_space<vmem>> -> memref<2x128xi32, #tpu.memory_space<vmem>>
          %dma_start3A_406 = arith.constant 0 : i32
          %dma_start3A_407 = arith.constant 0 : i32
          %dma_start3A_408 = tpu.memref_slice %arg2[%arg1, %add3A_400, %dma_start3A_406, %dma_start3A_407] : memref<16x80x2x128xi32, #tpu.memory_space<hbm>> -> memref<1x1x2x128xi32, #tpu.memory_space<hbm>>
          %dma_start3A_409 = tpu.memref_squeeze %dma_start3A_408 : memref<1x1x2x128xi32, #tpu.memory_space<hbm>> -> memref<2x128xi32, #tpu.memory_space<hbm>>
          %dma_start3A_410 = arith.constant 0 : i32
          %dma_start3A_411 = arith.constant 0 : i32
          %dma_start3A_412 = tpu.memref_slice %arg8[%dma_start3A_401, %dma_start3A_410, %dma_start3A_411] : memref<4x2x128xi32, #tpu.memory_space<vmem>> -> memref<1x2x128xi32, #tpu.memory_space<vmem>>
          %dma_start3A_413 = tpu.memref_squeeze %dma_start3A_412 : memref<1x2x128xi32, #tpu.memory_space<vmem>> -> memref<2x128xi32, #tpu.memory_space<vmem>>
          %dma_start3A_414 = arith.constant 0 : i32
          %dma_start3A_415 = arith.constant 0 : i32
          %dma_start3A_416 = tpu.memref_slice %arg2[%arg1, %add3A_400, %dma_start3A_414, %dma_start3A_415] : memref<16x80x2x128xi32, #tpu.memory_space<hbm>> -> memref<1x1x2x128xi32, #tpu.memory_space<hbm>>
          %dma_start3A_417 = tpu.memref_squeeze %dma_start3A_416 : memref<1x1x2x128xi32, #tpu.memory_space<hbm>> -> memref<2x128xi32, #tpu.memory_space<hbm>>
          tpu.enqueue_dma source(%dma_start3A_417 : memref<2x128xi32, #tpu.memory_space<hbm>>) target(%dma_start3A_413 : memref<2x128xi32, #tpu.memory_space<vmem>>) target_semaphore(%arg12 : memref<!tpu.dma_semaphore, #tpu.memory_space<semaphore_mem>>)
        } else {
        }
        %add3A_321 = arith.constant 1 : i32
        %add3A_322 = arith.addi %add3A_276, %add3A_321 : i32
        %dma_wait3A_323 = arith.constant 3 : i32
        %dma_wait3A_324 = arith.constant 0 : i32
        %dma_wait3A_325 = arith.constant 0 : i32
        %dma_wait3A_326 = tpu.memref_slice %arg8[%dma_wait3A_323, %dma_wait3A_324, %dma_wait3A_325] : memref<4x2x128xi32, #tpu.memory_space<vmem>> -> memref<1x2x128xi32, #tpu.memory_space<vmem>>
        %dma_wait3A_327 = tpu.memref_squeeze %dma_wait3A_326 : memref<1x2x128xi32, #tpu.memory_space<vmem>> -> memref<2x128xi32, #tpu.memory_space<vmem>>
        %dma_wait3A_328 = arith.constant 0 : i32
        %dma_wait3A_329 = arith.constant 0 : i32
        %dma_wait3A_330 = tpu.memref_slice %arg2[%arg1, %add3A_322, %dma_wait3A_328, %dma_wait3A_329] : memref<16x80x2x128xi32, #tpu.memory_space<hbm>> -> memref<1x1x2x128xi32, #tpu.memory_space<hbm>>
        %dma_wait3A_331 = tpu.memref_squeeze %dma_wait3A_330 : memref<1x1x2x128xi32, #tpu.memory_space<hbm>> -> memref<2x128xi32, #tpu.memory_space<hbm>>
        %dma_wait3A_332 = arith.constant 0 : i32
        %dma_wait3A_333 = arith.constant 0 : i32
        %dma_wait3A_334 = tpu.memref_slice %arg8[%dma_wait3A_323, %dma_wait3A_332, %dma_wait3A_333] : memref<4x2x128xi32, #tpu.memory_space<vmem>> -> memref<1x2x128xi32, #tpu.memory_space<vmem>>
        %dma_wait3A_335 = tpu.memref_squeeze %dma_wait3A_334 : memref<1x2x128xi32, #tpu.memory_space<vmem>> -> memref<2x128xi32, #tpu.memory_space<vmem>>
        %dma_wait3A_336 = arith.constant 0 : i32
        %dma_wait3A_337 = arith.constant 0 : i32
        %dma_wait3A_338 = tpu.memref_slice %arg2[%arg1, %add3A_322, %dma_wait3A_336, %dma_wait3A_337] : memref<16x80x2x128xi32, #tpu.memory_space<hbm>> -> memref<1x1x2x128xi32, #tpu.memory_space<hbm>>
        %dma_wait3A_339 = tpu.memref_squeeze %dma_wait3A_338 : memref<1x1x2x128xi32, #tpu.memory_space<hbm>> -> memref<2x128xi32, #tpu.memory_space<hbm>>
        tpu.wait_dma2 semaphore(%arg14 : memref<!tpu.dma_semaphore, #tpu.memory_space<semaphore_mem>>) src(%dma_wait3A_339 : memref<2x128xi32, #tpu.memory_space<hbm>>) dst(%dma_wait3A_335 : memref<2x128xi32, #tpu.memory_space<vmem>>)
        %dma_start3A_340 = arith.constant 3 : i32
        %dma_start3A_341 = arith.constant 0 : i32
        %dma_start3A_342 = arith.constant 1 : i32
        %dma_start3A_343 = arith.constant 0 : i32
        %dma_start3A_344 = arith.constant 0 : i32
        %dma_start3A_345 = tpu.memref_slice %arg9[%dma_start3A_342, %dma_start3A_343, %dma_start3A_344] : memref<2x128x128xf32, #tpu.memory_space<vmem>> -> memref<1x128x128xf32, #tpu.memory_space<vmem>>
        %dma_start3A_346 = tpu.memref_squeeze %dma_start3A_345 : memref<1x128x128xf32, #tpu.memory_space<vmem>> -> memref<128x128xf32, #tpu.memory_space<vmem>>
        %dma_start3A_347 = arith.constant 0 : i32
        %dma_start3A_348 = tpu.memref_slice %arg8[%dma_start3A_340, %dma_start3A_341, %dma_start3A_347] : memref<4x2x128xi32, #tpu.memory_space<vmem>> -> memref<1x1x128xi32, #tpu.memory_space<vmem>>
        %dma_start3A_349 = tpu.memref_squeeze %dma_start3A_348 : memref<1x1x128xi32, #tpu.memory_space<vmem>> -> memref<128xi32, #tpu.memory_space<vmem>>
        %dma_start3A_350 = arith.constant 0 : i32
        %dma_start3A_351 = arith.constant 0 : i32
        %dma_start3A_352 = tpu.memref_slice %arg3[%dma_start3A_350, %dma_start3A_351] : memref<10000x128xf32, #tpu.memory_space<hbm>> -> memref<10000x128xf32, #tpu.memory_space<hbm>>
        tpu.enqueue_indirect_dma source(%dma_start3A_352 : memref<10000x128xf32, #tpu.memory_space<hbm>>) target(%dma_start3A_346 : memref<128x128xf32, #tpu.memory_space<vmem>>) offsets(%dma_start3A_349 : memref<128xi32, #tpu.memory_space<vmem>>) semaphore(%arg16 : memref<!tpu.dma_semaphore, #tpu.memory_space<semaphore_mem>>)
        %add3A_353 = arith.constant 3 : i32
        %add3A_354 = arith.addi %mul3A_134, %add3A_353 : i32
        %dma_wait3A_355 = arith.constant 3 : i32
        %dma_wait3A_356 = arith.constant 0 : i32
        %dma_wait3A_357 = arith.constant 1 : i32
        %dma_wait3A_358 = arith.constant 0 : i32
        %dma_wait3A_359 = arith.constant 0 : i32
        %dma_wait3A_360 = tpu.memref_slice %arg9[%dma_wait3A_357, %dma_wait3A_358, %dma_wait3A_359] : memref<2x128x128xf32, #tpu.memory_space<vmem>> -> memref<1x128x128xf32, #tpu.memory_space<vmem>>
        %dma_wait3A_361 = tpu.memref_squeeze %dma_wait3A_360 : memref<1x128x128xf32, #tpu.memory_space<vmem>> -> memref<128x128xf32, #tpu.memory_space<vmem>>
        %dma_wait3A_362 = arith.constant 0 : i32
        %dma_wait3A_363 = tpu.memref_slice %arg8[%dma_wait3A_355, %dma_wait3A_356, %dma_wait3A_362] : memref<4x2x128xi32, #tpu.memory_space<vmem>> -> memref<1x1x128xi32, #tpu.memory_space<vmem>>
        %dma_wait3A_364 = tpu.memref_squeeze %dma_wait3A_363 : memref<1x1x128xi32, #tpu.memory_space<vmem>> -> memref<128xi32, #tpu.memory_space<vmem>>
        %dma_wait3A_365 = arith.constant 0 : i32
        %dma_wait3A_366 = arith.constant 0 : i32
        %dma_wait3A_367 = tpu.memref_slice %arg3[%dma_wait3A_365, %dma_wait3A_366] : memref<10000x128xf32, #tpu.memory_space<hbm>> -> memref<10000x128xf32, #tpu.memory_space<hbm>>
        tpu.wait_indirect_dma semaphore(%arg16 : memref<!tpu.dma_semaphore, #tpu.memory_space<semaphore_mem>>) src(%dma_wait3A_367 : memref<10000x128xf32, #tpu.memory_space<hbm>>) dst(%dma_wait3A_361 : memref<128x128xf32, #tpu.memory_space<vmem>>)
        %dma_start3A_368 = arith.constant 1 : i32
        %dma_start3A_369 = arith.constant 3 : i32
        %dma_start3A_370 = arith.constant 1 : i32
        %dma_start3A_371 = arith.constant 0 : i32
        %dma_start3A_372 = arith.constant 0 : i32
        %dma_start3A_373 = tpu.memref_slice %arg9[%dma_start3A_368, %dma_start3A_371, %dma_start3A_372] : memref<2x128x128xf32, #tpu.memory_space<vmem>> -> memref<1x128x128xf32, #tpu.memory_space<vmem>>
        %dma_start3A_374 = tpu.memref_squeeze %dma_start3A_373 : memref<1x128x128xf32, #tpu.memory_space<vmem>> -> memref<128x128xf32, #tpu.memory_space<vmem>>
        %dma_start3A_375 = arith.constant 0 : i32
        %dma_start3A_376 = tpu.memref_slice %arg8[%dma_start3A_369, %dma_start3A_370, %dma_start3A_375] : memref<4x2x128xi32, #tpu.memory_space<vmem>> -> memref<1x1x128xi32, #tpu.memory_space<vmem>>
        %dma_start3A_377 = tpu.memref_squeeze %dma_start3A_376 : memref<1x1x128xi32, #tpu.memory_space<vmem>> -> memref<128xi32, #tpu.memory_space<vmem>>
        %dma_start3A_378 = arith.constant 0 : i32
        %dma_start3A_379 = arith.constant 0 : i32
        %dma_start3A_380 = tpu.memref_slice %arg10[%dma_start3A_378, %dma_start3A_379] : memref<10112x128xf32, #tpu.memory_space<vmem_shared>> -> memref<10112x128xf32, #tpu.memory_space<vmem_shared>>
        tpu.enqueue_indirect_dma source(%dma_start3A_374 : memref<128x128xf32, #tpu.memory_space<vmem>>) target(%dma_start3A_380 : memref<10112x128xf32, #tpu.memory_space<vmem_shared>>) offsets(%dma_start3A_377 : memref<128xi32, #tpu.memory_space<vmem>>) semaphore(%arg18 : memref<!tpu.dma_semaphore, #tpu.memory_space<semaphore_mem>>) {add = true}
        %dma_wait3A_381 = arith.constant 0 : i32
        %dma_wait3A_382 = arith.constant 2 : i32
        %dma_wait3A_383 = arith.constant 1 : i32
        %dma_wait3A_384 = arith.constant 0 : i32
        %dma_wait3A_385 = arith.constant 0 : i32
        %dma_wait3A_386 = tpu.memref_slice %arg9[%dma_wait3A_381, %dma_wait3A_384, %dma_wait3A_385] : memref<2x128x128xf32, #tpu.memory_space<vmem>> -> memref<1x128x128xf32, #tpu.memory_space<vmem>>
        %dma_wait3A_387 = tpu.memref_squeeze %dma_wait3A_386 : memref<1x128x128xf32, #tpu.memory_space<vmem>> -> memref<128x128xf32, #tpu.memory_space<vmem>>
        %dma_wait3A_388 = arith.constant 0 : i32
        %dma_wait3A_389 = tpu.memref_slice %arg8[%dma_wait3A_382, %dma_wait3A_383, %dma_wait3A_388] : memref<4x2x128xi32, #tpu.memory_space<vmem>> -> memref<1x1x128xi32, #tpu.memory_space<vmem>>
        %dma_wait3A_390 = tpu.memref_squeeze %dma_wait3A_389 : memref<1x1x128xi32, #tpu.memory_space<vmem>> -> memref<128xi32, #tpu.memory_space<vmem>>
        %dma_wait3A_391 = arith.constant 0 : i32
        %dma_wait3A_392 = arith.constant 0 : i32
        %dma_wait3A_393 = tpu.memref_slice %arg10[%dma_wait3A_391, %dma_wait3A_392] : memref<10112x128xf32, #tpu.memory_space<vmem_shared>> -> memref<10112x128xf32, #tpu.memory_space<vmem_shared>>
        tpu.wait_indirect_dma semaphore(%arg17 : memref<!tpu.dma_semaphore, #tpu.memory_space<semaphore_mem>>) src(%dma_wait3A_387 : memref<128x128xf32, #tpu.memory_space<vmem>>) dst(%dma_wait3A_393 : memref<10112x128xf32, #tpu.memory_space<vmem_shared>>)
        %lt3A_394 = arith.constant 19 : i32
        %lt3A_395 = arith.cmpi slt, %scan3A_132, %lt3A_394 : i32
        %convert_element_type3A_396 = arith.extui %lt3A_395 : i1 to i32
        %cond3A_397 = arith.constant 0 : i32
        %cond3A_398 = arith.cmpi ne, %convert_element_type3A_396, %cond3A_397 : i32
        scf.if %cond3A_398 {
          %add3A_399 = arith.constant 3 : i32
          %add3A_400 = arith.addi %add3A_354, %add3A_399 : i32
          %dma_start3A_401 = arith.constant 2 : i32
          %dma_start3A_402 = arith.constant 0 : i32
          %dma_start3A_403 = arith.constant 0 : i32
          %dma_start3A_404 = tpu.memref_slice %arg8[%dma_start3A_401, %dma_start3A_402, %dma_start3A_403] : memref<4x2x128xi32, #tpu.memory_space<vmem>> -> memref<1x2x128xi32, #tpu.memory_space<vmem>>
          %dma_start3A_405 = tpu.memref_squeeze %dma_start3A_404 : memref<1x2x128xi32, #tpu.memory_space<vmem>> -> memref<2x128xi32, #tpu.memory_space<vmem>>
          %dma_start3A_406 = arith.constant 0 : i32
          %dma_start3A_407 = arith.constant 0 : i32
          %dma_start3A_408 = tpu.memref_slice %arg2[%arg1, %add3A_400, %dma_start3A_406, %dma_start3A_407] : memref<16x80x2x128xi32, #tpu.memory_space<hbm>> -> memref<1x1x2x128xi32, #tpu.memory_space<hbm>>
          %dma_start3A_409 = tpu.memref_squeeze %dma_start3A_408 : memref<1x1x2x128xi32, #tpu.memory_space<hbm>> -> memref<2x128xi32, #tpu.memory_space<hbm>>
          %dma_start3A_410 = arith.constant 0 : i32
          %dma_start3A_411 = arith.constant 0 : i32
          %dma_start3A_412 = tpu.memref_slice %arg8[%dma_start3A_401, %dma_start3A_410, %dma_start3A_411] : memref<4x2x128xi32, #tpu.memory_space<vmem>> -> memref<1x2x128xi32, #tpu.memory_space<vmem>>
          %dma_start3A_413 = tpu.memref_squeeze %dma_start3A_412 : memref<1x2x128xi32, #tpu.memory_space<vmem>> -> memref<2x128xi32, #tpu.memory_space<vmem>>
          %dma_start3A_414 = arith.constant 0 : i32
          %dma_start3A_415 = arith.constant 0 : i32
          %dma_start3A_416 = tpu.memref_slice %arg2[%arg1, %add3A_400, %dma_start3A_414, %dma_start3A_415] : memref<16x80x2x128xi32, #tpu.memory_space<hbm>> -> memref<1x1x2x128xi32, #tpu.memory_space<hbm>>
          %dma_start3A_417 = tpu.memref_squeeze %dma_start3A_416 : memref<1x1x2x128xi32, #tpu.memory_space<hbm>> -> memref<2x128xi32, #tpu.memory_space<hbm>>
          tpu.enqueue_dma source(%dma_start3A_417 : memref<2x128xi32, #tpu.memory_space<hbm>>) target(%dma_start3A_413 : memref<2x128xi32, #tpu.memory_space<vmem>>) target_semaphore(%arg13 : memref<!tpu.dma_semaphore, #tpu.memory_space<semaphore_mem>>)
          %add3A_418 = arith.constant 1 : i32
          %add3A_419 = arith.addi %add3A_354, %add3A_418 : i32
          %dma_wait3A_420 = arith.constant 0 : i32
          %dma_wait3A_421 = arith.constant 0 : i32
          %dma_wait3A_422 = arith.constant 0 : i32
          %dma_wait3A_423 = tpu.memref_slice %arg8[%dma_wait3A_420, %dma_wait3A_421, %dma_wait3A_422] : memref<4x2x128xi32, #tpu.memory_space<vmem>> -> memref<1x2x128xi32, #tpu.memory_space<vmem>>
          %dma_wait3A_424 = tpu.memref_squeeze %dma_wait3A_423 : memref<1x2x128xi32, #tpu.memory_space<vmem>> -> memref<2x128xi32, #tpu.memory_space<vmem>>
          %dma_wait3A_425 = arith.constant 0 : i32
          %dma_wait3A_426 = arith.constant 0 : i32
          %dma_wait3A_427 = tpu.memref_slice %arg2[%arg1, %add3A_419, %dma_wait3A_425, %dma_wait3A_426] : memref<16x80x2x128xi32, #tpu.memory_space<hbm>> -> memref<1x1x2x128xi32, #tpu.memory_space<hbm>>
          %dma_wait3A_428 = tpu.memref_squeeze %dma_wait3A_427 : memref<1x1x2x128xi32, #tpu.memory_space<hbm>> -> memref<2x128xi32, #tpu.memory_space<hbm>>
          %dma_wait3A_429 = arith.constant 0 : i32
          %dma_wait3A_430 = arith.constant 0 : i32
          %dma_wait3A_431 = tpu.memref_slice %arg8[%dma_wait3A_420, %dma_wait3A_429, %dma_wait3A_430] : memref<4x2x128xi32, #tpu.memory_space<vmem>> -> memref<1x2x128xi32, #tpu.memory_space<vmem>>
          %dma_wait3A_432 = tpu.memref_squeeze %dma_wait3A_431 : memref<1x2x128xi32, #tpu.memory_space<vmem>> -> memref<2x128xi32, #tpu.memory_space<vmem>>
          %dma_wait3A_433 = arith.constant 0 : i32
          %dma_wait3A_434 = arith.constant 0 : i32
          %dma_wait3A_435 = tpu.memref_slice %arg2[%arg1, %add3A_419, %dma_wait3A_433, %dma_wait3A_434] : memref<16x80x2x128xi32, #tpu.memory_space<hbm>> -> memref<1x1x2x128xi32, #tpu.memory_space<hbm>>
          %dma_wait3A_436 = tpu.memref_squeeze %dma_wait3A_435 : memref<1x1x2x128xi32, #tpu.memory_space<hbm>> -> memref<2x128xi32, #tpu.memory_space<hbm>>
          tpu.wait_dma2 semaphore(%arg11 : memref<!tpu.dma_semaphore, #tpu.memory_space<semaphore_mem>>) src(%dma_wait3A_436 : memref<2x128xi32, #tpu.memory_space<hbm>>) dst(%dma_wait3A_432 : memref<2x128xi32, #tpu.memory_space<vmem>>)
          %dma_start3A_437 = arith.constant 0 : i32
          %dma_start3A_438 = arith.constant 0 : i32
          %dma_start3A_439 = arith.constant 0 : i32
          %dma_start3A_440 = arith.constant 0 : i32
          %dma_start3A_441 = arith.constant 0 : i32
          %dma_start3A_442 = tpu.memref_slice %arg9[%dma_start3A_439, %dma_start3A_440, %dma_start3A_441] : memref<2x128x128xf32, #tpu.memory_space<vmem>> -> memref<1x128x128xf32, #tpu.memory_space<vmem>>
          %dma_start3A_443 = tpu.memref_squeeze %dma_start3A_442 : memref<1x128x128xf32, #tpu.memory_space<vmem>> -> memref<128x128xf32, #tpu.memory_space<vmem>>
          %dma_start3A_444 = arith.constant 0 : i32
          %dma_start3A_445 = tpu.memref_slice %arg8[%dma_start3A_437, %dma_start3A_438, %dma_start3A_444] : memref<4x2x128xi32, #tpu.memory_space<vmem>> -> memref<1x1x128xi32, #tpu.memory_space<vmem>>
          %dma_start3A_446 = tpu.memref_squeeze %dma_start3A_445 : memref<1x1x128xi32, #tpu.memory_space<vmem>> -> memref<128xi32, #tpu.memory_space<vmem>>
          %dma_start3A_447 = arith.constant 0 : i32
          %dma_start3A_448 = arith.constant 0 : i32
          %dma_start3A_449 = tpu.memref_slice %arg3[%dma_start3A_447, %dma_start3A_448] : memref<10000x128xf32, #tpu.memory_space<hbm>> -> memref<10000x128xf32, #tpu.memory_space<hbm>>
          tpu.enqueue_indirect_dma source(%dma_start3A_449 : memref<10000x128xf32, #tpu.memory_space<hbm>>) target(%dma_start3A_443 : memref<128x128xf32, #tpu.memory_space<vmem>>) offsets(%dma_start3A_446 : memref<128xi32, #tpu.memory_space<vmem>>) semaphore(%arg15 : memref<!tpu.dma_semaphore, #tpu.memory_space<semaphore_mem>>)
        } else {
        }
      }
      %scan3A_113 = arith.constant 20 : i32
      %dma_wait3A_114 = arith.constant 1 : i32
      %dma_wait3A_115 = arith.constant 3 : i32
      %dma_wait3A_116 = arith.constant 1 : i32
      %dma_wait3A_117 = arith.constant 0 : i32
      %dma_wait3A_118 = arith.constant 0 : i32
      %dma_wait3A_119 = tpu.memref_slice %arg9[%dma_wait3A_114, %dma_wait3A_117, %dma_wait3A_118] : memref<2x128x128xf32, #tpu.memory_space<vmem>> -> memref<1x128x128xf32, #tpu.memory_space<vmem>>
      %dma_wait3A_120 = tpu.memref_squeeze %dma_wait3A_119 : memref<1x128x128xf32, #tpu.memory_space<vmem>> -> memref<128x128xf32, #tpu.memory_space<vmem>>
      %dma_wait3A_121 = arith.constant 0 : i32
      %dma_wait3A_122 = tpu.memref_slice %arg8[%dma_wait3A_115, %dma_wait3A_116, %dma_wait3A_121] : memref<4x2x128xi32, #tpu.memory_space<vmem>> -> memref<1x1x128xi32, #tpu.memory_space<vmem>>
      %dma_wait3A_123 = tpu.memref_squeeze %dma_wait3A_122 : memref<1x1x128xi32, #tpu.memory_space<vmem>> -> memref<128xi32, #tpu.memory_space<vmem>>
      %dma_wait3A_124 = arith.constant 0 : i32
      %dma_wait3A_125 = arith.constant 0 : i32
      %dma_wait3A_126 = tpu.memref_slice %arg10[%dma_wait3A_124, %dma_wait3A_125] : memref<10112x128xf32, #tpu.memory_space<vmem_shared>> -> memref<10112x128xf32, #tpu.memory_space<vmem_shared>>
      tpu.wait_indirect_dma semaphore(%arg18 : memref<!tpu.dma_semaphore, #tpu.memory_space<semaphore_mem>>) src(%dma_wait3A_120 : memref<128x128xf32, #tpu.memory_space<vmem>>) dst(%dma_wait3A_126 : memref<10112x128xf32, #tpu.memory_space<vmem_shared>>)
      %barrier3A_127 = arith.constant 0 : index
      tpu.barrier barrier_id(%barrier3A_127)
      %mul3A_128 = arith.constant 632 : i32
      %mul3A_129 = arith.muli %arg1, %mul3A_128 : i32
      %mul3A_130 = arith.constant 632 : i32
      %mul3A_131 = arith.muli %arg1, %mul3A_130 : i32
      "tpu.region"() ({
        %run_scoped3A = tpu.sem_alloc : memref<!tpu.dma_semaphore, #tpu.memory_space<semaphore_mem>>
        %dma_start3A_132 = arith.constant 0 : i32
        %dma_start3A_133 = tpu.memref_slice %arg6[%mul3A_131, %dma_start3A_132] : memref<10112x128xf32, #tpu.memory_space<hbm>> -> memref<632x128xf32, #tpu.memory_space<hbm>>
        %dma_start3A_134 = arith.constant 0 : i32
        %dma_start3A_135 = tpu.memref_slice %arg10[%mul3A_129, %dma_start3A_134] : memref<10112x128xf32, #tpu.memory_space<vmem_shared>> -> memref<632x128xf32, #tpu.memory_space<vmem_shared>>
        tpu.enqueue_dma source(%dma_start3A_135 : memref<632x128xf32, #tpu.memory_space<vmem_shared>>) target(%dma_start3A_133 : memref<632x128xf32, #tpu.memory_space<hbm>>) target_semaphore(%run_scoped3A : memref<!tpu.dma_semaphore, #tpu.memory_space<semaphore_mem>>)
        %dma_wait3A_136 = arith.constant 0 : i32
        %dma_wait3A_137 = tpu.memref_slice %arg6[%mul3A_131, %dma_wait3A_136] : memref<10112x128xf32, #tpu.memory_space<hbm>> -> memref<632x128xf32, #tpu.memory_space<hbm>>
        %dma_wait3A_138 = arith.constant 0 : i32
        %dma_wait3A_139 = tpu.memref_slice %arg10[%mul3A_129, %dma_wait3A_138] : memref<10112x128xf32, #tpu.memory_space<vmem_shared>> -> memref<632x128xf32, #tpu.memory_space<vmem_shared>>
        tpu.wait_dma2 semaphore(%run_scoped3A : memref<!tpu.dma_semaphore, #tpu.memory_space<semaphore_mem>>) src(%dma_wait3A_139 : memref<632x128xf32, #tpu.memory_space<vmem_shared>>) dst(%dma_wait3A_137 : memref<632x128xf32, #tpu.memory_space<hbm>>)
        tpu.yield
      }) : () -> ()
    } else {
    }
    %eq3A_2 = arith.constant 1 : i32
    %eq3A_3 = arith.cmpi eq, %arg0, %eq3A_2 : i32
    %convert_element_type3A_4 = arith.extui %eq3A_3 : i1 to i32
    %cond3A_5 = arith.constant 0 : i32
    %cond3A_6 = arith.cmpi ne, %convert_element_type3A_4, %cond3A_5 : i32
    scf.if %cond3A_6 {
      %dma_start3A = arith.constant 0 : i32
      %dma_start3A_7 = arith.constant 0 : i32
      %dma_start3A_8 = arith.constant 0 : i32
      %dma_start3A_9 = arith.constant 0 : i32
      %dma_start3A_10 = tpu.memref_slice %arg8[%dma_start3A_7, %dma_start3A_8, %dma_start3A_9] : memref<4x2x128xi32, #tpu.memory_space<vmem>> -> memref<1x2x128xi32, #tpu.memory_space<vmem>>
      %dma_start3A_11 = tpu.memref_squeeze %dma_start3A_10 : memref<1x2x128xi32, #tpu.memory_space<vmem>> -> memref<2x128xi32, #tpu.memory_space<vmem>>
      %dma_start3A_12 = arith.constant 0 : i32
      %dma_start3A_13 = arith.constant 0 : i32
      %dma_start3A_14 = tpu.memref_slice %arg2[%arg1, %dma_start3A, %dma_start3A_12, %dma_start3A_13] : memref<16x80x2x128xi32, #tpu.memory_space<hbm>> -> memref<1x1x2x128xi32, #tpu.memory_space<hbm>>
      %dma_start3A_15 = tpu.memref_squeeze %dma_start3A_14 : memref<1x1x2x128xi32, #tpu.memory_space<hbm>> -> memref<2x128xi32, #tpu.memory_space<hbm>>
      %dma_start3A_16 = arith.constant 0 : i32
      %dma_start3A_17 = arith.constant 0 : i32
      %dma_start3A_18 = tpu.memref_slice %arg8[%dma_start3A_7, %dma_start3A_16, %dma_start3A_17] : memref<4x2x128xi32, #tpu.memory_space<vmem>> -> memref<1x2x128xi32, #tpu.memory_space<vmem>>
      %dma_start3A_19 = tpu.memref_squeeze %dma_start3A_18 : memref<1x2x128xi32, #tpu.memory_space<vmem>> -> memref<2x128xi32, #tpu.memory_space<vmem>>
      %dma_start3A_20 = arith.constant 0 : i32
      %dma_start3A_21 = arith.constant 0 : i32
      %dma_start3A_22 = tpu.memref_slice %arg2[%arg1, %dma_start3A, %dma_start3A_20, %dma_start3A_21] : memref<16x80x2x128xi32, #tpu.memory_space<hbm>> -> memref<1x1x2x128xi32, #tpu.memory_space<hbm>>
      %dma_start3A_23 = tpu.memref_squeeze %dma_start3A_22 : memref<1x1x2x128xi32, #tpu.memory_space<hbm>> -> memref<2x128xi32, #tpu.memory_space<hbm>>
      tpu.enqueue_dma source(%dma_start3A_23 : memref<2x128xi32, #tpu.memory_space<hbm>>) target(%dma_start3A_19 : memref<2x128xi32, #tpu.memory_space<vmem>>) target_semaphore(%arg11 : memref<!tpu.dma_semaphore, #tpu.memory_space<semaphore_mem>>)
      %dma_start3A_24 = arith.constant 1 : i32
      %dma_start3A_25 = arith.constant 1 : i32
      %dma_start3A_26 = arith.constant 0 : i32
      %dma_start3A_27 = arith.constant 0 : i32
      %dma_start3A_28 = tpu.memref_slice %arg8[%dma_start3A_25, %dma_start3A_26, %dma_start3A_27] : memref<4x2x128xi32, #tpu.memory_space<vmem>> -> memref<1x2x128xi32, #tpu.memory_space<vmem>>
      %dma_start3A_29 = tpu.memref_squeeze %dma_start3A_28 : memref<1x2x128xi32, #tpu.memory_space<vmem>> -> memref<2x128xi32, #tpu.memory_space<vmem>>
      %dma_start3A_30 = arith.constant 0 : i32
      %dma_start3A_31 = arith.constant 0 : i32
      %dma_start3A_32 = tpu.memref_slice %arg2[%arg1, %dma_start3A_24, %dma_start3A_30, %dma_start3A_31] : memref<16x80x2x128xi32, #tpu.memory_space<hbm>> -> memref<1x1x2x128xi32, #tpu.memory_space<hbm>>
      %dma_start3A_33 = tpu.memref_squeeze %dma_start3A_32 : memref<1x1x2x128xi32, #tpu.memory_space<hbm>> -> memref<2x128xi32, #tpu.memory_space<hbm>>
      %dma_start3A_34 = arith.constant 0 : i32
      %dma_start3A_35 = arith.constant 0 : i32
      %dma_start3A_36 = tpu.memref_slice %arg8[%dma_start3A_25, %dma_start3A_34, %dma_start3A_35] : memref<4x2x128xi32, #tpu.memory_space<vmem>> -> memref<1x2x128xi32, #tpu.memory_space<vmem>>
      %dma_start3A_37 = tpu.memref_squeeze %dma_start3A_36 : memref<1x2x128xi32, #tpu.memory_space<vmem>> -> memref<2x128xi32, #tpu.memory_space<vmem>>
      %dma_start3A_38 = arith.constant 0 : i32
      %dma_start3A_39 = arith.constant 0 : i32
      %dma_start3A_40 = tpu.memref_slice %arg2[%arg1, %dma_start3A_24, %dma_start3A_38, %dma_start3A_39] : memref<16x80x2x128xi32, #tpu.memory_space<hbm>> -> memref<1x1x2x128xi32, #tpu.memory_space<hbm>>
      %dma_start3A_41 = tpu.memref_squeeze %dma_start3A_40 : memref<1x1x2x128xi32, #tpu.memory_space<hbm>> -> memref<2x128xi32, #tpu.memory_space<hbm>>
      tpu.enqueue_dma source(%dma_start3A_41 : memref<2x128xi32, #tpu.memory_space<hbm>>) target(%dma_start3A_37 : memref<2x128xi32, #tpu.memory_space<vmem>>) target_semaphore(%arg12 : memref<!tpu.dma_semaphore, #tpu.memory_space<semaphore_mem>>)
      %dma_start3A_42 = arith.constant 2 : i32
      %dma_start3A_43 = arith.constant 2 : i32
      %dma_start3A_44 = arith.constant 0 : i32
      %dma_start3A_45 = arith.constant 0 : i32
      %dma_start3A_46 = tpu.memref_slice %arg8[%dma_start3A_43, %dma_start3A_44, %dma_start3A_45] : memref<4x2x128xi32, #tpu.memory_space<vmem>> -> memref<1x2x128xi32, #tpu.memory_space<vmem>>
      %dma_start3A_47 = tpu.memref_squeeze %dma_start3A_46 : memref<1x2x128xi32, #tpu.memory_space<vmem>> -> memref<2x128xi32, #tpu.memory_space<vmem>>
      %dma_start3A_48 = arith.constant 0 : i32
      %dma_start3A_49 = arith.constant 0 : i32
      %dma_start3A_50 = tpu.memref_slice %arg2[%arg1, %dma_start3A_42, %dma_start3A_48, %dma_start3A_49] : memref<16x80x2x128xi32, #tpu.memory_space<hbm>> -> memref<1x1x2x128xi32, #tpu.memory_space<hbm>>
      %dma_start3A_51 = tpu.memref_squeeze %dma_start3A_50 : memref<1x1x2x128xi32, #tpu.memory_space<hbm>> -> memref<2x128xi32, #tpu.memory_space<hbm>>
      %dma_start3A_52 = arith.constant 0 : i32
      %dma_start3A_53 = arith.constant 0 : i32
      %dma_start3A_54 = tpu.memref_slice %arg8[%dma_start3A_43, %dma_start3A_52, %dma_start3A_53] : memref<4x2x128xi32, #tpu.memory_space<vmem>> -> memref<1x2x128xi32, #tpu.memory_space<vmem>>
      %dma_start3A_55 = tpu.memref_squeeze %dma_start3A_54 : memref<1x2x128xi32, #tpu.memory_space<vmem>> -> memref<2x128xi32, #tpu.memory_space<vmem>>
      %dma_start3A_56 = arith.constant 0 : i32
      %dma_start3A_57 = arith.constant 0 : i32
      %dma_start3A_58 = tpu.memref_slice %arg2[%arg1, %dma_start3A_42, %dma_start3A_56, %dma_start3A_57] : memref<16x80x2x128xi32, #tpu.memory_space<hbm>> -> memref<1x1x2x128xi32, #tpu.memory_space<hbm>>
      %dma_start3A_59 = tpu.memref_squeeze %dma_start3A_58 : memref<1x1x2x128xi32, #tpu.memory_space<hbm>> -> memref<2x128xi32, #tpu.memory_space<hbm>>
      tpu.enqueue_dma source(%dma_start3A_59 : memref<2x128xi32, #tpu.memory_space<hbm>>) target(%dma_start3A_55 : memref<2x128xi32, #tpu.memory_space<vmem>>) target_semaphore(%arg13 : memref<!tpu.dma_semaphore, #tpu.memory_space<semaphore_mem>>)
      %dma_start3A_60 = arith.constant 3 : i32
      %dma_start3A_61 = arith.constant 3 : i32
      %dma_start3A_62 = arith.constant 0 : i32
      %dma_start3A_63 = arith.constant 0 : i32
      %dma_start3A_64 = tpu.memref_slice %arg8[%dma_start3A_61, %dma_start3A_62, %dma_start3A_63] : memref<4x2x128xi32, #tpu.memory_space<vmem>> -> memref<1x2x128xi32, #tpu.memory_space<vmem>>
      %dma_start3A_65 = tpu.memref_squeeze %dma_start3A_64 : memref<1x2x128xi32, #tpu.memory_space<vmem>> -> memref<2x128xi32, #tpu.memory_space<vmem>>
      %dma_start3A_66 = arith.constant 0 : i32
      %dma_start3A_67 = arith.constant 0 : i32
      %dma_start3A_68 = tpu.memref_slice %arg2[%arg1, %dma_start3A_60, %dma_start3A_66, %dma_start3A_67] : memref<16x80x2x128xi32, #tpu.memory_space<hbm>> -> memref<1x1x2x128xi32, #tpu.memory_space<hbm>>
      %dma_start3A_69 = tpu.memref_squeeze %dma_start3A_68 : memref<1x1x2x128xi32, #tpu.memory_space<hbm>> -> memref<2x128xi32, #tpu.memory_space<hbm>>
      %dma_start3A_70 = arith.constant 0 : i32
      %dma_start3A_71 = arith.constant 0 : i32
      %dma_start3A_72 = tpu.memref_slice %arg8[%dma_start3A_61, %dma_start3A_70, %dma_start3A_71] : memref<4x2x128xi32, #tpu.memory_space<vmem>> -> memref<1x2x128xi32, #tpu.memory_space<vmem>>
      %dma_start3A_73 = tpu.memref_squeeze %dma_start3A_72 : memref<1x2x128xi32, #tpu.memory_space<vmem>> -> memref<2x128xi32, #tpu.memory_space<vmem>>
      %dma_start3A_74 = arith.constant 0 : i32
      %dma_start3A_75 = arith.constant 0 : i32
      %dma_start3A_76 = tpu.memref_slice %arg2[%arg1, %dma_start3A_60, %dma_start3A_74, %dma_start3A_75] : memref<16x80x2x128xi32, #tpu.memory_space<hbm>> -> memref<1x1x2x128xi32, #tpu.memory_space<hbm>>
      %dma_start3A_77 = tpu.memref_squeeze %dma_start3A_76 : memref<1x1x2x128xi32, #tpu.memory_space<hbm>> -> memref<2x128xi32, #tpu.memory_space<hbm>>
      tpu.enqueue_dma source(%dma_start3A_77 : memref<2x128xi32, #tpu.memory_space<hbm>>) target(%dma_start3A_73 : memref<2x128xi32, #tpu.memory_space<vmem>>) target_semaphore(%arg14 : memref<!tpu.dma_semaphore, #tpu.memory_space<semaphore_mem>>)
      %dma_wait3A = arith.constant 0 : i32
      %dma_wait3A_78 = arith.constant 0 : i32
      %dma_wait3A_79 = arith.constant 0 : i32
      %dma_wait3A_80 = arith.constant 0 : i32
      %dma_wait3A_81 = tpu.memref_slice %arg8[%dma_wait3A_78, %dma_wait3A_79, %dma_wait3A_80] : memref<4x2x128xi32, #tpu.memory_space<vmem>> -> memref<1x2x128xi32, #tpu.memory_space<vmem>>
      %dma_wait3A_82 = tpu.memref_squeeze %dma_wait3A_81 : memref<1x2x128xi32, #tpu.memory_space<vmem>> -> memref<2x128xi32, #tpu.memory_space<vmem>>
      %dma_wait3A_83 = arith.constant 0 : i32
      %dma_wait3A_84 = arith.constant 0 : i32
      %dma_wait3A_85 = tpu.memref_slice %arg2[%arg1, %dma_wait3A, %dma_wait3A_83, %dma_wait3A_84] : memref<16x80x2x128xi32, #tpu.memory_space<hbm>> -> memref<1x1x2x128xi32, #tpu.memory_space<hbm>>
      %dma_wait3A_86 = tpu.memref_squeeze %dma_wait3A_85 : memref<1x1x2x128xi32, #tpu.memory_space<hbm>> -> memref<2x128xi32, #tpu.memory_space<hbm>>
      %dma_wait3A_87 = arith.constant 0 : i32
      %dma_wait3A_88 = arith.constant 0 : i32
      %dma_wait3A_89 = tpu.memref_slice %arg8[%dma_wait3A_78, %dma_wait3A_87, %dma_wait3A_88] : memref<4x2x128xi32, #tpu.memory_space<vmem>> -> memref<1x2x128xi32, #tpu.memory_space<vmem>>
      %dma_wait3A_90 = tpu.memref_squeeze %dma_wait3A_89 : memref<1x2x128xi32, #tpu.memory_space<vmem>> -> memref<2x128xi32, #tpu.memory_space<vmem>>
      %dma_wait3A_91 = arith.constant 0 : i32
      %dma_wait3A_92 = arith.constant 0 : i32
      %dma_wait3A_93 = tpu.memref_slice %arg2[%arg1, %dma_wait3A, %dma_wait3A_91, %dma_wait3A_92] : memref<16x80x2x128xi32, #tpu.memory_space<hbm>> -> memref<1x1x2x128xi32, #tpu.memory_space<hbm>>
      %dma_wait3A_94 = tpu.memref_squeeze %dma_wait3A_93 : memref<1x1x2x128xi32, #tpu.memory_space<hbm>> -> memref<2x128xi32, #tpu.memory_space<hbm>>
      tpu.wait_dma2 semaphore(%arg11 : memref<!tpu.dma_semaphore, #tpu.memory_space<semaphore_mem>>) src(%dma_wait3A_94 : memref<2x128xi32, #tpu.memory_space<hbm>>) dst(%dma_wait3A_90 : memref<2x128xi32, #tpu.memory_space<vmem>>)
      %dma_start3A_95 = arith.constant 0 : i32
      %dma_start3A_96 = arith.constant 0 : i32
      %dma_start3A_97 = arith.constant 0 : i32
      %dma_start3A_98 = arith.constant 0 : i32
      %dma_start3A_99 = arith.constant 0 : i32
      %dma_start3A_100 = tpu.memref_slice %arg9[%dma_start3A_97, %dma_start3A_98, %dma_start3A_99] : memref<2x128x128xf32, #tpu.memory_space<vmem>> -> memref<1x128x128xf32, #tpu.memory_space<vmem>>
      %dma_start3A_101 = tpu.memref_squeeze %dma_start3A_100 : memref<1x128x128xf32, #tpu.memory_space<vmem>> -> memref<128x128xf32, #tpu.memory_space<vmem>>
      %dma_start3A_102 = arith.constant 0 : i32
      %dma_start3A_103 = tpu.memref_slice %arg8[%dma_start3A_95, %dma_start3A_96, %dma_start3A_102] : memref<4x2x128xi32, #tpu.memory_space<vmem>> -> memref<1x1x128xi32, #tpu.memory_space<vmem>>
      %dma_start3A_104 = tpu.memref_squeeze %dma_start3A_103 : memref<1x1x128xi32, #tpu.memory_space<vmem>> -> memref<128xi32, #tpu.memory_space<vmem>>
      %dma_start3A_105 = arith.constant 0 : i32
      %dma_start3A_106 = arith.constant 0 : i32
      %dma_start3A_107 = tpu.memref_slice %arg4[%dma_start3A_105, %dma_start3A_106] : memref<10000x128xf32, #tpu.memory_space<hbm>> -> memref<10000x128xf32, #tpu.memory_space<hbm>>
      tpu.enqueue_indirect_dma source(%dma_start3A_107 : memref<10000x128xf32, #tpu.memory_space<hbm>>) target(%dma_start3A_101 : memref<128x128xf32, #tpu.memory_space<vmem>>) offsets(%dma_start3A_104 : memref<128xi32, #tpu.memory_space<vmem>>) semaphore(%arg15 : memref<!tpu.dma_semaphore, #tpu.memory_space<semaphore_mem>>)
      %mul3A = arith.constant 632 : i32
      %mul3A_108 = arith.muli %arg1, %mul3A : i32
      "tpu.region"() ({
        %run_scoped3A = tpu.sem_alloc : memref<!tpu.dma_semaphore, #tpu.memory_space<semaphore_mem>>
        %dma_start3A_132 = arith.constant 0 : i32
        %dma_start3A_133 = tpu.memref_slice %arg10[%mul3A_108, %dma_start3A_132] : memref<10112x128xf32, #tpu.memory_space<vmem_shared>> -> memref<632x128xf32, #tpu.memory_space<vmem_shared>>
        tpu.enqueue_dma source(%arg5 : memref<632x128xf32, #tpu.memory_space<hbm>>) target(%dma_start3A_133 : memref<632x128xf32, #tpu.memory_space<vmem_shared>>) target_semaphore(%run_scoped3A : memref<!tpu.dma_semaphore, #tpu.memory_space<semaphore_mem>>)
        %dma_wait3A_134 = arith.constant 0 : i32
        %dma_wait3A_135 = tpu.memref_slice %arg10[%mul3A_108, %dma_wait3A_134] : memref<10112x128xf32, #tpu.memory_space<vmem_shared>> -> memref<632x128xf32, #tpu.memory_space<vmem_shared>>
        tpu.wait_dma2 semaphore(%run_scoped3A : memref<!tpu.dma_semaphore, #tpu.memory_space<semaphore_mem>>) src(%arg5 : memref<632x128xf32, #tpu.memory_space<hbm>>) dst(%dma_wait3A_135 : memref<632x128xf32, #tpu.memory_space<vmem_shared>>)
        tpu.yield
      }) : () -> ()
      %barrier3A = arith.constant 0 : index
      tpu.barrier barrier_id(%barrier3A)
      %scan3A = arith.constant 0 : i32
      %scan3A_109 = arith.constant 0 : i32
      %scan3A_110 = arith.constant 20 : i32
      %scan3A_111 = arith.addi %scan3A_109, %scan3A_110 : i32
      %scan3A_112 = arith.constant 1 : i32
      scf.for %scan3A_132 = %scan3A_109 to %scan3A_111 step %scan3A_112  : i32 {
        %mul3A_133 = arith.constant 4 : i32
        %mul3A_134 = arith.muli %mul3A_133, %scan3A_132 : i32
        %add3A = arith.constant 0 : i32
        %add3A_135 = arith.addi %mul3A_134, %add3A : i32
        %dma_wait3A_136 = arith.constant 0 : i32
        %dma_wait3A_137 = arith.constant 0 : i32
        %dma_wait3A_138 = arith.constant 0 : i32
        %dma_wait3A_139 = arith.constant 0 : i32
        %dma_wait3A_140 = arith.constant 0 : i32
        %dma_wait3A_141 = tpu.memref_slice %arg9[%dma_wait3A_138, %dma_wait3A_139, %dma_wait3A_140] : memref<2x128x128xf32, #tpu.memory_space<vmem>> -> memref<1x128x128xf32, #tpu.memory_space<vmem>>
        %dma_wait3A_142 = tpu.memref_squeeze %dma_wait3A_141 : memref<1x128x128xf32, #tpu.memory_space<vmem>> -> memref<128x128xf32, #tpu.memory_space<vmem>>
        %dma_wait3A_143 = arith.constant 0 : i32
        %dma_wait3A_144 = tpu.memref_slice %arg8[%dma_wait3A_136, %dma_wait3A_137, %dma_wait3A_143] : memref<4x2x128xi32, #tpu.memory_space<vmem>> -> memref<1x1x128xi32, #tpu.memory_space<vmem>>
        %dma_wait3A_145 = tpu.memref_squeeze %dma_wait3A_144 : memref<1x1x128xi32, #tpu.memory_space<vmem>> -> memref<128xi32, #tpu.memory_space<vmem>>
        %dma_wait3A_146 = arith.constant 0 : i32
        %dma_wait3A_147 = arith.constant 0 : i32
        %dma_wait3A_148 = tpu.memref_slice %arg4[%dma_wait3A_146, %dma_wait3A_147] : memref<10000x128xf32, #tpu.memory_space<hbm>> -> memref<10000x128xf32, #tpu.memory_space<hbm>>
        tpu.wait_indirect_dma semaphore(%arg15 : memref<!tpu.dma_semaphore, #tpu.memory_space<semaphore_mem>>) src(%dma_wait3A_148 : memref<10000x128xf32, #tpu.memory_space<hbm>>) dst(%dma_wait3A_142 : memref<128x128xf32, #tpu.memory_space<vmem>>)
        %dma_start3A_149 = arith.constant 0 : i32
        %dma_start3A_150 = arith.constant 0 : i32
        %dma_start3A_151 = arith.constant 1 : i32
        %dma_start3A_152 = arith.constant 0 : i32
        %dma_start3A_153 = arith.constant 0 : i32
        %dma_start3A_154 = tpu.memref_slice %arg9[%dma_start3A_149, %dma_start3A_152, %dma_start3A_153] : memref<2x128x128xf32, #tpu.memory_space<vmem>> -> memref<1x128x128xf32, #tpu.memory_space<vmem>>
        %dma_start3A_155 = tpu.memref_squeeze %dma_start3A_154 : memref<1x128x128xf32, #tpu.memory_space<vmem>> -> memref<128x128xf32, #tpu.memory_space<vmem>>
        %dma_start3A_156 = arith.constant 0 : i32
        %dma_start3A_157 = tpu.memref_slice %arg8[%dma_start3A_150, %dma_start3A_151, %dma_start3A_156] : memref<4x2x128xi32, #tpu.memory_space<vmem>> -> memref<1x1x128xi32, #tpu.memory_space<vmem>>
        %dma_start3A_158 = tpu.memref_squeeze %dma_start3A_157 : memref<1x1x128xi32, #tpu.memory_space<vmem>> -> memref<128xi32, #tpu.memory_space<vmem>>
        %dma_start3A_159 = arith.constant 0 : i32
        %dma_start3A_160 = arith.constant 0 : i32
        %dma_start3A_161 = tpu.memref_slice %arg10[%dma_start3A_159, %dma_start3A_160] : memref<10112x128xf32, #tpu.memory_space<vmem_shared>> -> memref<10112x128xf32, #tpu.memory_space<vmem_shared>>
        tpu.enqueue_indirect_dma source(%dma_start3A_155 : memref<128x128xf32, #tpu.memory_space<vmem>>) target(%dma_start3A_161 : memref<10112x128xf32, #tpu.memory_space<vmem_shared>>) offsets(%dma_start3A_158 : memref<128xi32, #tpu.memory_space<vmem>>) semaphore(%arg17 : memref<!tpu.dma_semaphore, #tpu.memory_space<semaphore_mem>>) {add = true}
        %gt3A = arith.constant 0 : i32
        %gt3A_162 = arith.cmpi sgt, %scan3A_132, %gt3A : i32
        %convert_element_type3A_163 = arith.extui %gt3A_162 : i1 to i32
        %cond3A_164 = arith.constant 0 : i32
        %cond3A_165 = arith.cmpi ne, %convert_element_type3A_163, %cond3A_164 : i32
        scf.if %cond3A_165 {
          %dma_wait3A_399 = arith.constant 1 : i32
          %dma_wait3A_400 = arith.constant 3 : i32
          %dma_wait3A_401 = arith.constant 1 : i32
          %dma_wait3A_402 = arith.constant 0 : i32
          %dma_wait3A_403 = arith.constant 0 : i32
          %dma_wait3A_404 = tpu.memref_slice %arg9[%dma_wait3A_399, %dma_wait3A_402, %dma_wait3A_403] : memref<2x128x128xf32, #tpu.memory_space<vmem>> -> memref<1x128x128xf32, #tpu.memory_space<vmem>>
          %dma_wait3A_405 = tpu.memref_squeeze %dma_wait3A_404 : memref<1x128x128xf32, #tpu.memory_space<vmem>> -> memref<128x128xf32, #tpu.memory_space<vmem>>
          %dma_wait3A_406 = arith.constant 0 : i32
          %dma_wait3A_407 = tpu.memref_slice %arg8[%dma_wait3A_400, %dma_wait3A_401, %dma_wait3A_406] : memref<4x2x128xi32, #tpu.memory_space<vmem>> -> memref<1x1x128xi32, #tpu.memory_space<vmem>>
          %dma_wait3A_408 = tpu.memref_squeeze %dma_wait3A_407 : memref<1x1x128xi32, #tpu.memory_space<vmem>> -> memref<128xi32, #tpu.memory_space<vmem>>
          %dma_wait3A_409 = arith.constant 0 : i32
          %dma_wait3A_410 = arith.constant 0 : i32
          %dma_wait3A_411 = tpu.memref_slice %arg10[%dma_wait3A_409, %dma_wait3A_410] : memref<10112x128xf32, #tpu.memory_space<vmem_shared>> -> memref<10112x128xf32, #tpu.memory_space<vmem_shared>>
          tpu.wait_indirect_dma semaphore(%arg18 : memref<!tpu.dma_semaphore, #tpu.memory_space<semaphore_mem>>) src(%dma_wait3A_405 : memref<128x128xf32, #tpu.memory_space<vmem>>) dst(%dma_wait3A_411 : memref<10112x128xf32, #tpu.memory_space<vmem_shared>>)
          %add3A_412 = arith.constant 3 : i32
          %add3A_413 = arith.addi %add3A_135, %add3A_412 : i32
          %dma_start3A_414 = arith.constant 3 : i32
          %dma_start3A_415 = arith.constant 0 : i32
          %dma_start3A_416 = arith.constant 0 : i32
          %dma_start3A_417 = tpu.memref_slice %arg8[%dma_start3A_414, %dma_start3A_415, %dma_start3A_416] : memref<4x2x128xi32, #tpu.memory_space<vmem>> -> memref<1x2x128xi32, #tpu.memory_space<vmem>>
          %dma_start3A_418 = tpu.memref_squeeze %dma_start3A_417 : memref<1x2x128xi32, #tpu.memory_space<vmem>> -> memref<2x128xi32, #tpu.memory_space<vmem>>
          %dma_start3A_419 = arith.constant 0 : i32
          %dma_start3A_420 = arith.constant 0 : i32
          %dma_start3A_421 = tpu.memref_slice %arg2[%arg1, %add3A_413, %dma_start3A_419, %dma_start3A_420] : memref<16x80x2x128xi32, #tpu.memory_space<hbm>> -> memref<1x1x2x128xi32, #tpu.memory_space<hbm>>
          %dma_start3A_422 = tpu.memref_squeeze %dma_start3A_421 : memref<1x1x2x128xi32, #tpu.memory_space<hbm>> -> memref<2x128xi32, #tpu.memory_space<hbm>>
          %dma_start3A_423 = arith.constant 0 : i32
          %dma_start3A_424 = arith.constant 0 : i32
          %dma_start3A_425 = tpu.memref_slice %arg8[%dma_start3A_414, %dma_start3A_423, %dma_start3A_424] : memref<4x2x128xi32, #tpu.memory_space<vmem>> -> memref<1x2x128xi32, #tpu.memory_space<vmem>>
          %dma_start3A_426 = tpu.memref_squeeze %dma_start3A_425 : memref<1x2x128xi32, #tpu.memory_space<vmem>> -> memref<2x128xi32, #tpu.memory_space<vmem>>
          %dma_start3A_427 = arith.constant 0 : i32
          %dma_start3A_428 = arith.constant 0 : i32
          %dma_start3A_429 = tpu.memref_slice %arg2[%arg1, %add3A_413, %dma_start3A_427, %dma_start3A_428] : memref<16x80x2x128xi32, #tpu.memory_space<hbm>> -> memref<1x1x2x128xi32, #tpu.memory_space<hbm>>
          %dma_start3A_430 = tpu.memref_squeeze %dma_start3A_429 : memref<1x1x2x128xi32, #tpu.memory_space<hbm>> -> memref<2x128xi32, #tpu.memory_space<hbm>>
          tpu.enqueue_dma source(%dma_start3A_430 : memref<2x128xi32, #tpu.memory_space<hbm>>) target(%dma_start3A_426 : memref<2x128xi32, #tpu.memory_space<vmem>>) target_semaphore(%arg14 : memref<!tpu.dma_semaphore, #tpu.memory_space<semaphore_mem>>)
        } else {
        }
        %add3A_166 = arith.constant 1 : i32
        %add3A_167 = arith.addi %add3A_135, %add3A_166 : i32
        %dma_wait3A_168 = arith.constant 1 : i32
        %dma_wait3A_169 = arith.constant 0 : i32
        %dma_wait3A_170 = arith.constant 0 : i32
        %dma_wait3A_171 = tpu.memref_slice %arg8[%dma_wait3A_168, %dma_wait3A_169, %dma_wait3A_170] : memref<4x2x128xi32, #tpu.memory_space<vmem>> -> memref<1x2x128xi32, #tpu.memory_space<vmem>>
        %dma_wait3A_172 = tpu.memref_squeeze %dma_wait3A_171 : memref<1x2x128xi32, #tpu.memory_space<vmem>> -> memref<2x128xi32, #tpu.memory_space<vmem>>
        %dma_wait3A_173 = arith.constant 0 : i32
        %dma_wait3A_174 = arith.constant 0 : i32
        %dma_wait3A_175 = tpu.memref_slice %arg2[%arg1, %add3A_167, %dma_wait3A_173, %dma_wait3A_174] : memref<16x80x2x128xi32, #tpu.memory_space<hbm>> -> memref<1x1x2x128xi32, #tpu.memory_space<hbm>>
        %dma_wait3A_176 = tpu.memref_squeeze %dma_wait3A_175 : memref<1x1x2x128xi32, #tpu.memory_space<hbm>> -> memref<2x128xi32, #tpu.memory_space<hbm>>
        %dma_wait3A_177 = arith.constant 0 : i32
        %dma_wait3A_178 = arith.constant 0 : i32
        %dma_wait3A_179 = tpu.memref_slice %arg8[%dma_wait3A_168, %dma_wait3A_177, %dma_wait3A_178] : memref<4x2x128xi32, #tpu.memory_space<vmem>> -> memref<1x2x128xi32, #tpu.memory_space<vmem>>
        %dma_wait3A_180 = tpu.memref_squeeze %dma_wait3A_179 : memref<1x2x128xi32, #tpu.memory_space<vmem>> -> memref<2x128xi32, #tpu.memory_space<vmem>>
        %dma_wait3A_181 = arith.constant 0 : i32
        %dma_wait3A_182 = arith.constant 0 : i32
        %dma_wait3A_183 = tpu.memref_slice %arg2[%arg1, %add3A_167, %dma_wait3A_181, %dma_wait3A_182] : memref<16x80x2x128xi32, #tpu.memory_space<hbm>> -> memref<1x1x2x128xi32, #tpu.memory_space<hbm>>
        %dma_wait3A_184 = tpu.memref_squeeze %dma_wait3A_183 : memref<1x1x2x128xi32, #tpu.memory_space<hbm>> -> memref<2x128xi32, #tpu.memory_space<hbm>>
        tpu.wait_dma2 semaphore(%arg12 : memref<!tpu.dma_semaphore, #tpu.memory_space<semaphore_mem>>) src(%dma_wait3A_184 : memref<2x128xi32, #tpu.memory_space<hbm>>) dst(%dma_wait3A_180 : memref<2x128xi32, #tpu.memory_space<vmem>>)
        %dma_start3A_185 = arith.constant 1 : i32
        %dma_start3A_186 = arith.constant 0 : i32
        %dma_start3A_187 = arith.constant 1 : i32
        %dma_start3A_188 = arith.constant 0 : i32
        %dma_start3A_189 = arith.constant 0 : i32
        %dma_start3A_190 = tpu.memref_slice %arg9[%dma_start3A_187, %dma_start3A_188, %dma_start3A_189] : memref<2x128x128xf32, #tpu.memory_space<vmem>> -> memref<1x128x128xf32, #tpu.memory_space<vmem>>
        %dma_start3A_191 = tpu.memref_squeeze %dma_start3A_190 : memref<1x128x128xf32, #tpu.memory_space<vmem>> -> memref<128x128xf32, #tpu.memory_space<vmem>>
        %dma_start3A_192 = arith.constant 0 : i32
        %dma_start3A_193 = tpu.memref_slice %arg8[%dma_start3A_185, %dma_start3A_186, %dma_start3A_192] : memref<4x2x128xi32, #tpu.memory_space<vmem>> -> memref<1x1x128xi32, #tpu.memory_space<vmem>>
        %dma_start3A_194 = tpu.memref_squeeze %dma_start3A_193 : memref<1x1x128xi32, #tpu.memory_space<vmem>> -> memref<128xi32, #tpu.memory_space<vmem>>
        %dma_start3A_195 = arith.constant 0 : i32
        %dma_start3A_196 = arith.constant 0 : i32
        %dma_start3A_197 = tpu.memref_slice %arg4[%dma_start3A_195, %dma_start3A_196] : memref<10000x128xf32, #tpu.memory_space<hbm>> -> memref<10000x128xf32, #tpu.memory_space<hbm>>
        tpu.enqueue_indirect_dma source(%dma_start3A_197 : memref<10000x128xf32, #tpu.memory_space<hbm>>) target(%dma_start3A_191 : memref<128x128xf32, #tpu.memory_space<vmem>>) offsets(%dma_start3A_194 : memref<128xi32, #tpu.memory_space<vmem>>) semaphore(%arg16 : memref<!tpu.dma_semaphore, #tpu.memory_space<semaphore_mem>>)
        %add3A_198 = arith.constant 1 : i32
        %add3A_199 = arith.addi %mul3A_134, %add3A_198 : i32
        %dma_wait3A_200 = arith.constant 1 : i32
        %dma_wait3A_201 = arith.constant 0 : i32
        %dma_wait3A_202 = arith.constant 1 : i32
        %dma_wait3A_203 = arith.constant 0 : i32
        %dma_wait3A_204 = arith.constant 0 : i32
        %dma_wait3A_205 = tpu.memref_slice %arg9[%dma_wait3A_202, %dma_wait3A_203, %dma_wait3A_204] : memref<2x128x128xf32, #tpu.memory_space<vmem>> -> memref<1x128x128xf32, #tpu.memory_space<vmem>>
        %dma_wait3A_206 = tpu.memref_squeeze %dma_wait3A_205 : memref<1x128x128xf32, #tpu.memory_space<vmem>> -> memref<128x128xf32, #tpu.memory_space<vmem>>
        %dma_wait3A_207 = arith.constant 0 : i32
        %dma_wait3A_208 = tpu.memref_slice %arg8[%dma_wait3A_200, %dma_wait3A_201, %dma_wait3A_207] : memref<4x2x128xi32, #tpu.memory_space<vmem>> -> memref<1x1x128xi32, #tpu.memory_space<vmem>>
        %dma_wait3A_209 = tpu.memref_squeeze %dma_wait3A_208 : memref<1x1x128xi32, #tpu.memory_space<vmem>> -> memref<128xi32, #tpu.memory_space<vmem>>
        %dma_wait3A_210 = arith.constant 0 : i32
        %dma_wait3A_211 = arith.constant 0 : i32
        %dma_wait3A_212 = tpu.memref_slice %arg4[%dma_wait3A_210, %dma_wait3A_211] : memref<10000x128xf32, #tpu.memory_space<hbm>> -> memref<10000x128xf32, #tpu.memory_space<hbm>>
        tpu.wait_indirect_dma semaphore(%arg16 : memref<!tpu.dma_semaphore, #tpu.memory_space<semaphore_mem>>) src(%dma_wait3A_212 : memref<10000x128xf32, #tpu.memory_space<hbm>>) dst(%dma_wait3A_206 : memref<128x128xf32, #tpu.memory_space<vmem>>)
        %dma_start3A_213 = arith.constant 1 : i32
        %dma_start3A_214 = arith.constant 1 : i32
        %dma_start3A_215 = arith.constant 1 : i32
        %dma_start3A_216 = arith.constant 0 : i32
        %dma_start3A_217 = arith.constant 0 : i32
        %dma_start3A_218 = tpu.memref_slice %arg9[%dma_start3A_213, %dma_start3A_216, %dma_start3A_217] : memref<2x128x128xf32, #tpu.memory_space<vmem>> -> memref<1x128x128xf32, #tpu.memory_space<vmem>>
        %dma_start3A_219 = tpu.memref_squeeze %dma_start3A_218 : memref<1x128x128xf32, #tpu.memory_space<vmem>> -> memref<128x128xf32, #tpu.memory_space<vmem>>
        %dma_start3A_220 = arith.constant 0 : i32
        %dma_start3A_221 = tpu.memref_slice %arg8[%dma_start3A_214, %dma_start3A_215, %dma_start3A_220] : memref<4x2x128xi32, #tpu.memory_space<vmem>> -> memref<1x1x128xi32, #tpu.memory_space<vmem>>
        %dma_start3A_222 = tpu.memref_squeeze %dma_start3A_221 : memref<1x1x128xi32, #tpu.memory_space<vmem>> -> memref<128xi32, #tpu.memory_space<vmem>>
        %dma_start3A_223 = arith.constant 0 : i32
        %dma_start3A_224 = arith.constant 0 : i32
        %dma_start3A_225 = tpu.memref_slice %arg10[%dma_start3A_223, %dma_start3A_224] : memref<10112x128xf32, #tpu.memory_space<vmem_shared>> -> memref<10112x128xf32, #tpu.memory_space<vmem_shared>>
        tpu.enqueue_indirect_dma source(%dma_start3A_219 : memref<128x128xf32, #tpu.memory_space<vmem>>) target(%dma_start3A_225 : memref<10112x128xf32, #tpu.memory_space<vmem_shared>>) offsets(%dma_start3A_222 : memref<128xi32, #tpu.memory_space<vmem>>) semaphore(%arg18 : memref<!tpu.dma_semaphore, #tpu.memory_space<semaphore_mem>>) {add = true}
        %dma_wait3A_226 = arith.constant 0 : i32
        %dma_wait3A_227 = arith.constant 0 : i32
        %dma_wait3A_228 = arith.constant 1 : i32
        %dma_wait3A_229 = arith.constant 0 : i32
        %dma_wait3A_230 = arith.constant 0 : i32
        %dma_wait3A_231 = tpu.memref_slice %arg9[%dma_wait3A_226, %dma_wait3A_229, %dma_wait3A_230] : memref<2x128x128xf32, #tpu.memory_space<vmem>> -> memref<1x128x128xf32, #tpu.memory_space<vmem>>
        %dma_wait3A_232 = tpu.memref_squeeze %dma_wait3A_231 : memref<1x128x128xf32, #tpu.memory_space<vmem>> -> memref<128x128xf32, #tpu.memory_space<vmem>>
        %dma_wait3A_233 = arith.constant 0 : i32
        %dma_wait3A_234 = tpu.memref_slice %arg8[%dma_wait3A_227, %dma_wait3A_228, %dma_wait3A_233] : memref<4x2x128xi32, #tpu.memory_space<vmem>> -> memref<1x1x128xi32, #tpu.memory_space<vmem>>
        %dma_wait3A_235 = tpu.memref_squeeze %dma_wait3A_234 : memref<1x1x128xi32, #tpu.memory_space<vmem>> -> memref<128xi32, #tpu.memory_space<vmem>>
        %dma_wait3A_236 = arith.constant 0 : i32
        %dma_wait3A_237 = arith.constant 0 : i32
        %dma_wait3A_238 = tpu.memref_slice %arg10[%dma_wait3A_236, %dma_wait3A_237] : memref<10112x128xf32, #tpu.memory_space<vmem_shared>> -> memref<10112x128xf32, #tpu.memory_space<vmem_shared>>
        tpu.wait_indirect_dma semaphore(%arg17 : memref<!tpu.dma_semaphore, #tpu.memory_space<semaphore_mem>>) src(%dma_wait3A_232 : memref<128x128xf32, #tpu.memory_space<vmem>>) dst(%dma_wait3A_238 : memref<10112x128xf32, #tpu.memory_space<vmem_shared>>)
        %lt3A = arith.constant 19 : i32
        %lt3A_239 = arith.cmpi slt, %scan3A_132, %lt3A : i32
        %convert_element_type3A_240 = arith.extui %lt3A_239 : i1 to i32
        %cond3A_241 = arith.constant 0 : i32
        %cond3A_242 = arith.cmpi ne, %convert_element_type3A_240, %cond3A_241 : i32
        scf.if %cond3A_242 {
          %add3A_399 = arith.constant 3 : i32
          %add3A_400 = arith.addi %add3A_199, %add3A_399 : i32
          %dma_start3A_401 = arith.constant 0 : i32
          %dma_start3A_402 = arith.constant 0 : i32
          %dma_start3A_403 = arith.constant 0 : i32
          %dma_start3A_404 = tpu.memref_slice %arg8[%dma_start3A_401, %dma_start3A_402, %dma_start3A_403] : memref<4x2x128xi32, #tpu.memory_space<vmem>> -> memref<1x2x128xi32, #tpu.memory_space<vmem>>
          %dma_start3A_405 = tpu.memref_squeeze %dma_start3A_404 : memref<1x2x128xi32, #tpu.memory_space<vmem>> -> memref<2x128xi32, #tpu.memory_space<vmem>>
          %dma_start3A_406 = arith.constant 0 : i32
          %dma_start3A_407 = arith.constant 0 : i32
          %dma_start3A_408 = tpu.memref_slice %arg2[%arg1, %add3A_400, %dma_start3A_406, %dma_start3A_407] : memref<16x80x2x128xi32, #tpu.memory_space<hbm>> -> memref<1x1x2x128xi32, #tpu.memory_space<hbm>>
          %dma_start3A_409 = tpu.memref_squeeze %dma_start3A_408 : memref<1x1x2x128xi32, #tpu.memory_space<hbm>> -> memref<2x128xi32, #tpu.memory_space<hbm>>
          %dma_start3A_410 = arith.constant 0 : i32
          %dma_start3A_411 = arith.constant 0 : i32
          %dma_start3A_412 = tpu.memref_slice %arg8[%dma_start3A_401, %dma_start3A_410, %dma_start3A_411] : memref<4x2x128xi32, #tpu.memory_space<vmem>> -> memref<1x2x128xi32, #tpu.memory_space<vmem>>
          %dma_start3A_413 = tpu.memref_squeeze %dma_start3A_412 : memref<1x2x128xi32, #tpu.memory_space<vmem>> -> memref<2x128xi32, #tpu.memory_space<vmem>>
          %dma_start3A_414 = arith.constant 0 : i32
          %dma_start3A_415 = arith.constant 0 : i32
          %dma_start3A_416 = tpu.memref_slice %arg2[%arg1, %add3A_400, %dma_start3A_414, %dma_start3A_415] : memref<16x80x2x128xi32, #tpu.memory_space<hbm>> -> memref<1x1x2x128xi32, #tpu.memory_space<hbm>>
          %dma_start3A_417 = tpu.memref_squeeze %dma_start3A_416 : memref<1x1x2x128xi32, #tpu.memory_space<hbm>> -> memref<2x128xi32, #tpu.memory_space<hbm>>
          tpu.enqueue_dma source(%dma_start3A_417 : memref<2x128xi32, #tpu.memory_space<hbm>>) target(%dma_start3A_413 : memref<2x128xi32, #tpu.memory_space<vmem>>) target_semaphore(%arg11 : memref<!tpu.dma_semaphore, #tpu.memory_space<semaphore_mem>>)
        } else {
        }
        %add3A_243 = arith.constant 1 : i32
        %add3A_244 = arith.addi %add3A_199, %add3A_243 : i32
        %dma_wait3A_245 = arith.constant 2 : i32
        %dma_wait3A_246 = arith.constant 0 : i32
        %dma_wait3A_247 = arith.constant 0 : i32
        %dma_wait3A_248 = tpu.memref_slice %arg8[%dma_wait3A_245, %dma_wait3A_246, %dma_wait3A_247] : memref<4x2x128xi32, #tpu.memory_space<vmem>> -> memref<1x2x128xi32, #tpu.memory_space<vmem>>
        %dma_wait3A_249 = tpu.memref_squeeze %dma_wait3A_248 : memref<1x2x128xi32, #tpu.memory_space<vmem>> -> memref<2x128xi32, #tpu.memory_space<vmem>>
        %dma_wait3A_250 = arith.constant 0 : i32
        %dma_wait3A_251 = arith.constant 0 : i32
        %dma_wait3A_252 = tpu.memref_slice %arg2[%arg1, %add3A_244, %dma_wait3A_250, %dma_wait3A_251] : memref<16x80x2x128xi32, #tpu.memory_space<hbm>> -> memref<1x1x2x128xi32, #tpu.memory_space<hbm>>
        %dma_wait3A_253 = tpu.memref_squeeze %dma_wait3A_252 : memref<1x1x2x128xi32, #tpu.memory_space<hbm>> -> memref<2x128xi32, #tpu.memory_space<hbm>>
        %dma_wait3A_254 = arith.constant 0 : i32
        %dma_wait3A_255 = arith.constant 0 : i32
        %dma_wait3A_256 = tpu.memref_slice %arg8[%dma_wait3A_245, %dma_wait3A_254, %dma_wait3A_255] : memref<4x2x128xi32, #tpu.memory_space<vmem>> -> memref<1x2x128xi32, #tpu.memory_space<vmem>>
        %dma_wait3A_257 = tpu.memref_squeeze %dma_wait3A_256 : memref<1x2x128xi32, #tpu.memory_space<vmem>> -> memref<2x128xi32, #tpu.memory_space<vmem>>
        %dma_wait3A_258 = arith.constant 0 : i32
        %dma_wait3A_259 = arith.constant 0 : i32
        %dma_wait3A_260 = tpu.memref_slice %arg2[%arg1, %add3A_244, %dma_wait3A_258, %dma_wait3A_259] : memref<16x80x2x128xi32, #tpu.memory_space<hbm>> -> memref<1x1x2x128xi32, #tpu.memory_space<hbm>>
        %dma_wait3A_261 = tpu.memref_squeeze %dma_wait3A_260 : memref<1x1x2x128xi32, #tpu.memory_space<hbm>> -> memref<2x128xi32, #tpu.memory_space<hbm>>
        tpu.wait_dma2 semaphore(%arg13 : memref<!tpu.dma_semaphore, #tpu.memory_space<semaphore_mem>>) src(%dma_wait3A_261 : memref<2x128xi32, #tpu.memory_space<hbm>>) dst(%dma_wait3A_257 : memref<2x128xi32, #tpu.memory_space<vmem>>)
        %dma_start3A_262 = arith.constant 2 : i32
        %dma_start3A_263 = arith.constant 0 : i32
        %dma_start3A_264 = arith.constant 0 : i32
        %dma_start3A_265 = arith.constant 0 : i32
        %dma_start3A_266 = arith.constant 0 : i32
        %dma_start3A_267 = tpu.memref_slice %arg9[%dma_start3A_264, %dma_start3A_265, %dma_start3A_266] : memref<2x128x128xf32, #tpu.memory_space<vmem>> -> memref<1x128x128xf32, #tpu.memory_space<vmem>>
        %dma_start3A_268 = tpu.memref_squeeze %dma_start3A_267 : memref<1x128x128xf32, #tpu.memory_space<vmem>> -> memref<128x128xf32, #tpu.memory_space<vmem>>
        %dma_start3A_269 = arith.constant 0 : i32
        %dma_start3A_270 = tpu.memref_slice %arg8[%dma_start3A_262, %dma_start3A_263, %dma_start3A_269] : memref<4x2x128xi32, #tpu.memory_space<vmem>> -> memref<1x1x128xi32, #tpu.memory_space<vmem>>
        %dma_start3A_271 = tpu.memref_squeeze %dma_start3A_270 : memref<1x1x128xi32, #tpu.memory_space<vmem>> -> memref<128xi32, #tpu.memory_space<vmem>>
        %dma_start3A_272 = arith.constant 0 : i32
        %dma_start3A_273 = arith.constant 0 : i32
        %dma_start3A_274 = tpu.memref_slice %arg4[%dma_start3A_272, %dma_start3A_273] : memref<10000x128xf32, #tpu.memory_space<hbm>> -> memref<10000x128xf32, #tpu.memory_space<hbm>>
        tpu.enqueue_indirect_dma source(%dma_start3A_274 : memref<10000x128xf32, #tpu.memory_space<hbm>>) target(%dma_start3A_268 : memref<128x128xf32, #tpu.memory_space<vmem>>) offsets(%dma_start3A_271 : memref<128xi32, #tpu.memory_space<vmem>>) semaphore(%arg15 : memref<!tpu.dma_semaphore, #tpu.memory_space<semaphore_mem>>)
        %add3A_275 = arith.constant 2 : i32
        %add3A_276 = arith.addi %mul3A_134, %add3A_275 : i32
        %dma_wait3A_277 = arith.constant 2 : i32
        %dma_wait3A_278 = arith.constant 0 : i32
        %dma_wait3A_279 = arith.constant 0 : i32
        %dma_wait3A_280 = arith.constant 0 : i32
        %dma_wait3A_281 = arith.constant 0 : i32
        %dma_wait3A_282 = tpu.memref_slice %arg9[%dma_wait3A_279, %dma_wait3A_280, %dma_wait3A_281] : memref<2x128x128xf32, #tpu.memory_space<vmem>> -> memref<1x128x128xf32, #tpu.memory_space<vmem>>
        %dma_wait3A_283 = tpu.memref_squeeze %dma_wait3A_282 : memref<1x128x128xf32, #tpu.memory_space<vmem>> -> memref<128x128xf32, #tpu.memory_space<vmem>>
        %dma_wait3A_284 = arith.constant 0 : i32
        %dma_wait3A_285 = tpu.memref_slice %arg8[%dma_wait3A_277, %dma_wait3A_278, %dma_wait3A_284] : memref<4x2x128xi32, #tpu.memory_space<vmem>> -> memref<1x1x128xi32, #tpu.memory_space<vmem>>
        %dma_wait3A_286 = tpu.memref_squeeze %dma_wait3A_285 : memref<1x1x128xi32, #tpu.memory_space<vmem>> -> memref<128xi32, #tpu.memory_space<vmem>>
        %dma_wait3A_287 = arith.constant 0 : i32
        %dma_wait3A_288 = arith.constant 0 : i32
        %dma_wait3A_289 = tpu.memref_slice %arg4[%dma_wait3A_287, %dma_wait3A_288] : memref<10000x128xf32, #tpu.memory_space<hbm>> -> memref<10000x128xf32, #tpu.memory_space<hbm>>
        tpu.wait_indirect_dma semaphore(%arg15 : memref<!tpu.dma_semaphore, #tpu.memory_space<semaphore_mem>>) src(%dma_wait3A_289 : memref<10000x128xf32, #tpu.memory_space<hbm>>) dst(%dma_wait3A_283 : memref<128x128xf32, #tpu.memory_space<vmem>>)
        %dma_start3A_290 = arith.constant 0 : i32
        %dma_start3A_291 = arith.constant 2 : i32
        %dma_start3A_292 = arith.constant 1 : i32
        %dma_start3A_293 = arith.constant 0 : i32
        %dma_start3A_294 = arith.constant 0 : i32
        %dma_start3A_295 = tpu.memref_slice %arg9[%dma_start3A_290, %dma_start3A_293, %dma_start3A_294] : memref<2x128x128xf32, #tpu.memory_space<vmem>> -> memref<1x128x128xf32, #tpu.memory_space<vmem>>
        %dma_start3A_296 = tpu.memref_squeeze %dma_start3A_295 : memref<1x128x128xf32, #tpu.memory_space<vmem>> -> memref<128x128xf32, #tpu.memory_space<vmem>>
        %dma_start3A_297 = arith.constant 0 : i32
        %dma_start3A_298 = tpu.memref_slice %arg8[%dma_start3A_291, %dma_start3A_292, %dma_start3A_297] : memref<4x2x128xi32, #tpu.memory_space<vmem>> -> memref<1x1x128xi32, #tpu.memory_space<vmem>>
        %dma_start3A_299 = tpu.memref_squeeze %dma_start3A_298 : memref<1x1x128xi32, #tpu.memory_space<vmem>> -> memref<128xi32, #tpu.memory_space<vmem>>
        %dma_start3A_300 = arith.constant 0 : i32
        %dma_start3A_301 = arith.constant 0 : i32
        %dma_start3A_302 = tpu.memref_slice %arg10[%dma_start3A_300, %dma_start3A_301] : memref<10112x128xf32, #tpu.memory_space<vmem_shared>> -> memref<10112x128xf32, #tpu.memory_space<vmem_shared>>
        tpu.enqueue_indirect_dma source(%dma_start3A_296 : memref<128x128xf32, #tpu.memory_space<vmem>>) target(%dma_start3A_302 : memref<10112x128xf32, #tpu.memory_space<vmem_shared>>) offsets(%dma_start3A_299 : memref<128xi32, #tpu.memory_space<vmem>>) semaphore(%arg17 : memref<!tpu.dma_semaphore, #tpu.memory_space<semaphore_mem>>) {add = true}
        %dma_wait3A_303 = arith.constant 1 : i32
        %dma_wait3A_304 = arith.constant 1 : i32
        %dma_wait3A_305 = arith.constant 1 : i32
        %dma_wait3A_306 = arith.constant 0 : i32
        %dma_wait3A_307 = arith.constant 0 : i32
        %dma_wait3A_308 = tpu.memref_slice %arg9[%dma_wait3A_303, %dma_wait3A_306, %dma_wait3A_307] : memref<2x128x128xf32, #tpu.memory_space<vmem>> -> memref<1x128x128xf32, #tpu.memory_space<vmem>>
        %dma_wait3A_309 = tpu.memref_squeeze %dma_wait3A_308 : memref<1x128x128xf32, #tpu.memory_space<vmem>> -> memref<128x128xf32, #tpu.memory_space<vmem>>
        %dma_wait3A_310 = arith.constant 0 : i32
        %dma_wait3A_311 = tpu.memref_slice %arg8[%dma_wait3A_304, %dma_wait3A_305, %dma_wait3A_310] : memref<4x2x128xi32, #tpu.memory_space<vmem>> -> memref<1x1x128xi32, #tpu.memory_space<vmem>>
        %dma_wait3A_312 = tpu.memref_squeeze %dma_wait3A_311 : memref<1x1x128xi32, #tpu.memory_space<vmem>> -> memref<128xi32, #tpu.memory_space<vmem>>
        %dma_wait3A_313 = arith.constant 0 : i32
        %dma_wait3A_314 = arith.constant 0 : i32
        %dma_wait3A_315 = tpu.memref_slice %arg10[%dma_wait3A_313, %dma_wait3A_314] : memref<10112x128xf32, #tpu.memory_space<vmem_shared>> -> memref<10112x128xf32, #tpu.memory_space<vmem_shared>>
        tpu.wait_indirect_dma semaphore(%arg18 : memref<!tpu.dma_semaphore, #tpu.memory_space<semaphore_mem>>) src(%dma_wait3A_309 : memref<128x128xf32, #tpu.memory_space<vmem>>) dst(%dma_wait3A_315 : memref<10112x128xf32, #tpu.memory_space<vmem_shared>>)
        %lt3A_316 = arith.constant 19 : i32
        %lt3A_317 = arith.cmpi slt, %scan3A_132, %lt3A_316 : i32
        %convert_element_type3A_318 = arith.extui %lt3A_317 : i1 to i32
        %cond3A_319 = arith.constant 0 : i32
        %cond3A_320 = arith.cmpi ne, %convert_element_type3A_318, %cond3A_319 : i32
        scf.if %cond3A_320 {
          %add3A_399 = arith.constant 3 : i32
          %add3A_400 = arith.addi %add3A_276, %add3A_399 : i32
          %dma_start3A_401 = arith.constant 1 : i32
          %dma_start3A_402 = arith.constant 0 : i32
          %dma_start3A_403 = arith.constant 0 : i32
          %dma_start3A_404 = tpu.memref_slice %arg8[%dma_start3A_401, %dma_start3A_402, %dma_start3A_403] : memref<4x2x128xi32, #tpu.memory_space<vmem>> -> memref<1x2x128xi32, #tpu.memory_space<vmem>>
          %dma_start3A_405 = tpu.memref_squeeze %dma_start3A_404 : memref<1x2x128xi32, #tpu.memory_space<vmem>> -> memref<2x128xi32, #tpu.memory_space<vmem>>
          %dma_start3A_406 = arith.constant 0 : i32
          %dma_start3A_407 = arith.constant 0 : i32
          %dma_start3A_408 = tpu.memref_slice %arg2[%arg1, %add3A_400, %dma_start3A_406, %dma_start3A_407] : memref<16x80x2x128xi32, #tpu.memory_space<hbm>> -> memref<1x1x2x128xi32, #tpu.memory_space<hbm>>
          %dma_start3A_409 = tpu.memref_squeeze %dma_start3A_408 : memref<1x1x2x128xi32, #tpu.memory_space<hbm>> -> memref<2x128xi32, #tpu.memory_space<hbm>>
          %dma_start3A_410 = arith.constant 0 : i32
          %dma_start3A_411 = arith.constant 0 : i32
          %dma_start3A_412 = tpu.memref_slice %arg8[%dma_start3A_401, %dma_start3A_410, %dma_start3A_411] : memref<4x2x128xi32, #tpu.memory_space<vmem>> -> memref<1x2x128xi32, #tpu.memory_space<vmem>>
          %dma_start3A_413 = tpu.memref_squeeze %dma_start3A_412 : memref<1x2x128xi32, #tpu.memory_space<vmem>> -> memref<2x128xi32, #tpu.memory_space<vmem>>
          %dma_start3A_414 = arith.constant 0 : i32
          %dma_start3A_415 = arith.constant 0 : i32
          %dma_start3A_416 = tpu.memref_slice %arg2[%arg1, %add3A_400, %dma_start3A_414, %dma_start3A_415] : memref<16x80x2x128xi32, #tpu.memory_space<hbm>> -> memref<1x1x2x128xi32, #tpu.memory_space<hbm>>
          %dma_start3A_417 = tpu.memref_squeeze %dma_start3A_416 : memref<1x1x2x128xi32, #tpu.memory_space<hbm>> -> memref<2x128xi32, #tpu.memory_space<hbm>>
          tpu.enqueue_dma source(%dma_start3A_417 : memref<2x128xi32, #tpu.memory_space<hbm>>) target(%dma_start3A_413 : memref<2x128xi32, #tpu.memory_space<vmem>>) target_semaphore(%arg12 : memref<!tpu.dma_semaphore, #tpu.memory_space<semaphore_mem>>)
        } else {
        }
        %add3A_321 = arith.constant 1 : i32
        %add3A_322 = arith.addi %add3A_276, %add3A_321 : i32
        %dma_wait3A_323 = arith.constant 3 : i32
        %dma_wait3A_324 = arith.constant 0 : i32
        %dma_wait3A_325 = arith.constant 0 : i32
        %dma_wait3A_326 = tpu.memref_slice %arg8[%dma_wait3A_323, %dma_wait3A_324, %dma_wait3A_325] : memref<4x2x128xi32, #tpu.memory_space<vmem>> -> memref<1x2x128xi32, #tpu.memory_space<vmem>>
        %dma_wait3A_327 = tpu.memref_squeeze %dma_wait3A_326 : memref<1x2x128xi32, #tpu.memory_space<vmem>> -> memref<2x128xi32, #tpu.memory_space<vmem>>
        %dma_wait3A_328 = arith.constant 0 : i32
        %dma_wait3A_329 = arith.constant 0 : i32
        %dma_wait3A_330 = tpu.memref_slice %arg2[%arg1, %add3A_322, %dma_wait3A_328, %dma_wait3A_329] : memref<16x80x2x128xi32, #tpu.memory_space<hbm>> -> memref<1x1x2x128xi32, #tpu.memory_space<hbm>>
        %dma_wait3A_331 = tpu.memref_squeeze %dma_wait3A_330 : memref<1x1x2x128xi32, #tpu.memory_space<hbm>> -> memref<2x128xi32, #tpu.memory_space<hbm>>
        %dma_wait3A_332 = arith.constant 0 : i32
        %dma_wait3A_333 = arith.constant 0 : i32
        %dma_wait3A_334 = tpu.memref_slice %arg8[%dma_wait3A_323, %dma_wait3A_332, %dma_wait3A_333] : memref<4x2x128xi32, #tpu.memory_space<vmem>> -> memref<1x2x128xi32, #tpu.memory_space<vmem>>
        %dma_wait3A_335 = tpu.memref_squeeze %dma_wait3A_334 : memref<1x2x128xi32, #tpu.memory_space<vmem>> -> memref<2x128xi32, #tpu.memory_space<vmem>>
        %dma_wait3A_336 = arith.constant 0 : i32
        %dma_wait3A_337 = arith.constant 0 : i32
        %dma_wait3A_338 = tpu.memref_slice %arg2[%arg1, %add3A_322, %dma_wait3A_336, %dma_wait3A_337] : memref<16x80x2x128xi32, #tpu.memory_space<hbm>> -> memref<1x1x2x128xi32, #tpu.memory_space<hbm>>
        %dma_wait3A_339 = tpu.memref_squeeze %dma_wait3A_338 : memref<1x1x2x128xi32, #tpu.memory_space<hbm>> -> memref<2x128xi32, #tpu.memory_space<hbm>>
        tpu.wait_dma2 semaphore(%arg14 : memref<!tpu.dma_semaphore, #tpu.memory_space<semaphore_mem>>) src(%dma_wait3A_339 : memref<2x128xi32, #tpu.memory_space<hbm>>) dst(%dma_wait3A_335 : memref<2x128xi32, #tpu.memory_space<vmem>>)
        %dma_start3A_340 = arith.constant 3 : i32
        %dma_start3A_341 = arith.constant 0 : i32
        %dma_start3A_342 = arith.constant 1 : i32
        %dma_start3A_343 = arith.constant 0 : i32
        %dma_start3A_344 = arith.constant 0 : i32
        %dma_start3A_345 = tpu.memref_slice %arg9[%dma_start3A_342, %dma_start3A_343, %dma_start3A_344] : memref<2x128x128xf32, #tpu.memory_space<vmem>> -> memref<1x128x128xf32, #tpu.memory_space<vmem>>
        %dma_start3A_346 = tpu.memref_squeeze %dma_start3A_345 : memref<1x128x128xf32, #tpu.memory_space<vmem>> -> memref<128x128xf32, #tpu.memory_space<vmem>>
        %dma_start3A_347 = arith.constant 0 : i32
        %dma_start3A_348 = tpu.memref_slice %arg8[%dma_start3A_340, %dma_start3A_341, %dma_start3A_347] : memref<4x2x128xi32, #tpu.memory_space<vmem>> -> memref<1x1x128xi32, #tpu.memory_space<vmem>>
        %dma_start3A_349 = tpu.memref_squeeze %dma_start3A_348 : memref<1x1x128xi32, #tpu.memory_space<vmem>> -> memref<128xi32, #tpu.memory_space<vmem>>
        %dma_start3A_350 = arith.constant 0 : i32
        %dma_start3A_351 = arith.constant 0 : i32
        %dma_start3A_352 = tpu.memref_slice %arg4[%dma_start3A_350, %dma_start3A_351] : memref<10000x128xf32, #tpu.memory_space<hbm>> -> memref<10000x128xf32, #tpu.memory_space<hbm>>
        tpu.enqueue_indirect_dma source(%dma_start3A_352 : memref<10000x128xf32, #tpu.memory_space<hbm>>) target(%dma_start3A_346 : memref<128x128xf32, #tpu.memory_space<vmem>>) offsets(%dma_start3A_349 : memref<128xi32, #tpu.memory_space<vmem>>) semaphore(%arg16 : memref<!tpu.dma_semaphore, #tpu.memory_space<semaphore_mem>>)
        %add3A_353 = arith.constant 3 : i32
        %add3A_354 = arith.addi %mul3A_134, %add3A_353 : i32
        %dma_wait3A_355 = arith.constant 3 : i32
        %dma_wait3A_356 = arith.constant 0 : i32
        %dma_wait3A_357 = arith.constant 1 : i32
        %dma_wait3A_358 = arith.constant 0 : i32
        %dma_wait3A_359 = arith.constant 0 : i32
        %dma_wait3A_360 = tpu.memref_slice %arg9[%dma_wait3A_357, %dma_wait3A_358, %dma_wait3A_359] : memref<2x128x128xf32, #tpu.memory_space<vmem>> -> memref<1x128x128xf32, #tpu.memory_space<vmem>>
        %dma_wait3A_361 = tpu.memref_squeeze %dma_wait3A_360 : memref<1x128x128xf32, #tpu.memory_space<vmem>> -> memref<128x128xf32, #tpu.memory_space<vmem>>
        %dma_wait3A_362 = arith.constant 0 : i32
        %dma_wait3A_363 = tpu.memref_slice %arg8[%dma_wait3A_355, %dma_wait3A_356, %dma_wait3A_362] : memref<4x2x128xi32, #tpu.memory_space<vmem>> -> memref<1x1x128xi32, #tpu.memory_space<vmem>>
        %dma_wait3A_364 = tpu.memref_squeeze %dma_wait3A_363 : memref<1x1x128xi32, #tpu.memory_space<vmem>> -> memref<128xi32, #tpu.memory_space<vmem>>
        %dma_wait3A_365 = arith.constant 0 : i32
        %dma_wait3A_366 = arith.constant 0 : i32
        %dma_wait3A_367 = tpu.memref_slice %arg4[%dma_wait3A_365, %dma_wait3A_366] : memref<10000x128xf32, #tpu.memory_space<hbm>> -> memref<10000x128xf32, #tpu.memory_space<hbm>>
        tpu.wait_indirect_dma semaphore(%arg16 : memref<!tpu.dma_semaphore, #tpu.memory_space<semaphore_mem>>) src(%dma_wait3A_367 : memref<10000x128xf32, #tpu.memory_space<hbm>>) dst(%dma_wait3A_361 : memref<128x128xf32, #tpu.memory_space<vmem>>)
        %dma_start3A_368 = arith.constant 1 : i32
        %dma_start3A_369 = arith.constant 3 : i32
        %dma_start3A_370 = arith.constant 1 : i32
        %dma_start3A_371 = arith.constant 0 : i32
        %dma_start3A_372 = arith.constant 0 : i32
        %dma_start3A_373 = tpu.memref_slice %arg9[%dma_start3A_368, %dma_start3A_371, %dma_start3A_372] : memref<2x128x128xf32, #tpu.memory_space<vmem>> -> memref<1x128x128xf32, #tpu.memory_space<vmem>>
        %dma_start3A_374 = tpu.memref_squeeze %dma_start3A_373 : memref<1x128x128xf32, #tpu.memory_space<vmem>> -> memref<128x128xf32, #tpu.memory_space<vmem>>
        %dma_start3A_375 = arith.constant 0 : i32
        %dma_start3A_376 = tpu.memref_slice %arg8[%dma_start3A_369, %dma_start3A_370, %dma_start3A_375] : memref<4x2x128xi32, #tpu.memory_space<vmem>> -> memref<1x1x128xi32, #tpu.memory_space<vmem>>
        %dma_start3A_377 = tpu.memref_squeeze %dma_start3A_376 : memref<1x1x128xi32, #tpu.memory_space<vmem>> -> memref<128xi32, #tpu.memory_space<vmem>>
        %dma_start3A_378 = arith.constant 0 : i32
        %dma_start3A_379 = arith.constant 0 : i32
        %dma_start3A_380 = tpu.memref_slice %arg10[%dma_start3A_378, %dma_start3A_379] : memref<10112x128xf32, #tpu.memory_space<vmem_shared>> -> memref<10112x128xf32, #tpu.memory_space<vmem_shared>>
        tpu.enqueue_indirect_dma source(%dma_start3A_374 : memref<128x128xf32, #tpu.memory_space<vmem>>) target(%dma_start3A_380 : memref<10112x128xf32, #tpu.memory_space<vmem_shared>>) offsets(%dma_start3A_377 : memref<128xi32, #tpu.memory_space<vmem>>) semaphore(%arg18 : memref<!tpu.dma_semaphore, #tpu.memory_space<semaphore_mem>>) {add = true}
        %dma_wait3A_381 = arith.constant 0 : i32
        %dma_wait3A_382 = arith.constant 2 : i32
        %dma_wait3A_383 = arith.constant 1 : i32
        %dma_wait3A_384 = arith.constant 0 : i32
        %dma_wait3A_385 = arith.constant 0 : i32
        %dma_wait3A_386 = tpu.memref_slice %arg9[%dma_wait3A_381, %dma_wait3A_384, %dma_wait3A_385] : memref<2x128x128xf32, #tpu.memory_space<vmem>> -> memref<1x128x128xf32, #tpu.memory_space<vmem>>
        %dma_wait3A_387 = tpu.memref_squeeze %dma_wait3A_386 : memref<1x128x128xf32, #tpu.memory_space<vmem>> -> memref<128x128xf32, #tpu.memory_space<vmem>>
        %dma_wait3A_388 = arith.constant 0 : i32
        %dma_wait3A_389 = tpu.memref_slice %arg8[%dma_wait3A_382, %dma_wait3A_383, %dma_wait3A_388] : memref<4x2x128xi32, #tpu.memory_space<vmem>> -> memref<1x1x128xi32, #tpu.memory_space<vmem>>
        %dma_wait3A_390 = tpu.memref_squeeze %dma_wait3A_389 : memref<1x1x128xi32, #tpu.memory_space<vmem>> -> memref<128xi32, #tpu.memory_space<vmem>>
        %dma_wait3A_391 = arith.constant 0 : i32
        %dma_wait3A_392 = arith.constant 0 : i32
        %dma_wait3A_393 = tpu.memref_slice %arg10[%dma_wait3A_391, %dma_wait3A_392] : memref<10112x128xf32, #tpu.memory_space<vmem_shared>> -> memref<10112x128xf32, #tpu.memory_space<vmem_shared>>
        tpu.wait_indirect_dma semaphore(%arg17 : memref<!tpu.dma_semaphore, #tpu.memory_space<semaphore_mem>>) src(%dma_wait3A_387 : memref<128x128xf32, #tpu.memory_space<vmem>>) dst(%dma_wait3A_393 : memref<10112x128xf32, #tpu.memory_space<vmem_shared>>)
        %lt3A_394 = arith.constant 19 : i32
        %lt3A_395 = arith.cmpi slt, %scan3A_132, %lt3A_394 : i32
        %convert_element_type3A_396 = arith.extui %lt3A_395 : i1 to i32
        %cond3A_397 = arith.constant 0 : i32
        %cond3A_398 = arith.cmpi ne, %convert_element_type3A_396, %cond3A_397 : i32
        scf.if %cond3A_398 {
          %add3A_399 = arith.constant 3 : i32
          %add3A_400 = arith.addi %add3A_354, %add3A_399 : i32
          %dma_start3A_401 = arith.constant 2 : i32
          %dma_start3A_402 = arith.constant 0 : i32
          %dma_start3A_403 = arith.constant 0 : i32
          %dma_start3A_404 = tpu.memref_slice %arg8[%dma_start3A_401, %dma_start3A_402, %dma_start3A_403] : memref<4x2x128xi32, #tpu.memory_space<vmem>> -> memref<1x2x128xi32, #tpu.memory_space<vmem>>
          %dma_start3A_405 = tpu.memref_squeeze %dma_start3A_404 : memref<1x2x128xi32, #tpu.memory_space<vmem>> -> memref<2x128xi32, #tpu.memory_space<vmem>>
          %dma_start3A_406 = arith.constant 0 : i32
          %dma_start3A_407 = arith.constant 0 : i32
          %dma_start3A_408 = tpu.memref_slice %arg2[%arg1, %add3A_400, %dma_start3A_406, %dma_start3A_407] : memref<16x80x2x128xi32, #tpu.memory_space<hbm>> -> memref<1x1x2x128xi32, #tpu.memory_space<hbm>>
          %dma_start3A_409 = tpu.memref_squeeze %dma_start3A_408 : memref<1x1x2x128xi32, #tpu.memory_space<hbm>> -> memref<2x128xi32, #tpu.memory_space<hbm>>
          %dma_start3A_410 = arith.constant 0 : i32
          %dma_start3A_411 = arith.constant 0 : i32
          %dma_start3A_412 = tpu.memref_slice %arg8[%dma_start3A_401, %dma_start3A_410, %dma_start3A_411] : memref<4x2x128xi32, #tpu.memory_space<vmem>> -> memref<1x2x128xi32, #tpu.memory_space<vmem>>
          %dma_start3A_413 = tpu.memref_squeeze %dma_start3A_412 : memref<1x2x128xi32, #tpu.memory_space<vmem>> -> memref<2x128xi32, #tpu.memory_space<vmem>>
          %dma_start3A_414 = arith.constant 0 : i32
          %dma_start3A_415 = arith.constant 0 : i32
          %dma_start3A_416 = tpu.memref_slice %arg2[%arg1, %add3A_400, %dma_start3A_414, %dma_start3A_415] : memref<16x80x2x128xi32, #tpu.memory_space<hbm>> -> memref<1x1x2x128xi32, #tpu.memory_space<hbm>>
          %dma_start3A_417 = tpu.memref_squeeze %dma_start3A_416 : memref<1x1x2x128xi32, #tpu.memory_space<hbm>> -> memref<2x128xi32, #tpu.memory_space<hbm>>
          tpu.enqueue_dma source(%dma_start3A_417 : memref<2x128xi32, #tpu.memory_space<hbm>>) target(%dma_start3A_413 : memref<2x128xi32, #tpu.memory_space<vmem>>) target_semaphore(%arg13 : memref<!tpu.dma_semaphore, #tpu.memory_space<semaphore_mem>>)
          %add3A_418 = arith.constant 1 : i32
          %add3A_419 = arith.addi %add3A_354, %add3A_418 : i32
          %dma_wait3A_420 = arith.constant 0 : i32
          %dma_wait3A_421 = arith.constant 0 : i32
          %dma_wait3A_422 = arith.constant 0 : i32
          %dma_wait3A_423 = tpu.memref_slice %arg8[%dma_wait3A_420, %dma_wait3A_421, %dma_wait3A_422] : memref<4x2x128xi32, #tpu.memory_space<vmem>> -> memref<1x2x128xi32, #tpu.memory_space<vmem>>
          %dma_wait3A_424 = tpu.memref_squeeze %dma_wait3A_423 : memref<1x2x128xi32, #tpu.memory_space<vmem>> -> memref<2x128xi32, #tpu.memory_space<vmem>>
          %dma_wait3A_425 = arith.constant 0 : i32
          %dma_wait3A_426 = arith.constant 0 : i32
          %dma_wait3A_427 = tpu.memref_slice %arg2[%arg1, %add3A_419, %dma_wait3A_425, %dma_wait3A_426] : memref<16x80x2x128xi32, #tpu.memory_space<hbm>> -> memref<1x1x2x128xi32, #tpu.memory_space<hbm>>
          %dma_wait3A_428 = tpu.memref_squeeze %dma_wait3A_427 : memref<1x1x2x128xi32, #tpu.memory_space<hbm>> -> memref<2x128xi32, #tpu.memory_space<hbm>>
          %dma_wait3A_429 = arith.constant 0 : i32
          %dma_wait3A_430 = arith.constant 0 : i32
          %dma_wait3A_431 = tpu.memref_slice %arg8[%dma_wait3A_420, %dma_wait3A_429, %dma_wait3A_430] : memref<4x2x128xi32, #tpu.memory_space<vmem>> -> memref<1x2x128xi32, #tpu.memory_space<vmem>>
          %dma_wait3A_432 = tpu.memref_squeeze %dma_wait3A_431 : memref<1x2x128xi32, #tpu.memory_space<vmem>> -> memref<2x128xi32, #tpu.memory_space<vmem>>
          %dma_wait3A_433 = arith.constant 0 : i32
          %dma_wait3A_434 = arith.constant 0 : i32
          %dma_wait3A_435 = tpu.memref_slice %arg2[%arg1, %add3A_419, %dma_wait3A_433, %dma_wait3A_434] : memref<16x80x2x128xi32, #tpu.memory_space<hbm>> -> memref<1x1x2x128xi32, #tpu.memory_space<hbm>>
          %dma_wait3A_436 = tpu.memref_squeeze %dma_wait3A_435 : memref<1x1x2x128xi32, #tpu.memory_space<hbm>> -> memref<2x128xi32, #tpu.memory_space<hbm>>
          tpu.wait_dma2 semaphore(%arg11 : memref<!tpu.dma_semaphore, #tpu.memory_space<semaphore_mem>>) src(%dma_wait3A_436 : memref<2x128xi32, #tpu.memory_space<hbm>>) dst(%dma_wait3A_432 : memref<2x128xi32, #tpu.memory_space<vmem>>)
          %dma_start3A_437 = arith.constant 0 : i32
          %dma_start3A_438 = arith.constant 0 : i32
          %dma_start3A_439 = arith.constant 0 : i32
          %dma_start3A_440 = arith.constant 0 : i32
          %dma_start3A_441 = arith.constant 0 : i32
          %dma_start3A_442 = tpu.memref_slice %arg9[%dma_start3A_439, %dma_start3A_440, %dma_start3A_441] : memref<2x128x128xf32, #tpu.memory_space<vmem>> -> memref<1x128x128xf32, #tpu.memory_space<vmem>>
          %dma_start3A_443 = tpu.memref_squeeze %dma_start3A_442 : memref<1x128x128xf32, #tpu.memory_space<vmem>> -> memref<128x128xf32, #tpu.memory_space<vmem>>
          %dma_start3A_444 = arith.constant 0 : i32
          %dma_start3A_445 = tpu.memref_slice %arg8[%dma_start3A_437, %dma_start3A_438, %dma_start3A_444] : memref<4x2x128xi32, #tpu.memory_space<vmem>> -> memref<1x1x128xi32, #tpu.memory_space<vmem>>
          %dma_start3A_446 = tpu.memref_squeeze %dma_start3A_445 : memref<1x1x128xi32, #tpu.memory_space<vmem>> -> memref<128xi32, #tpu.memory_space<vmem>>
          %dma_start3A_447 = arith.constant 0 : i32
          %dma_start3A_448 = arith.constant 0 : i32
          %dma_start3A_449 = tpu.memref_slice %arg4[%dma_start3A_447, %dma_start3A_448] : memref<10000x128xf32, #tpu.memory_space<hbm>> -> memref<10000x128xf32, #tpu.memory_space<hbm>>
          tpu.enqueue_indirect_dma source(%dma_start3A_449 : memref<10000x128xf32, #tpu.memory_space<hbm>>) target(%dma_start3A_443 : memref<128x128xf32, #tpu.memory_space<vmem>>) offsets(%dma_start3A_446 : memref<128xi32, #tpu.memory_space<vmem>>) semaphore(%arg15 : memref<!tpu.dma_semaphore, #tpu.memory_space<semaphore_mem>>)
        } else {
        }
      }
      %scan3A_113 = arith.constant 20 : i32
      %dma_wait3A_114 = arith.constant 1 : i32
      %dma_wait3A_115 = arith.constant 3 : i32
      %dma_wait3A_116 = arith.constant 1 : i32
      %dma_wait3A_117 = arith.constant 0 : i32
      %dma_wait3A_118 = arith.constant 0 : i32
      %dma_wait3A_119 = tpu.memref_slice %arg9[%dma_wait3A_114, %dma_wait3A_117, %dma_wait3A_118] : memref<2x128x128xf32, #tpu.memory_space<vmem>> -> memref<1x128x128xf32, #tpu.memory_space<vmem>>
      %dma_wait3A_120 = tpu.memref_squeeze %dma_wait3A_119 : memref<1x128x128xf32, #tpu.memory_space<vmem>> -> memref<128x128xf32, #tpu.memory_space<vmem>>
      %dma_wait3A_121 = arith.constant 0 : i32
      %dma_wait3A_122 = tpu.memref_slice %arg8[%dma_wait3A_115, %dma_wait3A_116, %dma_wait3A_121] : memref<4x2x128xi32, #tpu.memory_space<vmem>> -> memref<1x1x128xi32, #tpu.memory_space<vmem>>
      %dma_wait3A_123 = tpu.memref_squeeze %dma_wait3A_122 : memref<1x1x128xi32, #tpu.memory_space<vmem>> -> memref<128xi32, #tpu.memory_space<vmem>>
      %dma_wait3A_124 = arith.constant 0 : i32
      %dma_wait3A_125 = arith.constant 0 : i32
      %dma_wait3A_126 = tpu.memref_slice %arg10[%dma_wait3A_124, %dma_wait3A_125] : memref<10112x128xf32, #tpu.memory_space<vmem_shared>> -> memref<10112x128xf32, #tpu.memory_space<vmem_shared>>
      tpu.wait_indirect_dma semaphore(%arg18 : memref<!tpu.dma_semaphore, #tpu.memory_space<semaphore_mem>>) src(%dma_wait3A_120 : memref<128x128xf32, #tpu.memory_space<vmem>>) dst(%dma_wait3A_126 : memref<10112x128xf32, #tpu.memory_space<vmem_shared>>)
      %barrier3A_127 = arith.constant 0 : index
      tpu.barrier barrier_id(%barrier3A_127)
      %mul3A_128 = arith.constant 632 : i32
      %mul3A_129 = arith.muli %arg1, %mul3A_128 : i32
      %mul3A_130 = arith.constant 632 : i32
      %mul3A_131 = arith.muli %arg1, %mul3A_130 : i32
      "tpu.region"() ({
        %run_scoped3A = tpu.sem_alloc : memref<!tpu.dma_semaphore, #tpu.memory_space<semaphore_mem>>
        %dma_start3A_132 = arith.constant 0 : i32
        %dma_start3A_133 = tpu.memref_slice %arg7[%mul3A_131, %dma_start3A_132] : memref<10112x128xf32, #tpu.memory_space<hbm>> -> memref<632x128xf32, #tpu.memory_space<hbm>>
        %dma_start3A_134 = arith.constant 0 : i32
        %dma_start3A_135 = tpu.memref_slice %arg10[%mul3A_129, %dma_start3A_134] : memref<10112x128xf32, #tpu.memory_space<vmem_shared>> -> memref<632x128xf32, #tpu.memory_space<vmem_shared>>
        tpu.enqueue_dma source(%dma_start3A_135 : memref<632x128xf32, #tpu.memory_space<vmem_shared>>) target(%dma_start3A_133 : memref<632x128xf32, #tpu.memory_space<hbm>>) target_semaphore(%run_scoped3A : memref<!tpu.dma_semaphore, #tpu.memory_space<semaphore_mem>>)
        %dma_wait3A_136 = arith.constant 0 : i32
        %dma_wait3A_137 = tpu.memref_slice %arg7[%mul3A_131, %dma_wait3A_136] : memref<10112x128xf32, #tpu.memory_space<hbm>> -> memref<632x128xf32, #tpu.memory_space<hbm>>
        %dma_wait3A_138 = arith.constant 0 : i32
        %dma_wait3A_139 = tpu.memref_slice %arg10[%mul3A_129, %dma_wait3A_138] : memref<10112x128xf32, #tpu.memory_space<vmem_shared>> -> memref<632x128xf32, #tpu.memory_space<vmem_shared>>
        tpu.wait_dma2 semaphore(%run_scoped3A : memref<!tpu.dma_semaphore, #tpu.memory_space<semaphore_mem>>) src(%dma_wait3A_139 : memref<632x128xf32, #tpu.memory_space<vmem_shared>>) dst(%dma_wait3A_137 : memref<632x128xf32, #tpu.memory_space<hbm>>)
        tpu.yield
      }) : () -> ()
    } else {
    }
    return
  }
}

#map = affine_map<(d0, d1) -> (0, 0, 0, 0)>
#map1 = affine_map<(d0, d1) -> (0, 0)>
module attributes {stable_mosaic.version = 14 : i64} {
  func.func @_mp_kernel(%arg0: i32, %arg1: i32, %arg2: memref<16x80x2x128xi32, #tpu.memory_space<hbm>>, %arg3: memref<10000x128xf32, #tpu.memory_space<hbm>>, %arg4: memref<10000x128xf32, #tpu.memory_space<hbm>>, %arg5: memref<632x128xf32, #tpu.memory_space<hbm>>, %arg6: memref<10112x128xf32, #tpu.memory_space<hbm>>, %arg7: memref<10112x128xf32, #tpu.memory_space<hbm>>, %arg8: memref<4x2x128xi32, #tpu.memory_space<vmem>>, %arg9: memref<2x128x128xf32, #tpu.memory_space<vmem>>, %arg10: memref<10112x128xf32, #tpu.memory_space<vmem_shared>>, %arg11: memref<!tpu.dma_semaphore, #tpu.memory_space<semaphore_mem>>, %arg12: memref<!tpu.dma_semaphore, #tpu.memory_space<semaphore_mem>>, %arg13: memref<!tpu.dma_semaphore, #tpu.memory_space<semaphore_mem>>, %arg14: memref<!tpu.dma_semaphore, #tpu.memory_space<semaphore_mem>>, %arg15: memref<!tpu.dma_semaphore, #tpu.memory_space<semaphore_mem>>, %arg16: memref<!tpu.dma_semaphore, #tpu.memory_space<semaphore_mem>>, %arg17: memref<!tpu.dma_semaphore, #tpu.memory_space<semaphore_mem>>, %arg18: memref<!tpu.dma_semaphore, #tpu.memory_space<semaphore_mem>>) attributes {dimension_semantics = [#tpu.dimension_semantics<core_parallel>, #tpu.dimension_semantics<subcore_parallel>], iteration_bounds = array<i64: 2, 16>, scalar_prefetch = 0 : i64, scratch_operands = 11 : i64, tpu.core_type = #tpu.core_type<sc_vector_subcore>, window_params = [{transform_indices = #map}, {transform_indices = #map1}, {transform_indices = #map1}, {transform_indices = #map1}, {transform_indices = #map1}, {transform_indices = #map1}]} {
    %eq3A = arith.constant 0 : i32
    %eq3A_0 = arith.cmpi eq, %arg0, %eq3A : i32
    %convert_element_type3A = arith.extui %eq3A_0 : i1 to i32
    %cond3A = arith.constant 0 : i32
    %cond3A_1 = arith.cmpi ne, %convert_element_type3A, %cond3A : i32
    scf.if %cond3A_1 {
      %dma_start3A = arith.constant 0 : i32
      %dma_start3A_7 = arith.constant 0 : i32
      %dma_start3A_8 = arith.constant 0 : i32
      %dma_start3A_9 = arith.constant 0 : i32
      %dma_start3A_10 = tpu.memref_slice %arg8[%dma_start3A_7, %dma_start3A_8, %dma_start3A_9] : memref<4x2x128xi32, #tpu.memory_space<vmem>> -> memref<1x2x128xi32, #tpu.memory_space<vmem>>
      %dma_start3A_11 = tpu.memref_squeeze %dma_start3A_10 : memref<1x2x128xi32, #tpu.memory_space<vmem>> -> memref<2x128xi32, #tpu.memory_space<vmem>>
      %dma_start3A_12 = arith.constant 0 : i32
      %dma_start3A_13 = arith.constant 0 : i32
      %dma_start3A_14 = tpu.memref_slice %arg2[%arg1, %dma_start3A, %dma_start3A_12, %dma_start3A_13] : memref<16x80x2x128xi32, #tpu.memory_space<hbm>> -> memref<1x1x2x128xi32, #tpu.memory_space<hbm>>
      %dma_start3A_15 = tpu.memref_squeeze %dma_start3A_14 : memref<1x1x2x128xi32, #tpu.memory_space<hbm>> -> memref<2x128xi32, #tpu.memory_space<hbm>>
      %dma_start3A_16 = arith.constant 0 : i32
      %dma_start3A_17 = arith.constant 0 : i32
      %dma_start3A_18 = tpu.memref_slice %arg8[%dma_start3A_7, %dma_start3A_16, %dma_start3A_17] : memref<4x2x128xi32, #tpu.memory_space<vmem>> -> memref<1x2x128xi32, #tpu.memory_space<vmem>>
      %dma_start3A_19 = tpu.memref_squeeze %dma_start3A_18 : memref<1x2x128xi32, #tpu.memory_space<vmem>> -> memref<2x128xi32, #tpu.memory_space<vmem>>
      %dma_start3A_20 = arith.constant 0 : i32
      %dma_start3A_21 = arith.constant 0 : i32
      %dma_start3A_22 = tpu.memref_slice %arg2[%arg1, %dma_start3A, %dma_start3A_20, %dma_start3A_21] : memref<16x80x2x128xi32, #tpu.memory_space<hbm>> -> memref<1x1x2x128xi32, #tpu.memory_space<hbm>>
      %dma_start3A_23 = tpu.memref_squeeze %dma_start3A_22 : memref<1x1x2x128xi32, #tpu.memory_space<hbm>> -> memref<2x128xi32, #tpu.memory_space<hbm>>
      tpu.enqueue_dma source(%dma_start3A_23 : memref<2x128xi32, #tpu.memory_space<hbm>>) target(%dma_start3A_19 : memref<2x128xi32, #tpu.memory_space<vmem>>) target_semaphore(%arg11 : memref<!tpu.dma_semaphore, #tpu.memory_space<semaphore_mem>>)
      %dma_start3A_24 = arith.constant 1 : i32
      %dma_start3A_25 = arith.constant 1 : i32
      %dma_start3A_26 = arith.constant 0 : i32
      %dma_start3A_27 = arith.constant 0 : i32
      %dma_start3A_28 = tpu.memref_slice %arg8[%dma_start3A_25, %dma_start3A_26, %dma_start3A_27] : memref<4x2x128xi32, #tpu.memory_space<vmem>> -> memref<1x2x128xi32, #tpu.memory_space<vmem>>
      %dma_start3A_29 = tpu.memref_squeeze %dma_start3A_28 : memref<1x2x128xi32, #tpu.memory_space<vmem>> -> memref<2x128xi32, #tpu.memory_space<vmem>>
      %dma_start3A_30 = arith.constant 0 : i32
      %dma_start3A_31 = arith.constant 0 : i32
      %dma_start3A_32 = tpu.memref_slice %arg2[%arg1, %dma_start3A_24, %dma_start3A_30, %dma_start3A_31] : memref<16x80x2x128xi32, #tpu.memory_space<hbm>> -> memref<1x1x2x128xi32, #tpu.memory_space<hbm>>
      %dma_start3A_33 = tpu.memref_squeeze %dma_start3A_32 : memref<1x1x2x128xi32, #tpu.memory_space<hbm>> -> memref<2x128xi32, #tpu.memory_space<hbm>>
      %dma_start3A_34 = arith.constant 0 : i32
      %dma_start3A_35 = arith.constant 0 : i32
      %dma_start3A_36 = tpu.memref_slice %arg8[%dma_start3A_25, %dma_start3A_34, %dma_start3A_35] : memref<4x2x128xi32, #tpu.memory_space<vmem>> -> memref<1x2x128xi32, #tpu.memory_space<vmem>>
      %dma_start3A_37 = tpu.memref_squeeze %dma_start3A_36 : memref<1x2x128xi32, #tpu.memory_space<vmem>> -> memref<2x128xi32, #tpu.memory_space<vmem>>
      %dma_start3A_38 = arith.constant 0 : i32
      %dma_start3A_39 = arith.constant 0 : i32
      %dma_start3A_40 = tpu.memref_slice %arg2[%arg1, %dma_start3A_24, %dma_start3A_38, %dma_start3A_39] : memref<16x80x2x128xi32, #tpu.memory_space<hbm>> -> memref<1x1x2x128xi32, #tpu.memory_space<hbm>>
      %dma_start3A_41 = tpu.memref_squeeze %dma_start3A_40 : memref<1x1x2x128xi32, #tpu.memory_space<hbm>> -> memref<2x128xi32, #tpu.memory_space<hbm>>
      tpu.enqueue_dma source(%dma_start3A_41 : memref<2x128xi32, #tpu.memory_space<hbm>>) target(%dma_start3A_37 : memref<2x128xi32, #tpu.memory_space<vmem>>) target_semaphore(%arg12 : memref<!tpu.dma_semaphore, #tpu.memory_space<semaphore_mem>>)
      %dma_start3A_42 = arith.constant 2 : i32
      %dma_start3A_43 = arith.constant 2 : i32
      %dma_start3A_44 = arith.constant 0 : i32
      %dma_start3A_45 = arith.constant 0 : i32
      %dma_start3A_46 = tpu.memref_slice %arg8[%dma_start3A_43, %dma_start3A_44, %dma_start3A_45] : memref<4x2x128xi32, #tpu.memory_space<vmem>> -> memref<1x2x128xi32, #tpu.memory_space<vmem>>
      %dma_start3A_47 = tpu.memref_squeeze %dma_start3A_46 : memref<1x2x128xi32, #tpu.memory_space<vmem>> -> memref<2x128xi32, #tpu.memory_space<vmem>>
      %dma_start3A_48 = arith.constant 0 : i32
      %dma_start3A_49 = arith.constant 0 : i32
      %dma_start3A_50 = tpu.memref_slice %arg2[%arg1, %dma_start3A_42, %dma_start3A_48, %dma_start3A_49] : memref<16x80x2x128xi32, #tpu.memory_space<hbm>> -> memref<1x1x2x128xi32, #tpu.memory_space<hbm>>
      %dma_start3A_51 = tpu.memref_squeeze %dma_start3A_50 : memref<1x1x2x128xi32, #tpu.memory_space<hbm>> -> memref<2x128xi32, #tpu.memory_space<hbm>>
      %dma_start3A_52 = arith.constant 0 : i32
      %dma_start3A_53 = arith.constant 0 : i32
      %dma_start3A_54 = tpu.memref_slice %arg8[%dma_start3A_43, %dma_start3A_52, %dma_start3A_53] : memref<4x2x128xi32, #tpu.memory_space<vmem>> -> memref<1x2x128xi32, #tpu.memory_space<vmem>>
      %dma_start3A_55 = tpu.memref_squeeze %dma_start3A_54 : memref<1x2x128xi32, #tpu.memory_space<vmem>> -> memref<2x128xi32, #tpu.memory_space<vmem>>
      %dma_start3A_56 = arith.constant 0 : i32
      %dma_start3A_57 = arith.constant 0 : i32
      %dma_start3A_58 = tpu.memref_slice %arg2[%arg1, %dma_start3A_42, %dma_start3A_56, %dma_start3A_57] : memref<16x80x2x128xi32, #tpu.memory_space<hbm>> -> memref<1x1x2x128xi32, #tpu.memory_space<hbm>>
      %dma_start3A_59 = tpu.memref_squeeze %dma_start3A_58 : memref<1x1x2x128xi32, #tpu.memory_space<hbm>> -> memref<2x128xi32, #tpu.memory_space<hbm>>
      tpu.enqueue_dma source(%dma_start3A_59 : memref<2x128xi32, #tpu.memory_space<hbm>>) target(%dma_start3A_55 : memref<2x128xi32, #tpu.memory_space<vmem>>) target_semaphore(%arg13 : memref<!tpu.dma_semaphore, #tpu.memory_space<semaphore_mem>>)
      %dma_start3A_60 = arith.constant 3 : i32
      %dma_start3A_61 = arith.constant 3 : i32
      %dma_start3A_62 = arith.constant 0 : i32
      %dma_start3A_63 = arith.constant 0 : i32
      %dma_start3A_64 = tpu.memref_slice %arg8[%dma_start3A_61, %dma_start3A_62, %dma_start3A_63] : memref<4x2x128xi32, #tpu.memory_space<vmem>> -> memref<1x2x128xi32, #tpu.memory_space<vmem>>
      %dma_start3A_65 = tpu.memref_squeeze %dma_start3A_64 : memref<1x2x128xi32, #tpu.memory_space<vmem>> -> memref<2x128xi32, #tpu.memory_space<vmem>>
      %dma_start3A_66 = arith.constant 0 : i32
      %dma_start3A_67 = arith.constant 0 : i32
      %dma_start3A_68 = tpu.memref_slice %arg2[%arg1, %dma_start3A_60, %dma_start3A_66, %dma_start3A_67] : memref<16x80x2x128xi32, #tpu.memory_space<hbm>> -> memref<1x1x2x128xi32, #tpu.memory_space<hbm>>
      %dma_start3A_69 = tpu.memref_squeeze %dma_start3A_68 : memref<1x1x2x128xi32, #tpu.memory_space<hbm>> -> memref<2x128xi32, #tpu.memory_space<hbm>>
      %dma_start3A_70 = arith.constant 0 : i32
      %dma_start3A_71 = arith.constant 0 : i32
      %dma_start3A_72 = tpu.memref_slice %arg8[%dma_start3A_61, %dma_start3A_70, %dma_start3A_71] : memref<4x2x128xi32, #tpu.memory_space<vmem>> -> memref<1x2x128xi32, #tpu.memory_space<vmem>>
      %dma_start3A_73 = tpu.memref_squeeze %dma_start3A_72 : memref<1x2x128xi32, #tpu.memory_space<vmem>> -> memref<2x128xi32, #tpu.memory_space<vmem>>
      %dma_start3A_74 = arith.constant 0 : i32
      %dma_start3A_75 = arith.constant 0 : i32
      %dma_start3A_76 = tpu.memref_slice %arg2[%arg1, %dma_start3A_60, %dma_start3A_74, %dma_start3A_75] : memref<16x80x2x128xi32, #tpu.memory_space<hbm>> -> memref<1x1x2x128xi32, #tpu.memory_space<hbm>>
      %dma_start3A_77 = tpu.memref_squeeze %dma_start3A_76 : memref<1x1x2x128xi32, #tpu.memory_space<hbm>> -> memref<2x128xi32, #tpu.memory_space<hbm>>
      tpu.enqueue_dma source(%dma_start3A_77 : memref<2x128xi32, #tpu.memory_space<hbm>>) target(%dma_start3A_73 : memref<2x128xi32, #tpu.memory_space<vmem>>) target_semaphore(%arg14 : memref<!tpu.dma_semaphore, #tpu.memory_space<semaphore_mem>>)
      %dma_wait3A = arith.constant 0 : i32
      %dma_wait3A_78 = arith.constant 0 : i32
      %dma_wait3A_79 = arith.constant 0 : i32
      %dma_wait3A_80 = arith.constant 0 : i32
      %dma_wait3A_81 = tpu.memref_slice %arg8[%dma_wait3A_78, %dma_wait3A_79, %dma_wait3A_80] : memref<4x2x128xi32, #tpu.memory_space<vmem>> -> memref<1x2x128xi32, #tpu.memory_space<vmem>>
      %dma_wait3A_82 = tpu.memref_squeeze %dma_wait3A_81 : memref<1x2x128xi32, #tpu.memory_space<vmem>> -> memref<2x128xi32, #tpu.memory_space<vmem>>
      %dma_wait3A_83 = arith.constant 0 : i32
      %dma_wait3A_84 = arith.constant 0 : i32
      %dma_wait3A_85 = tpu.memref_slice %arg2[%arg1, %dma_wait3A, %dma_wait3A_83, %dma_wait3A_84] : memref<16x80x2x128xi32, #tpu.memory_space<hbm>> -> memref<1x1x2x128xi32, #tpu.memory_space<hbm>>
      %dma_wait3A_86 = tpu.memref_squeeze %dma_wait3A_85 : memref<1x1x2x128xi32, #tpu.memory_space<hbm>> -> memref<2x128xi32, #tpu.memory_space<hbm>>
      %dma_wait3A_87 = arith.constant 0 : i32
      %dma_wait3A_88 = arith.constant 0 : i32
      %dma_wait3A_89 = tpu.memref_slice %arg8[%dma_wait3A_78, %dma_wait3A_87, %dma_wait3A_88] : memref<4x2x128xi32, #tpu.memory_space<vmem>> -> memref<1x2x128xi32, #tpu.memory_space<vmem>>
      %dma_wait3A_90 = tpu.memref_squeeze %dma_wait3A_89 : memref<1x2x128xi32, #tpu.memory_space<vmem>> -> memref<2x128xi32, #tpu.memory_space<vmem>>
      %dma_wait3A_91 = arith.constant 0 : i32
      %dma_wait3A_92 = arith.constant 0 : i32
      %dma_wait3A_93 = tpu.memref_slice %arg2[%arg1, %dma_wait3A, %dma_wait3A_91, %dma_wait3A_92] : memref<16x80x2x128xi32, #tpu.memory_space<hbm>> -> memref<1x1x2x128xi32, #tpu.memory_space<hbm>>
      %dma_wait3A_94 = tpu.memref_squeeze %dma_wait3A_93 : memref<1x1x2x128xi32, #tpu.memory_space<hbm>> -> memref<2x128xi32, #tpu.memory_space<hbm>>
      tpu.wait_dma2 semaphore(%arg11 : memref<!tpu.dma_semaphore, #tpu.memory_space<semaphore_mem>>) src(%dma_wait3A_94 : memref<2x128xi32, #tpu.memory_space<hbm>>) dst(%dma_wait3A_90 : memref<2x128xi32, #tpu.memory_space<vmem>>)
      %dma_start3A_95 = arith.constant 0 : i32
      %dma_start3A_96 = arith.constant 0 : i32
      %dma_start3A_97 = arith.constant 0 : i32
      %dma_start3A_98 = arith.constant 0 : i32
      %dma_start3A_99 = arith.constant 0 : i32
      %dma_start3A_100 = tpu.memref_slice %arg9[%dma_start3A_97, %dma_start3A_98, %dma_start3A_99] : memref<2x128x128xf32, #tpu.memory_space<vmem>> -> memref<1x128x128xf32, #tpu.memory_space<vmem>>
      %dma_start3A_101 = tpu.memref_squeeze %dma_start3A_100 : memref<1x128x128xf32, #tpu.memory_space<vmem>> -> memref<128x128xf32, #tpu.memory_space<vmem>>
      %dma_start3A_102 = arith.constant 0 : i32
      %dma_start3A_103 = tpu.memref_slice %arg8[%dma_start3A_95, %dma_start3A_96, %dma_start3A_102] : memref<4x2x128xi32, #tpu.memory_space<vmem>> -> memref<1x1x128xi32, #tpu.memory_space<vmem>>
      %dma_start3A_104 = tpu.memref_squeeze %dma_start3A_103 : memref<1x1x128xi32, #tpu.memory_space<vmem>> -> memref<128xi32, #tpu.memory_space<vmem>>
      %dma_start3A_105 = arith.constant 0 : i32
      %dma_start3A_106 = arith.constant 0 : i32
      %dma_start3A_107 = tpu.memref_slice %arg3[%dma_start3A_105, %dma_start3A_106] : memref<10000x128xf32, #tpu.memory_space<hbm>> -> memref<10000x128xf32, #tpu.memory_space<hbm>>
      tpu.enqueue_indirect_dma source(%dma_start3A_107 : memref<10000x128xf32, #tpu.memory_space<hbm>>) target(%dma_start3A_101 : memref<128x128xf32, #tpu.memory_space<vmem>>) offsets(%dma_start3A_104 : memref<128xi32, #tpu.memory_space<vmem>>) semaphore(%arg15 : memref<!tpu.dma_semaphore, #tpu.memory_space<semaphore_mem>>)
      %mul3A = arith.constant 632 : i32
      %mul3A_108 = arith.muli %arg1, %mul3A : i32
      "tpu.region"() ({
        %run_scoped3A = tpu.sem_alloc : memref<!tpu.dma_semaphore, #tpu.memory_space<semaphore_mem>>
        %dma_start3A_132 = arith.constant 0 : i32
        %dma_start3A_133 = tpu.memref_slice %arg10[%mul3A_108, %dma_start3A_132] : memref<10112x128xf32, #tpu.memory_space<vmem_shared>> -> memref<632x128xf32, #tpu.memory_space<vmem_shared>>
        tpu.enqueue_dma source(%arg5 : memref<632x128xf32, #tpu.memory_space<hbm>>) target(%dma_start3A_133 : memref<632x128xf32, #tpu.memory_space<vmem_shared>>) target_semaphore(%run_scoped3A : memref<!tpu.dma_semaphore, #tpu.memory_space<semaphore_mem>>)
        %dma_wait3A_134 = arith.constant 0 : i32
        %dma_wait3A_135 = tpu.memref_slice %arg10[%mul3A_108, %dma_wait3A_134] : memref<10112x128xf32, #tpu.memory_space<vmem_shared>> -> memref<632x128xf32, #tpu.memory_space<vmem_shared>>
        tpu.wait_dma2 semaphore(%run_scoped3A : memref<!tpu.dma_semaphore, #tpu.memory_space<semaphore_mem>>) src(%arg5 : memref<632x128xf32, #tpu.memory_space<hbm>>) dst(%dma_wait3A_135 : memref<632x128xf32, #tpu.memory_space<vmem_shared>>)
        tpu.yield
      }) : () -> ()
      %barrier3A = arith.constant 0 : index
      tpu.barrier barrier_id(%barrier3A)
      %scan3A = arith.constant 0 : i32
      %scan3A_109 = arith.constant 0 : i32
      %scan3A_110 = arith.constant 20 : i32
      %scan3A_111 = arith.addi %scan3A_109, %scan3A_110 : i32
      %scan3A_112 = arith.constant 1 : i32
      scf.for %scan3A_132 = %scan3A_109 to %scan3A_111 step %scan3A_112  : i32 {
        %mul3A_133 = arith.constant 4 : i32
        %mul3A_134 = arith.muli %mul3A_133, %scan3A_132 : i32
        %add3A = arith.constant 0 : i32
        %add3A_135 = arith.addi %mul3A_134, %add3A : i32
        %dma_wait3A_136 = arith.constant 0 : i32
        %dma_wait3A_137 = arith.constant 0 : i32
        %dma_wait3A_138 = arith.constant 0 : i32
        %dma_wait3A_139 = arith.constant 0 : i32
        %dma_wait3A_140 = arith.constant 0 : i32
        %dma_wait3A_141 = tpu.memref_slice %arg9[%dma_wait3A_138, %dma_wait3A_139, %dma_wait3A_140] : memref<2x128x128xf32, #tpu.memory_space<vmem>> -> memref<1x128x128xf32, #tpu.memory_space<vmem>>
        %dma_wait3A_142 = tpu.memref_squeeze %dma_wait3A_141 : memref<1x128x128xf32, #tpu.memory_space<vmem>> -> memref<128x128xf32, #tpu.memory_space<vmem>>
        %dma_wait3A_143 = arith.constant 0 : i32
        %dma_wait3A_144 = tpu.memref_slice %arg8[%dma_wait3A_136, %dma_wait3A_137, %dma_wait3A_143] : memref<4x2x128xi32, #tpu.memory_space<vmem>> -> memref<1x1x128xi32, #tpu.memory_space<vmem>>
        %dma_wait3A_145 = tpu.memref_squeeze %dma_wait3A_144 : memref<1x1x128xi32, #tpu.memory_space<vmem>> -> memref<128xi32, #tpu.memory_space<vmem>>
        %dma_wait3A_146 = arith.constant 0 : i32
        %dma_wait3A_147 = arith.constant 0 : i32
        %dma_wait3A_148 = tpu.memref_slice %arg3[%dma_wait3A_146, %dma_wait3A_147] : memref<10000x128xf32, #tpu.memory_space<hbm>> -> memref<10000x128xf32, #tpu.memory_space<hbm>>
        tpu.wait_indirect_dma semaphore(%arg15 : memref<!tpu.dma_semaphore, #tpu.memory_space<semaphore_mem>>) src(%dma_wait3A_148 : memref<10000x128xf32, #tpu.memory_space<hbm>>) dst(%dma_wait3A_142 : memref<128x128xf32, #tpu.memory_space<vmem>>)
        %dma_start3A_149 = arith.constant 0 : i32
        %dma_start3A_150 = arith.constant 0 : i32
        %dma_start3A_151 = arith.constant 1 : i32
        %dma_start3A_152 = arith.constant 0 : i32
        %dma_start3A_153 = arith.constant 0 : i32
        %dma_start3A_154 = tpu.memref_slice %arg9[%dma_start3A_149, %dma_start3A_152, %dma_start3A_153] : memref<2x128x128xf32, #tpu.memory_space<vmem>> -> memref<1x128x128xf32, #tpu.memory_space<vmem>>
        %dma_start3A_155 = tpu.memref_squeeze %dma_start3A_154 : memref<1x128x128xf32, #tpu.memory_space<vmem>> -> memref<128x128xf32, #tpu.memory_space<vmem>>
        %dma_start3A_156 = arith.constant 0 : i32
        %dma_start3A_157 = tpu.memref_slice %arg8[%dma_start3A_150, %dma_start3A_151, %dma_start3A_156] : memref<4x2x128xi32, #tpu.memory_space<vmem>> -> memref<1x1x128xi32, #tpu.memory_space<vmem>>
        %dma_start3A_158 = tpu.memref_squeeze %dma_start3A_157 : memref<1x1x128xi32, #tpu.memory_space<vmem>> -> memref<128xi32, #tpu.memory_space<vmem>>
        %dma_start3A_159 = arith.constant 0 : i32
        %dma_start3A_160 = arith.constant 0 : i32
        %dma_start3A_161 = tpu.memref_slice %arg10[%dma_start3A_159, %dma_start3A_160] : memref<10112x128xf32, #tpu.memory_space<vmem_shared>> -> memref<10112x128xf32, #tpu.memory_space<vmem_shared>>
        tpu.enqueue_indirect_dma source(%dma_start3A_155 : memref<128x128xf32, #tpu.memory_space<vmem>>) target(%dma_start3A_161 : memref<10112x128xf32, #tpu.memory_space<vmem_shared>>) offsets(%dma_start3A_158 : memref<128xi32, #tpu.memory_space<vmem>>) semaphore(%arg17 : memref<!tpu.dma_semaphore, #tpu.memory_space<semaphore_mem>>) {add = true}
        %gt3A = arith.constant 0 : i32
        %gt3A_162 = arith.cmpi sgt, %scan3A_132, %gt3A : i32
        %convert_element_type3A_163 = arith.extui %gt3A_162 : i1 to i32
        %cond3A_164 = arith.constant 0 : i32
        %cond3A_165 = arith.cmpi ne, %convert_element_type3A_163, %cond3A_164 : i32
        scf.if %cond3A_165 {
          %dma_wait3A_399 = arith.constant 1 : i32
          %dma_wait3A_400 = arith.constant 3 : i32
          %dma_wait3A_401 = arith.constant 1 : i32
          %dma_wait3A_402 = arith.constant 0 : i32
          %dma_wait3A_403 = arith.constant 0 : i32
          %dma_wait3A_404 = tpu.memref_slice %arg9[%dma_wait3A_399, %dma_wait3A_402, %dma_wait3A_403] : memref<2x128x128xf32, #tpu.memory_space<vmem>> -> memref<1x128x128xf32, #tpu.memory_space<vmem>>
          %dma_wait3A_405 = tpu.memref_squeeze %dma_wait3A_404 : memref<1x128x128xf32, #tpu.memory_space<vmem>> -> memref<128x128xf32, #tpu.memory_space<vmem>>
          %dma_wait3A_406 = arith.constant 0 : i32
          %dma_wait3A_407 = tpu.memref_slice %arg8[%dma_wait3A_400, %dma_wait3A_401, %dma_wait3A_406] : memref<4x2x128xi32, #tpu.memory_space<vmem>> -> memref<1x1x128xi32, #tpu.memory_space<vmem>>
          %dma_wait3A_408 = tpu.memref_squeeze %dma_wait3A_407 : memref<1x1x128xi32, #tpu.memory_space<vmem>> -> memref<128xi32, #tpu.memory_space<vmem>>
          %dma_wait3A_409 = arith.constant 0 : i32
          %dma_wait3A_410 = arith.constant 0 : i32
          %dma_wait3A_411 = tpu.memref_slice %arg10[%dma_wait3A_409, %dma_wait3A_410] : memref<10112x128xf32, #tpu.memory_space<vmem_shared>> -> memref<10112x128xf32, #tpu.memory_space<vmem_shared>>
          tpu.wait_indirect_dma semaphore(%arg18 : memref<!tpu.dma_semaphore, #tpu.memory_space<semaphore_mem>>) src(%dma_wait3A_405 : memref<128x128xf32, #tpu.memory_space<vmem>>) dst(%dma_wait3A_411 : memref<10112x128xf32, #tpu.memory_space<vmem_shared>>)
          %add3A_412 = arith.constant 3 : i32
          %add3A_413 = arith.addi %add3A_135, %add3A_412 : i32
          %dma_start3A_414 = arith.constant 3 : i32
          %dma_start3A_415 = arith.constant 0 : i32
          %dma_start3A_416 = arith.constant 0 : i32
          %dma_start3A_417 = tpu.memref_slice %arg8[%dma_start3A_414, %dma_start3A_415, %dma_start3A_416] : memref<4x2x128xi32, #tpu.memory_space<vmem>> -> memref<1x2x128xi32, #tpu.memory_space<vmem>>
          %dma_start3A_418 = tpu.memref_squeeze %dma_start3A_417 : memref<1x2x128xi32, #tpu.memory_space<vmem>> -> memref<2x128xi32, #tpu.memory_space<vmem>>
          %dma_start3A_419 = arith.constant 0 : i32
          %dma_start3A_420 = arith.constant 0 : i32
          %dma_start3A_421 = tpu.memref_slice %arg2[%arg1, %add3A_413, %dma_start3A_419, %dma_start3A_420] : memref<16x80x2x128xi32, #tpu.memory_space<hbm>> -> memref<1x1x2x128xi32, #tpu.memory_space<hbm>>
          %dma_start3A_422 = tpu.memref_squeeze %dma_start3A_421 : memref<1x1x2x128xi32, #tpu.memory_space<hbm>> -> memref<2x128xi32, #tpu.memory_space<hbm>>
          %dma_start3A_423 = arith.constant 0 : i32
          %dma_start3A_424 = arith.constant 0 : i32
          %dma_start3A_425 = tpu.memref_slice %arg8[%dma_start3A_414, %dma_start3A_423, %dma_start3A_424] : memref<4x2x128xi32, #tpu.memory_space<vmem>> -> memref<1x2x128xi32, #tpu.memory_space<vmem>>
          %dma_start3A_426 = tpu.memref_squeeze %dma_start3A_425 : memref<1x2x128xi32, #tpu.memory_space<vmem>> -> memref<2x128xi32, #tpu.memory_space<vmem>>
          %dma_start3A_427 = arith.constant 0 : i32
          %dma_start3A_428 = arith.constant 0 : i32
          %dma_start3A_429 = tpu.memref_slice %arg2[%arg1, %add3A_413, %dma_start3A_427, %dma_start3A_428] : memref<16x80x2x128xi32, #tpu.memory_space<hbm>> -> memref<1x1x2x128xi32, #tpu.memory_space<hbm>>
          %dma_start3A_430 = tpu.memref_squeeze %dma_start3A_429 : memref<1x1x2x128xi32, #tpu.memory_space<hbm>> -> memref<2x128xi32, #tpu.memory_space<hbm>>
          tpu.enqueue_dma source(%dma_start3A_430 : memref<2x128xi32, #tpu.memory_space<hbm>>) target(%dma_start3A_426 : memref<2x128xi32, #tpu.memory_space<vmem>>) target_semaphore(%arg14 : memref<!tpu.dma_semaphore, #tpu.memory_space<semaphore_mem>>)
        } else {
        }
        %add3A_166 = arith.constant 1 : i32
        %add3A_167 = arith.addi %add3A_135, %add3A_166 : i32
        %dma_wait3A_168 = arith.constant 1 : i32
        %dma_wait3A_169 = arith.constant 0 : i32
        %dma_wait3A_170 = arith.constant 0 : i32
        %dma_wait3A_171 = tpu.memref_slice %arg8[%dma_wait3A_168, %dma_wait3A_169, %dma_wait3A_170] : memref<4x2x128xi32, #tpu.memory_space<vmem>> -> memref<1x2x128xi32, #tpu.memory_space<vmem>>
        %dma_wait3A_172 = tpu.memref_squeeze %dma_wait3A_171 : memref<1x2x128xi32, #tpu.memory_space<vmem>> -> memref<2x128xi32, #tpu.memory_space<vmem>>
        %dma_wait3A_173 = arith.constant 0 : i32
        %dma_wait3A_174 = arith.constant 0 : i32
        %dma_wait3A_175 = tpu.memref_slice %arg2[%arg1, %add3A_167, %dma_wait3A_173, %dma_wait3A_174] : memref<16x80x2x128xi32, #tpu.memory_space<hbm>> -> memref<1x1x2x128xi32, #tpu.memory_space<hbm>>
        %dma_wait3A_176 = tpu.memref_squeeze %dma_wait3A_175 : memref<1x1x2x128xi32, #tpu.memory_space<hbm>> -> memref<2x128xi32, #tpu.memory_space<hbm>>
        %dma_wait3A_177 = arith.constant 0 : i32
        %dma_wait3A_178 = arith.constant 0 : i32
        %dma_wait3A_179 = tpu.memref_slice %arg8[%dma_wait3A_168, %dma_wait3A_177, %dma_wait3A_178] : memref<4x2x128xi32, #tpu.memory_space<vmem>> -> memref<1x2x128xi32, #tpu.memory_space<vmem>>
        %dma_wait3A_180 = tpu.memref_squeeze %dma_wait3A_179 : memref<1x2x128xi32, #tpu.memory_space<vmem>> -> memref<2x128xi32, #tpu.memory_space<vmem>>
        %dma_wait3A_181 = arith.constant 0 : i32
        %dma_wait3A_182 = arith.constant 0 : i32
        %dma_wait3A_183 = tpu.memref_slice %arg2[%arg1, %add3A_167, %dma_wait3A_181, %dma_wait3A_182] : memref<16x80x2x128xi32, #tpu.memory_space<hbm>> -> memref<1x1x2x128xi32, #tpu.memory_space<hbm>>
        %dma_wait3A_184 = tpu.memref_squeeze %dma_wait3A_183 : memref<1x1x2x128xi32, #tpu.memory_space<hbm>> -> memref<2x128xi32, #tpu.memory_space<hbm>>
        tpu.wait_dma2 semaphore(%arg12 : memref<!tpu.dma_semaphore, #tpu.memory_space<semaphore_mem>>) src(%dma_wait3A_184 : memref<2x128xi32, #tpu.memory_space<hbm>>) dst(%dma_wait3A_180 : memref<2x128xi32, #tpu.memory_space<vmem>>)
        %dma_start3A_185 = arith.constant 1 : i32
        %dma_start3A_186 = arith.constant 0 : i32
        %dma_start3A_187 = arith.constant 1 : i32
        %dma_start3A_188 = arith.constant 0 : i32
        %dma_start3A_189 = arith.constant 0 : i32
        %dma_start3A_190 = tpu.memref_slice %arg9[%dma_start3A_187, %dma_start3A_188, %dma_start3A_189] : memref<2x128x128xf32, #tpu.memory_space<vmem>> -> memref<1x128x128xf32, #tpu.memory_space<vmem>>
        %dma_start3A_191 = tpu.memref_squeeze %dma_start3A_190 : memref<1x128x128xf32, #tpu.memory_space<vmem>> -> memref<128x128xf32, #tpu.memory_space<vmem>>
        %dma_start3A_192 = arith.constant 0 : i32
        %dma_start3A_193 = tpu.memref_slice %arg8[%dma_start3A_185, %dma_start3A_186, %dma_start3A_192] : memref<4x2x128xi32, #tpu.memory_space<vmem>> -> memref<1x1x128xi32, #tpu.memory_space<vmem>>
        %dma_start3A_194 = tpu.memref_squeeze %dma_start3A_193 : memref<1x1x128xi32, #tpu.memory_space<vmem>> -> memref<128xi32, #tpu.memory_space<vmem>>
        %dma_start3A_195 = arith.constant 0 : i32
        %dma_start3A_196 = arith.constant 0 : i32
        %dma_start3A_197 = tpu.memref_slice %arg3[%dma_start3A_195, %dma_start3A_196] : memref<10000x128xf32, #tpu.memory_space<hbm>> -> memref<10000x128xf32, #tpu.memory_space<hbm>>
        tpu.enqueue_indirect_dma source(%dma_start3A_197 : memref<10000x128xf32, #tpu.memory_space<hbm>>) target(%dma_start3A_191 : memref<128x128xf32, #tpu.memory_space<vmem>>) offsets(%dma_start3A_194 : memref<128xi32, #tpu.memory_space<vmem>>) semaphore(%arg16 : memref<!tpu.dma_semaphore, #tpu.memory_space<semaphore_mem>>)
        %add3A_198 = arith.constant 1 : i32
        %add3A_199 = arith.addi %mul3A_134, %add3A_198 : i32
        %dma_wait3A_200 = arith.constant 1 : i32
        %dma_wait3A_201 = arith.constant 0 : i32
        %dma_wait3A_202 = arith.constant 1 : i32
        %dma_wait3A_203 = arith.constant 0 : i32
        %dma_wait3A_204 = arith.constant 0 : i32
        %dma_wait3A_205 = tpu.memref_slice %arg9[%dma_wait3A_202, %dma_wait3A_203, %dma_wait3A_204] : memref<2x128x128xf32, #tpu.memory_space<vmem>> -> memref<1x128x128xf32, #tpu.memory_space<vmem>>
        %dma_wait3A_206 = tpu.memref_squeeze %dma_wait3A_205 : memref<1x128x128xf32, #tpu.memory_space<vmem>> -> memref<128x128xf32, #tpu.memory_space<vmem>>
        %dma_wait3A_207 = arith.constant 0 : i32
        %dma_wait3A_208 = tpu.memref_slice %arg8[%dma_wait3A_200, %dma_wait3A_201, %dma_wait3A_207] : memref<4x2x128xi32, #tpu.memory_space<vmem>> -> memref<1x1x128xi32, #tpu.memory_space<vmem>>
        %dma_wait3A_209 = tpu.memref_squeeze %dma_wait3A_208 : memref<1x1x128xi32, #tpu.memory_space<vmem>> -> memref<128xi32, #tpu.memory_space<vmem>>
        %dma_wait3A_210 = arith.constant 0 : i32
        %dma_wait3A_211 = arith.constant 0 : i32
        %dma_wait3A_212 = tpu.memref_slice %arg3[%dma_wait3A_210, %dma_wait3A_211] : memref<10000x128xf32, #tpu.memory_space<hbm>> -> memref<10000x128xf32, #tpu.memory_space<hbm>>
        tpu.wait_indirect_dma semaphore(%arg16 : memref<!tpu.dma_semaphore, #tpu.memory_space<semaphore_mem>>) src(%dma_wait3A_212 : memref<10000x128xf32, #tpu.memory_space<hbm>>) dst(%dma_wait3A_206 : memref<128x128xf32, #tpu.memory_space<vmem>>)
        %dma_start3A_213 = arith.constant 1 : i32
        %dma_start3A_214 = arith.constant 1 : i32
        %dma_start3A_215 = arith.constant 1 : i32
        %dma_start3A_216 = arith.constant 0 : i32
        %dma_start3A_217 = arith.constant 0 : i32
        %dma_start3A_218 = tpu.memref_slice %arg9[%dma_start3A_213, %dma_start3A_216, %dma_start3A_217] : memref<2x128x128xf32, #tpu.memory_space<vmem>> -> memref<1x128x128xf32, #tpu.memory_space<vmem>>
        %dma_start3A_219 = tpu.memref_squeeze %dma_start3A_218 : memref<1x128x128xf32, #tpu.memory_space<vmem>> -> memref<128x128xf32, #tpu.memory_space<vmem>>
        %dma_start3A_220 = arith.constant 0 : i32
        %dma_start3A_221 = tpu.memref_slice %arg8[%dma_start3A_214, %dma_start3A_215, %dma_start3A_220] : memref<4x2x128xi32, #tpu.memory_space<vmem>> -> memref<1x1x128xi32, #tpu.memory_space<vmem>>
        %dma_start3A_222 = tpu.memref_squeeze %dma_start3A_221 : memref<1x1x128xi32, #tpu.memory_space<vmem>> -> memref<128xi32, #tpu.memory_space<vmem>>
        %dma_start3A_223 = arith.constant 0 : i32
        %dma_start3A_224 = arith.constant 0 : i32
        %dma_start3A_225 = tpu.memref_slice %arg10[%dma_start3A_223, %dma_start3A_224] : memref<10112x128xf32, #tpu.memory_space<vmem_shared>> -> memref<10112x128xf32, #tpu.memory_space<vmem_shared>>
        tpu.enqueue_indirect_dma source(%dma_start3A_219 : memref<128x128xf32, #tpu.memory_space<vmem>>) target(%dma_start3A_225 : memref<10112x128xf32, #tpu.memory_space<vmem_shared>>) offsets(%dma_start3A_222 : memref<128xi32, #tpu.memory_space<vmem>>) semaphore(%arg18 : memref<!tpu.dma_semaphore, #tpu.memory_space<semaphore_mem>>) {add = true}
        %dma_wait3A_226 = arith.constant 0 : i32
        %dma_wait3A_227 = arith.constant 0 : i32
        %dma_wait3A_228 = arith.constant 1 : i32
        %dma_wait3A_229 = arith.constant 0 : i32
        %dma_wait3A_230 = arith.constant 0 : i32
        %dma_wait3A_231 = tpu.memref_slice %arg9[%dma_wait3A_226, %dma_wait3A_229, %dma_wait3A_230] : memref<2x128x128xf32, #tpu.memory_space<vmem>> -> memref<1x128x128xf32, #tpu.memory_space<vmem>>
        %dma_wait3A_232 = tpu.memref_squeeze %dma_wait3A_231 : memref<1x128x128xf32, #tpu.memory_space<vmem>> -> memref<128x128xf32, #tpu.memory_space<vmem>>
        %dma_wait3A_233 = arith.constant 0 : i32
        %dma_wait3A_234 = tpu.memref_slice %arg8[%dma_wait3A_227, %dma_wait3A_228, %dma_wait3A_233] : memref<4x2x128xi32, #tpu.memory_space<vmem>> -> memref<1x1x128xi32, #tpu.memory_space<vmem>>
        %dma_wait3A_235 = tpu.memref_squeeze %dma_wait3A_234 : memref<1x1x128xi32, #tpu.memory_space<vmem>> -> memref<128xi32, #tpu.memory_space<vmem>>
        %dma_wait3A_236 = arith.constant 0 : i32
        %dma_wait3A_237 = arith.constant 0 : i32
        %dma_wait3A_238 = tpu.memref_slice %arg10[%dma_wait3A_236, %dma_wait3A_237] : memref<10112x128xf32, #tpu.memory_space<vmem_shared>> -> memref<10112x128xf32, #tpu.memory_space<vmem_shared>>
        tpu.wait_indirect_dma semaphore(%arg17 : memref<!tpu.dma_semaphore, #tpu.memory_space<semaphore_mem>>) src(%dma_wait3A_232 : memref<128x128xf32, #tpu.memory_space<vmem>>) dst(%dma_wait3A_238 : memref<10112x128xf32, #tpu.memory_space<vmem_shared>>)
        %lt3A = arith.constant 19 : i32
        %lt3A_239 = arith.cmpi slt, %scan3A_132, %lt3A : i32
        %convert_element_type3A_240 = arith.extui %lt3A_239 : i1 to i32
        %cond3A_241 = arith.constant 0 : i32
        %cond3A_242 = arith.cmpi ne, %convert_element_type3A_240, %cond3A_241 : i32
        scf.if %cond3A_242 {
          %add3A_399 = arith.constant 3 : i32
          %add3A_400 = arith.addi %add3A_199, %add3A_399 : i32
          %dma_start3A_401 = arith.constant 0 : i32
          %dma_start3A_402 = arith.constant 0 : i32
          %dma_start3A_403 = arith.constant 0 : i32
          %dma_start3A_404 = tpu.memref_slice %arg8[%dma_start3A_401, %dma_start3A_402, %dma_start3A_403] : memref<4x2x128xi32, #tpu.memory_space<vmem>> -> memref<1x2x128xi32, #tpu.memory_space<vmem>>
          %dma_start3A_405 = tpu.memref_squeeze %dma_start3A_404 : memref<1x2x128xi32, #tpu.memory_space<vmem>> -> memref<2x128xi32, #tpu.memory_space<vmem>>
          %dma_start3A_406 = arith.constant 0 : i32
          %dma_start3A_407 = arith.constant 0 : i32
          %dma_start3A_408 = tpu.memref_slice %arg2[%arg1, %add3A_400, %dma_start3A_406, %dma_start3A_407] : memref<16x80x2x128xi32, #tpu.memory_space<hbm>> -> memref<1x1x2x128xi32, #tpu.memory_space<hbm>>
          %dma_start3A_409 = tpu.memref_squeeze %dma_start3A_408 : memref<1x1x2x128xi32, #tpu.memory_space<hbm>> -> memref<2x128xi32, #tpu.memory_space<hbm>>
          %dma_start3A_410 = arith.constant 0 : i32
          %dma_start3A_411 = arith.constant 0 : i32
          %dma_start3A_412 = tpu.memref_slice %arg8[%dma_start3A_401, %dma_start3A_410, %dma_start3A_411] : memref<4x2x128xi32, #tpu.memory_space<vmem>> -> memref<1x2x128xi32, #tpu.memory_space<vmem>>
          %dma_start3A_413 = tpu.memref_squeeze %dma_start3A_412 : memref<1x2x128xi32, #tpu.memory_space<vmem>> -> memref<2x128xi32, #tpu.memory_space<vmem>>
          %dma_start3A_414 = arith.constant 0 : i32
          %dma_start3A_415 = arith.constant 0 : i32
          %dma_start3A_416 = tpu.memref_slice %arg2[%arg1, %add3A_400, %dma_start3A_414, %dma_start3A_415] : memref<16x80x2x128xi32, #tpu.memory_space<hbm>> -> memref<1x1x2x128xi32, #tpu.memory_space<hbm>>
          %dma_start3A_417 = tpu.memref_squeeze %dma_start3A_416 : memref<1x1x2x128xi32, #tpu.memory_space<hbm>> -> memref<2x128xi32, #tpu.memory_space<hbm>>
          tpu.enqueue_dma source(%dma_start3A_417 : memref<2x128xi32, #tpu.memory_space<hbm>>) target(%dma_start3A_413 : memref<2x128xi32, #tpu.memory_space<vmem>>) target_semaphore(%arg11 : memref<!tpu.dma_semaphore, #tpu.memory_space<semaphore_mem>>)
        } else {
        }
        %add3A_243 = arith.constant 1 : i32
        %add3A_244 = arith.addi %add3A_199, %add3A_243 : i32
        %dma_wait3A_245 = arith.constant 2 : i32
        %dma_wait3A_246 = arith.constant 0 : i32
        %dma_wait3A_247 = arith.constant 0 : i32
        %dma_wait3A_248 = tpu.memref_slice %arg8[%dma_wait3A_245, %dma_wait3A_246, %dma_wait3A_247] : memref<4x2x128xi32, #tpu.memory_space<vmem>> -> memref<1x2x128xi32, #tpu.memory_space<vmem>>
        %dma_wait3A_249 = tpu.memref_squeeze %dma_wait3A_248 : memref<1x2x128xi32, #tpu.memory_space<vmem>> -> memref<2x128xi32, #tpu.memory_space<vmem>>
        %dma_wait3A_250 = arith.constant 0 : i32
        %dma_wait3A_251 = arith.constant 0 : i32
        %dma_wait3A_252 = tpu.memref_slice %arg2[%arg1, %add3A_244, %dma_wait3A_250, %dma_wait3A_251] : memref<16x80x2x128xi32, #tpu.memory_space<hbm>> -> memref<1x1x2x128xi32, #tpu.memory_space<hbm>>
        %dma_wait3A_253 = tpu.memref_squeeze %dma_wait3A_252 : memref<1x1x2x128xi32, #tpu.memory_space<hbm>> -> memref<2x128xi32, #tpu.memory_space<hbm>>
        %dma_wait3A_254 = arith.constant 0 : i32
        %dma_wait3A_255 = arith.constant 0 : i32
        %dma_wait3A_256 = tpu.memref_slice %arg8[%dma_wait3A_245, %dma_wait3A_254, %dma_wait3A_255] : memref<4x2x128xi32, #tpu.memory_space<vmem>> -> memref<1x2x128xi32, #tpu.memory_space<vmem>>
        %dma_wait3A_257 = tpu.memref_squeeze %dma_wait3A_256 : memref<1x2x128xi32, #tpu.memory_space<vmem>> -> memref<2x128xi32, #tpu.memory_space<vmem>>
        %dma_wait3A_258 = arith.constant 0 : i32
        %dma_wait3A_259 = arith.constant 0 : i32
        %dma_wait3A_260 = tpu.memref_slice %arg2[%arg1, %add3A_244, %dma_wait3A_258, %dma_wait3A_259] : memref<16x80x2x128xi32, #tpu.memory_space<hbm>> -> memref<1x1x2x128xi32, #tpu.memory_space<hbm>>
        %dma_wait3A_261 = tpu.memref_squeeze %dma_wait3A_260 : memref<1x1x2x128xi32, #tpu.memory_space<hbm>> -> memref<2x128xi32, #tpu.memory_space<hbm>>
        tpu.wait_dma2 semaphore(%arg13 : memref<!tpu.dma_semaphore, #tpu.memory_space<semaphore_mem>>) src(%dma_wait3A_261 : memref<2x128xi32, #tpu.memory_space<hbm>>) dst(%dma_wait3A_257 : memref<2x128xi32, #tpu.memory_space<vmem>>)
        %dma_start3A_262 = arith.constant 2 : i32
        %dma_start3A_263 = arith.constant 0 : i32
        %dma_start3A_264 = arith.constant 0 : i32
        %dma_start3A_265 = arith.constant 0 : i32
        %dma_start3A_266 = arith.constant 0 : i32
        %dma_start3A_267 = tpu.memref_slice %arg9[%dma_start3A_264, %dma_start3A_265, %dma_start3A_266] : memref<2x128x128xf32, #tpu.memory_space<vmem>> -> memref<1x128x128xf32, #tpu.memory_space<vmem>>
        %dma_start3A_268 = tpu.memref_squeeze %dma_start3A_267 : memref<1x128x128xf32, #tpu.memory_space<vmem>> -> memref<128x128xf32, #tpu.memory_space<vmem>>
        %dma_start3A_269 = arith.constant 0 : i32
        %dma_start3A_270 = tpu.memref_slice %arg8[%dma_start3A_262, %dma_start3A_263, %dma_start3A_269] : memref<4x2x128xi32, #tpu.memory_space<vmem>> -> memref<1x1x128xi32, #tpu.memory_space<vmem>>
        %dma_start3A_271 = tpu.memref_squeeze %dma_start3A_270 : memref<1x1x128xi32, #tpu.memory_space<vmem>> -> memref<128xi32, #tpu.memory_space<vmem>>
        %dma_start3A_272 = arith.constant 0 : i32
        %dma_start3A_273 = arith.constant 0 : i32
        %dma_start3A_274 = tpu.memref_slice %arg3[%dma_start3A_272, %dma_start3A_273] : memref<10000x128xf32, #tpu.memory_space<hbm>> -> memref<10000x128xf32, #tpu.memory_space<hbm>>
        tpu.enqueue_indirect_dma source(%dma_start3A_274 : memref<10000x128xf32, #tpu.memory_space<hbm>>) target(%dma_start3A_268 : memref<128x128xf32, #tpu.memory_space<vmem>>) offsets(%dma_start3A_271 : memref<128xi32, #tpu.memory_space<vmem>>) semaphore(%arg15 : memref<!tpu.dma_semaphore, #tpu.memory_space<semaphore_mem>>)
        %add3A_275 = arith.constant 2 : i32
        %add3A_276 = arith.addi %mul3A_134, %add3A_275 : i32
        %dma_wait3A_277 = arith.constant 2 : i32
        %dma_wait3A_278 = arith.constant 0 : i32
        %dma_wait3A_279 = arith.constant 0 : i32
        %dma_wait3A_280 = arith.constant 0 : i32
        %dma_wait3A_281 = arith.constant 0 : i32
        %dma_wait3A_282 = tpu.memref_slice %arg9[%dma_wait3A_279, %dma_wait3A_280, %dma_wait3A_281] : memref<2x128x128xf32, #tpu.memory_space<vmem>> -> memref<1x128x128xf32, #tpu.memory_space<vmem>>
        %dma_wait3A_283 = tpu.memref_squeeze %dma_wait3A_282 : memref<1x128x128xf32, #tpu.memory_space<vmem>> -> memref<128x128xf32, #tpu.memory_space<vmem>>
        %dma_wait3A_284 = arith.constant 0 : i32
        %dma_wait3A_285 = tpu.memref_slice %arg8[%dma_wait3A_277, %dma_wait3A_278, %dma_wait3A_284] : memref<4x2x128xi32, #tpu.memory_space<vmem>> -> memref<1x1x128xi32, #tpu.memory_space<vmem>>
        %dma_wait3A_286 = tpu.memref_squeeze %dma_wait3A_285 : memref<1x1x128xi32, #tpu.memory_space<vmem>> -> memref<128xi32, #tpu.memory_space<vmem>>
        %dma_wait3A_287 = arith.constant 0 : i32
        %dma_wait3A_288 = arith.constant 0 : i32
        %dma_wait3A_289 = tpu.memref_slice %arg3[%dma_wait3A_287, %dma_wait3A_288] : memref<10000x128xf32, #tpu.memory_space<hbm>> -> memref<10000x128xf32, #tpu.memory_space<hbm>>
        tpu.wait_indirect_dma semaphore(%arg15 : memref<!tpu.dma_semaphore, #tpu.memory_space<semaphore_mem>>) src(%dma_wait3A_289 : memref<10000x128xf32, #tpu.memory_space<hbm>>) dst(%dma_wait3A_283 : memref<128x128xf32, #tpu.memory_space<vmem>>)
        %dma_start3A_290 = arith.constant 0 : i32
        %dma_start3A_291 = arith.constant 2 : i32
        %dma_start3A_292 = arith.constant 1 : i32
        %dma_start3A_293 = arith.constant 0 : i32
        %dma_start3A_294 = arith.constant 0 : i32
        %dma_start3A_295 = tpu.memref_slice %arg9[%dma_start3A_290, %dma_start3A_293, %dma_start3A_294] : memref<2x128x128xf32, #tpu.memory_space<vmem>> -> memref<1x128x128xf32, #tpu.memory_space<vmem>>
        %dma_start3A_296 = tpu.memref_squeeze %dma_start3A_295 : memref<1x128x128xf32, #tpu.memory_space<vmem>> -> memref<128x128xf32, #tpu.memory_space<vmem>>
        %dma_start3A_297 = arith.constant 0 : i32
        %dma_start3A_298 = tpu.memref_slice %arg8[%dma_start3A_291, %dma_start3A_292, %dma_start3A_297] : memref<4x2x128xi32, #tpu.memory_space<vmem>> -> memref<1x1x128xi32, #tpu.memory_space<vmem>>
        %dma_start3A_299 = tpu.memref_squeeze %dma_start3A_298 : memref<1x1x128xi32, #tpu.memory_space<vmem>> -> memref<128xi32, #tpu.memory_space<vmem>>
        %dma_start3A_300 = arith.constant 0 : i32
        %dma_start3A_301 = arith.constant 0 : i32
        %dma_start3A_302 = tpu.memref_slice %arg10[%dma_start3A_300, %dma_start3A_301] : memref<10112x128xf32, #tpu.memory_space<vmem_shared>> -> memref<10112x128xf32, #tpu.memory_space<vmem_shared>>
        tpu.enqueue_indirect_dma source(%dma_start3A_296 : memref<128x128xf32, #tpu.memory_space<vmem>>) target(%dma_start3A_302 : memref<10112x128xf32, #tpu.memory_space<vmem_shared>>) offsets(%dma_start3A_299 : memref<128xi32, #tpu.memory_space<vmem>>) semaphore(%arg17 : memref<!tpu.dma_semaphore, #tpu.memory_space<semaphore_mem>>) {add = true}
        %dma_wait3A_303 = arith.constant 1 : i32
        %dma_wait3A_304 = arith.constant 1 : i32
        %dma_wait3A_305 = arith.constant 1 : i32
        %dma_wait3A_306 = arith.constant 0 : i32
        %dma_wait3A_307 = arith.constant 0 : i32
        %dma_wait3A_308 = tpu.memref_slice %arg9[%dma_wait3A_303, %dma_wait3A_306, %dma_wait3A_307] : memref<2x128x128xf32, #tpu.memory_space<vmem>> -> memref<1x128x128xf32, #tpu.memory_space<vmem>>
        %dma_wait3A_309 = tpu.memref_squeeze %dma_wait3A_308 : memref<1x128x128xf32, #tpu.memory_space<vmem>> -> memref<128x128xf32, #tpu.memory_space<vmem>>
        %dma_wait3A_310 = arith.constant 0 : i32
        %dma_wait3A_311 = tpu.memref_slice %arg8[%dma_wait3A_304, %dma_wait3A_305, %dma_wait3A_310] : memref<4x2x128xi32, #tpu.memory_space<vmem>> -> memref<1x1x128xi32, #tpu.memory_space<vmem>>
        %dma_wait3A_312 = tpu.memref_squeeze %dma_wait3A_311 : memref<1x1x128xi32, #tpu.memory_space<vmem>> -> memref<128xi32, #tpu.memory_space<vmem>>
        %dma_wait3A_313 = arith.constant 0 : i32
        %dma_wait3A_314 = arith.constant 0 : i32
        %dma_wait3A_315 = tpu.memref_slice %arg10[%dma_wait3A_313, %dma_wait3A_314] : memref<10112x128xf32, #tpu.memory_space<vmem_shared>> -> memref<10112x128xf32, #tpu.memory_space<vmem_shared>>
        tpu.wait_indirect_dma semaphore(%arg18 : memref<!tpu.dma_semaphore, #tpu.memory_space<semaphore_mem>>) src(%dma_wait3A_309 : memref<128x128xf32, #tpu.memory_space<vmem>>) dst(%dma_wait3A_315 : memref<10112x128xf32, #tpu.memory_space<vmem_shared>>)
        %lt3A_316 = arith.constant 19 : i32
        %lt3A_317 = arith.cmpi slt, %scan3A_132, %lt3A_316 : i32
        %convert_element_type3A_318 = arith.extui %lt3A_317 : i1 to i32
        %cond3A_319 = arith.constant 0 : i32
        %cond3A_320 = arith.cmpi ne, %convert_element_type3A_318, %cond3A_319 : i32
        scf.if %cond3A_320 {
          %add3A_399 = arith.constant 3 : i32
          %add3A_400 = arith.addi %add3A_276, %add3A_399 : i32
          %dma_start3A_401 = arith.constant 1 : i32
          %dma_start3A_402 = arith.constant 0 : i32
          %dma_start3A_403 = arith.constant 0 : i32
          %dma_start3A_404 = tpu.memref_slice %arg8[%dma_start3A_401, %dma_start3A_402, %dma_start3A_403] : memref<4x2x128xi32, #tpu.memory_space<vmem>> -> memref<1x2x128xi32, #tpu.memory_space<vmem>>
          %dma_start3A_405 = tpu.memref_squeeze %dma_start3A_404 : memref<1x2x128xi32, #tpu.memory_space<vmem>> -> memref<2x128xi32, #tpu.memory_space<vmem>>
          %dma_start3A_406 = arith.constant 0 : i32
          %dma_start3A_407 = arith.constant 0 : i32
          %dma_start3A_408 = tpu.memref_slice %arg2[%arg1, %add3A_400, %dma_start3A_406, %dma_start3A_407] : memref<16x80x2x128xi32, #tpu.memory_space<hbm>> -> memref<1x1x2x128xi32, #tpu.memory_space<hbm>>
          %dma_start3A_409 = tpu.memref_squeeze %dma_start3A_408 : memref<1x1x2x128xi32, #tpu.memory_space<hbm>> -> memref<2x128xi32, #tpu.memory_space<hbm>>
          %dma_start3A_410 = arith.constant 0 : i32
          %dma_start3A_411 = arith.constant 0 : i32
          %dma_start3A_412 = tpu.memref_slice %arg8[%dma_start3A_401, %dma_start3A_410, %dma_start3A_411] : memref<4x2x128xi32, #tpu.memory_space<vmem>> -> memref<1x2x128xi32, #tpu.memory_space<vmem>>
          %dma_start3A_413 = tpu.memref_squeeze %dma_start3A_412 : memref<1x2x128xi32, #tpu.memory_space<vmem>> -> memref<2x128xi32, #tpu.memory_space<vmem>>
          %dma_start3A_414 = arith.constant 0 : i32
          %dma_start3A_415 = arith.constant 0 : i32
          %dma_start3A_416 = tpu.memref_slice %arg2[%arg1, %add3A_400, %dma_start3A_414, %dma_start3A_415] : memref<16x80x2x128xi32, #tpu.memory_space<hbm>> -> memref<1x1x2x128xi32, #tpu.memory_space<hbm>>
          %dma_start3A_417 = tpu.memref_squeeze %dma_start3A_416 : memref<1x1x2x128xi32, #tpu.memory_space<hbm>> -> memref<2x128xi32, #tpu.memory_space<hbm>>
          tpu.enqueue_dma source(%dma_start3A_417 : memref<2x128xi32, #tpu.memory_space<hbm>>) target(%dma_start3A_413 : memref<2x128xi32, #tpu.memory_space<vmem>>) target_semaphore(%arg12 : memref<!tpu.dma_semaphore, #tpu.memory_space<semaphore_mem>>)
        } else {
        }
        %add3A_321 = arith.constant 1 : i32
        %add3A_322 = arith.addi %add3A_276, %add3A_321 : i32
        %dma_wait3A_323 = arith.constant 3 : i32
        %dma_wait3A_324 = arith.constant 0 : i32
        %dma_wait3A_325 = arith.constant 0 : i32
        %dma_wait3A_326 = tpu.memref_slice %arg8[%dma_wait3A_323, %dma_wait3A_324, %dma_wait3A_325] : memref<4x2x128xi32, #tpu.memory_space<vmem>> -> memref<1x2x128xi32, #tpu.memory_space<vmem>>
        %dma_wait3A_327 = tpu.memref_squeeze %dma_wait3A_326 : memref<1x2x128xi32, #tpu.memory_space<vmem>> -> memref<2x128xi32, #tpu.memory_space<vmem>>
        %dma_wait3A_328 = arith.constant 0 : i32
        %dma_wait3A_329 = arith.constant 0 : i32
        %dma_wait3A_330 = tpu.memref_slice %arg2[%arg1, %add3A_322, %dma_wait3A_328, %dma_wait3A_329] : memref<16x80x2x128xi32, #tpu.memory_space<hbm>> -> memref<1x1x2x128xi32, #tpu.memory_space<hbm>>
        %dma_wait3A_331 = tpu.memref_squeeze %dma_wait3A_330 : memref<1x1x2x128xi32, #tpu.memory_space<hbm>> -> memref<2x128xi32, #tpu.memory_space<hbm>>
        %dma_wait3A_332 = arith.constant 0 : i32
        %dma_wait3A_333 = arith.constant 0 : i32
        %dma_wait3A_334 = tpu.memref_slice %arg8[%dma_wait3A_323, %dma_wait3A_332, %dma_wait3A_333] : memref<4x2x128xi32, #tpu.memory_space<vmem>> -> memref<1x2x128xi32, #tpu.memory_space<vmem>>
        %dma_wait3A_335 = tpu.memref_squeeze %dma_wait3A_334 : memref<1x2x128xi32, #tpu.memory_space<vmem>> -> memref<2x128xi32, #tpu.memory_space<vmem>>
        %dma_wait3A_336 = arith.constant 0 : i32
        %dma_wait3A_337 = arith.constant 0 : i32
        %dma_wait3A_338 = tpu.memref_slice %arg2[%arg1, %add3A_322, %dma_wait3A_336, %dma_wait3A_337] : memref<16x80x2x128xi32, #tpu.memory_space<hbm>> -> memref<1x1x2x128xi32, #tpu.memory_space<hbm>>
        %dma_wait3A_339 = tpu.memref_squeeze %dma_wait3A_338 : memref<1x1x2x128xi32, #tpu.memory_space<hbm>> -> memref<2x128xi32, #tpu.memory_space<hbm>>
        tpu.wait_dma2 semaphore(%arg14 : memref<!tpu.dma_semaphore, #tpu.memory_space<semaphore_mem>>) src(%dma_wait3A_339 : memref<2x128xi32, #tpu.memory_space<hbm>>) dst(%dma_wait3A_335 : memref<2x128xi32, #tpu.memory_space<vmem>>)
        %dma_start3A_340 = arith.constant 3 : i32
        %dma_start3A_341 = arith.constant 0 : i32
        %dma_start3A_342 = arith.constant 1 : i32
        %dma_start3A_343 = arith.constant 0 : i32
        %dma_start3A_344 = arith.constant 0 : i32
        %dma_start3A_345 = tpu.memref_slice %arg9[%dma_start3A_342, %dma_start3A_343, %dma_start3A_344] : memref<2x128x128xf32, #tpu.memory_space<vmem>> -> memref<1x128x128xf32, #tpu.memory_space<vmem>>
        %dma_start3A_346 = tpu.memref_squeeze %dma_start3A_345 : memref<1x128x128xf32, #tpu.memory_space<vmem>> -> memref<128x128xf32, #tpu.memory_space<vmem>>
        %dma_start3A_347 = arith.constant 0 : i32
        %dma_start3A_348 = tpu.memref_slice %arg8[%dma_start3A_340, %dma_start3A_341, %dma_start3A_347] : memref<4x2x128xi32, #tpu.memory_space<vmem>> -> memref<1x1x128xi32, #tpu.memory_space<vmem>>
        %dma_start3A_349 = tpu.memref_squeeze %dma_start3A_348 : memref<1x1x128xi32, #tpu.memory_space<vmem>> -> memref<128xi32, #tpu.memory_space<vmem>>
        %dma_start3A_350 = arith.constant 0 : i32
        %dma_start3A_351 = arith.constant 0 : i32
        %dma_start3A_352 = tpu.memref_slice %arg3[%dma_start3A_350, %dma_start3A_351] : memref<10000x128xf32, #tpu.memory_space<hbm>> -> memref<10000x128xf32, #tpu.memory_space<hbm>>
        tpu.enqueue_indirect_dma source(%dma_start3A_352 : memref<10000x128xf32, #tpu.memory_space<hbm>>) target(%dma_start3A_346 : memref<128x128xf32, #tpu.memory_space<vmem>>) offsets(%dma_start3A_349 : memref<128xi32, #tpu.memory_space<vmem>>) semaphore(%arg16 : memref<!tpu.dma_semaphore, #tpu.memory_space<semaphore_mem>>)
        %add3A_353 = arith.constant 3 : i32
        %add3A_354 = arith.addi %mul3A_134, %add3A_353 : i32
        %dma_wait3A_355 = arith.constant 3 : i32
        %dma_wait3A_356 = arith.constant 0 : i32
        %dma_wait3A_357 = arith.constant 1 : i32
        %dma_wait3A_358 = arith.constant 0 : i32
        %dma_wait3A_359 = arith.constant 0 : i32
        %dma_wait3A_360 = tpu.memref_slice %arg9[%dma_wait3A_357, %dma_wait3A_358, %dma_wait3A_359] : memref<2x128x128xf32, #tpu.memory_space<vmem>> -> memref<1x128x128xf32, #tpu.memory_space<vmem>>
        %dma_wait3A_361 = tpu.memref_squeeze %dma_wait3A_360 : memref<1x128x128xf32, #tpu.memory_space<vmem>> -> memref<128x128xf32, #tpu.memory_space<vmem>>
        %dma_wait3A_362 = arith.constant 0 : i32
        %dma_wait3A_363 = tpu.memref_slice %arg8[%dma_wait3A_355, %dma_wait3A_356, %dma_wait3A_362] : memref<4x2x128xi32, #tpu.memory_space<vmem>> -> memref<1x1x128xi32, #tpu.memory_space<vmem>>
        %dma_wait3A_364 = tpu.memref_squeeze %dma_wait3A_363 : memref<1x1x128xi32, #tpu.memory_space<vmem>> -> memref<128xi32, #tpu.memory_space<vmem>>
        %dma_wait3A_365 = arith.constant 0 : i32
        %dma_wait3A_366 = arith.constant 0 : i32
        %dma_wait3A_367 = tpu.memref_slice %arg3[%dma_wait3A_365, %dma_wait3A_366] : memref<10000x128xf32, #tpu.memory_space<hbm>> -> memref<10000x128xf32, #tpu.memory_space<hbm>>
        tpu.wait_indirect_dma semaphore(%arg16 : memref<!tpu.dma_semaphore, #tpu.memory_space<semaphore_mem>>) src(%dma_wait3A_367 : memref<10000x128xf32, #tpu.memory_space<hbm>>) dst(%dma_wait3A_361 : memref<128x128xf32, #tpu.memory_space<vmem>>)
        %dma_start3A_368 = arith.constant 1 : i32
        %dma_start3A_369 = arith.constant 3 : i32
        %dma_start3A_370 = arith.constant 1 : i32
        %dma_start3A_371 = arith.constant 0 : i32
        %dma_start3A_372 = arith.constant 0 : i32
        %dma_start3A_373 = tpu.memref_slice %arg9[%dma_start3A_368, %dma_start3A_371, %dma_start3A_372] : memref<2x128x128xf32, #tpu.memory_space<vmem>> -> memref<1x128x128xf32, #tpu.memory_space<vmem>>
        %dma_start3A_374 = tpu.memref_squeeze %dma_start3A_373 : memref<1x128x128xf32, #tpu.memory_space<vmem>> -> memref<128x128xf32, #tpu.memory_space<vmem>>
        %dma_start3A_375 = arith.constant 0 : i32
        %dma_start3A_376 = tpu.memref_slice %arg8[%dma_start3A_369, %dma_start3A_370, %dma_start3A_375] : memref<4x2x128xi32, #tpu.memory_space<vmem>> -> memref<1x1x128xi32, #tpu.memory_space<vmem>>
        %dma_start3A_377 = tpu.memref_squeeze %dma_start3A_376 : memref<1x1x128xi32, #tpu.memory_space<vmem>> -> memref<128xi32, #tpu.memory_space<vmem>>
        %dma_start3A_378 = arith.constant 0 : i32
        %dma_start3A_379 = arith.constant 0 : i32
        %dma_start3A_380 = tpu.memref_slice %arg10[%dma_start3A_378, %dma_start3A_379] : memref<10112x128xf32, #tpu.memory_space<vmem_shared>> -> memref<10112x128xf32, #tpu.memory_space<vmem_shared>>
        tpu.enqueue_indirect_dma source(%dma_start3A_374 : memref<128x128xf32, #tpu.memory_space<vmem>>) target(%dma_start3A_380 : memref<10112x128xf32, #tpu.memory_space<vmem_shared>>) offsets(%dma_start3A_377 : memref<128xi32, #tpu.memory_space<vmem>>) semaphore(%arg18 : memref<!tpu.dma_semaphore, #tpu.memory_space<semaphore_mem>>) {add = true}
        %dma_wait3A_381 = arith.constant 0 : i32
        %dma_wait3A_382 = arith.constant 2 : i32
        %dma_wait3A_383 = arith.constant 1 : i32
        %dma_wait3A_384 = arith.constant 0 : i32
        %dma_wait3A_385 = arith.constant 0 : i32
        %dma_wait3A_386 = tpu.memref_slice %arg9[%dma_wait3A_381, %dma_wait3A_384, %dma_wait3A_385] : memref<2x128x128xf32, #tpu.memory_space<vmem>> -> memref<1x128x128xf32, #tpu.memory_space<vmem>>
        %dma_wait3A_387 = tpu.memref_squeeze %dma_wait3A_386 : memref<1x128x128xf32, #tpu.memory_space<vmem>> -> memref<128x128xf32, #tpu.memory_space<vmem>>
        %dma_wait3A_388 = arith.constant 0 : i32
        %dma_wait3A_389 = tpu.memref_slice %arg8[%dma_wait3A_382, %dma_wait3A_383, %dma_wait3A_388] : memref<4x2x128xi32, #tpu.memory_space<vmem>> -> memref<1x1x128xi32, #tpu.memory_space<vmem>>
        %dma_wait3A_390 = tpu.memref_squeeze %dma_wait3A_389 : memref<1x1x128xi32, #tpu.memory_space<vmem>> -> memref<128xi32, #tpu.memory_space<vmem>>
        %dma_wait3A_391 = arith.constant 0 : i32
        %dma_wait3A_392 = arith.constant 0 : i32
        %dma_wait3A_393 = tpu.memref_slice %arg10[%dma_wait3A_391, %dma_wait3A_392] : memref<10112x128xf32, #tpu.memory_space<vmem_shared>> -> memref<10112x128xf32, #tpu.memory_space<vmem_shared>>
        tpu.wait_indirect_dma semaphore(%arg17 : memref<!tpu.dma_semaphore, #tpu.memory_space<semaphore_mem>>) src(%dma_wait3A_387 : memref<128x128xf32, #tpu.memory_space<vmem>>) dst(%dma_wait3A_393 : memref<10112x128xf32, #tpu.memory_space<vmem_shared>>)
        %lt3A_394 = arith.constant 19 : i32
        %lt3A_395 = arith.cmpi slt, %scan3A_132, %lt3A_394 : i32
        %convert_element_type3A_396 = arith.extui %lt3A_395 : i1 to i32
        %cond3A_397 = arith.constant 0 : i32
        %cond3A_398 = arith.cmpi ne, %convert_element_type3A_396, %cond3A_397 : i32
        scf.if %cond3A_398 {
          %add3A_399 = arith.constant 3 : i32
          %add3A_400 = arith.addi %add3A_354, %add3A_399 : i32
          %dma_start3A_401 = arith.constant 2 : i32
          %dma_start3A_402 = arith.constant 0 : i32
          %dma_start3A_403 = arith.constant 0 : i32
          %dma_start3A_404 = tpu.memref_slice %arg8[%dma_start3A_401, %dma_start3A_402, %dma_start3A_403] : memref<4x2x128xi32, #tpu.memory_space<vmem>> -> memref<1x2x128xi32, #tpu.memory_space<vmem>>
          %dma_start3A_405 = tpu.memref_squeeze %dma_start3A_404 : memref<1x2x128xi32, #tpu.memory_space<vmem>> -> memref<2x128xi32, #tpu.memory_space<vmem>>
          %dma_start3A_406 = arith.constant 0 : i32
          %dma_start3A_407 = arith.constant 0 : i32
          %dma_start3A_408 = tpu.memref_slice %arg2[%arg1, %add3A_400, %dma_start3A_406, %dma_start3A_407] : memref<16x80x2x128xi32, #tpu.memory_space<hbm>> -> memref<1x1x2x128xi32, #tpu.memory_space<hbm>>
          %dma_start3A_409 = tpu.memref_squeeze %dma_start3A_408 : memref<1x1x2x128xi32, #tpu.memory_space<hbm>> -> memref<2x128xi32, #tpu.memory_space<hbm>>
          %dma_start3A_410 = arith.constant 0 : i32
          %dma_start3A_411 = arith.constant 0 : i32
          %dma_start3A_412 = tpu.memref_slice %arg8[%dma_start3A_401, %dma_start3A_410, %dma_start3A_411] : memref<4x2x128xi32, #tpu.memory_space<vmem>> -> memref<1x2x128xi32, #tpu.memory_space<vmem>>
          %dma_start3A_413 = tpu.memref_squeeze %dma_start3A_412 : memref<1x2x128xi32, #tpu.memory_space<vmem>> -> memref<2x128xi32, #tpu.memory_space<vmem>>
          %dma_start3A_414 = arith.constant 0 : i32
          %dma_start3A_415 = arith.constant 0 : i32
          %dma_start3A_416 = tpu.memref_slice %arg2[%arg1, %add3A_400, %dma_start3A_414, %dma_start3A_415] : memref<16x80x2x128xi32, #tpu.memory_space<hbm>> -> memref<1x1x2x128xi32, #tpu.memory_space<hbm>>
          %dma_start3A_417 = tpu.memref_squeeze %dma_start3A_416 : memref<1x1x2x128xi32, #tpu.memory_space<hbm>> -> memref<2x128xi32, #tpu.memory_space<hbm>>
          tpu.enqueue_dma source(%dma_start3A_417 : memref<2x128xi32, #tpu.memory_space<hbm>>) target(%dma_start3A_413 : memref<2x128xi32, #tpu.memory_space<vmem>>) target_semaphore(%arg13 : memref<!tpu.dma_semaphore, #tpu.memory_space<semaphore_mem>>)
          %add3A_418 = arith.constant 1 : i32
          %add3A_419 = arith.addi %add3A_354, %add3A_418 : i32
          %dma_wait3A_420 = arith.constant 0 : i32
          %dma_wait3A_421 = arith.constant 0 : i32
          %dma_wait3A_422 = arith.constant 0 : i32
          %dma_wait3A_423 = tpu.memref_slice %arg8[%dma_wait3A_420, %dma_wait3A_421, %dma_wait3A_422] : memref<4x2x128xi32, #tpu.memory_space<vmem>> -> memref<1x2x128xi32, #tpu.memory_space<vmem>>
          %dma_wait3A_424 = tpu.memref_squeeze %dma_wait3A_423 : memref<1x2x128xi32, #tpu.memory_space<vmem>> -> memref<2x128xi32, #tpu.memory_space<vmem>>
          %dma_wait3A_425 = arith.constant 0 : i32
          %dma_wait3A_426 = arith.constant 0 : i32
          %dma_wait3A_427 = tpu.memref_slice %arg2[%arg1, %add3A_419, %dma_wait3A_425, %dma_wait3A_426] : memref<16x80x2x128xi32, #tpu.memory_space<hbm>> -> memref<1x1x2x128xi32, #tpu.memory_space<hbm>>
          %dma_wait3A_428 = tpu.memref_squeeze %dma_wait3A_427 : memref<1x1x2x128xi32, #tpu.memory_space<hbm>> -> memref<2x128xi32, #tpu.memory_space<hbm>>
          %dma_wait3A_429 = arith.constant 0 : i32
          %dma_wait3A_430 = arith.constant 0 : i32
          %dma_wait3A_431 = tpu.memref_slice %arg8[%dma_wait3A_420, %dma_wait3A_429, %dma_wait3A_430] : memref<4x2x128xi32, #tpu.memory_space<vmem>> -> memref<1x2x128xi32, #tpu.memory_space<vmem>>
          %dma_wait3A_432 = tpu.memref_squeeze %dma_wait3A_431 : memref<1x2x128xi32, #tpu.memory_space<vmem>> -> memref<2x128xi32, #tpu.memory_space<vmem>>
          %dma_wait3A_433 = arith.constant 0 : i32
          %dma_wait3A_434 = arith.constant 0 : i32
          %dma_wait3A_435 = tpu.memref_slice %arg2[%arg1, %add3A_419, %dma_wait3A_433, %dma_wait3A_434] : memref<16x80x2x128xi32, #tpu.memory_space<hbm>> -> memref<1x1x2x128xi32, #tpu.memory_space<hbm>>
          %dma_wait3A_436 = tpu.memref_squeeze %dma_wait3A_435 : memref<1x1x2x128xi32, #tpu.memory_space<hbm>> -> memref<2x128xi32, #tpu.memory_space<hbm>>
          tpu.wait_dma2 semaphore(%arg11 : memref<!tpu.dma_semaphore, #tpu.memory_space<semaphore_mem>>) src(%dma_wait3A_436 : memref<2x128xi32, #tpu.memory_space<hbm>>) dst(%dma_wait3A_432 : memref<2x128xi32, #tpu.memory_space<vmem>>)
          %dma_start3A_437 = arith.constant 0 : i32
          %dma_start3A_438 = arith.constant 0 : i32
          %dma_start3A_439 = arith.constant 0 : i32
          %dma_start3A_440 = arith.constant 0 : i32
          %dma_start3A_441 = arith.constant 0 : i32
          %dma_start3A_442 = tpu.memref_slice %arg9[%dma_start3A_439, %dma_start3A_440, %dma_start3A_441] : memref<2x128x128xf32, #tpu.memory_space<vmem>> -> memref<1x128x128xf32, #tpu.memory_space<vmem>>
          %dma_start3A_443 = tpu.memref_squeeze %dma_start3A_442 : memref<1x128x128xf32, #tpu.memory_space<vmem>> -> memref<128x128xf32, #tpu.memory_space<vmem>>
          %dma_start3A_444 = arith.constant 0 : i32
          %dma_start3A_445 = tpu.memref_slice %arg8[%dma_start3A_437, %dma_start3A_438, %dma_start3A_444] : memref<4x2x128xi32, #tpu.memory_space<vmem>> -> memref<1x1x128xi32, #tpu.memory_space<vmem>>
          %dma_start3A_446 = tpu.memref_squeeze %dma_start3A_445 : memref<1x1x128xi32, #tpu.memory_space<vmem>> -> memref<128xi32, #tpu.memory_space<vmem>>
          %dma_start3A_447 = arith.constant 0 : i32
          %dma_start3A_448 = arith.constant 0 : i32
          %dma_start3A_449 = tpu.memref_slice %arg3[%dma_start3A_447, %dma_start3A_448] : memref<10000x128xf32, #tpu.memory_space<hbm>> -> memref<10000x128xf32, #tpu.memory_space<hbm>>
          tpu.enqueue_indirect_dma source(%dma_start3A_449 : memref<10000x128xf32, #tpu.memory_space<hbm>>) target(%dma_start3A_443 : memref<128x128xf32, #tpu.memory_space<vmem>>) offsets(%dma_start3A_446 : memref<128xi32, #tpu.memory_space<vmem>>) semaphore(%arg15 : memref<!tpu.dma_semaphore, #tpu.memory_space<semaphore_mem>>)
        } else {
        }
      }
      %scan3A_113 = arith.constant 20 : i32
      %dma_wait3A_114 = arith.constant 1 : i32
      %dma_wait3A_115 = arith.constant 3 : i32
      %dma_wait3A_116 = arith.constant 1 : i32
      %dma_wait3A_117 = arith.constant 0 : i32
      %dma_wait3A_118 = arith.constant 0 : i32
      %dma_wait3A_119 = tpu.memref_slice %arg9[%dma_wait3A_114, %dma_wait3A_117, %dma_wait3A_118] : memref<2x128x128xf32, #tpu.memory_space<vmem>> -> memref<1x128x128xf32, #tpu.memory_space<vmem>>
      %dma_wait3A_120 = tpu.memref_squeeze %dma_wait3A_119 : memref<1x128x128xf32, #tpu.memory_space<vmem>> -> memref<128x128xf32, #tpu.memory_space<vmem>>
      %dma_wait3A_121 = arith.constant 0 : i32
      %dma_wait3A_122 = tpu.memref_slice %arg8[%dma_wait3A_115, %dma_wait3A_116, %dma_wait3A_121] : memref<4x2x128xi32, #tpu.memory_space<vmem>> -> memref<1x1x128xi32, #tpu.memory_space<vmem>>
      %dma_wait3A_123 = tpu.memref_squeeze %dma_wait3A_122 : memref<1x1x128xi32, #tpu.memory_space<vmem>> -> memref<128xi32, #tpu.memory_space<vmem>>
      %dma_wait3A_124 = arith.constant 0 : i32
      %dma_wait3A_125 = arith.constant 0 : i32
      %dma_wait3A_126 = tpu.memref_slice %arg10[%dma_wait3A_124, %dma_wait3A_125] : memref<10112x128xf32, #tpu.memory_space<vmem_shared>> -> memref<10112x128xf32, #tpu.memory_space<vmem_shared>>
      tpu.wait_indirect_dma semaphore(%arg18 : memref<!tpu.dma_semaphore, #tpu.memory_space<semaphore_mem>>) src(%dma_wait3A_120 : memref<128x128xf32, #tpu.memory_space<vmem>>) dst(%dma_wait3A_126 : memref<10112x128xf32, #tpu.memory_space<vmem_shared>>)
      %barrier3A_127 = arith.constant 0 : index
      tpu.barrier barrier_id(%barrier3A_127)
      %mul3A_128 = arith.constant 632 : i32
      %mul3A_129 = arith.muli %arg1, %mul3A_128 : i32
      %mul3A_130 = arith.constant 632 : i32
      %mul3A_131 = arith.muli %arg1, %mul3A_130 : i32
      "tpu.region"() ({
        %run_scoped3A = tpu.sem_alloc : memref<!tpu.dma_semaphore, #tpu.memory_space<semaphore_mem>>
        %dma_start3A_132 = arith.constant 0 : i32
        %dma_start3A_133 = tpu.memref_slice %arg6[%mul3A_131, %dma_start3A_132] : memref<10112x128xf32, #tpu.memory_space<hbm>> -> memref<632x128xf32, #tpu.memory_space<hbm>>
        %dma_start3A_134 = arith.constant 0 : i32
        %dma_start3A_135 = tpu.memref_slice %arg10[%mul3A_129, %dma_start3A_134] : memref<10112x128xf32, #tpu.memory_space<vmem_shared>> -> memref<632x128xf32, #tpu.memory_space<vmem_shared>>
        tpu.enqueue_dma source(%dma_start3A_135 : memref<632x128xf32, #tpu.memory_space<vmem_shared>>) target(%dma_start3A_133 : memref<632x128xf32, #tpu.memory_space<hbm>>) target_semaphore(%run_scoped3A : memref<!tpu.dma_semaphore, #tpu.memory_space<semaphore_mem>>)
        %dma_wait3A_136 = arith.constant 0 : i32
        %dma_wait3A_137 = tpu.memref_slice %arg6[%mul3A_131, %dma_wait3A_136] : memref<10112x128xf32, #tpu.memory_space<hbm>> -> memref<632x128xf32, #tpu.memory_space<hbm>>
        %dma_wait3A_138 = arith.constant 0 : i32
        %dma_wait3A_139 = tpu.memref_slice %arg10[%mul3A_129, %dma_wait3A_138] : memref<10112x128xf32, #tpu.memory_space<vmem_shared>> -> memref<632x128xf32, #tpu.memory_space<vmem_shared>>
        tpu.wait_dma2 semaphore(%run_scoped3A : memref<!tpu.dma_semaphore, #tpu.memory_space<semaphore_mem>>) src(%dma_wait3A_139 : memref<632x128xf32, #tpu.memory_space<vmem_shared>>) dst(%dma_wait3A_137 : memref<632x128xf32, #tpu.memory_space<hbm>>)
        tpu.yield
      }) : () -> ()
    } else {
    }
    %eq3A_2 = arith.constant 1 : i32
    %eq3A_3 = arith.cmpi eq, %arg0, %eq3A_2 : i32
    %convert_element_type3A_4 = arith.extui %eq3A_3 : i1 to i32
    %cond3A_5 = arith.constant 0 : i32
    %cond3A_6 = arith.cmpi ne, %convert_element_type3A_4, %cond3A_5 : i32
    scf.if %cond3A_6 {
      %dma_start3A = arith.constant 0 : i32
      %dma_start3A_7 = arith.constant 0 : i32
      %dma_start3A_8 = arith.constant 0 : i32
      %dma_start3A_9 = arith.constant 0 : i32
      %dma_start3A_10 = tpu.memref_slice %arg8[%dma_start3A_7, %dma_start3A_8, %dma_start3A_9] : memref<4x2x128xi32, #tpu.memory_space<vmem>> -> memref<1x2x128xi32, #tpu.memory_space<vmem>>
      %dma_start3A_11 = tpu.memref_squeeze %dma_start3A_10 : memref<1x2x128xi32, #tpu.memory_space<vmem>> -> memref<2x128xi32, #tpu.memory_space<vmem>>
      %dma_start3A_12 = arith.constant 0 : i32
      %dma_start3A_13 = arith.constant 0 : i32
      %dma_start3A_14 = tpu.memref_slice %arg2[%arg1, %dma_start3A, %dma_start3A_12, %dma_start3A_13] : memref<16x80x2x128xi32, #tpu.memory_space<hbm>> -> memref<1x1x2x128xi32, #tpu.memory_space<hbm>>
      %dma_start3A_15 = tpu.memref_squeeze %dma_start3A_14 : memref<1x1x2x128xi32, #tpu.memory_space<hbm>> -> memref<2x128xi32, #tpu.memory_space<hbm>>
      %dma_start3A_16 = arith.constant 0 : i32
      %dma_start3A_17 = arith.constant 0 : i32
      %dma_start3A_18 = tpu.memref_slice %arg8[%dma_start3A_7, %dma_start3A_16, %dma_start3A_17] : memref<4x2x128xi32, #tpu.memory_space<vmem>> -> memref<1x2x128xi32, #tpu.memory_space<vmem>>
      %dma_start3A_19 = tpu.memref_squeeze %dma_start3A_18 : memref<1x2x128xi32, #tpu.memory_space<vmem>> -> memref<2x128xi32, #tpu.memory_space<vmem>>
      %dma_start3A_20 = arith.constant 0 : i32
      %dma_start3A_21 = arith.constant 0 : i32
      %dma_start3A_22 = tpu.memref_slice %arg2[%arg1, %dma_start3A, %dma_start3A_20, %dma_start3A_21] : memref<16x80x2x128xi32, #tpu.memory_space<hbm>> -> memref<1x1x2x128xi32, #tpu.memory_space<hbm>>
      %dma_start3A_23 = tpu.memref_squeeze %dma_start3A_22 : memref<1x1x2x128xi32, #tpu.memory_space<hbm>> -> memref<2x128xi32, #tpu.memory_space<hbm>>
      tpu.enqueue_dma source(%dma_start3A_23 : memref<2x128xi32, #tpu.memory_space<hbm>>) target(%dma_start3A_19 : memref<2x128xi32, #tpu.memory_space<vmem>>) target_semaphore(%arg11 : memref<!tpu.dma_semaphore, #tpu.memory_space<semaphore_mem>>)
      %dma_start3A_24 = arith.constant 1 : i32
      %dma_start3A_25 = arith.constant 1 : i32
      %dma_start3A_26 = arith.constant 0 : i32
      %dma_start3A_27 = arith.constant 0 : i32
      %dma_start3A_28 = tpu.memref_slice %arg8[%dma_start3A_25, %dma_start3A_26, %dma_start3A_27] : memref<4x2x128xi32, #tpu.memory_space<vmem>> -> memref<1x2x128xi32, #tpu.memory_space<vmem>>
      %dma_start3A_29 = tpu.memref_squeeze %dma_start3A_28 : memref<1x2x128xi32, #tpu.memory_space<vmem>> -> memref<2x128xi32, #tpu.memory_space<vmem>>
      %dma_start3A_30 = arith.constant 0 : i32
      %dma_start3A_31 = arith.constant 0 : i32
      %dma_start3A_32 = tpu.memref_slice %arg2[%arg1, %dma_start3A_24, %dma_start3A_30, %dma_start3A_31] : memref<16x80x2x128xi32, #tpu.memory_space<hbm>> -> memref<1x1x2x128xi32, #tpu.memory_space<hbm>>
      %dma_start3A_33 = tpu.memref_squeeze %dma_start3A_32 : memref<1x1x2x128xi32, #tpu.memory_space<hbm>> -> memref<2x128xi32, #tpu.memory_space<hbm>>
      %dma_start3A_34 = arith.constant 0 : i32
      %dma_start3A_35 = arith.constant 0 : i32
      %dma_start3A_36 = tpu.memref_slice %arg8[%dma_start3A_25, %dma_start3A_34, %dma_start3A_35] : memref<4x2x128xi32, #tpu.memory_space<vmem>> -> memref<1x2x128xi32, #tpu.memory_space<vmem>>
      %dma_start3A_37 = tpu.memref_squeeze %dma_start3A_36 : memref<1x2x128xi32, #tpu.memory_space<vmem>> -> memref<2x128xi32, #tpu.memory_space<vmem>>
      %dma_start3A_38 = arith.constant 0 : i32
      %dma_start3A_39 = arith.constant 0 : i32
      %dma_start3A_40 = tpu.memref_slice %arg2[%arg1, %dma_start3A_24, %dma_start3A_38, %dma_start3A_39] : memref<16x80x2x128xi32, #tpu.memory_space<hbm>> -> memref<1x1x2x128xi32, #tpu.memory_space<hbm>>
      %dma_start3A_41 = tpu.memref_squeeze %dma_start3A_40 : memref<1x1x2x128xi32, #tpu.memory_space<hbm>> -> memref<2x128xi32, #tpu.memory_space<hbm>>
      tpu.enqueue_dma source(%dma_start3A_41 : memref<2x128xi32, #tpu.memory_space<hbm>>) target(%dma_start3A_37 : memref<2x128xi32, #tpu.memory_space<vmem>>) target_semaphore(%arg12 : memref<!tpu.dma_semaphore, #tpu.memory_space<semaphore_mem>>)
      %dma_start3A_42 = arith.constant 2 : i32
      %dma_start3A_43 = arith.constant 2 : i32
      %dma_start3A_44 = arith.constant 0 : i32
      %dma_start3A_45 = arith.constant 0 : i32
      %dma_start3A_46 = tpu.memref_slice %arg8[%dma_start3A_43, %dma_start3A_44, %dma_start3A_45] : memref<4x2x128xi32, #tpu.memory_space<vmem>> -> memref<1x2x128xi32, #tpu.memory_space<vmem>>
      %dma_start3A_47 = tpu.memref_squeeze %dma_start3A_46 : memref<1x2x128xi32, #tpu.memory_space<vmem>> -> memref<2x128xi32, #tpu.memory_space<vmem>>
      %dma_start3A_48 = arith.constant 0 : i32
      %dma_start3A_49 = arith.constant 0 : i32
      %dma_start3A_50 = tpu.memref_slice %arg2[%arg1, %dma_start3A_42, %dma_start3A_48, %dma_start3A_49] : memref<16x80x2x128xi32, #tpu.memory_space<hbm>> -> memref<1x1x2x128xi32, #tpu.memory_space<hbm>>
      %dma_start3A_51 = tpu.memref_squeeze %dma_start3A_50 : memref<1x1x2x128xi32, #tpu.memory_space<hbm>> -> memref<2x128xi32, #tpu.memory_space<hbm>>
      %dma_start3A_52 = arith.constant 0 : i32
      %dma_start3A_53 = arith.constant 0 : i32
      %dma_start3A_54 = tpu.memref_slice %arg8[%dma_start3A_43, %dma_start3A_52, %dma_start3A_53] : memref<4x2x128xi32, #tpu.memory_space<vmem>> -> memref<1x2x128xi32, #tpu.memory_space<vmem>>
      %dma_start3A_55 = tpu.memref_squeeze %dma_start3A_54 : memref<1x2x128xi32, #tpu.memory_space<vmem>> -> memref<2x128xi32, #tpu.memory_space<vmem>>
      %dma_start3A_56 = arith.constant 0 : i32
      %dma_start3A_57 = arith.constant 0 : i32
      %dma_start3A_58 = tpu.memref_slice %arg2[%arg1, %dma_start3A_42, %dma_start3A_56, %dma_start3A_57] : memref<16x80x2x128xi32, #tpu.memory_space<hbm>> -> memref<1x1x2x128xi32, #tpu.memory_space<hbm>>
      %dma_start3A_59 = tpu.memref_squeeze %dma_start3A_58 : memref<1x1x2x128xi32, #tpu.memory_space<hbm>> -> memref<2x128xi32, #tpu.memory_space<hbm>>
      tpu.enqueue_dma source(%dma_start3A_59 : memref<2x128xi32, #tpu.memory_space<hbm>>) target(%dma_start3A_55 : memref<2x128xi32, #tpu.memory_space<vmem>>) target_semaphore(%arg13 : memref<!tpu.dma_semaphore, #tpu.memory_space<semaphore_mem>>)
      %dma_start3A_60 = arith.constant 3 : i32
      %dma_start3A_61 = arith.constant 3 : i32
      %dma_start3A_62 = arith.constant 0 : i32
      %dma_start3A_63 = arith.constant 0 : i32
      %dma_start3A_64 = tpu.memref_slice %arg8[%dma_start3A_61, %dma_start3A_62, %dma_start3A_63] : memref<4x2x128xi32, #tpu.memory_space<vmem>> -> memref<1x2x128xi32, #tpu.memory_space<vmem>>
      %dma_start3A_65 = tpu.memref_squeeze %dma_start3A_64 : memref<1x2x128xi32, #tpu.memory_space<vmem>> -> memref<2x128xi32, #tpu.memory_space<vmem>>
      %dma_start3A_66 = arith.constant 0 : i32
      %dma_start3A_67 = arith.constant 0 : i32
      %dma_start3A_68 = tpu.memref_slice %arg2[%arg1, %dma_start3A_60, %dma_start3A_66, %dma_start3A_67] : memref<16x80x2x128xi32, #tpu.memory_space<hbm>> -> memref<1x1x2x128xi32, #tpu.memory_space<hbm>>
      %dma_start3A_69 = tpu.memref_squeeze %dma_start3A_68 : memref<1x1x2x128xi32, #tpu.memory_space<hbm>> -> memref<2x128xi32, #tpu.memory_space<hbm>>
      %dma_start3A_70 = arith.constant 0 : i32
      %dma_start3A_71 = arith.constant 0 : i32
      %dma_start3A_72 = tpu.memref_slice %arg8[%dma_start3A_61, %dma_start3A_70, %dma_start3A_71] : memref<4x2x128xi32, #tpu.memory_space<vmem>> -> memref<1x2x128xi32, #tpu.memory_space<vmem>>
      %dma_start3A_73 = tpu.memref_squeeze %dma_start3A_72 : memref<1x2x128xi32, #tpu.memory_space<vmem>> -> memref<2x128xi32, #tpu.memory_space<vmem>>
      %dma_start3A_74 = arith.constant 0 : i32
      %dma_start3A_75 = arith.constant 0 : i32
      %dma_start3A_76 = tpu.memref_slice %arg2[%arg1, %dma_start3A_60, %dma_start3A_74, %dma_start3A_75] : memref<16x80x2x128xi32, #tpu.memory_space<hbm>> -> memref<1x1x2x128xi32, #tpu.memory_space<hbm>>
      %dma_start3A_77 = tpu.memref_squeeze %dma_start3A_76 : memref<1x1x2x128xi32, #tpu.memory_space<hbm>> -> memref<2x128xi32, #tpu.memory_space<hbm>>
      tpu.enqueue_dma source(%dma_start3A_77 : memref<2x128xi32, #tpu.memory_space<hbm>>) target(%dma_start3A_73 : memref<2x128xi32, #tpu.memory_space<vmem>>) target_semaphore(%arg14 : memref<!tpu.dma_semaphore, #tpu.memory_space<semaphore_mem>>)
      %dma_wait3A = arith.constant 0 : i32
      %dma_wait3A_78 = arith.constant 0 : i32
      %dma_wait3A_79 = arith.constant 0 : i32
      %dma_wait3A_80 = arith.constant 0 : i32
      %dma_wait3A_81 = tpu.memref_slice %arg8[%dma_wait3A_78, %dma_wait3A_79, %dma_wait3A_80] : memref<4x2x128xi32, #tpu.memory_space<vmem>> -> memref<1x2x128xi32, #tpu.memory_space<vmem>>
      %dma_wait3A_82 = tpu.memref_squeeze %dma_wait3A_81 : memref<1x2x128xi32, #tpu.memory_space<vmem>> -> memref<2x128xi32, #tpu.memory_space<vmem>>
      %dma_wait3A_83 = arith.constant 0 : i32
      %dma_wait3A_84 = arith.constant 0 : i32
      %dma_wait3A_85 = tpu.memref_slice %arg2[%arg1, %dma_wait3A, %dma_wait3A_83, %dma_wait3A_84] : memref<16x80x2x128xi32, #tpu.memory_space<hbm>> -> memref<1x1x2x128xi32, #tpu.memory_space<hbm>>
      %dma_wait3A_86 = tpu.memref_squeeze %dma_wait3A_85 : memref<1x1x2x128xi32, #tpu.memory_space<hbm>> -> memref<2x128xi32, #tpu.memory_space<hbm>>
      %dma_wait3A_87 = arith.constant 0 : i32
      %dma_wait3A_88 = arith.constant 0 : i32
      %dma_wait3A_89 = tpu.memref_slice %arg8[%dma_wait3A_78, %dma_wait3A_87, %dma_wait3A_88] : memref<4x2x128xi32, #tpu.memory_space<vmem>> -> memref<1x2x128xi32, #tpu.memory_space<vmem>>
      %dma_wait3A_90 = tpu.memref_squeeze %dma_wait3A_89 : memref<1x2x128xi32, #tpu.memory_space<vmem>> -> memref<2x128xi32, #tpu.memory_space<vmem>>
      %dma_wait3A_91 = arith.constant 0 : i32
      %dma_wait3A_92 = arith.constant 0 : i32
      %dma_wait3A_93 = tpu.memref_slice %arg2[%arg1, %dma_wait3A, %dma_wait3A_91, %dma_wait3A_92] : memref<16x80x2x128xi32, #tpu.memory_space<hbm>> -> memref<1x1x2x128xi32, #tpu.memory_space<hbm>>
      %dma_wait3A_94 = tpu.memref_squeeze %dma_wait3A_93 : memref<1x1x2x128xi32, #tpu.memory_space<hbm>> -> memref<2x128xi32, #tpu.memory_space<hbm>>
      tpu.wait_dma2 semaphore(%arg11 : memref<!tpu.dma_semaphore, #tpu.memory_space<semaphore_mem>>) src(%dma_wait3A_94 : memref<2x128xi32, #tpu.memory_space<hbm>>) dst(%dma_wait3A_90 : memref<2x128xi32, #tpu.memory_space<vmem>>)
      %dma_start3A_95 = arith.constant 0 : i32
      %dma_start3A_96 = arith.constant 0 : i32
      %dma_start3A_97 = arith.constant 0 : i32
      %dma_start3A_98 = arith.constant 0 : i32
      %dma_start3A_99 = arith.constant 0 : i32
      %dma_start3A_100 = tpu.memref_slice %arg9[%dma_start3A_97, %dma_start3A_98, %dma_start3A_99] : memref<2x128x128xf32, #tpu.memory_space<vmem>> -> memref<1x128x128xf32, #tpu.memory_space<vmem>>
      %dma_start3A_101 = tpu.memref_squeeze %dma_start3A_100 : memref<1x128x128xf32, #tpu.memory_space<vmem>> -> memref<128x128xf32, #tpu.memory_space<vmem>>
      %dma_start3A_102 = arith.constant 0 : i32
      %dma_start3A_103 = tpu.memref_slice %arg8[%dma_start3A_95, %dma_start3A_96, %dma_start3A_102] : memref<4x2x128xi32, #tpu.memory_space<vmem>> -> memref<1x1x128xi32, #tpu.memory_space<vmem>>
      %dma_start3A_104 = tpu.memref_squeeze %dma_start3A_103 : memref<1x1x128xi32, #tpu.memory_space<vmem>> -> memref<128xi32, #tpu.memory_space<vmem>>
      %dma_start3A_105 = arith.constant 0 : i32
      %dma_start3A_106 = arith.constant 0 : i32
      %dma_start3A_107 = tpu.memref_slice %arg4[%dma_start3A_105, %dma_start3A_106] : memref<10000x128xf32, #tpu.memory_space<hbm>> -> memref<10000x128xf32, #tpu.memory_space<hbm>>
      tpu.enqueue_indirect_dma source(%dma_start3A_107 : memref<10000x128xf32, #tpu.memory_space<hbm>>) target(%dma_start3A_101 : memref<128x128xf32, #tpu.memory_space<vmem>>) offsets(%dma_start3A_104 : memref<128xi32, #tpu.memory_space<vmem>>) semaphore(%arg15 : memref<!tpu.dma_semaphore, #tpu.memory_space<semaphore_mem>>)
      %mul3A = arith.constant 632 : i32
      %mul3A_108 = arith.muli %arg1, %mul3A : i32
      "tpu.region"() ({
        %run_scoped3A = tpu.sem_alloc : memref<!tpu.dma_semaphore, #tpu.memory_space<semaphore_mem>>
        %dma_start3A_132 = arith.constant 0 : i32
        %dma_start3A_133 = tpu.memref_slice %arg10[%mul3A_108, %dma_start3A_132] : memref<10112x128xf32, #tpu.memory_space<vmem_shared>> -> memref<632x128xf32, #tpu.memory_space<vmem_shared>>
        tpu.enqueue_dma source(%arg5 : memref<632x128xf32, #tpu.memory_space<hbm>>) target(%dma_start3A_133 : memref<632x128xf32, #tpu.memory_space<vmem_shared>>) target_semaphore(%run_scoped3A : memref<!tpu.dma_semaphore, #tpu.memory_space<semaphore_mem>>)
        %dma_wait3A_134 = arith.constant 0 : i32
        %dma_wait3A_135 = tpu.memref_slice %arg10[%mul3A_108, %dma_wait3A_134] : memref<10112x128xf32, #tpu.memory_space<vmem_shared>> -> memref<632x128xf32, #tpu.memory_space<vmem_shared>>
        tpu.wait_dma2 semaphore(%run_scoped3A : memref<!tpu.dma_semaphore, #tpu.memory_space<semaphore_mem>>) src(%arg5 : memref<632x128xf32, #tpu.memory_space<hbm>>) dst(%dma_wait3A_135 : memref<632x128xf32, #tpu.memory_space<vmem_shared>>)
        tpu.yield
      }) : () -> ()
      %barrier3A = arith.constant 0 : index
      tpu.barrier barrier_id(%barrier3A)
      %scan3A = arith.constant 0 : i32
      %scan3A_109 = arith.constant 0 : i32
      %scan3A_110 = arith.constant 20 : i32
      %scan3A_111 = arith.addi %scan3A_109, %scan3A_110 : i32
      %scan3A_112 = arith.constant 1 : i32
      scf.for %scan3A_132 = %scan3A_109 to %scan3A_111 step %scan3A_112  : i32 {
        %mul3A_133 = arith.constant 4 : i32
        %mul3A_134 = arith.muli %mul3A_133, %scan3A_132 : i32
        %add3A = arith.constant 0 : i32
        %add3A_135 = arith.addi %mul3A_134, %add3A : i32
        %dma_wait3A_136 = arith.constant 0 : i32
        %dma_wait3A_137 = arith.constant 0 : i32
        %dma_wait3A_138 = arith.constant 0 : i32
        %dma_wait3A_139 = arith.constant 0 : i32
        %dma_wait3A_140 = arith.constant 0 : i32
        %dma_wait3A_141 = tpu.memref_slice %arg9[%dma_wait3A_138, %dma_wait3A_139, %dma_wait3A_140] : memref<2x128x128xf32, #tpu.memory_space<vmem>> -> memref<1x128x128xf32, #tpu.memory_space<vmem>>
        %dma_wait3A_142 = tpu.memref_squeeze %dma_wait3A_141 : memref<1x128x128xf32, #tpu.memory_space<vmem>> -> memref<128x128xf32, #tpu.memory_space<vmem>>
        %dma_wait3A_143 = arith.constant 0 : i32
        %dma_wait3A_144 = tpu.memref_slice %arg8[%dma_wait3A_136, %dma_wait3A_137, %dma_wait3A_143] : memref<4x2x128xi32, #tpu.memory_space<vmem>> -> memref<1x1x128xi32, #tpu.memory_space<vmem>>
        %dma_wait3A_145 = tpu.memref_squeeze %dma_wait3A_144 : memref<1x1x128xi32, #tpu.memory_space<vmem>> -> memref<128xi32, #tpu.memory_space<vmem>>
        %dma_wait3A_146 = arith.constant 0 : i32
        %dma_wait3A_147 = arith.constant 0 : i32
        %dma_wait3A_148 = tpu.memref_slice %arg4[%dma_wait3A_146, %dma_wait3A_147] : memref<10000x128xf32, #tpu.memory_space<hbm>> -> memref<10000x128xf32, #tpu.memory_space<hbm>>
        tpu.wait_indirect_dma semaphore(%arg15 : memref<!tpu.dma_semaphore, #tpu.memory_space<semaphore_mem>>) src(%dma_wait3A_148 : memref<10000x128xf32, #tpu.memory_space<hbm>>) dst(%dma_wait3A_142 : memref<128x128xf32, #tpu.memory_space<vmem>>)
        %dma_start3A_149 = arith.constant 0 : i32
        %dma_start3A_150 = arith.constant 0 : i32
        %dma_start3A_151 = arith.constant 1 : i32
        %dma_start3A_152 = arith.constant 0 : i32
        %dma_start3A_153 = arith.constant 0 : i32
        %dma_start3A_154 = tpu.memref_slice %arg9[%dma_start3A_149, %dma_start3A_152, %dma_start3A_153] : memref<2x128x128xf32, #tpu.memory_space<vmem>> -> memref<1x128x128xf32, #tpu.memory_space<vmem>>
        %dma_start3A_155 = tpu.memref_squeeze %dma_start3A_154 : memref<1x128x128xf32, #tpu.memory_space<vmem>> -> memref<128x128xf32, #tpu.memory_space<vmem>>
        %dma_start3A_156 = arith.constant 0 : i32
        %dma_start3A_157 = tpu.memref_slice %arg8[%dma_start3A_150, %dma_start3A_151, %dma_start3A_156] : memref<4x2x128xi32, #tpu.memory_space<vmem>> -> memref<1x1x128xi32, #tpu.memory_space<vmem>>
        %dma_start3A_158 = tpu.memref_squeeze %dma_start3A_157 : memref<1x1x128xi32, #tpu.memory_space<vmem>> -> memref<128xi32, #tpu.memory_space<vmem>>
        %dma_start3A_159 = arith.constant 0 : i32
        %dma_start3A_160 = arith.constant 0 : i32
        %dma_start3A_161 = tpu.memref_slice %arg10[%dma_start3A_159, %dma_start3A_160] : memref<10112x128xf32, #tpu.memory_space<vmem_shared>> -> memref<10112x128xf32, #tpu.memory_space<vmem_shared>>
        tpu.enqueue_indirect_dma source(%dma_start3A_155 : memref<128x128xf32, #tpu.memory_space<vmem>>) target(%dma_start3A_161 : memref<10112x128xf32, #tpu.memory_space<vmem_shared>>) offsets(%dma_start3A_158 : memref<128xi32, #tpu.memory_space<vmem>>) semaphore(%arg17 : memref<!tpu.dma_semaphore, #tpu.memory_space<semaphore_mem>>) {add = true}
        %gt3A = arith.constant 0 : i32
        %gt3A_162 = arith.cmpi sgt, %scan3A_132, %gt3A : i32
        %convert_element_type3A_163 = arith.extui %gt3A_162 : i1 to i32
        %cond3A_164 = arith.constant 0 : i32
        %cond3A_165 = arith.cmpi ne, %convert_element_type3A_163, %cond3A_164 : i32
        scf.if %cond3A_165 {
          %dma_wait3A_399 = arith.constant 1 : i32
          %dma_wait3A_400 = arith.constant 3 : i32
          %dma_wait3A_401 = arith.constant 1 : i32
          %dma_wait3A_402 = arith.constant 0 : i32
          %dma_wait3A_403 = arith.constant 0 : i32
          %dma_wait3A_404 = tpu.memref_slice %arg9[%dma_wait3A_399, %dma_wait3A_402, %dma_wait3A_403] : memref<2x128x128xf32, #tpu.memory_space<vmem>> -> memref<1x128x128xf32, #tpu.memory_space<vmem>>
          %dma_wait3A_405 = tpu.memref_squeeze %dma_wait3A_404 : memref<1x128x128xf32, #tpu.memory_space<vmem>> -> memref<128x128xf32, #tpu.memory_space<vmem>>
          %dma_wait3A_406 = arith.constant 0 : i32
          %dma_wait3A_407 = tpu.memref_slice %arg8[%dma_wait3A_400, %dma_wait3A_401, %dma_wait3A_406] : memref<4x2x128xi32, #tpu.memory_space<vmem>> -> memref<1x1x128xi32, #tpu.memory_space<vmem>>
          %dma_wait3A_408 = tpu.memref_squeeze %dma_wait3A_407 : memref<1x1x128xi32, #tpu.memory_space<vmem>> -> memref<128xi32, #tpu.memory_space<vmem>>
          %dma_wait3A_409 = arith.constant 0 : i32
          %dma_wait3A_410 = arith.constant 0 : i32
          %dma_wait3A_411 = tpu.memref_slice %arg10[%dma_wait3A_409, %dma_wait3A_410] : memref<10112x128xf32, #tpu.memory_space<vmem_shared>> -> memref<10112x128xf32, #tpu.memory_space<vmem_shared>>
          tpu.wait_indirect_dma semaphore(%arg18 : memref<!tpu.dma_semaphore, #tpu.memory_space<semaphore_mem>>) src(%dma_wait3A_405 : memref<128x128xf32, #tpu.memory_space<vmem>>) dst(%dma_wait3A_411 : memref<10112x128xf32, #tpu.memory_space<vmem_shared>>)
          %add3A_412 = arith.constant 3 : i32
          %add3A_413 = arith.addi %add3A_135, %add3A_412 : i32
          %dma_start3A_414 = arith.constant 3 : i32
          %dma_start3A_415 = arith.constant 0 : i32
          %dma_start3A_416 = arith.constant 0 : i32
          %dma_start3A_417 = tpu.memref_slice %arg8[%dma_start3A_414, %dma_start3A_415, %dma_start3A_416] : memref<4x2x128xi32, #tpu.memory_space<vmem>> -> memref<1x2x128xi32, #tpu.memory_space<vmem>>
          %dma_start3A_418 = tpu.memref_squeeze %dma_start3A_417 : memref<1x2x128xi32, #tpu.memory_space<vmem>> -> memref<2x128xi32, #tpu.memory_space<vmem>>
          %dma_start3A_419 = arith.constant 0 : i32
          %dma_start3A_420 = arith.constant 0 : i32
          %dma_start3A_421 = tpu.memref_slice %arg2[%arg1, %add3A_413, %dma_start3A_419, %dma_start3A_420] : memref<16x80x2x128xi32, #tpu.memory_space<hbm>> -> memref<1x1x2x128xi32, #tpu.memory_space<hbm>>
          %dma_start3A_422 = tpu.memref_squeeze %dma_start3A_421 : memref<1x1x2x128xi32, #tpu.memory_space<hbm>> -> memref<2x128xi32, #tpu.memory_space<hbm>>
          %dma_start3A_423 = arith.constant 0 : i32
          %dma_start3A_424 = arith.constant 0 : i32
          %dma_start3A_425 = tpu.memref_slice %arg8[%dma_start3A_414, %dma_start3A_423, %dma_start3A_424] : memref<4x2x128xi32, #tpu.memory_space<vmem>> -> memref<1x2x128xi32, #tpu.memory_space<vmem>>
          %dma_start3A_426 = tpu.memref_squeeze %dma_start3A_425 : memref<1x2x128xi32, #tpu.memory_space<vmem>> -> memref<2x128xi32, #tpu.memory_space<vmem>>
          %dma_start3A_427 = arith.constant 0 : i32
          %dma_start3A_428 = arith.constant 0 : i32
          %dma_start3A_429 = tpu.memref_slice %arg2[%arg1, %add3A_413, %dma_start3A_427, %dma_start3A_428] : memref<16x80x2x128xi32, #tpu.memory_space<hbm>> -> memref<1x1x2x128xi32, #tpu.memory_space<hbm>>
          %dma_start3A_430 = tpu.memref_squeeze %dma_start3A_429 : memref<1x1x2x128xi32, #tpu.memory_space<hbm>> -> memref<2x128xi32, #tpu.memory_space<hbm>>
          tpu.enqueue_dma source(%dma_start3A_430 : memref<2x128xi32, #tpu.memory_space<hbm>>) target(%dma_start3A_426 : memref<2x128xi32, #tpu.memory_space<vmem>>) target_semaphore(%arg14 : memref<!tpu.dma_semaphore, #tpu.memory_space<semaphore_mem>>)
        } else {
        }
        %add3A_166 = arith.constant 1 : i32
        %add3A_167 = arith.addi %add3A_135, %add3A_166 : i32
        %dma_wait3A_168 = arith.constant 1 : i32
        %dma_wait3A_169 = arith.constant 0 : i32
        %dma_wait3A_170 = arith.constant 0 : i32
        %dma_wait3A_171 = tpu.memref_slice %arg8[%dma_wait3A_168, %dma_wait3A_169, %dma_wait3A_170] : memref<4x2x128xi32, #tpu.memory_space<vmem>> -> memref<1x2x128xi32, #tpu.memory_space<vmem>>
        %dma_wait3A_172 = tpu.memref_squeeze %dma_wait3A_171 : memref<1x2x128xi32, #tpu.memory_space<vmem>> -> memref<2x128xi32, #tpu.memory_space<vmem>>
        %dma_wait3A_173 = arith.constant 0 : i32
        %dma_wait3A_174 = arith.constant 0 : i32
        %dma_wait3A_175 = tpu.memref_slice %arg2[%arg1, %add3A_167, %dma_wait3A_173, %dma_wait3A_174] : memref<16x80x2x128xi32, #tpu.memory_space<hbm>> -> memref<1x1x2x128xi32, #tpu.memory_space<hbm>>
        %dma_wait3A_176 = tpu.memref_squeeze %dma_wait3A_175 : memref<1x1x2x128xi32, #tpu.memory_space<hbm>> -> memref<2x128xi32, #tpu.memory_space<hbm>>
        %dma_wait3A_177 = arith.constant 0 : i32
        %dma_wait3A_178 = arith.constant 0 : i32
        %dma_wait3A_179 = tpu.memref_slice %arg8[%dma_wait3A_168, %dma_wait3A_177, %dma_wait3A_178] : memref<4x2x128xi32, #tpu.memory_space<vmem>> -> memref<1x2x128xi32, #tpu.memory_space<vmem>>
        %dma_wait3A_180 = tpu.memref_squeeze %dma_wait3A_179 : memref<1x2x128xi32, #tpu.memory_space<vmem>> -> memref<2x128xi32, #tpu.memory_space<vmem>>
        %dma_wait3A_181 = arith.constant 0 : i32
        %dma_wait3A_182 = arith.constant 0 : i32
        %dma_wait3A_183 = tpu.memref_slice %arg2[%arg1, %add3A_167, %dma_wait3A_181, %dma_wait3A_182] : memref<16x80x2x128xi32, #tpu.memory_space<hbm>> -> memref<1x1x2x128xi32, #tpu.memory_space<hbm>>
        %dma_wait3A_184 = tpu.memref_squeeze %dma_wait3A_183 : memref<1x1x2x128xi32, #tpu.memory_space<hbm>> -> memref<2x128xi32, #tpu.memory_space<hbm>>
        tpu.wait_dma2 semaphore(%arg12 : memref<!tpu.dma_semaphore, #tpu.memory_space<semaphore_mem>>) src(%dma_wait3A_184 : memref<2x128xi32, #tpu.memory_space<hbm>>) dst(%dma_wait3A_180 : memref<2x128xi32, #tpu.memory_space<vmem>>)
        %dma_start3A_185 = arith.constant 1 : i32
        %dma_start3A_186 = arith.constant 0 : i32
        %dma_start3A_187 = arith.constant 1 : i32
        %dma_start3A_188 = arith.constant 0 : i32
        %dma_start3A_189 = arith.constant 0 : i32
        %dma_start3A_190 = tpu.memref_slice %arg9[%dma_start3A_187, %dma_start3A_188, %dma_start3A_189] : memref<2x128x128xf32, #tpu.memory_space<vmem>> -> memref<1x128x128xf32, #tpu.memory_space<vmem>>
        %dma_start3A_191 = tpu.memref_squeeze %dma_start3A_190 : memref<1x128x128xf32, #tpu.memory_space<vmem>> -> memref<128x128xf32, #tpu.memory_space<vmem>>
        %dma_start3A_192 = arith.constant 0 : i32
        %dma_start3A_193 = tpu.memref_slice %arg8[%dma_start3A_185, %dma_start3A_186, %dma_start3A_192] : memref<4x2x128xi32, #tpu.memory_space<vmem>> -> memref<1x1x128xi32, #tpu.memory_space<vmem>>
        %dma_start3A_194 = tpu.memref_squeeze %dma_start3A_193 : memref<1x1x128xi32, #tpu.memory_space<vmem>> -> memref<128xi32, #tpu.memory_space<vmem>>
        %dma_start3A_195 = arith.constant 0 : i32
        %dma_start3A_196 = arith.constant 0 : i32
        %dma_start3A_197 = tpu.memref_slice %arg4[%dma_start3A_195, %dma_start3A_196] : memref<10000x128xf32, #tpu.memory_space<hbm>> -> memref<10000x128xf32, #tpu.memory_space<hbm>>
        tpu.enqueue_indirect_dma source(%dma_start3A_197 : memref<10000x128xf32, #tpu.memory_space<hbm>>) target(%dma_start3A_191 : memref<128x128xf32, #tpu.memory_space<vmem>>) offsets(%dma_start3A_194 : memref<128xi32, #tpu.memory_space<vmem>>) semaphore(%arg16 : memref<!tpu.dma_semaphore, #tpu.memory_space<semaphore_mem>>)
        %add3A_198 = arith.constant 1 : i32
        %add3A_199 = arith.addi %mul3A_134, %add3A_198 : i32
        %dma_wait3A_200 = arith.constant 1 : i32
        %dma_wait3A_201 = arith.constant 0 : i32
        %dma_wait3A_202 = arith.constant 1 : i32
        %dma_wait3A_203 = arith.constant 0 : i32
        %dma_wait3A_204 = arith.constant 0 : i32
        %dma_wait3A_205 = tpu.memref_slice %arg9[%dma_wait3A_202, %dma_wait3A_203, %dma_wait3A_204] : memref<2x128x128xf32, #tpu.memory_space<vmem>> -> memref<1x128x128xf32, #tpu.memory_space<vmem>>
        %dma_wait3A_206 = tpu.memref_squeeze %dma_wait3A_205 : memref<1x128x128xf32, #tpu.memory_space<vmem>> -> memref<128x128xf32, #tpu.memory_space<vmem>>
        %dma_wait3A_207 = arith.constant 0 : i32
        %dma_wait3A_208 = tpu.memref_slice %arg8[%dma_wait3A_200, %dma_wait3A_201, %dma_wait3A_207] : memref<4x2x128xi32, #tpu.memory_space<vmem>> -> memref<1x1x128xi32, #tpu.memory_space<vmem>>
        %dma_wait3A_209 = tpu.memref_squeeze %dma_wait3A_208 : memref<1x1x128xi32, #tpu.memory_space<vmem>> -> memref<128xi32, #tpu.memory_space<vmem>>
        %dma_wait3A_210 = arith.constant 0 : i32
        %dma_wait3A_211 = arith.constant 0 : i32
        %dma_wait3A_212 = tpu.memref_slice %arg4[%dma_wait3A_210, %dma_wait3A_211] : memref<10000x128xf32, #tpu.memory_space<hbm>> -> memref<10000x128xf32, #tpu.memory_space<hbm>>
        tpu.wait_indirect_dma semaphore(%arg16 : memref<!tpu.dma_semaphore, #tpu.memory_space<semaphore_mem>>) src(%dma_wait3A_212 : memref<10000x128xf32, #tpu.memory_space<hbm>>) dst(%dma_wait3A_206 : memref<128x128xf32, #tpu.memory_space<vmem>>)
        %dma_start3A_213 = arith.constant 1 : i32
        %dma_start3A_214 = arith.constant 1 : i32
        %dma_start3A_215 = arith.constant 1 : i32
        %dma_start3A_216 = arith.constant 0 : i32
        %dma_start3A_217 = arith.constant 0 : i32
        %dma_start3A_218 = tpu.memref_slice %arg9[%dma_start3A_213, %dma_start3A_216, %dma_start3A_217] : memref<2x128x128xf32, #tpu.memory_space<vmem>> -> memref<1x128x128xf32, #tpu.memory_space<vmem>>
        %dma_start3A_219 = tpu.memref_squeeze %dma_start3A_218 : memref<1x128x128xf32, #tpu.memory_space<vmem>> -> memref<128x128xf32, #tpu.memory_space<vmem>>
        %dma_start3A_220 = arith.constant 0 : i32
        %dma_start3A_221 = tpu.memref_slice %arg8[%dma_start3A_214, %dma_start3A_215, %dma_start3A_220] : memref<4x2x128xi32, #tpu.memory_space<vmem>> -> memref<1x1x128xi32, #tpu.memory_space<vmem>>
        %dma_start3A_222 = tpu.memref_squeeze %dma_start3A_221 : memref<1x1x128xi32, #tpu.memory_space<vmem>> -> memref<128xi32, #tpu.memory_space<vmem>>
        %dma_start3A_223 = arith.constant 0 : i32
        %dma_start3A_224 = arith.constant 0 : i32
        %dma_start3A_225 = tpu.memref_slice %arg10[%dma_start3A_223, %dma_start3A_224] : memref<10112x128xf32, #tpu.memory_space<vmem_shared>> -> memref<10112x128xf32, #tpu.memory_space<vmem_shared>>
        tpu.enqueue_indirect_dma source(%dma_start3A_219 : memref<128x128xf32, #tpu.memory_space<vmem>>) target(%dma_start3A_225 : memref<10112x128xf32, #tpu.memory_space<vmem_shared>>) offsets(%dma_start3A_222 : memref<128xi32, #tpu.memory_space<vmem>>) semaphore(%arg18 : memref<!tpu.dma_semaphore, #tpu.memory_space<semaphore_mem>>) {add = true}
        %dma_wait3A_226 = arith.constant 0 : i32
        %dma_wait3A_227 = arith.constant 0 : i32
        %dma_wait3A_228 = arith.constant 1 : i32
        %dma_wait3A_229 = arith.constant 0 : i32
        %dma_wait3A_230 = arith.constant 0 : i32
        %dma_wait3A_231 = tpu.memref_slice %arg9[%dma_wait3A_226, %dma_wait3A_229, %dma_wait3A_230] : memref<2x128x128xf32, #tpu.memory_space<vmem>> -> memref<1x128x128xf32, #tpu.memory_space<vmem>>
        %dma_wait3A_232 = tpu.memref_squeeze %dma_wait3A_231 : memref<1x128x128xf32, #tpu.memory_space<vmem>> -> memref<128x128xf32, #tpu.memory_space<vmem>>
        %dma_wait3A_233 = arith.constant 0 : i32
        %dma_wait3A_234 = tpu.memref_slice %arg8[%dma_wait3A_227, %dma_wait3A_228, %dma_wait3A_233] : memref<4x2x128xi32, #tpu.memory_space<vmem>> -> memref<1x1x128xi32, #tpu.memory_space<vmem>>
        %dma_wait3A_235 = tpu.memref_squeeze %dma_wait3A_234 : memref<1x1x128xi32, #tpu.memory_space<vmem>> -> memref<128xi32, #tpu.memory_space<vmem>>
        %dma_wait3A_236 = arith.constant 0 : i32
        %dma_wait3A_237 = arith.constant 0 : i32
        %dma_wait3A_238 = tpu.memref_slice %arg10[%dma_wait3A_236, %dma_wait3A_237] : memref<10112x128xf32, #tpu.memory_space<vmem_shared>> -> memref<10112x128xf32, #tpu.memory_space<vmem_shared>>
        tpu.wait_indirect_dma semaphore(%arg17 : memref<!tpu.dma_semaphore, #tpu.memory_space<semaphore_mem>>) src(%dma_wait3A_232 : memref<128x128xf32, #tpu.memory_space<vmem>>) dst(%dma_wait3A_238 : memref<10112x128xf32, #tpu.memory_space<vmem_shared>>)
        %lt3A = arith.constant 19 : i32
        %lt3A_239 = arith.cmpi slt, %scan3A_132, %lt3A : i32
        %convert_element_type3A_240 = arith.extui %lt3A_239 : i1 to i32
        %cond3A_241 = arith.constant 0 : i32
        %cond3A_242 = arith.cmpi ne, %convert_element_type3A_240, %cond3A_241 : i32
        scf.if %cond3A_242 {
          %add3A_399 = arith.constant 3 : i32
          %add3A_400 = arith.addi %add3A_199, %add3A_399 : i32
          %dma_start3A_401 = arith.constant 0 : i32
          %dma_start3A_402 = arith.constant 0 : i32
          %dma_start3A_403 = arith.constant 0 : i32
          %dma_start3A_404 = tpu.memref_slice %arg8[%dma_start3A_401, %dma_start3A_402, %dma_start3A_403] : memref<4x2x128xi32, #tpu.memory_space<vmem>> -> memref<1x2x128xi32, #tpu.memory_space<vmem>>
          %dma_start3A_405 = tpu.memref_squeeze %dma_start3A_404 : memref<1x2x128xi32, #tpu.memory_space<vmem>> -> memref<2x128xi32, #tpu.memory_space<vmem>>
          %dma_start3A_406 = arith.constant 0 : i32
          %dma_start3A_407 = arith.constant 0 : i32
          %dma_start3A_408 = tpu.memref_slice %arg2[%arg1, %add3A_400, %dma_start3A_406, %dma_start3A_407] : memref<16x80x2x128xi32, #tpu.memory_space<hbm>> -> memref<1x1x2x128xi32, #tpu.memory_space<hbm>>
          %dma_start3A_409 = tpu.memref_squeeze %dma_start3A_408 : memref<1x1x2x128xi32, #tpu.memory_space<hbm>> -> memref<2x128xi32, #tpu.memory_space<hbm>>
          %dma_start3A_410 = arith.constant 0 : i32
          %dma_start3A_411 = arith.constant 0 : i32
          %dma_start3A_412 = tpu.memref_slice %arg8[%dma_start3A_401, %dma_start3A_410, %dma_start3A_411] : memref<4x2x128xi32, #tpu.memory_space<vmem>> -> memref<1x2x128xi32, #tpu.memory_space<vmem>>
          %dma_start3A_413 = tpu.memref_squeeze %dma_start3A_412 : memref<1x2x128xi32, #tpu.memory_space<vmem>> -> memref<2x128xi32, #tpu.memory_space<vmem>>
          %dma_start3A_414 = arith.constant 0 : i32
          %dma_start3A_415 = arith.constant 0 : i32
          %dma_start3A_416 = tpu.memref_slice %arg2[%arg1, %add3A_400, %dma_start3A_414, %dma_start3A_415] : memref<16x80x2x128xi32, #tpu.memory_space<hbm>> -> memref<1x1x2x128xi32, #tpu.memory_space<hbm>>
          %dma_start3A_417 = tpu.memref_squeeze %dma_start3A_416 : memref<1x1x2x128xi32, #tpu.memory_space<hbm>> -> memref<2x128xi32, #tpu.memory_space<hbm>>
          tpu.enqueue_dma source(%dma_start3A_417 : memref<2x128xi32, #tpu.memory_space<hbm>>) target(%dma_start3A_413 : memref<2x128xi32, #tpu.memory_space<vmem>>) target_semaphore(%arg11 : memref<!tpu.dma_semaphore, #tpu.memory_space<semaphore_mem>>)
        } else {
        }
        %add3A_243 = arith.constant 1 : i32
        %add3A_244 = arith.addi %add3A_199, %add3A_243 : i32
        %dma_wait3A_245 = arith.constant 2 : i32
        %dma_wait3A_246 = arith.constant 0 : i32
        %dma_wait3A_247 = arith.constant 0 : i32
        %dma_wait3A_248 = tpu.memref_slice %arg8[%dma_wait3A_245, %dma_wait3A_246, %dma_wait3A_247] : memref<4x2x128xi32, #tpu.memory_space<vmem>> -> memref<1x2x128xi32, #tpu.memory_space<vmem>>
        %dma_wait3A_249 = tpu.memref_squeeze %dma_wait3A_248 : memref<1x2x128xi32, #tpu.memory_space<vmem>> -> memref<2x128xi32, #tpu.memory_space<vmem>>
        %dma_wait3A_250 = arith.constant 0 : i32
        %dma_wait3A_251 = arith.constant 0 : i32
        %dma_wait3A_252 = tpu.memref_slice %arg2[%arg1, %add3A_244, %dma_wait3A_250, %dma_wait3A_251] : memref<16x80x2x128xi32, #tpu.memory_space<hbm>> -> memref<1x1x2x128xi32, #tpu.memory_space<hbm>>
        %dma_wait3A_253 = tpu.memref_squeeze %dma_wait3A_252 : memref<1x1x2x128xi32, #tpu.memory_space<hbm>> -> memref<2x128xi32, #tpu.memory_space<hbm>>
        %dma_wait3A_254 = arith.constant 0 : i32
        %dma_wait3A_255 = arith.constant 0 : i32
        %dma_wait3A_256 = tpu.memref_slice %arg8[%dma_wait3A_245, %dma_wait3A_254, %dma_wait3A_255] : memref<4x2x128xi32, #tpu.memory_space<vmem>> -> memref<1x2x128xi32, #tpu.memory_space<vmem>>
        %dma_wait3A_257 = tpu.memref_squeeze %dma_wait3A_256 : memref<1x2x128xi32, #tpu.memory_space<vmem>> -> memref<2x128xi32, #tpu.memory_space<vmem>>
        %dma_wait3A_258 = arith.constant 0 : i32
        %dma_wait3A_259 = arith.constant 0 : i32
        %dma_wait3A_260 = tpu.memref_slice %arg2[%arg1, %add3A_244, %dma_wait3A_258, %dma_wait3A_259] : memref<16x80x2x128xi32, #tpu.memory_space<hbm>> -> memref<1x1x2x128xi32, #tpu.memory_space<hbm>>
        %dma_wait3A_261 = tpu.memref_squeeze %dma_wait3A_260 : memref<1x1x2x128xi32, #tpu.memory_space<hbm>> -> memref<2x128xi32, #tpu.memory_space<hbm>>
        tpu.wait_dma2 semaphore(%arg13 : memref<!tpu.dma_semaphore, #tpu.memory_space<semaphore_mem>>) src(%dma_wait3A_261 : memref<2x128xi32, #tpu.memory_space<hbm>>) dst(%dma_wait3A_257 : memref<2x128xi32, #tpu.memory_space<vmem>>)
        %dma_start3A_262 = arith.constant 2 : i32
        %dma_start3A_263 = arith.constant 0 : i32
        %dma_start3A_264 = arith.constant 0 : i32
        %dma_start3A_265 = arith.constant 0 : i32
        %dma_start3A_266 = arith.constant 0 : i32
        %dma_start3A_267 = tpu.memref_slice %arg9[%dma_start3A_264, %dma_start3A_265, %dma_start3A_266] : memref<2x128x128xf32, #tpu.memory_space<vmem>> -> memref<1x128x128xf32, #tpu.memory_space<vmem>>
        %dma_start3A_268 = tpu.memref_squeeze %dma_start3A_267 : memref<1x128x128xf32, #tpu.memory_space<vmem>> -> memref<128x128xf32, #tpu.memory_space<vmem>>
        %dma_start3A_269 = arith.constant 0 : i32
        %dma_start3A_270 = tpu.memref_slice %arg8[%dma_start3A_262, %dma_start3A_263, %dma_start3A_269] : memref<4x2x128xi32, #tpu.memory_space<vmem>> -> memref<1x1x128xi32, #tpu.memory_space<vmem>>
        %dma_start3A_271 = tpu.memref_squeeze %dma_start3A_270 : memref<1x1x128xi32, #tpu.memory_space<vmem>> -> memref<128xi32, #tpu.memory_space<vmem>>
        %dma_start3A_272 = arith.constant 0 : i32
        %dma_start3A_273 = arith.constant 0 : i32
        %dma_start3A_274 = tpu.memref_slice %arg4[%dma_start3A_272, %dma_start3A_273] : memref<10000x128xf32, #tpu.memory_space<hbm>> -> memref<10000x128xf32, #tpu.memory_space<hbm>>
        tpu.enqueue_indirect_dma source(%dma_start3A_274 : memref<10000x128xf32, #tpu.memory_space<hbm>>) target(%dma_start3A_268 : memref<128x128xf32, #tpu.memory_space<vmem>>) offsets(%dma_start3A_271 : memref<128xi32, #tpu.memory_space<vmem>>) semaphore(%arg15 : memref<!tpu.dma_semaphore, #tpu.memory_space<semaphore_mem>>)
        %add3A_275 = arith.constant 2 : i32
        %add3A_276 = arith.addi %mul3A_134, %add3A_275 : i32
        %dma_wait3A_277 = arith.constant 2 : i32
        %dma_wait3A_278 = arith.constant 0 : i32
        %dma_wait3A_279 = arith.constant 0 : i32
        %dma_wait3A_280 = arith.constant 0 : i32
        %dma_wait3A_281 = arith.constant 0 : i32
        %dma_wait3A_282 = tpu.memref_slice %arg9[%dma_wait3A_279, %dma_wait3A_280, %dma_wait3A_281] : memref<2x128x128xf32, #tpu.memory_space<vmem>> -> memref<1x128x128xf32, #tpu.memory_space<vmem>>
        %dma_wait3A_283 = tpu.memref_squeeze %dma_wait3A_282 : memref<1x128x128xf32, #tpu.memory_space<vmem>> -> memref<128x128xf32, #tpu.memory_space<vmem>>
        %dma_wait3A_284 = arith.constant 0 : i32
        %dma_wait3A_285 = tpu.memref_slice %arg8[%dma_wait3A_277, %dma_wait3A_278, %dma_wait3A_284] : memref<4x2x128xi32, #tpu.memory_space<vmem>> -> memref<1x1x128xi32, #tpu.memory_space<vmem>>
        %dma_wait3A_286 = tpu.memref_squeeze %dma_wait3A_285 : memref<1x1x128xi32, #tpu.memory_space<vmem>> -> memref<128xi32, #tpu.memory_space<vmem>>
        %dma_wait3A_287 = arith.constant 0 : i32
        %dma_wait3A_288 = arith.constant 0 : i32
        %dma_wait3A_289 = tpu.memref_slice %arg4[%dma_wait3A_287, %dma_wait3A_288] : memref<10000x128xf32, #tpu.memory_space<hbm>> -> memref<10000x128xf32, #tpu.memory_space<hbm>>
        tpu.wait_indirect_dma semaphore(%arg15 : memref<!tpu.dma_semaphore, #tpu.memory_space<semaphore_mem>>) src(%dma_wait3A_289 : memref<10000x128xf32, #tpu.memory_space<hbm>>) dst(%dma_wait3A_283 : memref<128x128xf32, #tpu.memory_space<vmem>>)
        %dma_start3A_290 = arith.constant 0 : i32
        %dma_start3A_291 = arith.constant 2 : i32
        %dma_start3A_292 = arith.constant 1 : i32
        %dma_start3A_293 = arith.constant 0 : i32
        %dma_start3A_294 = arith.constant 0 : i32
        %dma_start3A_295 = tpu.memref_slice %arg9[%dma_start3A_290, %dma_start3A_293, %dma_start3A_294] : memref<2x128x128xf32, #tpu.memory_space<vmem>> -> memref<1x128x128xf32, #tpu.memory_space<vmem>>
        %dma_start3A_296 = tpu.memref_squeeze %dma_start3A_295 : memref<1x128x128xf32, #tpu.memory_space<vmem>> -> memref<128x128xf32, #tpu.memory_space<vmem>>
        %dma_start3A_297 = arith.constant 0 : i32
        %dma_start3A_298 = tpu.memref_slice %arg8[%dma_start3A_291, %dma_start3A_292, %dma_start3A_297] : memref<4x2x128xi32, #tpu.memory_space<vmem>> -> memref<1x1x128xi32, #tpu.memory_space<vmem>>
        %dma_start3A_299 = tpu.memref_squeeze %dma_start3A_298 : memref<1x1x128xi32, #tpu.memory_space<vmem>> -> memref<128xi32, #tpu.memory_space<vmem>>
        %dma_start3A_300 = arith.constant 0 : i32
        %dma_start3A_301 = arith.constant 0 : i32
        %dma_start3A_302 = tpu.memref_slice %arg10[%dma_start3A_300, %dma_start3A_301] : memref<10112x128xf32, #tpu.memory_space<vmem_shared>> -> memref<10112x128xf32, #tpu.memory_space<vmem_shared>>
        tpu.enqueue_indirect_dma source(%dma_start3A_296 : memref<128x128xf32, #tpu.memory_space<vmem>>) target(%dma_start3A_302 : memref<10112x128xf32, #tpu.memory_space<vmem_shared>>) offsets(%dma_start3A_299 : memref<128xi32, #tpu.memory_space<vmem>>) semaphore(%arg17 : memref<!tpu.dma_semaphore, #tpu.memory_space<semaphore_mem>>) {add = true}
        %dma_wait3A_303 = arith.constant 1 : i32
        %dma_wait3A_304 = arith.constant 1 : i32
        %dma_wait3A_305 = arith.constant 1 : i32
        %dma_wait3A_306 = arith.constant 0 : i32
        %dma_wait3A_307 = arith.constant 0 : i32
        %dma_wait3A_308 = tpu.memref_slice %arg9[%dma_wait3A_303, %dma_wait3A_306, %dma_wait3A_307] : memref<2x128x128xf32, #tpu.memory_space<vmem>> -> memref<1x128x128xf32, #tpu.memory_space<vmem>>
        %dma_wait3A_309 = tpu.memref_squeeze %dma_wait3A_308 : memref<1x128x128xf32, #tpu.memory_space<vmem>> -> memref<128x128xf32, #tpu.memory_space<vmem>>
        %dma_wait3A_310 = arith.constant 0 : i32
        %dma_wait3A_311 = tpu.memref_slice %arg8[%dma_wait3A_304, %dma_wait3A_305, %dma_wait3A_310] : memref<4x2x128xi32, #tpu.memory_space<vmem>> -> memref<1x1x128xi32, #tpu.memory_space<vmem>>
        %dma_wait3A_312 = tpu.memref_squeeze %dma_wait3A_311 : memref<1x1x128xi32, #tpu.memory_space<vmem>> -> memref<128xi32, #tpu.memory_space<vmem>>
        %dma_wait3A_313 = arith.constant 0 : i32
        %dma_wait3A_314 = arith.constant 0 : i32
        %dma_wait3A_315 = tpu.memref_slice %arg10[%dma_wait3A_313, %dma_wait3A_314] : memref<10112x128xf32, #tpu.memory_space<vmem_shared>> -> memref<10112x128xf32, #tpu.memory_space<vmem_shared>>
        tpu.wait_indirect_dma semaphore(%arg18 : memref<!tpu.dma_semaphore, #tpu.memory_space<semaphore_mem>>) src(%dma_wait3A_309 : memref<128x128xf32, #tpu.memory_space<vmem>>) dst(%dma_wait3A_315 : memref<10112x128xf32, #tpu.memory_space<vmem_shared>>)
        %lt3A_316 = arith.constant 19 : i32
        %lt3A_317 = arith.cmpi slt, %scan3A_132, %lt3A_316 : i32
        %convert_element_type3A_318 = arith.extui %lt3A_317 : i1 to i32
        %cond3A_319 = arith.constant 0 : i32
        %cond3A_320 = arith.cmpi ne, %convert_element_type3A_318, %cond3A_319 : i32
        scf.if %cond3A_320 {
          %add3A_399 = arith.constant 3 : i32
          %add3A_400 = arith.addi %add3A_276, %add3A_399 : i32
          %dma_start3A_401 = arith.constant 1 : i32
          %dma_start3A_402 = arith.constant 0 : i32
          %dma_start3A_403 = arith.constant 0 : i32
          %dma_start3A_404 = tpu.memref_slice %arg8[%dma_start3A_401, %dma_start3A_402, %dma_start3A_403] : memref<4x2x128xi32, #tpu.memory_space<vmem>> -> memref<1x2x128xi32, #tpu.memory_space<vmem>>
          %dma_start3A_405 = tpu.memref_squeeze %dma_start3A_404 : memref<1x2x128xi32, #tpu.memory_space<vmem>> -> memref<2x128xi32, #tpu.memory_space<vmem>>
          %dma_start3A_406 = arith.constant 0 : i32
          %dma_start3A_407 = arith.constant 0 : i32
          %dma_start3A_408 = tpu.memref_slice %arg2[%arg1, %add3A_400, %dma_start3A_406, %dma_start3A_407] : memref<16x80x2x128xi32, #tpu.memory_space<hbm>> -> memref<1x1x2x128xi32, #tpu.memory_space<hbm>>
          %dma_start3A_409 = tpu.memref_squeeze %dma_start3A_408 : memref<1x1x2x128xi32, #tpu.memory_space<hbm>> -> memref<2x128xi32, #tpu.memory_space<hbm>>
          %dma_start3A_410 = arith.constant 0 : i32
          %dma_start3A_411 = arith.constant 0 : i32
          %dma_start3A_412 = tpu.memref_slice %arg8[%dma_start3A_401, %dma_start3A_410, %dma_start3A_411] : memref<4x2x128xi32, #tpu.memory_space<vmem>> -> memref<1x2x128xi32, #tpu.memory_space<vmem>>
          %dma_start3A_413 = tpu.memref_squeeze %dma_start3A_412 : memref<1x2x128xi32, #tpu.memory_space<vmem>> -> memref<2x128xi32, #tpu.memory_space<vmem>>
          %dma_start3A_414 = arith.constant 0 : i32
          %dma_start3A_415 = arith.constant 0 : i32
          %dma_start3A_416 = tpu.memref_slice %arg2[%arg1, %add3A_400, %dma_start3A_414, %dma_start3A_415] : memref<16x80x2x128xi32, #tpu.memory_space<hbm>> -> memref<1x1x2x128xi32, #tpu.memory_space<hbm>>
          %dma_start3A_417 = tpu.memref_squeeze %dma_start3A_416 : memref<1x1x2x128xi32, #tpu.memory_space<hbm>> -> memref<2x128xi32, #tpu.memory_space<hbm>>
          tpu.enqueue_dma source(%dma_start3A_417 : memref<2x128xi32, #tpu.memory_space<hbm>>) target(%dma_start3A_413 : memref<2x128xi32, #tpu.memory_space<vmem>>) target_semaphore(%arg12 : memref<!tpu.dma_semaphore, #tpu.memory_space<semaphore_mem>>)
        } else {
        }
        %add3A_321 = arith.constant 1 : i32
        %add3A_322 = arith.addi %add3A_276, %add3A_321 : i32
        %dma_wait3A_323 = arith.constant 3 : i32
        %dma_wait3A_324 = arith.constant 0 : i32
        %dma_wait3A_325 = arith.constant 0 : i32
        %dma_wait3A_326 = tpu.memref_slice %arg8[%dma_wait3A_323, %dma_wait3A_324, %dma_wait3A_325] : memref<4x2x128xi32, #tpu.memory_space<vmem>> -> memref<1x2x128xi32, #tpu.memory_space<vmem>>
        %dma_wait3A_327 = tpu.memref_squeeze %dma_wait3A_326 : memref<1x2x128xi32, #tpu.memory_space<vmem>> -> memref<2x128xi32, #tpu.memory_space<vmem>>
        %dma_wait3A_328 = arith.constant 0 : i32
        %dma_wait3A_329 = arith.constant 0 : i32
        %dma_wait3A_330 = tpu.memref_slice %arg2[%arg1, %add3A_322, %dma_wait3A_328, %dma_wait3A_329] : memref<16x80x2x128xi32, #tpu.memory_space<hbm>> -> memref<1x1x2x128xi32, #tpu.memory_space<hbm>>
        %dma_wait3A_331 = tpu.memref_squeeze %dma_wait3A_330 : memref<1x1x2x128xi32, #tpu.memory_space<hbm>> -> memref<2x128xi32, #tpu.memory_space<hbm>>
        %dma_wait3A_332 = arith.constant 0 : i32
        %dma_wait3A_333 = arith.constant 0 : i32
        %dma_wait3A_334 = tpu.memref_slice %arg8[%dma_wait3A_323, %dma_wait3A_332, %dma_wait3A_333] : memref<4x2x128xi32, #tpu.memory_space<vmem>> -> memref<1x2x128xi32, #tpu.memory_space<vmem>>
        %dma_wait3A_335 = tpu.memref_squeeze %dma_wait3A_334 : memref<1x2x128xi32, #tpu.memory_space<vmem>> -> memref<2x128xi32, #tpu.memory_space<vmem>>
        %dma_wait3A_336 = arith.constant 0 : i32
        %dma_wait3A_337 = arith.constant 0 : i32
        %dma_wait3A_338 = tpu.memref_slice %arg2[%arg1, %add3A_322, %dma_wait3A_336, %dma_wait3A_337] : memref<16x80x2x128xi32, #tpu.memory_space<hbm>> -> memref<1x1x2x128xi32, #tpu.memory_space<hbm>>
        %dma_wait3A_339 = tpu.memref_squeeze %dma_wait3A_338 : memref<1x1x2x128xi32, #tpu.memory_space<hbm>> -> memref<2x128xi32, #tpu.memory_space<hbm>>
        tpu.wait_dma2 semaphore(%arg14 : memref<!tpu.dma_semaphore, #tpu.memory_space<semaphore_mem>>) src(%dma_wait3A_339 : memref<2x128xi32, #tpu.memory_space<hbm>>) dst(%dma_wait3A_335 : memref<2x128xi32, #tpu.memory_space<vmem>>)
        %dma_start3A_340 = arith.constant 3 : i32
        %dma_start3A_341 = arith.constant 0 : i32
        %dma_start3A_342 = arith.constant 1 : i32
        %dma_start3A_343 = arith.constant 0 : i32
        %dma_start3A_344 = arith.constant 0 : i32
        %dma_start3A_345 = tpu.memref_slice %arg9[%dma_start3A_342, %dma_start3A_343, %dma_start3A_344] : memref<2x128x128xf32, #tpu.memory_space<vmem>> -> memref<1x128x128xf32, #tpu.memory_space<vmem>>
        %dma_start3A_346 = tpu.memref_squeeze %dma_start3A_345 : memref<1x128x128xf32, #tpu.memory_space<vmem>> -> memref<128x128xf32, #tpu.memory_space<vmem>>
        %dma_start3A_347 = arith.constant 0 : i32
        %dma_start3A_348 = tpu.memref_slice %arg8[%dma_start3A_340, %dma_start3A_341, %dma_start3A_347] : memref<4x2x128xi32, #tpu.memory_space<vmem>> -> memref<1x1x128xi32, #tpu.memory_space<vmem>>
        %dma_start3A_349 = tpu.memref_squeeze %dma_start3A_348 : memref<1x1x128xi32, #tpu.memory_space<vmem>> -> memref<128xi32, #tpu.memory_space<vmem>>
        %dma_start3A_350 = arith.constant 0 : i32
        %dma_start3A_351 = arith.constant 0 : i32
        %dma_start3A_352 = tpu.memref_slice %arg4[%dma_start3A_350, %dma_start3A_351] : memref<10000x128xf32, #tpu.memory_space<hbm>> -> memref<10000x128xf32, #tpu.memory_space<hbm>>
        tpu.enqueue_indirect_dma source(%dma_start3A_352 : memref<10000x128xf32, #tpu.memory_space<hbm>>) target(%dma_start3A_346 : memref<128x128xf32, #tpu.memory_space<vmem>>) offsets(%dma_start3A_349 : memref<128xi32, #tpu.memory_space<vmem>>) semaphore(%arg16 : memref<!tpu.dma_semaphore, #tpu.memory_space<semaphore_mem>>)
        %add3A_353 = arith.constant 3 : i32
        %add3A_354 = arith.addi %mul3A_134, %add3A_353 : i32
        %dma_wait3A_355 = arith.constant 3 : i32
        %dma_wait3A_356 = arith.constant 0 : i32
        %dma_wait3A_357 = arith.constant 1 : i32
        %dma_wait3A_358 = arith.constant 0 : i32
        %dma_wait3A_359 = arith.constant 0 : i32
        %dma_wait3A_360 = tpu.memref_slice %arg9[%dma_wait3A_357, %dma_wait3A_358, %dma_wait3A_359] : memref<2x128x128xf32, #tpu.memory_space<vmem>> -> memref<1x128x128xf32, #tpu.memory_space<vmem>>
        %dma_wait3A_361 = tpu.memref_squeeze %dma_wait3A_360 : memref<1x128x128xf32, #tpu.memory_space<vmem>> -> memref<128x128xf32, #tpu.memory_space<vmem>>
        %dma_wait3A_362 = arith.constant 0 : i32
        %dma_wait3A_363 = tpu.memref_slice %arg8[%dma_wait3A_355, %dma_wait3A_356, %dma_wait3A_362] : memref<4x2x128xi32, #tpu.memory_space<vmem>> -> memref<1x1x128xi32, #tpu.memory_space<vmem>>
        %dma_wait3A_364 = tpu.memref_squeeze %dma_wait3A_363 : memref<1x1x128xi32, #tpu.memory_space<vmem>> -> memref<128xi32, #tpu.memory_space<vmem>>
        %dma_wait3A_365 = arith.constant 0 : i32
        %dma_wait3A_366 = arith.constant 0 : i32
        %dma_wait3A_367 = tpu.memref_slice %arg4[%dma_wait3A_365, %dma_wait3A_366] : memref<10000x128xf32, #tpu.memory_space<hbm>> -> memref<10000x128xf32, #tpu.memory_space<hbm>>
        tpu.wait_indirect_dma semaphore(%arg16 : memref<!tpu.dma_semaphore, #tpu.memory_space<semaphore_mem>>) src(%dma_wait3A_367 : memref<10000x128xf32, #tpu.memory_space<hbm>>) dst(%dma_wait3A_361 : memref<128x128xf32, #tpu.memory_space<vmem>>)
        %dma_start3A_368 = arith.constant 1 : i32
        %dma_start3A_369 = arith.constant 3 : i32
        %dma_start3A_370 = arith.constant 1 : i32
        %dma_start3A_371 = arith.constant 0 : i32
        %dma_start3A_372 = arith.constant 0 : i32
        %dma_start3A_373 = tpu.memref_slice %arg9[%dma_start3A_368, %dma_start3A_371, %dma_start3A_372] : memref<2x128x128xf32, #tpu.memory_space<vmem>> -> memref<1x128x128xf32, #tpu.memory_space<vmem>>
        %dma_start3A_374 = tpu.memref_squeeze %dma_start3A_373 : memref<1x128x128xf32, #tpu.memory_space<vmem>> -> memref<128x128xf32, #tpu.memory_space<vmem>>
        %dma_start3A_375 = arith.constant 0 : i32
        %dma_start3A_376 = tpu.memref_slice %arg8[%dma_start3A_369, %dma_start3A_370, %dma_start3A_375] : memref<4x2x128xi32, #tpu.memory_space<vmem>> -> memref<1x1x128xi32, #tpu.memory_space<vmem>>
        %dma_start3A_377 = tpu.memref_squeeze %dma_start3A_376 : memref<1x1x128xi32, #tpu.memory_space<vmem>> -> memref<128xi32, #tpu.memory_space<vmem>>
        %dma_start3A_378 = arith.constant 0 : i32
        %dma_start3A_379 = arith.constant 0 : i32
        %dma_start3A_380 = tpu.memref_slice %arg10[%dma_start3A_378, %dma_start3A_379] : memref<10112x128xf32, #tpu.memory_space<vmem_shared>> -> memref<10112x128xf32, #tpu.memory_space<vmem_shared>>
        tpu.enqueue_indirect_dma source(%dma_start3A_374 : memref<128x128xf32, #tpu.memory_space<vmem>>) target(%dma_start3A_380 : memref<10112x128xf32, #tpu.memory_space<vmem_shared>>) offsets(%dma_start3A_377 : memref<128xi32, #tpu.memory_space<vmem>>) semaphore(%arg18 : memref<!tpu.dma_semaphore, #tpu.memory_space<semaphore_mem>>) {add = true}
        %dma_wait3A_381 = arith.constant 0 : i32
        %dma_wait3A_382 = arith.constant 2 : i32
        %dma_wait3A_383 = arith.constant 1 : i32
        %dma_wait3A_384 = arith.constant 0 : i32
        %dma_wait3A_385 = arith.constant 0 : i32
        %dma_wait3A_386 = tpu.memref_slice %arg9[%dma_wait3A_381, %dma_wait3A_384, %dma_wait3A_385] : memref<2x128x128xf32, #tpu.memory_space<vmem>> -> memref<1x128x128xf32, #tpu.memory_space<vmem>>
        %dma_wait3A_387 = tpu.memref_squeeze %dma_wait3A_386 : memref<1x128x128xf32, #tpu.memory_space<vmem>> -> memref<128x128xf32, #tpu.memory_space<vmem>>
        %dma_wait3A_388 = arith.constant 0 : i32
        %dma_wait3A_389 = tpu.memref_slice %arg8[%dma_wait3A_382, %dma_wait3A_383, %dma_wait3A_388] : memref<4x2x128xi32, #tpu.memory_space<vmem>> -> memref<1x1x128xi32, #tpu.memory_space<vmem>>
        %dma_wait3A_390 = tpu.memref_squeeze %dma_wait3A_389 : memref<1x1x128xi32, #tpu.memory_space<vmem>> -> memref<128xi32, #tpu.memory_space<vmem>>
        %dma_wait3A_391 = arith.constant 0 : i32
        %dma_wait3A_392 = arith.constant 0 : i32
        %dma_wait3A_393 = tpu.memref_slice %arg10[%dma_wait3A_391, %dma_wait3A_392] : memref<10112x128xf32, #tpu.memory_space<vmem_shared>> -> memref<10112x128xf32, #tpu.memory_space<vmem_shared>>
        tpu.wait_indirect_dma semaphore(%arg17 : memref<!tpu.dma_semaphore, #tpu.memory_space<semaphore_mem>>) src(%dma_wait3A_387 : memref<128x128xf32, #tpu.memory_space<vmem>>) dst(%dma_wait3A_393 : memref<10112x128xf32, #tpu.memory_space<vmem_shared>>)
        %lt3A_394 = arith.constant 19 : i32
        %lt3A_395 = arith.cmpi slt, %scan3A_132, %lt3A_394 : i32
        %convert_element_type3A_396 = arith.extui %lt3A_395 : i1 to i32
        %cond3A_397 = arith.constant 0 : i32
        %cond3A_398 = arith.cmpi ne, %convert_element_type3A_396, %cond3A_397 : i32
        scf.if %cond3A_398 {
          %add3A_399 = arith.constant 3 : i32
          %add3A_400 = arith.addi %add3A_354, %add3A_399 : i32
          %dma_start3A_401 = arith.constant 2 : i32
          %dma_start3A_402 = arith.constant 0 : i32
          %dma_start3A_403 = arith.constant 0 : i32
          %dma_start3A_404 = tpu.memref_slice %arg8[%dma_start3A_401, %dma_start3A_402, %dma_start3A_403] : memref<4x2x128xi32, #tpu.memory_space<vmem>> -> memref<1x2x128xi32, #tpu.memory_space<vmem>>
          %dma_start3A_405 = tpu.memref_squeeze %dma_start3A_404 : memref<1x2x128xi32, #tpu.memory_space<vmem>> -> memref<2x128xi32, #tpu.memory_space<vmem>>
          %dma_start3A_406 = arith.constant 0 : i32
          %dma_start3A_407 = arith.constant 0 : i32
          %dma_start3A_408 = tpu.memref_slice %arg2[%arg1, %add3A_400, %dma_start3A_406, %dma_start3A_407] : memref<16x80x2x128xi32, #tpu.memory_space<hbm>> -> memref<1x1x2x128xi32, #tpu.memory_space<hbm>>
          %dma_start3A_409 = tpu.memref_squeeze %dma_start3A_408 : memref<1x1x2x128xi32, #tpu.memory_space<hbm>> -> memref<2x128xi32, #tpu.memory_space<hbm>>
          %dma_start3A_410 = arith.constant 0 : i32
          %dma_start3A_411 = arith.constant 0 : i32
          %dma_start3A_412 = tpu.memref_slice %arg8[%dma_start3A_401, %dma_start3A_410, %dma_start3A_411] : memref<4x2x128xi32, #tpu.memory_space<vmem>> -> memref<1x2x128xi32, #tpu.memory_space<vmem>>
          %dma_start3A_413 = tpu.memref_squeeze %dma_start3A_412 : memref<1x2x128xi32, #tpu.memory_space<vmem>> -> memref<2x128xi32, #tpu.memory_space<vmem>>
          %dma_start3A_414 = arith.constant 0 : i32
          %dma_start3A_415 = arith.constant 0 : i32
          %dma_start3A_416 = tpu.memref_slice %arg2[%arg1, %add3A_400, %dma_start3A_414, %dma_start3A_415] : memref<16x80x2x128xi32, #tpu.memory_space<hbm>> -> memref<1x1x2x128xi32, #tpu.memory_space<hbm>>
          %dma_start3A_417 = tpu.memref_squeeze %dma_start3A_416 : memref<1x1x2x128xi32, #tpu.memory_space<hbm>> -> memref<2x128xi32, #tpu.memory_space<hbm>>
          tpu.enqueue_dma source(%dma_start3A_417 : memref<2x128xi32, #tpu.memory_space<hbm>>) target(%dma_start3A_413 : memref<2x128xi32, #tpu.memory_space<vmem>>) target_semaphore(%arg13 : memref<!tpu.dma_semaphore, #tpu.memory_space<semaphore_mem>>)
          %add3A_418 = arith.constant 1 : i32
          %add3A_419 = arith.addi %add3A_354, %add3A_418 : i32
          %dma_wait3A_420 = arith.constant 0 : i32
          %dma_wait3A_421 = arith.constant 0 : i32
          %dma_wait3A_422 = arith.constant 0 : i32
          %dma_wait3A_423 = tpu.memref_slice %arg8[%dma_wait3A_420, %dma_wait3A_421, %dma_wait3A_422] : memref<4x2x128xi32, #tpu.memory_space<vmem>> -> memref<1x2x128xi32, #tpu.memory_space<vmem>>
          %dma_wait3A_424 = tpu.memref_squeeze %dma_wait3A_423 : memref<1x2x128xi32, #tpu.memory_space<vmem>> -> memref<2x128xi32, #tpu.memory_space<vmem>>
          %dma_wait3A_425 = arith.constant 0 : i32
          %dma_wait3A_426 = arith.constant 0 : i32
          %dma_wait3A_427 = tpu.memref_slice %arg2[%arg1, %add3A_419, %dma_wait3A_425, %dma_wait3A_426] : memref<16x80x2x128xi32, #tpu.memory_space<hbm>> -> memref<1x1x2x128xi32, #tpu.memory_space<hbm>>
          %dma_wait3A_428 = tpu.memref_squeeze %dma_wait3A_427 : memref<1x1x2x128xi32, #tpu.memory_space<hbm>> -> memref<2x128xi32, #tpu.memory_space<hbm>>
          %dma_wait3A_429 = arith.constant 0 : i32
          %dma_wait3A_430 = arith.constant 0 : i32
          %dma_wait3A_431 = tpu.memref_slice %arg8[%dma_wait3A_420, %dma_wait3A_429, %dma_wait3A_430] : memref<4x2x128xi32, #tpu.memory_space<vmem>> -> memref<1x2x128xi32, #tpu.memory_space<vmem>>
          %dma_wait3A_432 = tpu.memref_squeeze %dma_wait3A_431 : memref<1x2x128xi32, #tpu.memory_space<vmem>> -> memref<2x128xi32, #tpu.memory_space<vmem>>
          %dma_wait3A_433 = arith.constant 0 : i32
          %dma_wait3A_434 = arith.constant 0 : i32
          %dma_wait3A_435 = tpu.memref_slice %arg2[%arg1, %add3A_419, %dma_wait3A_433, %dma_wait3A_434] : memref<16x80x2x128xi32, #tpu.memory_space<hbm>> -> memref<1x1x2x128xi32, #tpu.memory_space<hbm>>
          %dma_wait3A_436 = tpu.memref_squeeze %dma_wait3A_435 : memref<1x1x2x128xi32, #tpu.memory_space<hbm>> -> memref<2x128xi32, #tpu.memory_space<hbm>>
          tpu.wait_dma2 semaphore(%arg11 : memref<!tpu.dma_semaphore, #tpu.memory_space<semaphore_mem>>) src(%dma_wait3A_436 : memref<2x128xi32, #tpu.memory_space<hbm>>) dst(%dma_wait3A_432 : memref<2x128xi32, #tpu.memory_space<vmem>>)
          %dma_start3A_437 = arith.constant 0 : i32
          %dma_start3A_438 = arith.constant 0 : i32
          %dma_start3A_439 = arith.constant 0 : i32
          %dma_start3A_440 = arith.constant 0 : i32
          %dma_start3A_441 = arith.constant 0 : i32
          %dma_start3A_442 = tpu.memref_slice %arg9[%dma_start3A_439, %dma_start3A_440, %dma_start3A_441] : memref<2x128x128xf32, #tpu.memory_space<vmem>> -> memref<1x128x128xf32, #tpu.memory_space<vmem>>
          %dma_start3A_443 = tpu.memref_squeeze %dma_start3A_442 : memref<1x128x128xf32, #tpu.memory_space<vmem>> -> memref<128x128xf32, #tpu.memory_space<vmem>>
          %dma_start3A_444 = arith.constant 0 : i32
          %dma_start3A_445 = tpu.memref_slice %arg8[%dma_start3A_437, %dma_start3A_438, %dma_start3A_444] : memref<4x2x128xi32, #tpu.memory_space<vmem>> -> memref<1x1x128xi32, #tpu.memory_space<vmem>>
          %dma_start3A_446 = tpu.memref_squeeze %dma_start3A_445 : memref<1x1x128xi32, #tpu.memory_space<vmem>> -> memref<128xi32, #tpu.memory_space<vmem>>
          %dma_start3A_447 = arith.constant 0 : i32
          %dma_start3A_448 = arith.constant 0 : i32
          %dma_start3A_449 = tpu.memref_slice %arg4[%dma_start3A_447, %dma_start3A_448] : memref<10000x128xf32, #tpu.memory_space<hbm>> -> memref<10000x128xf32, #tpu.memory_space<hbm>>
          tpu.enqueue_indirect_dma source(%dma_start3A_449 : memref<10000x128xf32, #tpu.memory_space<hbm>>) target(%dma_start3A_443 : memref<128x128xf32, #tpu.memory_space<vmem>>) offsets(%dma_start3A_446 : memref<128xi32, #tpu.memory_space<vmem>>) semaphore(%arg15 : memref<!tpu.dma_semaphore, #tpu.memory_space<semaphore_mem>>)
        } else {
        }
      }
      %scan3A_113 = arith.constant 20 : i32
      %dma_wait3A_114 = arith.constant 1 : i32
      %dma_wait3A_115 = arith.constant 3 : i32
      %dma_wait3A_116 = arith.constant 1 : i32
      %dma_wait3A_117 = arith.constant 0 : i32
      %dma_wait3A_118 = arith.constant 0 : i32
      %dma_wait3A_119 = tpu.memref_slice %arg9[%dma_wait3A_114, %dma_wait3A_117, %dma_wait3A_118] : memref<2x128x128xf32, #tpu.memory_space<vmem>> -> memref<1x128x128xf32, #tpu.memory_space<vmem>>
      %dma_wait3A_120 = tpu.memref_squeeze %dma_wait3A_119 : memref<1x128x128xf32, #tpu.memory_space<vmem>> -> memref<128x128xf32, #tpu.memory_space<vmem>>
      %dma_wait3A_121 = arith.constant 0 : i32
      %dma_wait3A_122 = tpu.memref_slice %arg8[%dma_wait3A_115, %dma_wait3A_116, %dma_wait3A_121] : memref<4x2x128xi32, #tpu.memory_space<vmem>> -> memref<1x1x128xi32, #tpu.memory_space<vmem>>
      %dma_wait3A_123 = tpu.memref_squeeze %dma_wait3A_122 : memref<1x1x128xi32, #tpu.memory_space<vmem>> -> memref<128xi32, #tpu.memory_space<vmem>>
      %dma_wait3A_124 = arith.constant 0 : i32
      %dma_wait3A_125 = arith.constant 0 : i32
      %dma_wait3A_126 = tpu.memref_slice %arg10[%dma_wait3A_124, %dma_wait3A_125] : memref<10112x128xf32, #tpu.memory_space<vmem_shared>> -> memref<10112x128xf32, #tpu.memory_space<vmem_shared>>
      tpu.wait_indirect_dma semaphore(%arg18 : memref<!tpu.dma_semaphore, #tpu.memory_space<semaphore_mem>>) src(%dma_wait3A_120 : memref<128x128xf32, #tpu.memory_space<vmem>>) dst(%dma_wait3A_126 : memref<10112x128xf32, #tpu.memory_space<vmem_shared>>)
      %barrier3A_127 = arith.constant 0 : index
      tpu.barrier barrier_id(%barrier3A_127)
      %mul3A_128 = arith.constant 632 : i32
      %mul3A_129 = arith.muli %arg1, %mul3A_128 : i32
      %mul3A_130 = arith.constant 632 : i32
      %mul3A_131 = arith.muli %arg1, %mul3A_130 : i32
      "tpu.region"() ({
        %run_scoped3A = tpu.sem_alloc : memref<!tpu.dma_semaphore, #tpu.memory_space<semaphore_mem>>
        %dma_start3A_132 = arith.constant 0 : i32
        %dma_start3A_133 = tpu.memref_slice %arg7[%mul3A_131, %dma_start3A_132] : memref<10112x128xf32, #tpu.memory_space<hbm>> -> memref<632x128xf32, #tpu.memory_space<hbm>>
        %dma_start3A_134 = arith.constant 0 : i32
        %dma_start3A_135 = tpu.memref_slice %arg10[%mul3A_129, %dma_start3A_134] : memref<10112x128xf32, #tpu.memory_space<vmem_shared>> -> memref<632x128xf32, #tpu.memory_space<vmem_shared>>
        tpu.enqueue_dma source(%dma_start3A_135 : memref<632x128xf32, #tpu.memory_space<vmem_shared>>) target(%dma_start3A_133 : memref<632x128xf32, #tpu.memory_space<hbm>>) target_semaphore(%run_scoped3A : memref<!tpu.dma_semaphore, #tpu.memory_space<semaphore_mem>>)
        %dma_wait3A_136 = arith.constant 0 : i32
        %dma_wait3A_137 = tpu.memref_slice %arg7[%mul3A_131, %dma_wait3A_136] : memref<10112x128xf32, #tpu.memory_space<hbm>> -> memref<632x128xf32, #tpu.memory_space<hbm>>
        %dma_wait3A_138 = arith.constant 0 : i32
        %dma_wait3A_139 = tpu.memref_slice %arg10[%mul3A_129, %dma_wait3A_138] : memref<10112x128xf32, #tpu.memory_space<vmem_shared>> -> memref<632x128xf32, #tpu.memory_space<vmem_shared>>
        tpu.wait_dma2 semaphore(%run_scoped3A : memref<!tpu.dma_semaphore, #tpu.memory_space<semaphore_mem>>) src(%dma_wait3A_139 : memref<632x128xf32, #tpu.memory_space<vmem_shared>>) dst(%dma_wait3A_137 : memref<632x128xf32, #tpu.memory_space<hbm>>)
        tpu.yield
      }) : () -> ()
    } else {
    }
    return
  }
}

#map = affine_map<(d0, d1) -> (0, 0, 0, 0)>
#map1 = affine_map<(d0, d1) -> (0, 0)>
module attributes {stable_mosaic.version = 14 : i64} {
  func.func @_mp_kernel(%arg0: i32, %arg1: i32, %arg2: memref<16x80x2x128xi32, #tpu.memory_space<hbm>>, %arg3: memref<10000x128xf32, #tpu.memory_space<hbm>>, %arg4: memref<10000x128xf32, #tpu.memory_space<hbm>>, %arg5: memref<632x128xf32, #tpu.memory_space<hbm>>, %arg6: memref<10112x128xf32, #tpu.memory_space<hbm>>, %arg7: memref<10112x128xf32, #tpu.memory_space<hbm>>, %arg8: memref<4x2x128xi32, #tpu.memory_space<vmem>>, %arg9: memref<2x128x128xf32, #tpu.memory_space<vmem>>, %arg10: memref<10112x128xf32, #tpu.memory_space<vmem_shared>>, %arg11: memref<!tpu.dma_semaphore, #tpu.memory_space<semaphore_mem>>, %arg12: memref<!tpu.dma_semaphore, #tpu.memory_space<semaphore_mem>>, %arg13: memref<!tpu.dma_semaphore, #tpu.memory_space<semaphore_mem>>, %arg14: memref<!tpu.dma_semaphore, #tpu.memory_space<semaphore_mem>>, %arg15: memref<!tpu.dma_semaphore, #tpu.memory_space<semaphore_mem>>, %arg16: memref<!tpu.dma_semaphore, #tpu.memory_space<semaphore_mem>>, %arg17: memref<!tpu.dma_semaphore, #tpu.memory_space<semaphore_mem>>, %arg18: memref<!tpu.dma_semaphore, #tpu.memory_space<semaphore_mem>>) attributes {dimension_semantics = [#tpu.dimension_semantics<core_parallel>, #tpu.dimension_semantics<subcore_parallel>], iteration_bounds = array<i64: 2, 16>, scalar_prefetch = 0 : i64, scratch_operands = 11 : i64, tpu.core_type = #tpu.core_type<sc_vector_subcore>, window_params = [{transform_indices = #map}, {transform_indices = #map1}, {transform_indices = #map1}, {transform_indices = #map1}, {transform_indices = #map1}, {transform_indices = #map1}]} {
    %eq3A = arith.constant 0 : i32
    %eq3A_0 = arith.cmpi eq, %arg0, %eq3A : i32
    %convert_element_type3A = arith.extui %eq3A_0 : i1 to i32
    %cond3A = arith.constant 0 : i32
    %cond3A_1 = arith.cmpi ne, %convert_element_type3A, %cond3A : i32
    scf.if %cond3A_1 {
      %dma_start3A = arith.constant 0 : i32
      %dma_start3A_7 = arith.constant 0 : i32
      %dma_start3A_8 = arith.constant 0 : i32
      %dma_start3A_9 = arith.constant 0 : i32
      %dma_start3A_10 = tpu.memref_slice %arg8[%dma_start3A_7, %dma_start3A_8, %dma_start3A_9] : memref<4x2x128xi32, #tpu.memory_space<vmem>> -> memref<1x2x128xi32, #tpu.memory_space<vmem>>
      %dma_start3A_11 = tpu.memref_squeeze %dma_start3A_10 : memref<1x2x128xi32, #tpu.memory_space<vmem>> -> memref<2x128xi32, #tpu.memory_space<vmem>>
      %dma_start3A_12 = arith.constant 0 : i32
      %dma_start3A_13 = arith.constant 0 : i32
      %dma_start3A_14 = tpu.memref_slice %arg2[%arg1, %dma_start3A, %dma_start3A_12, %dma_start3A_13] : memref<16x80x2x128xi32, #tpu.memory_space<hbm>> -> memref<1x1x2x128xi32, #tpu.memory_space<hbm>>
      %dma_start3A_15 = tpu.memref_squeeze %dma_start3A_14 : memref<1x1x2x128xi32, #tpu.memory_space<hbm>> -> memref<2x128xi32, #tpu.memory_space<hbm>>
      %dma_start3A_16 = arith.constant 0 : i32
      %dma_start3A_17 = arith.constant 0 : i32
      %dma_start3A_18 = tpu.memref_slice %arg8[%dma_start3A_7, %dma_start3A_16, %dma_start3A_17] : memref<4x2x128xi32, #tpu.memory_space<vmem>> -> memref<1x2x128xi32, #tpu.memory_space<vmem>>
      %dma_start3A_19 = tpu.memref_squeeze %dma_start3A_18 : memref<1x2x128xi32, #tpu.memory_space<vmem>> -> memref<2x128xi32, #tpu.memory_space<vmem>>
      %dma_start3A_20 = arith.constant 0 : i32
      %dma_start3A_21 = arith.constant 0 : i32
      %dma_start3A_22 = tpu.memref_slice %arg2[%arg1, %dma_start3A, %dma_start3A_20, %dma_start3A_21] : memref<16x80x2x128xi32, #tpu.memory_space<hbm>> -> memref<1x1x2x128xi32, #tpu.memory_space<hbm>>
      %dma_start3A_23 = tpu.memref_squeeze %dma_start3A_22 : memref<1x1x2x128xi32, #tpu.memory_space<hbm>> -> memref<2x128xi32, #tpu.memory_space<hbm>>
      tpu.enqueue_dma source(%dma_start3A_23 : memref<2x128xi32, #tpu.memory_space<hbm>>) target(%dma_start3A_19 : memref<2x128xi32, #tpu.memory_space<vmem>>) target_semaphore(%arg11 : memref<!tpu.dma_semaphore, #tpu.memory_space<semaphore_mem>>)
      %dma_start3A_24 = arith.constant 1 : i32
      %dma_start3A_25 = arith.constant 1 : i32
      %dma_start3A_26 = arith.constant 0 : i32
      %dma_start3A_27 = arith.constant 0 : i32
      %dma_start3A_28 = tpu.memref_slice %arg8[%dma_start3A_25, %dma_start3A_26, %dma_start3A_27] : memref<4x2x128xi32, #tpu.memory_space<vmem>> -> memref<1x2x128xi32, #tpu.memory_space<vmem>>
      %dma_start3A_29 = tpu.memref_squeeze %dma_start3A_28 : memref<1x2x128xi32, #tpu.memory_space<vmem>> -> memref<2x128xi32, #tpu.memory_space<vmem>>
      %dma_start3A_30 = arith.constant 0 : i32
      %dma_start3A_31 = arith.constant 0 : i32
      %dma_start3A_32 = tpu.memref_slice %arg2[%arg1, %dma_start3A_24, %dma_start3A_30, %dma_start3A_31] : memref<16x80x2x128xi32, #tpu.memory_space<hbm>> -> memref<1x1x2x128xi32, #tpu.memory_space<hbm>>
      %dma_start3A_33 = tpu.memref_squeeze %dma_start3A_32 : memref<1x1x2x128xi32, #tpu.memory_space<hbm>> -> memref<2x128xi32, #tpu.memory_space<hbm>>
      %dma_start3A_34 = arith.constant 0 : i32
      %dma_start3A_35 = arith.constant 0 : i32
      %dma_start3A_36 = tpu.memref_slice %arg8[%dma_start3A_25, %dma_start3A_34, %dma_start3A_35] : memref<4x2x128xi32, #tpu.memory_space<vmem>> -> memref<1x2x128xi32, #tpu.memory_space<vmem>>
      %dma_start3A_37 = tpu.memref_squeeze %dma_start3A_36 : memref<1x2x128xi32, #tpu.memory_space<vmem>> -> memref<2x128xi32, #tpu.memory_space<vmem>>
      %dma_start3A_38 = arith.constant 0 : i32
      %dma_start3A_39 = arith.constant 0 : i32
      %dma_start3A_40 = tpu.memref_slice %arg2[%arg1, %dma_start3A_24, %dma_start3A_38, %dma_start3A_39] : memref<16x80x2x128xi32, #tpu.memory_space<hbm>> -> memref<1x1x2x128xi32, #tpu.memory_space<hbm>>
      %dma_start3A_41 = tpu.memref_squeeze %dma_start3A_40 : memref<1x1x2x128xi32, #tpu.memory_space<hbm>> -> memref<2x128xi32, #tpu.memory_space<hbm>>
      tpu.enqueue_dma source(%dma_start3A_41 : memref<2x128xi32, #tpu.memory_space<hbm>>) target(%dma_start3A_37 : memref<2x128xi32, #tpu.memory_space<vmem>>) target_semaphore(%arg12 : memref<!tpu.dma_semaphore, #tpu.memory_space<semaphore_mem>>)
      %dma_start3A_42 = arith.constant 2 : i32
      %dma_start3A_43 = arith.constant 2 : i32
      %dma_start3A_44 = arith.constant 0 : i32
      %dma_start3A_45 = arith.constant 0 : i32
      %dma_start3A_46 = tpu.memref_slice %arg8[%dma_start3A_43, %dma_start3A_44, %dma_start3A_45] : memref<4x2x128xi32, #tpu.memory_space<vmem>> -> memref<1x2x128xi32, #tpu.memory_space<vmem>>
      %dma_start3A_47 = tpu.memref_squeeze %dma_start3A_46 : memref<1x2x128xi32, #tpu.memory_space<vmem>> -> memref<2x128xi32, #tpu.memory_space<vmem>>
      %dma_start3A_48 = arith.constant 0 : i32
      %dma_start3A_49 = arith.constant 0 : i32
      %dma_start3A_50 = tpu.memref_slice %arg2[%arg1, %dma_start3A_42, %dma_start3A_48, %dma_start3A_49] : memref<16x80x2x128xi32, #tpu.memory_space<hbm>> -> memref<1x1x2x128xi32, #tpu.memory_space<hbm>>
      %dma_start3A_51 = tpu.memref_squeeze %dma_start3A_50 : memref<1x1x2x128xi32, #tpu.memory_space<hbm>> -> memref<2x128xi32, #tpu.memory_space<hbm>>
      %dma_start3A_52 = arith.constant 0 : i32
      %dma_start3A_53 = arith.constant 0 : i32
      %dma_start3A_54 = tpu.memref_slice %arg8[%dma_start3A_43, %dma_start3A_52, %dma_start3A_53] : memref<4x2x128xi32, #tpu.memory_space<vmem>> -> memref<1x2x128xi32, #tpu.memory_space<vmem>>
      %dma_start3A_55 = tpu.memref_squeeze %dma_start3A_54 : memref<1x2x128xi32, #tpu.memory_space<vmem>> -> memref<2x128xi32, #tpu.memory_space<vmem>>
      %dma_start3A_56 = arith.constant 0 : i32
      %dma_start3A_57 = arith.constant 0 : i32
      %dma_start3A_58 = tpu.memref_slice %arg2[%arg1, %dma_start3A_42, %dma_start3A_56, %dma_start3A_57] : memref<16x80x2x128xi32, #tpu.memory_space<hbm>> -> memref<1x1x2x128xi32, #tpu.memory_space<hbm>>
      %dma_start3A_59 = tpu.memref_squeeze %dma_start3A_58 : memref<1x1x2x128xi32, #tpu.memory_space<hbm>> -> memref<2x128xi32, #tpu.memory_space<hbm>>
      tpu.enqueue_dma source(%dma_start3A_59 : memref<2x128xi32, #tpu.memory_space<hbm>>) target(%dma_start3A_55 : memref<2x128xi32, #tpu.memory_space<vmem>>) target_semaphore(%arg13 : memref<!tpu.dma_semaphore, #tpu.memory_space<semaphore_mem>>)
      %dma_start3A_60 = arith.constant 3 : i32
      %dma_start3A_61 = arith.constant 3 : i32
      %dma_start3A_62 = arith.constant 0 : i32
      %dma_start3A_63 = arith.constant 0 : i32
      %dma_start3A_64 = tpu.memref_slice %arg8[%dma_start3A_61, %dma_start3A_62, %dma_start3A_63] : memref<4x2x128xi32, #tpu.memory_space<vmem>> -> memref<1x2x128xi32, #tpu.memory_space<vmem>>
      %dma_start3A_65 = tpu.memref_squeeze %dma_start3A_64 : memref<1x2x128xi32, #tpu.memory_space<vmem>> -> memref<2x128xi32, #tpu.memory_space<vmem>>
      %dma_start3A_66 = arith.constant 0 : i32
      %dma_start3A_67 = arith.constant 0 : i32
      %dma_start3A_68 = tpu.memref_slice %arg2[%arg1, %dma_start3A_60, %dma_start3A_66, %dma_start3A_67] : memref<16x80x2x128xi32, #tpu.memory_space<hbm>> -> memref<1x1x2x128xi32, #tpu.memory_space<hbm>>
      %dma_start3A_69 = tpu.memref_squeeze %dma_start3A_68 : memref<1x1x2x128xi32, #tpu.memory_space<hbm>> -> memref<2x128xi32, #tpu.memory_space<hbm>>
      %dma_start3A_70 = arith.constant 0 : i32
      %dma_start3A_71 = arith.constant 0 : i32
      %dma_start3A_72 = tpu.memref_slice %arg8[%dma_start3A_61, %dma_start3A_70, %dma_start3A_71] : memref<4x2x128xi32, #tpu.memory_space<vmem>> -> memref<1x2x128xi32, #tpu.memory_space<vmem>>
      %dma_start3A_73 = tpu.memref_squeeze %dma_start3A_72 : memref<1x2x128xi32, #tpu.memory_space<vmem>> -> memref<2x128xi32, #tpu.memory_space<vmem>>
      %dma_start3A_74 = arith.constant 0 : i32
      %dma_start3A_75 = arith.constant 0 : i32
      %dma_start3A_76 = tpu.memref_slice %arg2[%arg1, %dma_start3A_60, %dma_start3A_74, %dma_start3A_75] : memref<16x80x2x128xi32, #tpu.memory_space<hbm>> -> memref<1x1x2x128xi32, #tpu.memory_space<hbm>>
      %dma_start3A_77 = tpu.memref_squeeze %dma_start3A_76 : memref<1x1x2x128xi32, #tpu.memory_space<hbm>> -> memref<2x128xi32, #tpu.memory_space<hbm>>
      tpu.enqueue_dma source(%dma_start3A_77 : memref<2x128xi32, #tpu.memory_space<hbm>>) target(%dma_start3A_73 : memref<2x128xi32, #tpu.memory_space<vmem>>) target_semaphore(%arg14 : memref<!tpu.dma_semaphore, #tpu.memory_space<semaphore_mem>>)
      %dma_wait3A = arith.constant 0 : i32
      %dma_wait3A_78 = arith.constant 0 : i32
      %dma_wait3A_79 = arith.constant 0 : i32
      %dma_wait3A_80 = arith.constant 0 : i32
      %dma_wait3A_81 = tpu.memref_slice %arg8[%dma_wait3A_78, %dma_wait3A_79, %dma_wait3A_80] : memref<4x2x128xi32, #tpu.memory_space<vmem>> -> memref<1x2x128xi32, #tpu.memory_space<vmem>>
      %dma_wait3A_82 = tpu.memref_squeeze %dma_wait3A_81 : memref<1x2x128xi32, #tpu.memory_space<vmem>> -> memref<2x128xi32, #tpu.memory_space<vmem>>
      %dma_wait3A_83 = arith.constant 0 : i32
      %dma_wait3A_84 = arith.constant 0 : i32
      %dma_wait3A_85 = tpu.memref_slice %arg2[%arg1, %dma_wait3A, %dma_wait3A_83, %dma_wait3A_84] : memref<16x80x2x128xi32, #tpu.memory_space<hbm>> -> memref<1x1x2x128xi32, #tpu.memory_space<hbm>>
      %dma_wait3A_86 = tpu.memref_squeeze %dma_wait3A_85 : memref<1x1x2x128xi32, #tpu.memory_space<hbm>> -> memref<2x128xi32, #tpu.memory_space<hbm>>
      %dma_wait3A_87 = arith.constant 0 : i32
      %dma_wait3A_88 = arith.constant 0 : i32
      %dma_wait3A_89 = tpu.memref_slice %arg8[%dma_wait3A_78, %dma_wait3A_87, %dma_wait3A_88] : memref<4x2x128xi32, #tpu.memory_space<vmem>> -> memref<1x2x128xi32, #tpu.memory_space<vmem>>
      %dma_wait3A_90 = tpu.memref_squeeze %dma_wait3A_89 : memref<1x2x128xi32, #tpu.memory_space<vmem>> -> memref<2x128xi32, #tpu.memory_space<vmem>>
      %dma_wait3A_91 = arith.constant 0 : i32
      %dma_wait3A_92 = arith.constant 0 : i32
      %dma_wait3A_93 = tpu.memref_slice %arg2[%arg1, %dma_wait3A, %dma_wait3A_91, %dma_wait3A_92] : memref<16x80x2x128xi32, #tpu.memory_space<hbm>> -> memref<1x1x2x128xi32, #tpu.memory_space<hbm>>
      %dma_wait3A_94 = tpu.memref_squeeze %dma_wait3A_93 : memref<1x1x2x128xi32, #tpu.memory_space<hbm>> -> memref<2x128xi32, #tpu.memory_space<hbm>>
      tpu.wait_dma2 semaphore(%arg11 : memref<!tpu.dma_semaphore, #tpu.memory_space<semaphore_mem>>) src(%dma_wait3A_94 : memref<2x128xi32, #tpu.memory_space<hbm>>) dst(%dma_wait3A_90 : memref<2x128xi32, #tpu.memory_space<vmem>>)
      %dma_start3A_95 = arith.constant 0 : i32
      %dma_start3A_96 = arith.constant 0 : i32
      %dma_start3A_97 = arith.constant 0 : i32
      %dma_start3A_98 = arith.constant 0 : i32
      %dma_start3A_99 = arith.constant 0 : i32
      %dma_start3A_100 = tpu.memref_slice %arg9[%dma_start3A_97, %dma_start3A_98, %dma_start3A_99] : memref<2x128x128xf32, #tpu.memory_space<vmem>> -> memref<1x128x128xf32, #tpu.memory_space<vmem>>
      %dma_start3A_101 = tpu.memref_squeeze %dma_start3A_100 : memref<1x128x128xf32, #tpu.memory_space<vmem>> -> memref<128x128xf32, #tpu.memory_space<vmem>>
      %dma_start3A_102 = arith.constant 0 : i32
      %dma_start3A_103 = tpu.memref_slice %arg8[%dma_start3A_95, %dma_start3A_96, %dma_start3A_102] : memref<4x2x128xi32, #tpu.memory_space<vmem>> -> memref<1x1x128xi32, #tpu.memory_space<vmem>>
      %dma_start3A_104 = tpu.memref_squeeze %dma_start3A_103 : memref<1x1x128xi32, #tpu.memory_space<vmem>> -> memref<128xi32, #tpu.memory_space<vmem>>
      %dma_start3A_105 = arith.constant 0 : i32
      %dma_start3A_106 = arith.constant 0 : i32
      %dma_start3A_107 = tpu.memref_slice %arg3[%dma_start3A_105, %dma_start3A_106] : memref<10000x128xf32, #tpu.memory_space<hbm>> -> memref<10000x128xf32, #tpu.memory_space<hbm>>
      tpu.enqueue_indirect_dma source(%dma_start3A_107 : memref<10000x128xf32, #tpu.memory_space<hbm>>) target(%dma_start3A_101 : memref<128x128xf32, #tpu.memory_space<vmem>>) offsets(%dma_start3A_104 : memref<128xi32, #tpu.memory_space<vmem>>) semaphore(%arg15 : memref<!tpu.dma_semaphore, #tpu.memory_space<semaphore_mem>>)
      %mul3A = arith.constant 632 : i32
      %mul3A_108 = arith.muli %arg1, %mul3A : i32
      "tpu.region"() ({
        %run_scoped3A = tpu.sem_alloc : memref<!tpu.dma_semaphore, #tpu.memory_space<semaphore_mem>>
        %dma_start3A_132 = arith.constant 0 : i32
        %dma_start3A_133 = tpu.memref_slice %arg10[%mul3A_108, %dma_start3A_132] : memref<10112x128xf32, #tpu.memory_space<vmem_shared>> -> memref<632x128xf32, #tpu.memory_space<vmem_shared>>
        tpu.enqueue_dma source(%arg5 : memref<632x128xf32, #tpu.memory_space<hbm>>) target(%dma_start3A_133 : memref<632x128xf32, #tpu.memory_space<vmem_shared>>) target_semaphore(%run_scoped3A : memref<!tpu.dma_semaphore, #tpu.memory_space<semaphore_mem>>)
        %dma_wait3A_134 = arith.constant 0 : i32
        %dma_wait3A_135 = tpu.memref_slice %arg10[%mul3A_108, %dma_wait3A_134] : memref<10112x128xf32, #tpu.memory_space<vmem_shared>> -> memref<632x128xf32, #tpu.memory_space<vmem_shared>>
        tpu.wait_dma2 semaphore(%run_scoped3A : memref<!tpu.dma_semaphore, #tpu.memory_space<semaphore_mem>>) src(%arg5 : memref<632x128xf32, #tpu.memory_space<hbm>>) dst(%dma_wait3A_135 : memref<632x128xf32, #tpu.memory_space<vmem_shared>>)
        tpu.yield
      }) : () -> ()
      %barrier3A = arith.constant 0 : index
      tpu.barrier barrier_id(%barrier3A)
      %scan3A = arith.constant 0 : i32
      %scan3A_109 = arith.constant 0 : i32
      %scan3A_110 = arith.constant 20 : i32
      %scan3A_111 = arith.addi %scan3A_109, %scan3A_110 : i32
      %scan3A_112 = arith.constant 1 : i32
      scf.for %scan3A_132 = %scan3A_109 to %scan3A_111 step %scan3A_112  : i32 {
        %mul3A_133 = arith.constant 4 : i32
        %mul3A_134 = arith.muli %mul3A_133, %scan3A_132 : i32
        %add3A = arith.constant 0 : i32
        %add3A_135 = arith.addi %mul3A_134, %add3A : i32
        %dma_wait3A_136 = arith.constant 0 : i32
        %dma_wait3A_137 = arith.constant 0 : i32
        %dma_wait3A_138 = arith.constant 0 : i32
        %dma_wait3A_139 = arith.constant 0 : i32
        %dma_wait3A_140 = arith.constant 0 : i32
        %dma_wait3A_141 = tpu.memref_slice %arg9[%dma_wait3A_138, %dma_wait3A_139, %dma_wait3A_140] : memref<2x128x128xf32, #tpu.memory_space<vmem>> -> memref<1x128x128xf32, #tpu.memory_space<vmem>>
        %dma_wait3A_142 = tpu.memref_squeeze %dma_wait3A_141 : memref<1x128x128xf32, #tpu.memory_space<vmem>> -> memref<128x128xf32, #tpu.memory_space<vmem>>
        %dma_wait3A_143 = arith.constant 0 : i32
        %dma_wait3A_144 = tpu.memref_slice %arg8[%dma_wait3A_136, %dma_wait3A_137, %dma_wait3A_143] : memref<4x2x128xi32, #tpu.memory_space<vmem>> -> memref<1x1x128xi32, #tpu.memory_space<vmem>>
        %dma_wait3A_145 = tpu.memref_squeeze %dma_wait3A_144 : memref<1x1x128xi32, #tpu.memory_space<vmem>> -> memref<128xi32, #tpu.memory_space<vmem>>
        %dma_wait3A_146 = arith.constant 0 : i32
        %dma_wait3A_147 = arith.constant 0 : i32
        %dma_wait3A_148 = tpu.memref_slice %arg3[%dma_wait3A_146, %dma_wait3A_147] : memref<10000x128xf32, #tpu.memory_space<hbm>> -> memref<10000x128xf32, #tpu.memory_space<hbm>>
        tpu.wait_indirect_dma semaphore(%arg15 : memref<!tpu.dma_semaphore, #tpu.memory_space<semaphore_mem>>) src(%dma_wait3A_148 : memref<10000x128xf32, #tpu.memory_space<hbm>>) dst(%dma_wait3A_142 : memref<128x128xf32, #tpu.memory_space<vmem>>)
        %dma_start3A_149 = arith.constant 0 : i32
        %dma_start3A_150 = arith.constant 0 : i32
        %dma_start3A_151 = arith.constant 1 : i32
        %dma_start3A_152 = arith.constant 0 : i32
        %dma_start3A_153 = arith.constant 0 : i32
        %dma_start3A_154 = tpu.memref_slice %arg9[%dma_start3A_149, %dma_start3A_152, %dma_start3A_153] : memref<2x128x128xf32, #tpu.memory_space<vmem>> -> memref<1x128x128xf32, #tpu.memory_space<vmem>>
        %dma_start3A_155 = tpu.memref_squeeze %dma_start3A_154 : memref<1x128x128xf32, #tpu.memory_space<vmem>> -> memref<128x128xf32, #tpu.memory_space<vmem>>
        %dma_start3A_156 = arith.constant 0 : i32
        %dma_start3A_157 = tpu.memref_slice %arg8[%dma_start3A_150, %dma_start3A_151, %dma_start3A_156] : memref<4x2x128xi32, #tpu.memory_space<vmem>> -> memref<1x1x128xi32, #tpu.memory_space<vmem>>
        %dma_start3A_158 = tpu.memref_squeeze %dma_start3A_157 : memref<1x1x128xi32, #tpu.memory_space<vmem>> -> memref<128xi32, #tpu.memory_space<vmem>>
        %dma_start3A_159 = arith.constant 0 : i32
        %dma_start3A_160 = arith.constant 0 : i32
        %dma_start3A_161 = tpu.memref_slice %arg10[%dma_start3A_159, %dma_start3A_160] : memref<10112x128xf32, #tpu.memory_space<vmem_shared>> -> memref<10112x128xf32, #tpu.memory_space<vmem_shared>>
        tpu.enqueue_indirect_dma source(%dma_start3A_155 : memref<128x128xf32, #tpu.memory_space<vmem>>) target(%dma_start3A_161 : memref<10112x128xf32, #tpu.memory_space<vmem_shared>>) offsets(%dma_start3A_158 : memref<128xi32, #tpu.memory_space<vmem>>) semaphore(%arg17 : memref<!tpu.dma_semaphore, #tpu.memory_space<semaphore_mem>>) {add = true}
        %gt3A = arith.constant 0 : i32
        %gt3A_162 = arith.cmpi sgt, %scan3A_132, %gt3A : i32
        %convert_element_type3A_163 = arith.extui %gt3A_162 : i1 to i32
        %cond3A_164 = arith.constant 0 : i32
        %cond3A_165 = arith.cmpi ne, %convert_element_type3A_163, %cond3A_164 : i32
        scf.if %cond3A_165 {
          %dma_wait3A_399 = arith.constant 1 : i32
          %dma_wait3A_400 = arith.constant 3 : i32
          %dma_wait3A_401 = arith.constant 1 : i32
          %dma_wait3A_402 = arith.constant 0 : i32
          %dma_wait3A_403 = arith.constant 0 : i32
          %dma_wait3A_404 = tpu.memref_slice %arg9[%dma_wait3A_399, %dma_wait3A_402, %dma_wait3A_403] : memref<2x128x128xf32, #tpu.memory_space<vmem>> -> memref<1x128x128xf32, #tpu.memory_space<vmem>>
          %dma_wait3A_405 = tpu.memref_squeeze %dma_wait3A_404 : memref<1x128x128xf32, #tpu.memory_space<vmem>> -> memref<128x128xf32, #tpu.memory_space<vmem>>
          %dma_wait3A_406 = arith.constant 0 : i32
          %dma_wait3A_407 = tpu.memref_slice %arg8[%dma_wait3A_400, %dma_wait3A_401, %dma_wait3A_406] : memref<4x2x128xi32, #tpu.memory_space<vmem>> -> memref<1x1x128xi32, #tpu.memory_space<vmem>>
          %dma_wait3A_408 = tpu.memref_squeeze %dma_wait3A_407 : memref<1x1x128xi32, #tpu.memory_space<vmem>> -> memref<128xi32, #tpu.memory_space<vmem>>
          %dma_wait3A_409 = arith.constant 0 : i32
          %dma_wait3A_410 = arith.constant 0 : i32
          %dma_wait3A_411 = tpu.memref_slice %arg10[%dma_wait3A_409, %dma_wait3A_410] : memref<10112x128xf32, #tpu.memory_space<vmem_shared>> -> memref<10112x128xf32, #tpu.memory_space<vmem_shared>>
          tpu.wait_indirect_dma semaphore(%arg18 : memref<!tpu.dma_semaphore, #tpu.memory_space<semaphore_mem>>) src(%dma_wait3A_405 : memref<128x128xf32, #tpu.memory_space<vmem>>) dst(%dma_wait3A_411 : memref<10112x128xf32, #tpu.memory_space<vmem_shared>>)
          %add3A_412 = arith.constant 3 : i32
          %add3A_413 = arith.addi %add3A_135, %add3A_412 : i32
          %dma_start3A_414 = arith.constant 3 : i32
          %dma_start3A_415 = arith.constant 0 : i32
          %dma_start3A_416 = arith.constant 0 : i32
          %dma_start3A_417 = tpu.memref_slice %arg8[%dma_start3A_414, %dma_start3A_415, %dma_start3A_416] : memref<4x2x128xi32, #tpu.memory_space<vmem>> -> memref<1x2x128xi32, #tpu.memory_space<vmem>>
          %dma_start3A_418 = tpu.memref_squeeze %dma_start3A_417 : memref<1x2x128xi32, #tpu.memory_space<vmem>> -> memref<2x128xi32, #tpu.memory_space<vmem>>
          %dma_start3A_419 = arith.constant 0 : i32
          %dma_start3A_420 = arith.constant 0 : i32
          %dma_start3A_421 = tpu.memref_slice %arg2[%arg1, %add3A_413, %dma_start3A_419, %dma_start3A_420] : memref<16x80x2x128xi32, #tpu.memory_space<hbm>> -> memref<1x1x2x128xi32, #tpu.memory_space<hbm>>
          %dma_start3A_422 = tpu.memref_squeeze %dma_start3A_421 : memref<1x1x2x128xi32, #tpu.memory_space<hbm>> -> memref<2x128xi32, #tpu.memory_space<hbm>>
          %dma_start3A_423 = arith.constant 0 : i32
          %dma_start3A_424 = arith.constant 0 : i32
          %dma_start3A_425 = tpu.memref_slice %arg8[%dma_start3A_414, %dma_start3A_423, %dma_start3A_424] : memref<4x2x128xi32, #tpu.memory_space<vmem>> -> memref<1x2x128xi32, #tpu.memory_space<vmem>>
          %dma_start3A_426 = tpu.memref_squeeze %dma_start3A_425 : memref<1x2x128xi32, #tpu.memory_space<vmem>> -> memref<2x128xi32, #tpu.memory_space<vmem>>
          %dma_start3A_427 = arith.constant 0 : i32
          %dma_start3A_428 = arith.constant 0 : i32
          %dma_start3A_429 = tpu.memref_slice %arg2[%arg1, %add3A_413, %dma_start3A_427, %dma_start3A_428] : memref<16x80x2x128xi32, #tpu.memory_space<hbm>> -> memref<1x1x2x128xi32, #tpu.memory_space<hbm>>
          %dma_start3A_430 = tpu.memref_squeeze %dma_start3A_429 : memref<1x1x2x128xi32, #tpu.memory_space<hbm>> -> memref<2x128xi32, #tpu.memory_space<hbm>>
          tpu.enqueue_dma source(%dma_start3A_430 : memref<2x128xi32, #tpu.memory_space<hbm>>) target(%dma_start3A_426 : memref<2x128xi32, #tpu.memory_space<vmem>>) target_semaphore(%arg14 : memref<!tpu.dma_semaphore, #tpu.memory_space<semaphore_mem>>)
        } else {
        }
        %add3A_166 = arith.constant 1 : i32
        %add3A_167 = arith.addi %add3A_135, %add3A_166 : i32
        %dma_wait3A_168 = arith.constant 1 : i32
        %dma_wait3A_169 = arith.constant 0 : i32
        %dma_wait3A_170 = arith.constant 0 : i32
        %dma_wait3A_171 = tpu.memref_slice %arg8[%dma_wait3A_168, %dma_wait3A_169, %dma_wait3A_170] : memref<4x2x128xi32, #tpu.memory_space<vmem>> -> memref<1x2x128xi32, #tpu.memory_space<vmem>>
        %dma_wait3A_172 = tpu.memref_squeeze %dma_wait3A_171 : memref<1x2x128xi32, #tpu.memory_space<vmem>> -> memref<2x128xi32, #tpu.memory_space<vmem>>
        %dma_wait3A_173 = arith.constant 0 : i32
        %dma_wait3A_174 = arith.constant 0 : i32
        %dma_wait3A_175 = tpu.memref_slice %arg2[%arg1, %add3A_167, %dma_wait3A_173, %dma_wait3A_174] : memref<16x80x2x128xi32, #tpu.memory_space<hbm>> -> memref<1x1x2x128xi32, #tpu.memory_space<hbm>>
        %dma_wait3A_176 = tpu.memref_squeeze %dma_wait3A_175 : memref<1x1x2x128xi32, #tpu.memory_space<hbm>> -> memref<2x128xi32, #tpu.memory_space<hbm>>
        %dma_wait3A_177 = arith.constant 0 : i32
        %dma_wait3A_178 = arith.constant 0 : i32
        %dma_wait3A_179 = tpu.memref_slice %arg8[%dma_wait3A_168, %dma_wait3A_177, %dma_wait3A_178] : memref<4x2x128xi32, #tpu.memory_space<vmem>> -> memref<1x2x128xi32, #tpu.memory_space<vmem>>
        %dma_wait3A_180 = tpu.memref_squeeze %dma_wait3A_179 : memref<1x2x128xi32, #tpu.memory_space<vmem>> -> memref<2x128xi32, #tpu.memory_space<vmem>>
        %dma_wait3A_181 = arith.constant 0 : i32
        %dma_wait3A_182 = arith.constant 0 : i32
        %dma_wait3A_183 = tpu.memref_slice %arg2[%arg1, %add3A_167, %dma_wait3A_181, %dma_wait3A_182] : memref<16x80x2x128xi32, #tpu.memory_space<hbm>> -> memref<1x1x2x128xi32, #tpu.memory_space<hbm>>
        %dma_wait3A_184 = tpu.memref_squeeze %dma_wait3A_183 : memref<1x1x2x128xi32, #tpu.memory_space<hbm>> -> memref<2x128xi32, #tpu.memory_space<hbm>>
        tpu.wait_dma2 semaphore(%arg12 : memref<!tpu.dma_semaphore, #tpu.memory_space<semaphore_mem>>) src(%dma_wait3A_184 : memref<2x128xi32, #tpu.memory_space<hbm>>) dst(%dma_wait3A_180 : memref<2x128xi32, #tpu.memory_space<vmem>>)
        %dma_start3A_185 = arith.constant 1 : i32
        %dma_start3A_186 = arith.constant 0 : i32
        %dma_start3A_187 = arith.constant 1 : i32
        %dma_start3A_188 = arith.constant 0 : i32
        %dma_start3A_189 = arith.constant 0 : i32
        %dma_start3A_190 = tpu.memref_slice %arg9[%dma_start3A_187, %dma_start3A_188, %dma_start3A_189] : memref<2x128x128xf32, #tpu.memory_space<vmem>> -> memref<1x128x128xf32, #tpu.memory_space<vmem>>
        %dma_start3A_191 = tpu.memref_squeeze %dma_start3A_190 : memref<1x128x128xf32, #tpu.memory_space<vmem>> -> memref<128x128xf32, #tpu.memory_space<vmem>>
        %dma_start3A_192 = arith.constant 0 : i32
        %dma_start3A_193 = tpu.memref_slice %arg8[%dma_start3A_185, %dma_start3A_186, %dma_start3A_192] : memref<4x2x128xi32, #tpu.memory_space<vmem>> -> memref<1x1x128xi32, #tpu.memory_space<vmem>>
        %dma_start3A_194 = tpu.memref_squeeze %dma_start3A_193 : memref<1x1x128xi32, #tpu.memory_space<vmem>> -> memref<128xi32, #tpu.memory_space<vmem>>
        %dma_start3A_195 = arith.constant 0 : i32
        %dma_start3A_196 = arith.constant 0 : i32
        %dma_start3A_197 = tpu.memref_slice %arg3[%dma_start3A_195, %dma_start3A_196] : memref<10000x128xf32, #tpu.memory_space<hbm>> -> memref<10000x128xf32, #tpu.memory_space<hbm>>
        tpu.enqueue_indirect_dma source(%dma_start3A_197 : memref<10000x128xf32, #tpu.memory_space<hbm>>) target(%dma_start3A_191 : memref<128x128xf32, #tpu.memory_space<vmem>>) offsets(%dma_start3A_194 : memref<128xi32, #tpu.memory_space<vmem>>) semaphore(%arg16 : memref<!tpu.dma_semaphore, #tpu.memory_space<semaphore_mem>>)
        %add3A_198 = arith.constant 1 : i32
        %add3A_199 = arith.addi %mul3A_134, %add3A_198 : i32
        %dma_wait3A_200 = arith.constant 1 : i32
        %dma_wait3A_201 = arith.constant 0 : i32
        %dma_wait3A_202 = arith.constant 1 : i32
        %dma_wait3A_203 = arith.constant 0 : i32
        %dma_wait3A_204 = arith.constant 0 : i32
        %dma_wait3A_205 = tpu.memref_slice %arg9[%dma_wait3A_202, %dma_wait3A_203, %dma_wait3A_204] : memref<2x128x128xf32, #tpu.memory_space<vmem>> -> memref<1x128x128xf32, #tpu.memory_space<vmem>>
        %dma_wait3A_206 = tpu.memref_squeeze %dma_wait3A_205 : memref<1x128x128xf32, #tpu.memory_space<vmem>> -> memref<128x128xf32, #tpu.memory_space<vmem>>
        %dma_wait3A_207 = arith.constant 0 : i32
        %dma_wait3A_208 = tpu.memref_slice %arg8[%dma_wait3A_200, %dma_wait3A_201, %dma_wait3A_207] : memref<4x2x128xi32, #tpu.memory_space<vmem>> -> memref<1x1x128xi32, #tpu.memory_space<vmem>>
        %dma_wait3A_209 = tpu.memref_squeeze %dma_wait3A_208 : memref<1x1x128xi32, #tpu.memory_space<vmem>> -> memref<128xi32, #tpu.memory_space<vmem>>
        %dma_wait3A_210 = arith.constant 0 : i32
        %dma_wait3A_211 = arith.constant 0 : i32
        %dma_wait3A_212 = tpu.memref_slice %arg3[%dma_wait3A_210, %dma_wait3A_211] : memref<10000x128xf32, #tpu.memory_space<hbm>> -> memref<10000x128xf32, #tpu.memory_space<hbm>>
        tpu.wait_indirect_dma semaphore(%arg16 : memref<!tpu.dma_semaphore, #tpu.memory_space<semaphore_mem>>) src(%dma_wait3A_212 : memref<10000x128xf32, #tpu.memory_space<hbm>>) dst(%dma_wait3A_206 : memref<128x128xf32, #tpu.memory_space<vmem>>)
        %dma_start3A_213 = arith.constant 1 : i32
        %dma_start3A_214 = arith.constant 1 : i32
        %dma_start3A_215 = arith.constant 1 : i32
        %dma_start3A_216 = arith.constant 0 : i32
        %dma_start3A_217 = arith.constant 0 : i32
        %dma_start3A_218 = tpu.memref_slice %arg9[%dma_start3A_213, %dma_start3A_216, %dma_start3A_217] : memref<2x128x128xf32, #tpu.memory_space<vmem>> -> memref<1x128x128xf32, #tpu.memory_space<vmem>>
        %dma_start3A_219 = tpu.memref_squeeze %dma_start3A_218 : memref<1x128x128xf32, #tpu.memory_space<vmem>> -> memref<128x128xf32, #tpu.memory_space<vmem>>
        %dma_start3A_220 = arith.constant 0 : i32
        %dma_start3A_221 = tpu.memref_slice %arg8[%dma_start3A_214, %dma_start3A_215, %dma_start3A_220] : memref<4x2x128xi32, #tpu.memory_space<vmem>> -> memref<1x1x128xi32, #tpu.memory_space<vmem>>
        %dma_start3A_222 = tpu.memref_squeeze %dma_start3A_221 : memref<1x1x128xi32, #tpu.memory_space<vmem>> -> memref<128xi32, #tpu.memory_space<vmem>>
        %dma_start3A_223 = arith.constant 0 : i32
        %dma_start3A_224 = arith.constant 0 : i32
        %dma_start3A_225 = tpu.memref_slice %arg10[%dma_start3A_223, %dma_start3A_224] : memref<10112x128xf32, #tpu.memory_space<vmem_shared>> -> memref<10112x128xf32, #tpu.memory_space<vmem_shared>>
        tpu.enqueue_indirect_dma source(%dma_start3A_219 : memref<128x128xf32, #tpu.memory_space<vmem>>) target(%dma_start3A_225 : memref<10112x128xf32, #tpu.memory_space<vmem_shared>>) offsets(%dma_start3A_222 : memref<128xi32, #tpu.memory_space<vmem>>) semaphore(%arg18 : memref<!tpu.dma_semaphore, #tpu.memory_space<semaphore_mem>>) {add = true}
        %dma_wait3A_226 = arith.constant 0 : i32
        %dma_wait3A_227 = arith.constant 0 : i32
        %dma_wait3A_228 = arith.constant 1 : i32
        %dma_wait3A_229 = arith.constant 0 : i32
        %dma_wait3A_230 = arith.constant 0 : i32
        %dma_wait3A_231 = tpu.memref_slice %arg9[%dma_wait3A_226, %dma_wait3A_229, %dma_wait3A_230] : memref<2x128x128xf32, #tpu.memory_space<vmem>> -> memref<1x128x128xf32, #tpu.memory_space<vmem>>
        %dma_wait3A_232 = tpu.memref_squeeze %dma_wait3A_231 : memref<1x128x128xf32, #tpu.memory_space<vmem>> -> memref<128x128xf32, #tpu.memory_space<vmem>>
        %dma_wait3A_233 = arith.constant 0 : i32
        %dma_wait3A_234 = tpu.memref_slice %arg8[%dma_wait3A_227, %dma_wait3A_228, %dma_wait3A_233] : memref<4x2x128xi32, #tpu.memory_space<vmem>> -> memref<1x1x128xi32, #tpu.memory_space<vmem>>
        %dma_wait3A_235 = tpu.memref_squeeze %dma_wait3A_234 : memref<1x1x128xi32, #tpu.memory_space<vmem>> -> memref<128xi32, #tpu.memory_space<vmem>>
        %dma_wait3A_236 = arith.constant 0 : i32
        %dma_wait3A_237 = arith.constant 0 : i32
        %dma_wait3A_238 = tpu.memref_slice %arg10[%dma_wait3A_236, %dma_wait3A_237] : memref<10112x128xf32, #tpu.memory_space<vmem_shared>> -> memref<10112x128xf32, #tpu.memory_space<vmem_shared>>
        tpu.wait_indirect_dma semaphore(%arg17 : memref<!tpu.dma_semaphore, #tpu.memory_space<semaphore_mem>>) src(%dma_wait3A_232 : memref<128x128xf32, #tpu.memory_space<vmem>>) dst(%dma_wait3A_238 : memref<10112x128xf32, #tpu.memory_space<vmem_shared>>)
        %lt3A = arith.constant 19 : i32
        %lt3A_239 = arith.cmpi slt, %scan3A_132, %lt3A : i32
        %convert_element_type3A_240 = arith.extui %lt3A_239 : i1 to i32
        %cond3A_241 = arith.constant 0 : i32
        %cond3A_242 = arith.cmpi ne, %convert_element_type3A_240, %cond3A_241 : i32
        scf.if %cond3A_242 {
          %add3A_399 = arith.constant 3 : i32
          %add3A_400 = arith.addi %add3A_199, %add3A_399 : i32
          %dma_start3A_401 = arith.constant 0 : i32
          %dma_start3A_402 = arith.constant 0 : i32
          %dma_start3A_403 = arith.constant 0 : i32
          %dma_start3A_404 = tpu.memref_slice %arg8[%dma_start3A_401, %dma_start3A_402, %dma_start3A_403] : memref<4x2x128xi32, #tpu.memory_space<vmem>> -> memref<1x2x128xi32, #tpu.memory_space<vmem>>
          %dma_start3A_405 = tpu.memref_squeeze %dma_start3A_404 : memref<1x2x128xi32, #tpu.memory_space<vmem>> -> memref<2x128xi32, #tpu.memory_space<vmem>>
          %dma_start3A_406 = arith.constant 0 : i32
          %dma_start3A_407 = arith.constant 0 : i32
          %dma_start3A_408 = tpu.memref_slice %arg2[%arg1, %add3A_400, %dma_start3A_406, %dma_start3A_407] : memref<16x80x2x128xi32, #tpu.memory_space<hbm>> -> memref<1x1x2x128xi32, #tpu.memory_space<hbm>>
          %dma_start3A_409 = tpu.memref_squeeze %dma_start3A_408 : memref<1x1x2x128xi32, #tpu.memory_space<hbm>> -> memref<2x128xi32, #tpu.memory_space<hbm>>
          %dma_start3A_410 = arith.constant 0 : i32
          %dma_start3A_411 = arith.constant 0 : i32
          %dma_start3A_412 = tpu.memref_slice %arg8[%dma_start3A_401, %dma_start3A_410, %dma_start3A_411] : memref<4x2x128xi32, #tpu.memory_space<vmem>> -> memref<1x2x128xi32, #tpu.memory_space<vmem>>
          %dma_start3A_413 = tpu.memref_squeeze %dma_start3A_412 : memref<1x2x128xi32, #tpu.memory_space<vmem>> -> memref<2x128xi32, #tpu.memory_space<vmem>>
          %dma_start3A_414 = arith.constant 0 : i32
          %dma_start3A_415 = arith.constant 0 : i32
          %dma_start3A_416 = tpu.memref_slice %arg2[%arg1, %add3A_400, %dma_start3A_414, %dma_start3A_415] : memref<16x80x2x128xi32, #tpu.memory_space<hbm>> -> memref<1x1x2x128xi32, #tpu.memory_space<hbm>>
          %dma_start3A_417 = tpu.memref_squeeze %dma_start3A_416 : memref<1x1x2x128xi32, #tpu.memory_space<hbm>> -> memref<2x128xi32, #tpu.memory_space<hbm>>
          tpu.enqueue_dma source(%dma_start3A_417 : memref<2x128xi32, #tpu.memory_space<hbm>>) target(%dma_start3A_413 : memref<2x128xi32, #tpu.memory_space<vmem>>) target_semaphore(%arg11 : memref<!tpu.dma_semaphore, #tpu.memory_space<semaphore_mem>>)
        } else {
        }
        %add3A_243 = arith.constant 1 : i32
        %add3A_244 = arith.addi %add3A_199, %add3A_243 : i32
        %dma_wait3A_245 = arith.constant 2 : i32
        %dma_wait3A_246 = arith.constant 0 : i32
        %dma_wait3A_247 = arith.constant 0 : i32
        %dma_wait3A_248 = tpu.memref_slice %arg8[%dma_wait3A_245, %dma_wait3A_246, %dma_wait3A_247] : memref<4x2x128xi32, #tpu.memory_space<vmem>> -> memref<1x2x128xi32, #tpu.memory_space<vmem>>
        %dma_wait3A_249 = tpu.memref_squeeze %dma_wait3A_248 : memref<1x2x128xi32, #tpu.memory_space<vmem>> -> memref<2x128xi32, #tpu.memory_space<vmem>>
        %dma_wait3A_250 = arith.constant 0 : i32
        %dma_wait3A_251 = arith.constant 0 : i32
        %dma_wait3A_252 = tpu.memref_slice %arg2[%arg1, %add3A_244, %dma_wait3A_250, %dma_wait3A_251] : memref<16x80x2x128xi32, #tpu.memory_space<hbm>> -> memref<1x1x2x128xi32, #tpu.memory_space<hbm>>
        %dma_wait3A_253 = tpu.memref_squeeze %dma_wait3A_252 : memref<1x1x2x128xi32, #tpu.memory_space<hbm>> -> memref<2x128xi32, #tpu.memory_space<hbm>>
        %dma_wait3A_254 = arith.constant 0 : i32
        %dma_wait3A_255 = arith.constant 0 : i32
        %dma_wait3A_256 = tpu.memref_slice %arg8[%dma_wait3A_245, %dma_wait3A_254, %dma_wait3A_255] : memref<4x2x128xi32, #tpu.memory_space<vmem>> -> memref<1x2x128xi32, #tpu.memory_space<vmem>>
        %dma_wait3A_257 = tpu.memref_squeeze %dma_wait3A_256 : memref<1x2x128xi32, #tpu.memory_space<vmem>> -> memref<2x128xi32, #tpu.memory_space<vmem>>
        %dma_wait3A_258 = arith.constant 0 : i32
        %dma_wait3A_259 = arith.constant 0 : i32
        %dma_wait3A_260 = tpu.memref_slice %arg2[%arg1, %add3A_244, %dma_wait3A_258, %dma_wait3A_259] : memref<16x80x2x128xi32, #tpu.memory_space<hbm>> -> memref<1x1x2x128xi32, #tpu.memory_space<hbm>>
        %dma_wait3A_261 = tpu.memref_squeeze %dma_wait3A_260 : memref<1x1x2x128xi32, #tpu.memory_space<hbm>> -> memref<2x128xi32, #tpu.memory_space<hbm>>
        tpu.wait_dma2 semaphore(%arg13 : memref<!tpu.dma_semaphore, #tpu.memory_space<semaphore_mem>>) src(%dma_wait3A_261 : memref<2x128xi32, #tpu.memory_space<hbm>>) dst(%dma_wait3A_257 : memref<2x128xi32, #tpu.memory_space<vmem>>)
        %dma_start3A_262 = arith.constant 2 : i32
        %dma_start3A_263 = arith.constant 0 : i32
        %dma_start3A_264 = arith.constant 0 : i32
        %dma_start3A_265 = arith.constant 0 : i32
        %dma_start3A_266 = arith.constant 0 : i32
        %dma_start3A_267 = tpu.memref_slice %arg9[%dma_start3A_264, %dma_start3A_265, %dma_start3A_266] : memref<2x128x128xf32, #tpu.memory_space<vmem>> -> memref<1x128x128xf32, #tpu.memory_space<vmem>>
        %dma_start3A_268 = tpu.memref_squeeze %dma_start3A_267 : memref<1x128x128xf32, #tpu.memory_space<vmem>> -> memref<128x128xf32, #tpu.memory_space<vmem>>
        %dma_start3A_269 = arith.constant 0 : i32
        %dma_start3A_270 = tpu.memref_slice %arg8[%dma_start3A_262, %dma_start3A_263, %dma_start3A_269] : memref<4x2x128xi32, #tpu.memory_space<vmem>> -> memref<1x1x128xi32, #tpu.memory_space<vmem>>
        %dma_start3A_271 = tpu.memref_squeeze %dma_start3A_270 : memref<1x1x128xi32, #tpu.memory_space<vmem>> -> memref<128xi32, #tpu.memory_space<vmem>>
        %dma_start3A_272 = arith.constant 0 : i32
        %dma_start3A_273 = arith.constant 0 : i32
        %dma_start3A_274 = tpu.memref_slice %arg3[%dma_start3A_272, %dma_start3A_273] : memref<10000x128xf32, #tpu.memory_space<hbm>> -> memref<10000x128xf32, #tpu.memory_space<hbm>>
        tpu.enqueue_indirect_dma source(%dma_start3A_274 : memref<10000x128xf32, #tpu.memory_space<hbm>>) target(%dma_start3A_268 : memref<128x128xf32, #tpu.memory_space<vmem>>) offsets(%dma_start3A_271 : memref<128xi32, #tpu.memory_space<vmem>>) semaphore(%arg15 : memref<!tpu.dma_semaphore, #tpu.memory_space<semaphore_mem>>)
        %add3A_275 = arith.constant 2 : i32
        %add3A_276 = arith.addi %mul3A_134, %add3A_275 : i32
        %dma_wait3A_277 = arith.constant 2 : i32
        %dma_wait3A_278 = arith.constant 0 : i32
        %dma_wait3A_279 = arith.constant 0 : i32
        %dma_wait3A_280 = arith.constant 0 : i32
        %dma_wait3A_281 = arith.constant 0 : i32
        %dma_wait3A_282 = tpu.memref_slice %arg9[%dma_wait3A_279, %dma_wait3A_280, %dma_wait3A_281] : memref<2x128x128xf32, #tpu.memory_space<vmem>> -> memref<1x128x128xf32, #tpu.memory_space<vmem>>
        %dma_wait3A_283 = tpu.memref_squeeze %dma_wait3A_282 : memref<1x128x128xf32, #tpu.memory_space<vmem>> -> memref<128x128xf32, #tpu.memory_space<vmem>>
        %dma_wait3A_284 = arith.constant 0 : i32
        %dma_wait3A_285 = tpu.memref_slice %arg8[%dma_wait3A_277, %dma_wait3A_278, %dma_wait3A_284] : memref<4x2x128xi32, #tpu.memory_space<vmem>> -> memref<1x1x128xi32, #tpu.memory_space<vmem>>
        %dma_wait3A_286 = tpu.memref_squeeze %dma_wait3A_285 : memref<1x1x128xi32, #tpu.memory_space<vmem>> -> memref<128xi32, #tpu.memory_space<vmem>>
        %dma_wait3A_287 = arith.constant 0 : i32
        %dma_wait3A_288 = arith.constant 0 : i32
        %dma_wait3A_289 = tpu.memref_slice %arg3[%dma_wait3A_287, %dma_wait3A_288] : memref<10000x128xf32, #tpu.memory_space<hbm>> -> memref<10000x128xf32, #tpu.memory_space<hbm>>
        tpu.wait_indirect_dma semaphore(%arg15 : memref<!tpu.dma_semaphore, #tpu.memory_space<semaphore_mem>>) src(%dma_wait3A_289 : memref<10000x128xf32, #tpu.memory_space<hbm>>) dst(%dma_wait3A_283 : memref<128x128xf32, #tpu.memory_space<vmem>>)
        %dma_start3A_290 = arith.constant 0 : i32
        %dma_start3A_291 = arith.constant 2 : i32
        %dma_start3A_292 = arith.constant 1 : i32
        %dma_start3A_293 = arith.constant 0 : i32
        %dma_start3A_294 = arith.constant 0 : i32
        %dma_start3A_295 = tpu.memref_slice %arg9[%dma_start3A_290, %dma_start3A_293, %dma_start3A_294] : memref<2x128x128xf32, #tpu.memory_space<vmem>> -> memref<1x128x128xf32, #tpu.memory_space<vmem>>
        %dma_start3A_296 = tpu.memref_squeeze %dma_start3A_295 : memref<1x128x128xf32, #tpu.memory_space<vmem>> -> memref<128x128xf32, #tpu.memory_space<vmem>>
        %dma_start3A_297 = arith.constant 0 : i32
        %dma_start3A_298 = tpu.memref_slice %arg8[%dma_start3A_291, %dma_start3A_292, %dma_start3A_297] : memref<4x2x128xi32, #tpu.memory_space<vmem>> -> memref<1x1x128xi32, #tpu.memory_space<vmem>>
        %dma_start3A_299 = tpu.memref_squeeze %dma_start3A_298 : memref<1x1x128xi32, #tpu.memory_space<vmem>> -> memref<128xi32, #tpu.memory_space<vmem>>
        %dma_start3A_300 = arith.constant 0 : i32
        %dma_start3A_301 = arith.constant 0 : i32
        %dma_start3A_302 = tpu.memref_slice %arg10[%dma_start3A_300, %dma_start3A_301] : memref<10112x128xf32, #tpu.memory_space<vmem_shared>> -> memref<10112x128xf32, #tpu.memory_space<vmem_shared>>
        tpu.enqueue_indirect_dma source(%dma_start3A_296 : memref<128x128xf32, #tpu.memory_space<vmem>>) target(%dma_start3A_302 : memref<10112x128xf32, #tpu.memory_space<vmem_shared>>) offsets(%dma_start3A_299 : memref<128xi32, #tpu.memory_space<vmem>>) semaphore(%arg17 : memref<!tpu.dma_semaphore, #tpu.memory_space<semaphore_mem>>) {add = true}
        %dma_wait3A_303 = arith.constant 1 : i32
        %dma_wait3A_304 = arith.constant 1 : i32
        %dma_wait3A_305 = arith.constant 1 : i32
        %dma_wait3A_306 = arith.constant 0 : i32
        %dma_wait3A_307 = arith.constant 0 : i32
        %dma_wait3A_308 = tpu.memref_slice %arg9[%dma_wait3A_303, %dma_wait3A_306, %dma_wait3A_307] : memref<2x128x128xf32, #tpu.memory_space<vmem>> -> memref<1x128x128xf32, #tpu.memory_space<vmem>>
        %dma_wait3A_309 = tpu.memref_squeeze %dma_wait3A_308 : memref<1x128x128xf32, #tpu.memory_space<vmem>> -> memref<128x128xf32, #tpu.memory_space<vmem>>
        %dma_wait3A_310 = arith.constant 0 : i32
        %dma_wait3A_311 = tpu.memref_slice %arg8[%dma_wait3A_304, %dma_wait3A_305, %dma_wait3A_310] : memref<4x2x128xi32, #tpu.memory_space<vmem>> -> memref<1x1x128xi32, #tpu.memory_space<vmem>>
        %dma_wait3A_312 = tpu.memref_squeeze %dma_wait3A_311 : memref<1x1x128xi32, #tpu.memory_space<vmem>> -> memref<128xi32, #tpu.memory_space<vmem>>
        %dma_wait3A_313 = arith.constant 0 : i32
        %dma_wait3A_314 = arith.constant 0 : i32
        %dma_wait3A_315 = tpu.memref_slice %arg10[%dma_wait3A_313, %dma_wait3A_314] : memref<10112x128xf32, #tpu.memory_space<vmem_shared>> -> memref<10112x128xf32, #tpu.memory_space<vmem_shared>>
        tpu.wait_indirect_dma semaphore(%arg18 : memref<!tpu.dma_semaphore, #tpu.memory_space<semaphore_mem>>) src(%dma_wait3A_309 : memref<128x128xf32, #tpu.memory_space<vmem>>) dst(%dma_wait3A_315 : memref<10112x128xf32, #tpu.memory_space<vmem_shared>>)
        %lt3A_316 = arith.constant 19 : i32
        %lt3A_317 = arith.cmpi slt, %scan3A_132, %lt3A_316 : i32
        %convert_element_type3A_318 = arith.extui %lt3A_317 : i1 to i32
        %cond3A_319 = arith.constant 0 : i32
        %cond3A_320 = arith.cmpi ne, %convert_element_type3A_318, %cond3A_319 : i32
        scf.if %cond3A_320 {
          %add3A_399 = arith.constant 3 : i32
          %add3A_400 = arith.addi %add3A_276, %add3A_399 : i32
          %dma_start3A_401 = arith.constant 1 : i32
          %dma_start3A_402 = arith.constant 0 : i32
          %dma_start3A_403 = arith.constant 0 : i32
          %dma_start3A_404 = tpu.memref_slice %arg8[%dma_start3A_401, %dma_start3A_402, %dma_start3A_403] : memref<4x2x128xi32, #tpu.memory_space<vmem>> -> memref<1x2x128xi32, #tpu.memory_space<vmem>>
          %dma_start3A_405 = tpu.memref_squeeze %dma_start3A_404 : memref<1x2x128xi32, #tpu.memory_space<vmem>> -> memref<2x128xi32, #tpu.memory_space<vmem>>
          %dma_start3A_406 = arith.constant 0 : i32
          %dma_start3A_407 = arith.constant 0 : i32
          %dma_start3A_408 = tpu.memref_slice %arg2[%arg1, %add3A_400, %dma_start3A_406, %dma_start3A_407] : memref<16x80x2x128xi32, #tpu.memory_space<hbm>> -> memref<1x1x2x128xi32, #tpu.memory_space<hbm>>
          %dma_start3A_409 = tpu.memref_squeeze %dma_start3A_408 : memref<1x1x2x128xi32, #tpu.memory_space<hbm>> -> memref<2x128xi32, #tpu.memory_space<hbm>>
          %dma_start3A_410 = arith.constant 0 : i32
          %dma_start3A_411 = arith.constant 0 : i32
          %dma_start3A_412 = tpu.memref_slice %arg8[%dma_start3A_401, %dma_start3A_410, %dma_start3A_411] : memref<4x2x128xi32, #tpu.memory_space<vmem>> -> memref<1x2x128xi32, #tpu.memory_space<vmem>>
          %dma_start3A_413 = tpu.memref_squeeze %dma_start3A_412 : memref<1x2x128xi32, #tpu.memory_space<vmem>> -> memref<2x128xi32, #tpu.memory_space<vmem>>
          %dma_start3A_414 = arith.constant 0 : i32
          %dma_start3A_415 = arith.constant 0 : i32
          %dma_start3A_416 = tpu.memref_slice %arg2[%arg1, %add3A_400, %dma_start3A_414, %dma_start3A_415] : memref<16x80x2x128xi32, #tpu.memory_space<hbm>> -> memref<1x1x2x128xi32, #tpu.memory_space<hbm>>
          %dma_start3A_417 = tpu.memref_squeeze %dma_start3A_416 : memref<1x1x2x128xi32, #tpu.memory_space<hbm>> -> memref<2x128xi32, #tpu.memory_space<hbm>>
          tpu.enqueue_dma source(%dma_start3A_417 : memref<2x128xi32, #tpu.memory_space<hbm>>) target(%dma_start3A_413 : memref<2x128xi32, #tpu.memory_space<vmem>>) target_semaphore(%arg12 : memref<!tpu.dma_semaphore, #tpu.memory_space<semaphore_mem>>)
        } else {
        }
        %add3A_321 = arith.constant 1 : i32
        %add3A_322 = arith.addi %add3A_276, %add3A_321 : i32
        %dma_wait3A_323 = arith.constant 3 : i32
        %dma_wait3A_324 = arith.constant 0 : i32
        %dma_wait3A_325 = arith.constant 0 : i32
        %dma_wait3A_326 = tpu.memref_slice %arg8[%dma_wait3A_323, %dma_wait3A_324, %dma_wait3A_325] : memref<4x2x128xi32, #tpu.memory_space<vmem>> -> memref<1x2x128xi32, #tpu.memory_space<vmem>>
        %dma_wait3A_327 = tpu.memref_squeeze %dma_wait3A_326 : memref<1x2x128xi32, #tpu.memory_space<vmem>> -> memref<2x128xi32, #tpu.memory_space<vmem>>
        %dma_wait3A_328 = arith.constant 0 : i32
        %dma_wait3A_329 = arith.constant 0 : i32
        %dma_wait3A_330 = tpu.memref_slice %arg2[%arg1, %add3A_322, %dma_wait3A_328, %dma_wait3A_329] : memref<16x80x2x128xi32, #tpu.memory_space<hbm>> -> memref<1x1x2x128xi32, #tpu.memory_space<hbm>>
        %dma_wait3A_331 = tpu.memref_squeeze %dma_wait3A_330 : memref<1x1x2x128xi32, #tpu.memory_space<hbm>> -> memref<2x128xi32, #tpu.memory_space<hbm>>
        %dma_wait3A_332 = arith.constant 0 : i32
        %dma_wait3A_333 = arith.constant 0 : i32
        %dma_wait3A_334 = tpu.memref_slice %arg8[%dma_wait3A_323, %dma_wait3A_332, %dma_wait3A_333] : memref<4x2x128xi32, #tpu.memory_space<vmem>> -> memref<1x2x128xi32, #tpu.memory_space<vmem>>
        %dma_wait3A_335 = tpu.memref_squeeze %dma_wait3A_334 : memref<1x2x128xi32, #tpu.memory_space<vmem>> -> memref<2x128xi32, #tpu.memory_space<vmem>>
        %dma_wait3A_336 = arith.constant 0 : i32
        %dma_wait3A_337 = arith.constant 0 : i32
        %dma_wait3A_338 = tpu.memref_slice %arg2[%arg1, %add3A_322, %dma_wait3A_336, %dma_wait3A_337] : memref<16x80x2x128xi32, #tpu.memory_space<hbm>> -> memref<1x1x2x128xi32, #tpu.memory_space<hbm>>
        %dma_wait3A_339 = tpu.memref_squeeze %dma_wait3A_338 : memref<1x1x2x128xi32, #tpu.memory_space<hbm>> -> memref<2x128xi32, #tpu.memory_space<hbm>>
        tpu.wait_dma2 semaphore(%arg14 : memref<!tpu.dma_semaphore, #tpu.memory_space<semaphore_mem>>) src(%dma_wait3A_339 : memref<2x128xi32, #tpu.memory_space<hbm>>) dst(%dma_wait3A_335 : memref<2x128xi32, #tpu.memory_space<vmem>>)
        %dma_start3A_340 = arith.constant 3 : i32
        %dma_start3A_341 = arith.constant 0 : i32
        %dma_start3A_342 = arith.constant 1 : i32
        %dma_start3A_343 = arith.constant 0 : i32
        %dma_start3A_344 = arith.constant 0 : i32
        %dma_start3A_345 = tpu.memref_slice %arg9[%dma_start3A_342, %dma_start3A_343, %dma_start3A_344] : memref<2x128x128xf32, #tpu.memory_space<vmem>> -> memref<1x128x128xf32, #tpu.memory_space<vmem>>
        %dma_start3A_346 = tpu.memref_squeeze %dma_start3A_345 : memref<1x128x128xf32, #tpu.memory_space<vmem>> -> memref<128x128xf32, #tpu.memory_space<vmem>>
        %dma_start3A_347 = arith.constant 0 : i32
        %dma_start3A_348 = tpu.memref_slice %arg8[%dma_start3A_340, %dma_start3A_341, %dma_start3A_347] : memref<4x2x128xi32, #tpu.memory_space<vmem>> -> memref<1x1x128xi32, #tpu.memory_space<vmem>>
        %dma_start3A_349 = tpu.memref_squeeze %dma_start3A_348 : memref<1x1x128xi32, #tpu.memory_space<vmem>> -> memref<128xi32, #tpu.memory_space<vmem>>
        %dma_start3A_350 = arith.constant 0 : i32
        %dma_start3A_351 = arith.constant 0 : i32
        %dma_start3A_352 = tpu.memref_slice %arg3[%dma_start3A_350, %dma_start3A_351] : memref<10000x128xf32, #tpu.memory_space<hbm>> -> memref<10000x128xf32, #tpu.memory_space<hbm>>
        tpu.enqueue_indirect_dma source(%dma_start3A_352 : memref<10000x128xf32, #tpu.memory_space<hbm>>) target(%dma_start3A_346 : memref<128x128xf32, #tpu.memory_space<vmem>>) offsets(%dma_start3A_349 : memref<128xi32, #tpu.memory_space<vmem>>) semaphore(%arg16 : memref<!tpu.dma_semaphore, #tpu.memory_space<semaphore_mem>>)
        %add3A_353 = arith.constant 3 : i32
        %add3A_354 = arith.addi %mul3A_134, %add3A_353 : i32
        %dma_wait3A_355 = arith.constant 3 : i32
        %dma_wait3A_356 = arith.constant 0 : i32
        %dma_wait3A_357 = arith.constant 1 : i32
        %dma_wait3A_358 = arith.constant 0 : i32
        %dma_wait3A_359 = arith.constant 0 : i32
        %dma_wait3A_360 = tpu.memref_slice %arg9[%dma_wait3A_357, %dma_wait3A_358, %dma_wait3A_359] : memref<2x128x128xf32, #tpu.memory_space<vmem>> -> memref<1x128x128xf32, #tpu.memory_space<vmem>>
        %dma_wait3A_361 = tpu.memref_squeeze %dma_wait3A_360 : memref<1x128x128xf32, #tpu.memory_space<vmem>> -> memref<128x128xf32, #tpu.memory_space<vmem>>
        %dma_wait3A_362 = arith.constant 0 : i32
        %dma_wait3A_363 = tpu.memref_slice %arg8[%dma_wait3A_355, %dma_wait3A_356, %dma_wait3A_362] : memref<4x2x128xi32, #tpu.memory_space<vmem>> -> memref<1x1x128xi32, #tpu.memory_space<vmem>>
        %dma_wait3A_364 = tpu.memref_squeeze %dma_wait3A_363 : memref<1x1x128xi32, #tpu.memory_space<vmem>> -> memref<128xi32, #tpu.memory_space<vmem>>
        %dma_wait3A_365 = arith.constant 0 : i32
        %dma_wait3A_366 = arith.constant 0 : i32
        %dma_wait3A_367 = tpu.memref_slice %arg3[%dma_wait3A_365, %dma_wait3A_366] : memref<10000x128xf32, #tpu.memory_space<hbm>> -> memref<10000x128xf32, #tpu.memory_space<hbm>>
        tpu.wait_indirect_dma semaphore(%arg16 : memref<!tpu.dma_semaphore, #tpu.memory_space<semaphore_mem>>) src(%dma_wait3A_367 : memref<10000x128xf32, #tpu.memory_space<hbm>>) dst(%dma_wait3A_361 : memref<128x128xf32, #tpu.memory_space<vmem>>)
        %dma_start3A_368 = arith.constant 1 : i32
        %dma_start3A_369 = arith.constant 3 : i32
        %dma_start3A_370 = arith.constant 1 : i32
        %dma_start3A_371 = arith.constant 0 : i32
        %dma_start3A_372 = arith.constant 0 : i32
        %dma_start3A_373 = tpu.memref_slice %arg9[%dma_start3A_368, %dma_start3A_371, %dma_start3A_372] : memref<2x128x128xf32, #tpu.memory_space<vmem>> -> memref<1x128x128xf32, #tpu.memory_space<vmem>>
        %dma_start3A_374 = tpu.memref_squeeze %dma_start3A_373 : memref<1x128x128xf32, #tpu.memory_space<vmem>> -> memref<128x128xf32, #tpu.memory_space<vmem>>
        %dma_start3A_375 = arith.constant 0 : i32
        %dma_start3A_376 = tpu.memref_slice %arg8[%dma_start3A_369, %dma_start3A_370, %dma_start3A_375] : memref<4x2x128xi32, #tpu.memory_space<vmem>> -> memref<1x1x128xi32, #tpu.memory_space<vmem>>
        %dma_start3A_377 = tpu.memref_squeeze %dma_start3A_376 : memref<1x1x128xi32, #tpu.memory_space<vmem>> -> memref<128xi32, #tpu.memory_space<vmem>>
        %dma_start3A_378 = arith.constant 0 : i32
        %dma_start3A_379 = arith.constant 0 : i32
        %dma_start3A_380 = tpu.memref_slice %arg10[%dma_start3A_378, %dma_start3A_379] : memref<10112x128xf32, #tpu.memory_space<vmem_shared>> -> memref<10112x128xf32, #tpu.memory_space<vmem_shared>>
        tpu.enqueue_indirect_dma source(%dma_start3A_374 : memref<128x128xf32, #tpu.memory_space<vmem>>) target(%dma_start3A_380 : memref<10112x128xf32, #tpu.memory_space<vmem_shared>>) offsets(%dma_start3A_377 : memref<128xi32, #tpu.memory_space<vmem>>) semaphore(%arg18 : memref<!tpu.dma_semaphore, #tpu.memory_space<semaphore_mem>>) {add = true}
        %dma_wait3A_381 = arith.constant 0 : i32
        %dma_wait3A_382 = arith.constant 2 : i32
        %dma_wait3A_383 = arith.constant 1 : i32
        %dma_wait3A_384 = arith.constant 0 : i32
        %dma_wait3A_385 = arith.constant 0 : i32
        %dma_wait3A_386 = tpu.memref_slice %arg9[%dma_wait3A_381, %dma_wait3A_384, %dma_wait3A_385] : memref<2x128x128xf32, #tpu.memory_space<vmem>> -> memref<1x128x128xf32, #tpu.memory_space<vmem>>
        %dma_wait3A_387 = tpu.memref_squeeze %dma_wait3A_386 : memref<1x128x128xf32, #tpu.memory_space<vmem>> -> memref<128x128xf32, #tpu.memory_space<vmem>>
        %dma_wait3A_388 = arith.constant 0 : i32
        %dma_wait3A_389 = tpu.memref_slice %arg8[%dma_wait3A_382, %dma_wait3A_383, %dma_wait3A_388] : memref<4x2x128xi32, #tpu.memory_space<vmem>> -> memref<1x1x128xi32, #tpu.memory_space<vmem>>
        %dma_wait3A_390 = tpu.memref_squeeze %dma_wait3A_389 : memref<1x1x128xi32, #tpu.memory_space<vmem>> -> memref<128xi32, #tpu.memory_space<vmem>>
        %dma_wait3A_391 = arith.constant 0 : i32
        %dma_wait3A_392 = arith.constant 0 : i32
        %dma_wait3A_393 = tpu.memref_slice %arg10[%dma_wait3A_391, %dma_wait3A_392] : memref<10112x128xf32, #tpu.memory_space<vmem_shared>> -> memref<10112x128xf32, #tpu.memory_space<vmem_shared>>
        tpu.wait_indirect_dma semaphore(%arg17 : memref<!tpu.dma_semaphore, #tpu.memory_space<semaphore_mem>>) src(%dma_wait3A_387 : memref<128x128xf32, #tpu.memory_space<vmem>>) dst(%dma_wait3A_393 : memref<10112x128xf32, #tpu.memory_space<vmem_shared>>)
        %lt3A_394 = arith.constant 19 : i32
        %lt3A_395 = arith.cmpi slt, %scan3A_132, %lt3A_394 : i32
        %convert_element_type3A_396 = arith.extui %lt3A_395 : i1 to i32
        %cond3A_397 = arith.constant 0 : i32
        %cond3A_398 = arith.cmpi ne, %convert_element_type3A_396, %cond3A_397 : i32
        scf.if %cond3A_398 {
          %add3A_399 = arith.constant 3 : i32
          %add3A_400 = arith.addi %add3A_354, %add3A_399 : i32
          %dma_start3A_401 = arith.constant 2 : i32
          %dma_start3A_402 = arith.constant 0 : i32
          %dma_start3A_403 = arith.constant 0 : i32
          %dma_start3A_404 = tpu.memref_slice %arg8[%dma_start3A_401, %dma_start3A_402, %dma_start3A_403] : memref<4x2x128xi32, #tpu.memory_space<vmem>> -> memref<1x2x128xi32, #tpu.memory_space<vmem>>
          %dma_start3A_405 = tpu.memref_squeeze %dma_start3A_404 : memref<1x2x128xi32, #tpu.memory_space<vmem>> -> memref<2x128xi32, #tpu.memory_space<vmem>>
          %dma_start3A_406 = arith.constant 0 : i32
          %dma_start3A_407 = arith.constant 0 : i32
          %dma_start3A_408 = tpu.memref_slice %arg2[%arg1, %add3A_400, %dma_start3A_406, %dma_start3A_407] : memref<16x80x2x128xi32, #tpu.memory_space<hbm>> -> memref<1x1x2x128xi32, #tpu.memory_space<hbm>>
          %dma_start3A_409 = tpu.memref_squeeze %dma_start3A_408 : memref<1x1x2x128xi32, #tpu.memory_space<hbm>> -> memref<2x128xi32, #tpu.memory_space<hbm>>
          %dma_start3A_410 = arith.constant 0 : i32
          %dma_start3A_411 = arith.constant 0 : i32
          %dma_start3A_412 = tpu.memref_slice %arg8[%dma_start3A_401, %dma_start3A_410, %dma_start3A_411] : memref<4x2x128xi32, #tpu.memory_space<vmem>> -> memref<1x2x128xi32, #tpu.memory_space<vmem>>
          %dma_start3A_413 = tpu.memref_squeeze %dma_start3A_412 : memref<1x2x128xi32, #tpu.memory_space<vmem>> -> memref<2x128xi32, #tpu.memory_space<vmem>>
          %dma_start3A_414 = arith.constant 0 : i32
          %dma_start3A_415 = arith.constant 0 : i32
          %dma_start3A_416 = tpu.memref_slice %arg2[%arg1, %add3A_400, %dma_start3A_414, %dma_start3A_415] : memref<16x80x2x128xi32, #tpu.memory_space<hbm>> -> memref<1x1x2x128xi32, #tpu.memory_space<hbm>>
          %dma_start3A_417 = tpu.memref_squeeze %dma_start3A_416 : memref<1x1x2x128xi32, #tpu.memory_space<hbm>> -> memref<2x128xi32, #tpu.memory_space<hbm>>
          tpu.enqueue_dma source(%dma_start3A_417 : memref<2x128xi32, #tpu.memory_space<hbm>>) target(%dma_start3A_413 : memref<2x128xi32, #tpu.memory_space<vmem>>) target_semaphore(%arg13 : memref<!tpu.dma_semaphore, #tpu.memory_space<semaphore_mem>>)
          %add3A_418 = arith.constant 1 : i32
          %add3A_419 = arith.addi %add3A_354, %add3A_418 : i32
          %dma_wait3A_420 = arith.constant 0 : i32
          %dma_wait3A_421 = arith.constant 0 : i32
          %dma_wait3A_422 = arith.constant 0 : i32
          %dma_wait3A_423 = tpu.memref_slice %arg8[%dma_wait3A_420, %dma_wait3A_421, %dma_wait3A_422] : memref<4x2x128xi32, #tpu.memory_space<vmem>> -> memref<1x2x128xi32, #tpu.memory_space<vmem>>
          %dma_wait3A_424 = tpu.memref_squeeze %dma_wait3A_423 : memref<1x2x128xi32, #tpu.memory_space<vmem>> -> memref<2x128xi32, #tpu.memory_space<vmem>>
          %dma_wait3A_425 = arith.constant 0 : i32
          %dma_wait3A_426 = arith.constant 0 : i32
          %dma_wait3A_427 = tpu.memref_slice %arg2[%arg1, %add3A_419, %dma_wait3A_425, %dma_wait3A_426] : memref<16x80x2x128xi32, #tpu.memory_space<hbm>> -> memref<1x1x2x128xi32, #tpu.memory_space<hbm>>
          %dma_wait3A_428 = tpu.memref_squeeze %dma_wait3A_427 : memref<1x1x2x128xi32, #tpu.memory_space<hbm>> -> memref<2x128xi32, #tpu.memory_space<hbm>>
          %dma_wait3A_429 = arith.constant 0 : i32
          %dma_wait3A_430 = arith.constant 0 : i32
          %dma_wait3A_431 = tpu.memref_slice %arg8[%dma_wait3A_420, %dma_wait3A_429, %dma_wait3A_430] : memref<4x2x128xi32, #tpu.memory_space<vmem>> -> memref<1x2x128xi32, #tpu.memory_space<vmem>>
          %dma_wait3A_432 = tpu.memref_squeeze %dma_wait3A_431 : memref<1x2x128xi32, #tpu.memory_space<vmem>> -> memref<2x128xi32, #tpu.memory_space<vmem>>
          %dma_wait3A_433 = arith.constant 0 : i32
          %dma_wait3A_434 = arith.constant 0 : i32
          %dma_wait3A_435 = tpu.memref_slice %arg2[%arg1, %add3A_419, %dma_wait3A_433, %dma_wait3A_434] : memref<16x80x2x128xi32, #tpu.memory_space<hbm>> -> memref<1x1x2x128xi32, #tpu.memory_space<hbm>>
          %dma_wait3A_436 = tpu.memref_squeeze %dma_wait3A_435 : memref<1x1x2x128xi32, #tpu.memory_space<hbm>> -> memref<2x128xi32, #tpu.memory_space<hbm>>
          tpu.wait_dma2 semaphore(%arg11 : memref<!tpu.dma_semaphore, #tpu.memory_space<semaphore_mem>>) src(%dma_wait3A_436 : memref<2x128xi32, #tpu.memory_space<hbm>>) dst(%dma_wait3A_432 : memref<2x128xi32, #tpu.memory_space<vmem>>)
          %dma_start3A_437 = arith.constant 0 : i32
          %dma_start3A_438 = arith.constant 0 : i32
          %dma_start3A_439 = arith.constant 0 : i32
          %dma_start3A_440 = arith.constant 0 : i32
          %dma_start3A_441 = arith.constant 0 : i32
          %dma_start3A_442 = tpu.memref_slice %arg9[%dma_start3A_439, %dma_start3A_440, %dma_start3A_441] : memref<2x128x128xf32, #tpu.memory_space<vmem>> -> memref<1x128x128xf32, #tpu.memory_space<vmem>>
          %dma_start3A_443 = tpu.memref_squeeze %dma_start3A_442 : memref<1x128x128xf32, #tpu.memory_space<vmem>> -> memref<128x128xf32, #tpu.memory_space<vmem>>
          %dma_start3A_444 = arith.constant 0 : i32
          %dma_start3A_445 = tpu.memref_slice %arg8[%dma_start3A_437, %dma_start3A_438, %dma_start3A_444] : memref<4x2x128xi32, #tpu.memory_space<vmem>> -> memref<1x1x128xi32, #tpu.memory_space<vmem>>
          %dma_start3A_446 = tpu.memref_squeeze %dma_start3A_445 : memref<1x1x128xi32, #tpu.memory_space<vmem>> -> memref<128xi32, #tpu.memory_space<vmem>>
          %dma_start3A_447 = arith.constant 0 : i32
          %dma_start3A_448 = arith.constant 0 : i32
          %dma_start3A_449 = tpu.memref_slice %arg3[%dma_start3A_447, %dma_start3A_448] : memref<10000x128xf32, #tpu.memory_space<hbm>> -> memref<10000x128xf32, #tpu.memory_space<hbm>>
          tpu.enqueue_indirect_dma source(%dma_start3A_449 : memref<10000x128xf32, #tpu.memory_space<hbm>>) target(%dma_start3A_443 : memref<128x128xf32, #tpu.memory_space<vmem>>) offsets(%dma_start3A_446 : memref<128xi32, #tpu.memory_space<vmem>>) semaphore(%arg15 : memref<!tpu.dma_semaphore, #tpu.memory_space<semaphore_mem>>)
        } else {
        }
      }
      %scan3A_113 = arith.constant 20 : i32
      %dma_wait3A_114 = arith.constant 1 : i32
      %dma_wait3A_115 = arith.constant 3 : i32
      %dma_wait3A_116 = arith.constant 1 : i32
      %dma_wait3A_117 = arith.constant 0 : i32
      %dma_wait3A_118 = arith.constant 0 : i32
      %dma_wait3A_119 = tpu.memref_slice %arg9[%dma_wait3A_114, %dma_wait3A_117, %dma_wait3A_118] : memref<2x128x128xf32, #tpu.memory_space<vmem>> -> memref<1x128x128xf32, #tpu.memory_space<vmem>>
      %dma_wait3A_120 = tpu.memref_squeeze %dma_wait3A_119 : memref<1x128x128xf32, #tpu.memory_space<vmem>> -> memref<128x128xf32, #tpu.memory_space<vmem>>
      %dma_wait3A_121 = arith.constant 0 : i32
      %dma_wait3A_122 = tpu.memref_slice %arg8[%dma_wait3A_115, %dma_wait3A_116, %dma_wait3A_121] : memref<4x2x128xi32, #tpu.memory_space<vmem>> -> memref<1x1x128xi32, #tpu.memory_space<vmem>>
      %dma_wait3A_123 = tpu.memref_squeeze %dma_wait3A_122 : memref<1x1x128xi32, #tpu.memory_space<vmem>> -> memref<128xi32, #tpu.memory_space<vmem>>
      %dma_wait3A_124 = arith.constant 0 : i32
      %dma_wait3A_125 = arith.constant 0 : i32
      %dma_wait3A_126 = tpu.memref_slice %arg10[%dma_wait3A_124, %dma_wait3A_125] : memref<10112x128xf32, #tpu.memory_space<vmem_shared>> -> memref<10112x128xf32, #tpu.memory_space<vmem_shared>>
      tpu.wait_indirect_dma semaphore(%arg18 : memref<!tpu.dma_semaphore, #tpu.memory_space<semaphore_mem>>) src(%dma_wait3A_120 : memref<128x128xf32, #tpu.memory_space<vmem>>) dst(%dma_wait3A_126 : memref<10112x128xf32, #tpu.memory_space<vmem_shared>>)
      %barrier3A_127 = arith.constant 0 : index
      tpu.barrier barrier_id(%barrier3A_127)
      %mul3A_128 = arith.constant 632 : i32
      %mul3A_129 = arith.muli %arg1, %mul3A_128 : i32
      %mul3A_130 = arith.constant 632 : i32
      %mul3A_131 = arith.muli %arg1, %mul3A_130 : i32
      "tpu.region"() ({
        %run_scoped3A = tpu.sem_alloc : memref<!tpu.dma_semaphore, #tpu.memory_space<semaphore_mem>>
        %dma_start3A_132 = arith.constant 0 : i32
        %dma_start3A_133 = tpu.memref_slice %arg6[%mul3A_131, %dma_start3A_132] : memref<10112x128xf32, #tpu.memory_space<hbm>> -> memref<632x128xf32, #tpu.memory_space<hbm>>
        %dma_start3A_134 = arith.constant 0 : i32
        %dma_start3A_135 = tpu.memref_slice %arg10[%mul3A_129, %dma_start3A_134] : memref<10112x128xf32, #tpu.memory_space<vmem_shared>> -> memref<632x128xf32, #tpu.memory_space<vmem_shared>>
        tpu.enqueue_dma source(%dma_start3A_135 : memref<632x128xf32, #tpu.memory_space<vmem_shared>>) target(%dma_start3A_133 : memref<632x128xf32, #tpu.memory_space<hbm>>) target_semaphore(%run_scoped3A : memref<!tpu.dma_semaphore, #tpu.memory_space<semaphore_mem>>)
        %dma_wait3A_136 = arith.constant 0 : i32
        %dma_wait3A_137 = tpu.memref_slice %arg6[%mul3A_131, %dma_wait3A_136] : memref<10112x128xf32, #tpu.memory_space<hbm>> -> memref<632x128xf32, #tpu.memory_space<hbm>>
        %dma_wait3A_138 = arith.constant 0 : i32
        %dma_wait3A_139 = tpu.memref_slice %arg10[%mul3A_129, %dma_wait3A_138] : memref<10112x128xf32, #tpu.memory_space<vmem_shared>> -> memref<632x128xf32, #tpu.memory_space<vmem_shared>>
        tpu.wait_dma2 semaphore(%run_scoped3A : memref<!tpu.dma_semaphore, #tpu.memory_space<semaphore_mem>>) src(%dma_wait3A_139 : memref<632x128xf32, #tpu.memory_space<vmem_shared>>) dst(%dma_wait3A_137 : memref<632x128xf32, #tpu.memory_space<hbm>>)
        tpu.yield
      }) : () -> ()
    } else {
    }
    %eq3A_2 = arith.constant 1 : i32
    %eq3A_3 = arith.cmpi eq, %arg0, %eq3A_2 : i32
    %convert_element_type3A_4 = arith.extui %eq3A_3 : i1 to i32
    %cond3A_5 = arith.constant 0 : i32
    %cond3A_6 = arith.cmpi ne, %convert_element_type3A_4, %cond3A_5 : i32
    scf.if %cond3A_6 {
      %dma_start3A = arith.constant 0 : i32
      %dma_start3A_7 = arith.constant 0 : i32
      %dma_start3A_8 = arith.constant 0 : i32
      %dma_start3A_9 = arith.constant 0 : i32
      %dma_start3A_10 = tpu.memref_slice %arg8[%dma_start3A_7, %dma_start3A_8, %dma_start3A_9] : memref<4x2x128xi32, #tpu.memory_space<vmem>> -> memref<1x2x128xi32, #tpu.memory_space<vmem>>
      %dma_start3A_11 = tpu.memref_squeeze %dma_start3A_10 : memref<1x2x128xi32, #tpu.memory_space<vmem>> -> memref<2x128xi32, #tpu.memory_space<vmem>>
      %dma_start3A_12 = arith.constant 0 : i32
      %dma_start3A_13 = arith.constant 0 : i32
      %dma_start3A_14 = tpu.memref_slice %arg2[%arg1, %dma_start3A, %dma_start3A_12, %dma_start3A_13] : memref<16x80x2x128xi32, #tpu.memory_space<hbm>> -> memref<1x1x2x128xi32, #tpu.memory_space<hbm>>
      %dma_start3A_15 = tpu.memref_squeeze %dma_start3A_14 : memref<1x1x2x128xi32, #tpu.memory_space<hbm>> -> memref<2x128xi32, #tpu.memory_space<hbm>>
      %dma_start3A_16 = arith.constant 0 : i32
      %dma_start3A_17 = arith.constant 0 : i32
      %dma_start3A_18 = tpu.memref_slice %arg8[%dma_start3A_7, %dma_start3A_16, %dma_start3A_17] : memref<4x2x128xi32, #tpu.memory_space<vmem>> -> memref<1x2x128xi32, #tpu.memory_space<vmem>>
      %dma_start3A_19 = tpu.memref_squeeze %dma_start3A_18 : memref<1x2x128xi32, #tpu.memory_space<vmem>> -> memref<2x128xi32, #tpu.memory_space<vmem>>
      %dma_start3A_20 = arith.constant 0 : i32
      %dma_start3A_21 = arith.constant 0 : i32
      %dma_start3A_22 = tpu.memref_slice %arg2[%arg1, %dma_start3A, %dma_start3A_20, %dma_start3A_21] : memref<16x80x2x128xi32, #tpu.memory_space<hbm>> -> memref<1x1x2x128xi32, #tpu.memory_space<hbm>>
      %dma_start3A_23 = tpu.memref_squeeze %dma_start3A_22 : memref<1x1x2x128xi32, #tpu.memory_space<hbm>> -> memref<2x128xi32, #tpu.memory_space<hbm>>
      tpu.enqueue_dma source(%dma_start3A_23 : memref<2x128xi32, #tpu.memory_space<hbm>>) target(%dma_start3A_19 : memref<2x128xi32, #tpu.memory_space<vmem>>) target_semaphore(%arg11 : memref<!tpu.dma_semaphore, #tpu.memory_space<semaphore_mem>>)
      %dma_start3A_24 = arith.constant 1 : i32
      %dma_start3A_25 = arith.constant 1 : i32
      %dma_start3A_26 = arith.constant 0 : i32
      %dma_start3A_27 = arith.constant 0 : i32
      %dma_start3A_28 = tpu.memref_slice %arg8[%dma_start3A_25, %dma_start3A_26, %dma_start3A_27] : memref<4x2x128xi32, #tpu.memory_space<vmem>> -> memref<1x2x128xi32, #tpu.memory_space<vmem>>
      %dma_start3A_29 = tpu.memref_squeeze %dma_start3A_28 : memref<1x2x128xi32, #tpu.memory_space<vmem>> -> memref<2x128xi32, #tpu.memory_space<vmem>>
      %dma_start3A_30 = arith.constant 0 : i32
      %dma_start3A_31 = arith.constant 0 : i32
      %dma_start3A_32 = tpu.memref_slice %arg2[%arg1, %dma_start3A_24, %dma_start3A_30, %dma_start3A_31] : memref<16x80x2x128xi32, #tpu.memory_space<hbm>> -> memref<1x1x2x128xi32, #tpu.memory_space<hbm>>
      %dma_start3A_33 = tpu.memref_squeeze %dma_start3A_32 : memref<1x1x2x128xi32, #tpu.memory_space<hbm>> -> memref<2x128xi32, #tpu.memory_space<hbm>>
      %dma_start3A_34 = arith.constant 0 : i32
      %dma_start3A_35 = arith.constant 0 : i32
      %dma_start3A_36 = tpu.memref_slice %arg8[%dma_start3A_25, %dma_start3A_34, %dma_start3A_35] : memref<4x2x128xi32, #tpu.memory_space<vmem>> -> memref<1x2x128xi32, #tpu.memory_space<vmem>>
      %dma_start3A_37 = tpu.memref_squeeze %dma_start3A_36 : memref<1x2x128xi32, #tpu.memory_space<vmem>> -> memref<2x128xi32, #tpu.memory_space<vmem>>
      %dma_start3A_38 = arith.constant 0 : i32
      %dma_start3A_39 = arith.constant 0 : i32
      %dma_start3A_40 = tpu.memref_slice %arg2[%arg1, %dma_start3A_24, %dma_start3A_38, %dma_start3A_39] : memref<16x80x2x128xi32, #tpu.memory_space<hbm>> -> memref<1x1x2x128xi32, #tpu.memory_space<hbm>>
      %dma_start3A_41 = tpu.memref_squeeze %dma_start3A_40 : memref<1x1x2x128xi32, #tpu.memory_space<hbm>> -> memref<2x128xi32, #tpu.memory_space<hbm>>
      tpu.enqueue_dma source(%dma_start3A_41 : memref<2x128xi32, #tpu.memory_space<hbm>>) target(%dma_start3A_37 : memref<2x128xi32, #tpu.memory_space<vmem>>) target_semaphore(%arg12 : memref<!tpu.dma_semaphore, #tpu.memory_space<semaphore_mem>>)
      %dma_start3A_42 = arith.constant 2 : i32
      %dma_start3A_43 = arith.constant 2 : i32
      %dma_start3A_44 = arith.constant 0 : i32
      %dma_start3A_45 = arith.constant 0 : i32
      %dma_start3A_46 = tpu.memref_slice %arg8[%dma_start3A_43, %dma_start3A_44, %dma_start3A_45] : memref<4x2x128xi32, #tpu.memory_space<vmem>> -> memref<1x2x128xi32, #tpu.memory_space<vmem>>
      %dma_start3A_47 = tpu.memref_squeeze %dma_start3A_46 : memref<1x2x128xi32, #tpu.memory_space<vmem>> -> memref<2x128xi32, #tpu.memory_space<vmem>>
      %dma_start3A_48 = arith.constant 0 : i32
      %dma_start3A_49 = arith.constant 0 : i32
      %dma_start3A_50 = tpu.memref_slice %arg2[%arg1, %dma_start3A_42, %dma_start3A_48, %dma_start3A_49] : memref<16x80x2x128xi32, #tpu.memory_space<hbm>> -> memref<1x1x2x128xi32, #tpu.memory_space<hbm>>
      %dma_start3A_51 = tpu.memref_squeeze %dma_start3A_50 : memref<1x1x2x128xi32, #tpu.memory_space<hbm>> -> memref<2x128xi32, #tpu.memory_space<hbm>>
      %dma_start3A_52 = arith.constant 0 : i32
      %dma_start3A_53 = arith.constant 0 : i32
      %dma_start3A_54 = tpu.memref_slice %arg8[%dma_start3A_43, %dma_start3A_52, %dma_start3A_53] : memref<4x2x128xi32, #tpu.memory_space<vmem>> -> memref<1x2x128xi32, #tpu.memory_space<vmem>>
      %dma_start3A_55 = tpu.memref_squeeze %dma_start3A_54 : memref<1x2x128xi32, #tpu.memory_space<vmem>> -> memref<2x128xi32, #tpu.memory_space<vmem>>
      %dma_start3A_56 = arith.constant 0 : i32
      %dma_start3A_57 = arith.constant 0 : i32
      %dma_start3A_58 = tpu.memref_slice %arg2[%arg1, %dma_start3A_42, %dma_start3A_56, %dma_start3A_57] : memref<16x80x2x128xi32, #tpu.memory_space<hbm>> -> memref<1x1x2x128xi32, #tpu.memory_space<hbm>>
      %dma_start3A_59 = tpu.memref_squeeze %dma_start3A_58 : memref<1x1x2x128xi32, #tpu.memory_space<hbm>> -> memref<2x128xi32, #tpu.memory_space<hbm>>
      tpu.enqueue_dma source(%dma_start3A_59 : memref<2x128xi32, #tpu.memory_space<hbm>>) target(%dma_start3A_55 : memref<2x128xi32, #tpu.memory_space<vmem>>) target_semaphore(%arg13 : memref<!tpu.dma_semaphore, #tpu.memory_space<semaphore_mem>>)
      %dma_start3A_60 = arith.constant 3 : i32
      %dma_start3A_61 = arith.constant 3 : i32
      %dma_start3A_62 = arith.constant 0 : i32
      %dma_start3A_63 = arith.constant 0 : i32
      %dma_start3A_64 = tpu.memref_slice %arg8[%dma_start3A_61, %dma_start3A_62, %dma_start3A_63] : memref<4x2x128xi32, #tpu.memory_space<vmem>> -> memref<1x2x128xi32, #tpu.memory_space<vmem>>
      %dma_start3A_65 = tpu.memref_squeeze %dma_start3A_64 : memref<1x2x128xi32, #tpu.memory_space<vmem>> -> memref<2x128xi32, #tpu.memory_space<vmem>>
      %dma_start3A_66 = arith.constant 0 : i32
      %dma_start3A_67 = arith.constant 0 : i32
      %dma_start3A_68 = tpu.memref_slice %arg2[%arg1, %dma_start3A_60, %dma_start3A_66, %dma_start3A_67] : memref<16x80x2x128xi32, #tpu.memory_space<hbm>> -> memref<1x1x2x128xi32, #tpu.memory_space<hbm>>
      %dma_start3A_69 = tpu.memref_squeeze %dma_start3A_68 : memref<1x1x2x128xi32, #tpu.memory_space<hbm>> -> memref<2x128xi32, #tpu.memory_space<hbm>>
      %dma_start3A_70 = arith.constant 0 : i32
      %dma_start3A_71 = arith.constant 0 : i32
      %dma_start3A_72 = tpu.memref_slice %arg8[%dma_start3A_61, %dma_start3A_70, %dma_start3A_71] : memref<4x2x128xi32, #tpu.memory_space<vmem>> -> memref<1x2x128xi32, #tpu.memory_space<vmem>>
      %dma_start3A_73 = tpu.memref_squeeze %dma_start3A_72 : memref<1x2x128xi32, #tpu.memory_space<vmem>> -> memref<2x128xi32, #tpu.memory_space<vmem>>
      %dma_start3A_74 = arith.constant 0 : i32
      %dma_start3A_75 = arith.constant 0 : i32
      %dma_start3A_76 = tpu.memref_slice %arg2[%arg1, %dma_start3A_60, %dma_start3A_74, %dma_start3A_75] : memref<16x80x2x128xi32, #tpu.memory_space<hbm>> -> memref<1x1x2x128xi32, #tpu.memory_space<hbm>>
      %dma_start3A_77 = tpu.memref_squeeze %dma_start3A_76 : memref<1x1x2x128xi32, #tpu.memory_space<hbm>> -> memref<2x128xi32, #tpu.memory_space<hbm>>
      tpu.enqueue_dma source(%dma_start3A_77 : memref<2x128xi32, #tpu.memory_space<hbm>>) target(%dma_start3A_73 : memref<2x128xi32, #tpu.memory_space<vmem>>) target_semaphore(%arg14 : memref<!tpu.dma_semaphore, #tpu.memory_space<semaphore_mem>>)
      %dma_wait3A = arith.constant 0 : i32
      %dma_wait3A_78 = arith.constant 0 : i32
      %dma_wait3A_79 = arith.constant 0 : i32
      %dma_wait3A_80 = arith.constant 0 : i32
      %dma_wait3A_81 = tpu.memref_slice %arg8[%dma_wait3A_78, %dma_wait3A_79, %dma_wait3A_80] : memref<4x2x128xi32, #tpu.memory_space<vmem>> -> memref<1x2x128xi32, #tpu.memory_space<vmem>>
      %dma_wait3A_82 = tpu.memref_squeeze %dma_wait3A_81 : memref<1x2x128xi32, #tpu.memory_space<vmem>> -> memref<2x128xi32, #tpu.memory_space<vmem>>
      %dma_wait3A_83 = arith.constant 0 : i32
      %dma_wait3A_84 = arith.constant 0 : i32
      %dma_wait3A_85 = tpu.memref_slice %arg2[%arg1, %dma_wait3A, %dma_wait3A_83, %dma_wait3A_84] : memref<16x80x2x128xi32, #tpu.memory_space<hbm>> -> memref<1x1x2x128xi32, #tpu.memory_space<hbm>>
      %dma_wait3A_86 = tpu.memref_squeeze %dma_wait3A_85 : memref<1x1x2x128xi32, #tpu.memory_space<hbm>> -> memref<2x128xi32, #tpu.memory_space<hbm>>
      %dma_wait3A_87 = arith.constant 0 : i32
      %dma_wait3A_88 = arith.constant 0 : i32
      %dma_wait3A_89 = tpu.memref_slice %arg8[%dma_wait3A_78, %dma_wait3A_87, %dma_wait3A_88] : memref<4x2x128xi32, #tpu.memory_space<vmem>> -> memref<1x2x128xi32, #tpu.memory_space<vmem>>
      %dma_wait3A_90 = tpu.memref_squeeze %dma_wait3A_89 : memref<1x2x128xi32, #tpu.memory_space<vmem>> -> memref<2x128xi32, #tpu.memory_space<vmem>>
      %dma_wait3A_91 = arith.constant 0 : i32
      %dma_wait3A_92 = arith.constant 0 : i32
      %dma_wait3A_93 = tpu.memref_slice %arg2[%arg1, %dma_wait3A, %dma_wait3A_91, %dma_wait3A_92] : memref<16x80x2x128xi32, #tpu.memory_space<hbm>> -> memref<1x1x2x128xi32, #tpu.memory_space<hbm>>
      %dma_wait3A_94 = tpu.memref_squeeze %dma_wait3A_93 : memref<1x1x2x128xi32, #tpu.memory_space<hbm>> -> memref<2x128xi32, #tpu.memory_space<hbm>>
      tpu.wait_dma2 semaphore(%arg11 : memref<!tpu.dma_semaphore, #tpu.memory_space<semaphore_mem>>) src(%dma_wait3A_94 : memref<2x128xi32, #tpu.memory_space<hbm>>) dst(%dma_wait3A_90 : memref<2x128xi32, #tpu.memory_space<vmem>>)
      %dma_start3A_95 = arith.constant 0 : i32
      %dma_start3A_96 = arith.constant 0 : i32
      %dma_start3A_97 = arith.constant 0 : i32
      %dma_start3A_98 = arith.constant 0 : i32
      %dma_start3A_99 = arith.constant 0 : i32
      %dma_start3A_100 = tpu.memref_slice %arg9[%dma_start3A_97, %dma_start3A_98, %dma_start3A_99] : memref<2x128x128xf32, #tpu.memory_space<vmem>> -> memref<1x128x128xf32, #tpu.memory_space<vmem>>
      %dma_start3A_101 = tpu.memref_squeeze %dma_start3A_100 : memref<1x128x128xf32, #tpu.memory_space<vmem>> -> memref<128x128xf32, #tpu.memory_space<vmem>>
      %dma_start3A_102 = arith.constant 0 : i32
      %dma_start3A_103 = tpu.memref_slice %arg8[%dma_start3A_95, %dma_start3A_96, %dma_start3A_102] : memref<4x2x128xi32, #tpu.memory_space<vmem>> -> memref<1x1x128xi32, #tpu.memory_space<vmem>>
      %dma_start3A_104 = tpu.memref_squeeze %dma_start3A_103 : memref<1x1x128xi32, #tpu.memory_space<vmem>> -> memref<128xi32, #tpu.memory_space<vmem>>
      %dma_start3A_105 = arith.constant 0 : i32
      %dma_start3A_106 = arith.constant 0 : i32
      %dma_start3A_107 = tpu.memref_slice %arg4[%dma_start3A_105, %dma_start3A_106] : memref<10000x128xf32, #tpu.memory_space<hbm>> -> memref<10000x128xf32, #tpu.memory_space<hbm>>
      tpu.enqueue_indirect_dma source(%dma_start3A_107 : memref<10000x128xf32, #tpu.memory_space<hbm>>) target(%dma_start3A_101 : memref<128x128xf32, #tpu.memory_space<vmem>>) offsets(%dma_start3A_104 : memref<128xi32, #tpu.memory_space<vmem>>) semaphore(%arg15 : memref<!tpu.dma_semaphore, #tpu.memory_space<semaphore_mem>>)
      %mul3A = arith.constant 632 : i32
      %mul3A_108 = arith.muli %arg1, %mul3A : i32
      "tpu.region"() ({
        %run_scoped3A = tpu.sem_alloc : memref<!tpu.dma_semaphore, #tpu.memory_space<semaphore_mem>>
        %dma_start3A_132 = arith.constant 0 : i32
        %dma_start3A_133 = tpu.memref_slice %arg10[%mul3A_108, %dma_start3A_132] : memref<10112x128xf32, #tpu.memory_space<vmem_shared>> -> memref<632x128xf32, #tpu.memory_space<vmem_shared>>
        tpu.enqueue_dma source(%arg5 : memref<632x128xf32, #tpu.memory_space<hbm>>) target(%dma_start3A_133 : memref<632x128xf32, #tpu.memory_space<vmem_shared>>) target_semaphore(%run_scoped3A : memref<!tpu.dma_semaphore, #tpu.memory_space<semaphore_mem>>)
        %dma_wait3A_134 = arith.constant 0 : i32
        %dma_wait3A_135 = tpu.memref_slice %arg10[%mul3A_108, %dma_wait3A_134] : memref<10112x128xf32, #tpu.memory_space<vmem_shared>> -> memref<632x128xf32, #tpu.memory_space<vmem_shared>>
        tpu.wait_dma2 semaphore(%run_scoped3A : memref<!tpu.dma_semaphore, #tpu.memory_space<semaphore_mem>>) src(%arg5 : memref<632x128xf32, #tpu.memory_space<hbm>>) dst(%dma_wait3A_135 : memref<632x128xf32, #tpu.memory_space<vmem_shared>>)
        tpu.yield
      }) : () -> ()
      %barrier3A = arith.constant 0 : index
      tpu.barrier barrier_id(%barrier3A)
      %scan3A = arith.constant 0 : i32
      %scan3A_109 = arith.constant 0 : i32
      %scan3A_110 = arith.constant 20 : i32
      %scan3A_111 = arith.addi %scan3A_109, %scan3A_110 : i32
      %scan3A_112 = arith.constant 1 : i32
      scf.for %scan3A_132 = %scan3A_109 to %scan3A_111 step %scan3A_112  : i32 {
        %mul3A_133 = arith.constant 4 : i32
        %mul3A_134 = arith.muli %mul3A_133, %scan3A_132 : i32
        %add3A = arith.constant 0 : i32
        %add3A_135 = arith.addi %mul3A_134, %add3A : i32
        %dma_wait3A_136 = arith.constant 0 : i32
        %dma_wait3A_137 = arith.constant 0 : i32
        %dma_wait3A_138 = arith.constant 0 : i32
        %dma_wait3A_139 = arith.constant 0 : i32
        %dma_wait3A_140 = arith.constant 0 : i32
        %dma_wait3A_141 = tpu.memref_slice %arg9[%dma_wait3A_138, %dma_wait3A_139, %dma_wait3A_140] : memref<2x128x128xf32, #tpu.memory_space<vmem>> -> memref<1x128x128xf32, #tpu.memory_space<vmem>>
        %dma_wait3A_142 = tpu.memref_squeeze %dma_wait3A_141 : memref<1x128x128xf32, #tpu.memory_space<vmem>> -> memref<128x128xf32, #tpu.memory_space<vmem>>
        %dma_wait3A_143 = arith.constant 0 : i32
        %dma_wait3A_144 = tpu.memref_slice %arg8[%dma_wait3A_136, %dma_wait3A_137, %dma_wait3A_143] : memref<4x2x128xi32, #tpu.memory_space<vmem>> -> memref<1x1x128xi32, #tpu.memory_space<vmem>>
        %dma_wait3A_145 = tpu.memref_squeeze %dma_wait3A_144 : memref<1x1x128xi32, #tpu.memory_space<vmem>> -> memref<128xi32, #tpu.memory_space<vmem>>
        %dma_wait3A_146 = arith.constant 0 : i32
        %dma_wait3A_147 = arith.constant 0 : i32
        %dma_wait3A_148 = tpu.memref_slice %arg4[%dma_wait3A_146, %dma_wait3A_147] : memref<10000x128xf32, #tpu.memory_space<hbm>> -> memref<10000x128xf32, #tpu.memory_space<hbm>>
        tpu.wait_indirect_dma semaphore(%arg15 : memref<!tpu.dma_semaphore, #tpu.memory_space<semaphore_mem>>) src(%dma_wait3A_148 : memref<10000x128xf32, #tpu.memory_space<hbm>>) dst(%dma_wait3A_142 : memref<128x128xf32, #tpu.memory_space<vmem>>)
        %dma_start3A_149 = arith.constant 0 : i32
        %dma_start3A_150 = arith.constant 0 : i32
        %dma_start3A_151 = arith.constant 1 : i32
        %dma_start3A_152 = arith.constant 0 : i32
        %dma_start3A_153 = arith.constant 0 : i32
        %dma_start3A_154 = tpu.memref_slice %arg9[%dma_start3A_149, %dma_start3A_152, %dma_start3A_153] : memref<2x128x128xf32, #tpu.memory_space<vmem>> -> memref<1x128x128xf32, #tpu.memory_space<vmem>>
        %dma_start3A_155 = tpu.memref_squeeze %dma_start3A_154 : memref<1x128x128xf32, #tpu.memory_space<vmem>> -> memref<128x128xf32, #tpu.memory_space<vmem>>
        %dma_start3A_156 = arith.constant 0 : i32
        %dma_start3A_157 = tpu.memref_slice %arg8[%dma_start3A_150, %dma_start3A_151, %dma_start3A_156] : memref<4x2x128xi32, #tpu.memory_space<vmem>> -> memref<1x1x128xi32, #tpu.memory_space<vmem>>
        %dma_start3A_158 = tpu.memref_squeeze %dma_start3A_157 : memref<1x1x128xi32, #tpu.memory_space<vmem>> -> memref<128xi32, #tpu.memory_space<vmem>>
        %dma_start3A_159 = arith.constant 0 : i32
        %dma_start3A_160 = arith.constant 0 : i32
        %dma_start3A_161 = tpu.memref_slice %arg10[%dma_start3A_159, %dma_start3A_160] : memref<10112x128xf32, #tpu.memory_space<vmem_shared>> -> memref<10112x128xf32, #tpu.memory_space<vmem_shared>>
        tpu.enqueue_indirect_dma source(%dma_start3A_155 : memref<128x128xf32, #tpu.memory_space<vmem>>) target(%dma_start3A_161 : memref<10112x128xf32, #tpu.memory_space<vmem_shared>>) offsets(%dma_start3A_158 : memref<128xi32, #tpu.memory_space<vmem>>) semaphore(%arg17 : memref<!tpu.dma_semaphore, #tpu.memory_space<semaphore_mem>>) {add = true}
        %gt3A = arith.constant 0 : i32
        %gt3A_162 = arith.cmpi sgt, %scan3A_132, %gt3A : i32
        %convert_element_type3A_163 = arith.extui %gt3A_162 : i1 to i32
        %cond3A_164 = arith.constant 0 : i32
        %cond3A_165 = arith.cmpi ne, %convert_element_type3A_163, %cond3A_164 : i32
        scf.if %cond3A_165 {
          %dma_wait3A_399 = arith.constant 1 : i32
          %dma_wait3A_400 = arith.constant 3 : i32
          %dma_wait3A_401 = arith.constant 1 : i32
          %dma_wait3A_402 = arith.constant 0 : i32
          %dma_wait3A_403 = arith.constant 0 : i32
          %dma_wait3A_404 = tpu.memref_slice %arg9[%dma_wait3A_399, %dma_wait3A_402, %dma_wait3A_403] : memref<2x128x128xf32, #tpu.memory_space<vmem>> -> memref<1x128x128xf32, #tpu.memory_space<vmem>>
          %dma_wait3A_405 = tpu.memref_squeeze %dma_wait3A_404 : memref<1x128x128xf32, #tpu.memory_space<vmem>> -> memref<128x128xf32, #tpu.memory_space<vmem>>
          %dma_wait3A_406 = arith.constant 0 : i32
          %dma_wait3A_407 = tpu.memref_slice %arg8[%dma_wait3A_400, %dma_wait3A_401, %dma_wait3A_406] : memref<4x2x128xi32, #tpu.memory_space<vmem>> -> memref<1x1x128xi32, #tpu.memory_space<vmem>>
          %dma_wait3A_408 = tpu.memref_squeeze %dma_wait3A_407 : memref<1x1x128xi32, #tpu.memory_space<vmem>> -> memref<128xi32, #tpu.memory_space<vmem>>
          %dma_wait3A_409 = arith.constant 0 : i32
          %dma_wait3A_410 = arith.constant 0 : i32
          %dma_wait3A_411 = tpu.memref_slice %arg10[%dma_wait3A_409, %dma_wait3A_410] : memref<10112x128xf32, #tpu.memory_space<vmem_shared>> -> memref<10112x128xf32, #tpu.memory_space<vmem_shared>>
          tpu.wait_indirect_dma semaphore(%arg18 : memref<!tpu.dma_semaphore, #tpu.memory_space<semaphore_mem>>) src(%dma_wait3A_405 : memref<128x128xf32, #tpu.memory_space<vmem>>) dst(%dma_wait3A_411 : memref<10112x128xf32, #tpu.memory_space<vmem_shared>>)
          %add3A_412 = arith.constant 3 : i32
          %add3A_413 = arith.addi %add3A_135, %add3A_412 : i32
          %dma_start3A_414 = arith.constant 3 : i32
          %dma_start3A_415 = arith.constant 0 : i32
          %dma_start3A_416 = arith.constant 0 : i32
          %dma_start3A_417 = tpu.memref_slice %arg8[%dma_start3A_414, %dma_start3A_415, %dma_start3A_416] : memref<4x2x128xi32, #tpu.memory_space<vmem>> -> memref<1x2x128xi32, #tpu.memory_space<vmem>>
          %dma_start3A_418 = tpu.memref_squeeze %dma_start3A_417 : memref<1x2x128xi32, #tpu.memory_space<vmem>> -> memref<2x128xi32, #tpu.memory_space<vmem>>
          %dma_start3A_419 = arith.constant 0 : i32
          %dma_start3A_420 = arith.constant 0 : i32
          %dma_start3A_421 = tpu.memref_slice %arg2[%arg1, %add3A_413, %dma_start3A_419, %dma_start3A_420] : memref<16x80x2x128xi32, #tpu.memory_space<hbm>> -> memref<1x1x2x128xi32, #tpu.memory_space<hbm>>
          %dma_start3A_422 = tpu.memref_squeeze %dma_start3A_421 : memref<1x1x2x128xi32, #tpu.memory_space<hbm>> -> memref<2x128xi32, #tpu.memory_space<hbm>>
          %dma_start3A_423 = arith.constant 0 : i32
          %dma_start3A_424 = arith.constant 0 : i32
          %dma_start3A_425 = tpu.memref_slice %arg8[%dma_start3A_414, %dma_start3A_423, %dma_start3A_424] : memref<4x2x128xi32, #tpu.memory_space<vmem>> -> memref<1x2x128xi32, #tpu.memory_space<vmem>>
          %dma_start3A_426 = tpu.memref_squeeze %dma_start3A_425 : memref<1x2x128xi32, #tpu.memory_space<vmem>> -> memref<2x128xi32, #tpu.memory_space<vmem>>
          %dma_start3A_427 = arith.constant 0 : i32
          %dma_start3A_428 = arith.constant 0 : i32
          %dma_start3A_429 = tpu.memref_slice %arg2[%arg1, %add3A_413, %dma_start3A_427, %dma_start3A_428] : memref<16x80x2x128xi32, #tpu.memory_space<hbm>> -> memref<1x1x2x128xi32, #tpu.memory_space<hbm>>
          %dma_start3A_430 = tpu.memref_squeeze %dma_start3A_429 : memref<1x1x2x128xi32, #tpu.memory_space<hbm>> -> memref<2x128xi32, #tpu.memory_space<hbm>>
          tpu.enqueue_dma source(%dma_start3A_430 : memref<2x128xi32, #tpu.memory_space<hbm>>) target(%dma_start3A_426 : memref<2x128xi32, #tpu.memory_space<vmem>>) target_semaphore(%arg14 : memref<!tpu.dma_semaphore, #tpu.memory_space<semaphore_mem>>)
        } else {
        }
        %add3A_166 = arith.constant 1 : i32
        %add3A_167 = arith.addi %add3A_135, %add3A_166 : i32
        %dma_wait3A_168 = arith.constant 1 : i32
        %dma_wait3A_169 = arith.constant 0 : i32
        %dma_wait3A_170 = arith.constant 0 : i32
        %dma_wait3A_171 = tpu.memref_slice %arg8[%dma_wait3A_168, %dma_wait3A_169, %dma_wait3A_170] : memref<4x2x128xi32, #tpu.memory_space<vmem>> -> memref<1x2x128xi32, #tpu.memory_space<vmem>>
        %dma_wait3A_172 = tpu.memref_squeeze %dma_wait3A_171 : memref<1x2x128xi32, #tpu.memory_space<vmem>> -> memref<2x128xi32, #tpu.memory_space<vmem>>
        %dma_wait3A_173 = arith.constant 0 : i32
        %dma_wait3A_174 = arith.constant 0 : i32
        %dma_wait3A_175 = tpu.memref_slice %arg2[%arg1, %add3A_167, %dma_wait3A_173, %dma_wait3A_174] : memref<16x80x2x128xi32, #tpu.memory_space<hbm>> -> memref<1x1x2x128xi32, #tpu.memory_space<hbm>>
        %dma_wait3A_176 = tpu.memref_squeeze %dma_wait3A_175 : memref<1x1x2x128xi32, #tpu.memory_space<hbm>> -> memref<2x128xi32, #tpu.memory_space<hbm>>
        %dma_wait3A_177 = arith.constant 0 : i32
        %dma_wait3A_178 = arith.constant 0 : i32
        %dma_wait3A_179 = tpu.memref_slice %arg8[%dma_wait3A_168, %dma_wait3A_177, %dma_wait3A_178] : memref<4x2x128xi32, #tpu.memory_space<vmem>> -> memref<1x2x128xi32, #tpu.memory_space<vmem>>
        %dma_wait3A_180 = tpu.memref_squeeze %dma_wait3A_179 : memref<1x2x128xi32, #tpu.memory_space<vmem>> -> memref<2x128xi32, #tpu.memory_space<vmem>>
        %dma_wait3A_181 = arith.constant 0 : i32
        %dma_wait3A_182 = arith.constant 0 : i32
        %dma_wait3A_183 = tpu.memref_slice %arg2[%arg1, %add3A_167, %dma_wait3A_181, %dma_wait3A_182] : memref<16x80x2x128xi32, #tpu.memory_space<hbm>> -> memref<1x1x2x128xi32, #tpu.memory_space<hbm>>
        %dma_wait3A_184 = tpu.memref_squeeze %dma_wait3A_183 : memref<1x1x2x128xi32, #tpu.memory_space<hbm>> -> memref<2x128xi32, #tpu.memory_space<hbm>>
        tpu.wait_dma2 semaphore(%arg12 : memref<!tpu.dma_semaphore, #tpu.memory_space<semaphore_mem>>) src(%dma_wait3A_184 : memref<2x128xi32, #tpu.memory_space<hbm>>) dst(%dma_wait3A_180 : memref<2x128xi32, #tpu.memory_space<vmem>>)
        %dma_start3A_185 = arith.constant 1 : i32
        %dma_start3A_186 = arith.constant 0 : i32
        %dma_start3A_187 = arith.constant 1 : i32
        %dma_start3A_188 = arith.constant 0 : i32
        %dma_start3A_189 = arith.constant 0 : i32
        %dma_start3A_190 = tpu.memref_slice %arg9[%dma_start3A_187, %dma_start3A_188, %dma_start3A_189] : memref<2x128x128xf32, #tpu.memory_space<vmem>> -> memref<1x128x128xf32, #tpu.memory_space<vmem>>
        %dma_start3A_191 = tpu.memref_squeeze %dma_start3A_190 : memref<1x128x128xf32, #tpu.memory_space<vmem>> -> memref<128x128xf32, #tpu.memory_space<vmem>>
        %dma_start3A_192 = arith.constant 0 : i32
        %dma_start3A_193 = tpu.memref_slice %arg8[%dma_start3A_185, %dma_start3A_186, %dma_start3A_192] : memref<4x2x128xi32, #tpu.memory_space<vmem>> -> memref<1x1x128xi32, #tpu.memory_space<vmem>>
        %dma_start3A_194 = tpu.memref_squeeze %dma_start3A_193 : memref<1x1x128xi32, #tpu.memory_space<vmem>> -> memref<128xi32, #tpu.memory_space<vmem>>
        %dma_start3A_195 = arith.constant 0 : i32
        %dma_start3A_196 = arith.constant 0 : i32
        %dma_start3A_197 = tpu.memref_slice %arg4[%dma_start3A_195, %dma_start3A_196] : memref<10000x128xf32, #tpu.memory_space<hbm>> -> memref<10000x128xf32, #tpu.memory_space<hbm>>
        tpu.enqueue_indirect_dma source(%dma_start3A_197 : memref<10000x128xf32, #tpu.memory_space<hbm>>) target(%dma_start3A_191 : memref<128x128xf32, #tpu.memory_space<vmem>>) offsets(%dma_start3A_194 : memref<128xi32, #tpu.memory_space<vmem>>) semaphore(%arg16 : memref<!tpu.dma_semaphore, #tpu.memory_space<semaphore_mem>>)
        %add3A_198 = arith.constant 1 : i32
        %add3A_199 = arith.addi %mul3A_134, %add3A_198 : i32
        %dma_wait3A_200 = arith.constant 1 : i32
        %dma_wait3A_201 = arith.constant 0 : i32
        %dma_wait3A_202 = arith.constant 1 : i32
        %dma_wait3A_203 = arith.constant 0 : i32
        %dma_wait3A_204 = arith.constant 0 : i32
        %dma_wait3A_205 = tpu.memref_slice %arg9[%dma_wait3A_202, %dma_wait3A_203, %dma_wait3A_204] : memref<2x128x128xf32, #tpu.memory_space<vmem>> -> memref<1x128x128xf32, #tpu.memory_space<vmem>>
        %dma_wait3A_206 = tpu.memref_squeeze %dma_wait3A_205 : memref<1x128x128xf32, #tpu.memory_space<vmem>> -> memref<128x128xf32, #tpu.memory_space<vmem>>
        %dma_wait3A_207 = arith.constant 0 : i32
        %dma_wait3A_208 = tpu.memref_slice %arg8[%dma_wait3A_200, %dma_wait3A_201, %dma_wait3A_207] : memref<4x2x128xi32, #tpu.memory_space<vmem>> -> memref<1x1x128xi32, #tpu.memory_space<vmem>>
        %dma_wait3A_209 = tpu.memref_squeeze %dma_wait3A_208 : memref<1x1x128xi32, #tpu.memory_space<vmem>> -> memref<128xi32, #tpu.memory_space<vmem>>
        %dma_wait3A_210 = arith.constant 0 : i32
        %dma_wait3A_211 = arith.constant 0 : i32
        %dma_wait3A_212 = tpu.memref_slice %arg4[%dma_wait3A_210, %dma_wait3A_211] : memref<10000x128xf32, #tpu.memory_space<hbm>> -> memref<10000x128xf32, #tpu.memory_space<hbm>>
        tpu.wait_indirect_dma semaphore(%arg16 : memref<!tpu.dma_semaphore, #tpu.memory_space<semaphore_mem>>) src(%dma_wait3A_212 : memref<10000x128xf32, #tpu.memory_space<hbm>>) dst(%dma_wait3A_206 : memref<128x128xf32, #tpu.memory_space<vmem>>)
        %dma_start3A_213 = arith.constant 1 : i32
        %dma_start3A_214 = arith.constant 1 : i32
        %dma_start3A_215 = arith.constant 1 : i32
        %dma_start3A_216 = arith.constant 0 : i32
        %dma_start3A_217 = arith.constant 0 : i32
        %dma_start3A_218 = tpu.memref_slice %arg9[%dma_start3A_213, %dma_start3A_216, %dma_start3A_217] : memref<2x128x128xf32, #tpu.memory_space<vmem>> -> memref<1x128x128xf32, #tpu.memory_space<vmem>>
        %dma_start3A_219 = tpu.memref_squeeze %dma_start3A_218 : memref<1x128x128xf32, #tpu.memory_space<vmem>> -> memref<128x128xf32, #tpu.memory_space<vmem>>
        %dma_start3A_220 = arith.constant 0 : i32
        %dma_start3A_221 = tpu.memref_slice %arg8[%dma_start3A_214, %dma_start3A_215, %dma_start3A_220] : memref<4x2x128xi32, #tpu.memory_space<vmem>> -> memref<1x1x128xi32, #tpu.memory_space<vmem>>
        %dma_start3A_222 = tpu.memref_squeeze %dma_start3A_221 : memref<1x1x128xi32, #tpu.memory_space<vmem>> -> memref<128xi32, #tpu.memory_space<vmem>>
        %dma_start3A_223 = arith.constant 0 : i32
        %dma_start3A_224 = arith.constant 0 : i32
        %dma_start3A_225 = tpu.memref_slice %arg10[%dma_start3A_223, %dma_start3A_224] : memref<10112x128xf32, #tpu.memory_space<vmem_shared>> -> memref<10112x128xf32, #tpu.memory_space<vmem_shared>>
        tpu.enqueue_indirect_dma source(%dma_start3A_219 : memref<128x128xf32, #tpu.memory_space<vmem>>) target(%dma_start3A_225 : memref<10112x128xf32, #tpu.memory_space<vmem_shared>>) offsets(%dma_start3A_222 : memref<128xi32, #tpu.memory_space<vmem>>) semaphore(%arg18 : memref<!tpu.dma_semaphore, #tpu.memory_space<semaphore_mem>>) {add = true}
        %dma_wait3A_226 = arith.constant 0 : i32
        %dma_wait3A_227 = arith.constant 0 : i32
        %dma_wait3A_228 = arith.constant 1 : i32
        %dma_wait3A_229 = arith.constant 0 : i32
        %dma_wait3A_230 = arith.constant 0 : i32
        %dma_wait3A_231 = tpu.memref_slice %arg9[%dma_wait3A_226, %dma_wait3A_229, %dma_wait3A_230] : memref<2x128x128xf32, #tpu.memory_space<vmem>> -> memref<1x128x128xf32, #tpu.memory_space<vmem>>
        %dma_wait3A_232 = tpu.memref_squeeze %dma_wait3A_231 : memref<1x128x128xf32, #tpu.memory_space<vmem>> -> memref<128x128xf32, #tpu.memory_space<vmem>>
        %dma_wait3A_233 = arith.constant 0 : i32
        %dma_wait3A_234 = tpu.memref_slice %arg8[%dma_wait3A_227, %dma_wait3A_228, %dma_wait3A_233] : memref<4x2x128xi32, #tpu.memory_space<vmem>> -> memref<1x1x128xi32, #tpu.memory_space<vmem>>
        %dma_wait3A_235 = tpu.memref_squeeze %dma_wait3A_234 : memref<1x1x128xi32, #tpu.memory_space<vmem>> -> memref<128xi32, #tpu.memory_space<vmem>>
        %dma_wait3A_236 = arith.constant 0 : i32
        %dma_wait3A_237 = arith.constant 0 : i32
        %dma_wait3A_238 = tpu.memref_slice %arg10[%dma_wait3A_236, %dma_wait3A_237] : memref<10112x128xf32, #tpu.memory_space<vmem_shared>> -> memref<10112x128xf32, #tpu.memory_space<vmem_shared>>
        tpu.wait_indirect_dma semaphore(%arg17 : memref<!tpu.dma_semaphore, #tpu.memory_space<semaphore_mem>>) src(%dma_wait3A_232 : memref<128x128xf32, #tpu.memory_space<vmem>>) dst(%dma_wait3A_238 : memref<10112x128xf32, #tpu.memory_space<vmem_shared>>)
        %lt3A = arith.constant 19 : i32
        %lt3A_239 = arith.cmpi slt, %scan3A_132, %lt3A : i32
        %convert_element_type3A_240 = arith.extui %lt3A_239 : i1 to i32
        %cond3A_241 = arith.constant 0 : i32
        %cond3A_242 = arith.cmpi ne, %convert_element_type3A_240, %cond3A_241 : i32
        scf.if %cond3A_242 {
          %add3A_399 = arith.constant 3 : i32
          %add3A_400 = arith.addi %add3A_199, %add3A_399 : i32
          %dma_start3A_401 = arith.constant 0 : i32
          %dma_start3A_402 = arith.constant 0 : i32
          %dma_start3A_403 = arith.constant 0 : i32
          %dma_start3A_404 = tpu.memref_slice %arg8[%dma_start3A_401, %dma_start3A_402, %dma_start3A_403] : memref<4x2x128xi32, #tpu.memory_space<vmem>> -> memref<1x2x128xi32, #tpu.memory_space<vmem>>
          %dma_start3A_405 = tpu.memref_squeeze %dma_start3A_404 : memref<1x2x128xi32, #tpu.memory_space<vmem>> -> memref<2x128xi32, #tpu.memory_space<vmem>>
          %dma_start3A_406 = arith.constant 0 : i32
          %dma_start3A_407 = arith.constant 0 : i32
          %dma_start3A_408 = tpu.memref_slice %arg2[%arg1, %add3A_400, %dma_start3A_406, %dma_start3A_407] : memref<16x80x2x128xi32, #tpu.memory_space<hbm>> -> memref<1x1x2x128xi32, #tpu.memory_space<hbm>>
          %dma_start3A_409 = tpu.memref_squeeze %dma_start3A_408 : memref<1x1x2x128xi32, #tpu.memory_space<hbm>> -> memref<2x128xi32, #tpu.memory_space<hbm>>
          %dma_start3A_410 = arith.constant 0 : i32
          %dma_start3A_411 = arith.constant 0 : i32
          %dma_start3A_412 = tpu.memref_slice %arg8[%dma_start3A_401, %dma_start3A_410, %dma_start3A_411] : memref<4x2x128xi32, #tpu.memory_space<vmem>> -> memref<1x2x128xi32, #tpu.memory_space<vmem>>
          %dma_start3A_413 = tpu.memref_squeeze %dma_start3A_412 : memref<1x2x128xi32, #tpu.memory_space<vmem>> -> memref<2x128xi32, #tpu.memory_space<vmem>>
          %dma_start3A_414 = arith.constant 0 : i32
          %dma_start3A_415 = arith.constant 0 : i32
          %dma_start3A_416 = tpu.memref_slice %arg2[%arg1, %add3A_400, %dma_start3A_414, %dma_start3A_415] : memref<16x80x2x128xi32, #tpu.memory_space<hbm>> -> memref<1x1x2x128xi32, #tpu.memory_space<hbm>>
          %dma_start3A_417 = tpu.memref_squeeze %dma_start3A_416 : memref<1x1x2x128xi32, #tpu.memory_space<hbm>> -> memref<2x128xi32, #tpu.memory_space<hbm>>
          tpu.enqueue_dma source(%dma_start3A_417 : memref<2x128xi32, #tpu.memory_space<hbm>>) target(%dma_start3A_413 : memref<2x128xi32, #tpu.memory_space<vmem>>) target_semaphore(%arg11 : memref<!tpu.dma_semaphore, #tpu.memory_space<semaphore_mem>>)
        } else {
        }
        %add3A_243 = arith.constant 1 : i32
        %add3A_244 = arith.addi %add3A_199, %add3A_243 : i32
        %dma_wait3A_245 = arith.constant 2 : i32
        %dma_wait3A_246 = arith.constant 0 : i32
        %dma_wait3A_247 = arith.constant 0 : i32
        %dma_wait3A_248 = tpu.memref_slice %arg8[%dma_wait3A_245, %dma_wait3A_246, %dma_wait3A_247] : memref<4x2x128xi32, #tpu.memory_space<vmem>> -> memref<1x2x128xi32, #tpu.memory_space<vmem>>
        %dma_wait3A_249 = tpu.memref_squeeze %dma_wait3A_248 : memref<1x2x128xi32, #tpu.memory_space<vmem>> -> memref<2x128xi32, #tpu.memory_space<vmem>>
        %dma_wait3A_250 = arith.constant 0 : i32
        %dma_wait3A_251 = arith.constant 0 : i32
        %dma_wait3A_252 = tpu.memref_slice %arg2[%arg1, %add3A_244, %dma_wait3A_250, %dma_wait3A_251] : memref<16x80x2x128xi32, #tpu.memory_space<hbm>> -> memref<1x1x2x128xi32, #tpu.memory_space<hbm>>
        %dma_wait3A_253 = tpu.memref_squeeze %dma_wait3A_252 : memref<1x1x2x128xi32, #tpu.memory_space<hbm>> -> memref<2x128xi32, #tpu.memory_space<hbm>>
        %dma_wait3A_254 = arith.constant 0 : i32
        %dma_wait3A_255 = arith.constant 0 : i32
        %dma_wait3A_256 = tpu.memref_slice %arg8[%dma_wait3A_245, %dma_wait3A_254, %dma_wait3A_255] : memref<4x2x128xi32, #tpu.memory_space<vmem>> -> memref<1x2x128xi32, #tpu.memory_space<vmem>>
        %dma_wait3A_257 = tpu.memref_squeeze %dma_wait3A_256 : memref<1x2x128xi32, #tpu.memory_space<vmem>> -> memref<2x128xi32, #tpu.memory_space<vmem>>
        %dma_wait3A_258 = arith.constant 0 : i32
        %dma_wait3A_259 = arith.constant 0 : i32
        %dma_wait3A_260 = tpu.memref_slice %arg2[%arg1, %add3A_244, %dma_wait3A_258, %dma_wait3A_259] : memref<16x80x2x128xi32, #tpu.memory_space<hbm>> -> memref<1x1x2x128xi32, #tpu.memory_space<hbm>>
        %dma_wait3A_261 = tpu.memref_squeeze %dma_wait3A_260 : memref<1x1x2x128xi32, #tpu.memory_space<hbm>> -> memref<2x128xi32, #tpu.memory_space<hbm>>
        tpu.wait_dma2 semaphore(%arg13 : memref<!tpu.dma_semaphore, #tpu.memory_space<semaphore_mem>>) src(%dma_wait3A_261 : memref<2x128xi32, #tpu.memory_space<hbm>>) dst(%dma_wait3A_257 : memref<2x128xi32, #tpu.memory_space<vmem>>)
        %dma_start3A_262 = arith.constant 2 : i32
        %dma_start3A_263 = arith.constant 0 : i32
        %dma_start3A_264 = arith.constant 0 : i32
        %dma_start3A_265 = arith.constant 0 : i32
        %dma_start3A_266 = arith.constant 0 : i32
        %dma_start3A_267 = tpu.memref_slice %arg9[%dma_start3A_264, %dma_start3A_265, %dma_start3A_266] : memref<2x128x128xf32, #tpu.memory_space<vmem>> -> memref<1x128x128xf32, #tpu.memory_space<vmem>>
        %dma_start3A_268 = tpu.memref_squeeze %dma_start3A_267 : memref<1x128x128xf32, #tpu.memory_space<vmem>> -> memref<128x128xf32, #tpu.memory_space<vmem>>
        %dma_start3A_269 = arith.constant 0 : i32
        %dma_start3A_270 = tpu.memref_slice %arg8[%dma_start3A_262, %dma_start3A_263, %dma_start3A_269] : memref<4x2x128xi32, #tpu.memory_space<vmem>> -> memref<1x1x128xi32, #tpu.memory_space<vmem>>
        %dma_start3A_271 = tpu.memref_squeeze %dma_start3A_270 : memref<1x1x128xi32, #tpu.memory_space<vmem>> -> memref<128xi32, #tpu.memory_space<vmem>>
        %dma_start3A_272 = arith.constant 0 : i32
        %dma_start3A_273 = arith.constant 0 : i32
        %dma_start3A_274 = tpu.memref_slice %arg4[%dma_start3A_272, %dma_start3A_273] : memref<10000x128xf32, #tpu.memory_space<hbm>> -> memref<10000x128xf32, #tpu.memory_space<hbm>>
        tpu.enqueue_indirect_dma source(%dma_start3A_274 : memref<10000x128xf32, #tpu.memory_space<hbm>>) target(%dma_start3A_268 : memref<128x128xf32, #tpu.memory_space<vmem>>) offsets(%dma_start3A_271 : memref<128xi32, #tpu.memory_space<vmem>>) semaphore(%arg15 : memref<!tpu.dma_semaphore, #tpu.memory_space<semaphore_mem>>)
        %add3A_275 = arith.constant 2 : i32
        %add3A_276 = arith.addi %mul3A_134, %add3A_275 : i32
        %dma_wait3A_277 = arith.constant 2 : i32
        %dma_wait3A_278 = arith.constant 0 : i32
        %dma_wait3A_279 = arith.constant 0 : i32
        %dma_wait3A_280 = arith.constant 0 : i32
        %dma_wait3A_281 = arith.constant 0 : i32
        %dma_wait3A_282 = tpu.memref_slice %arg9[%dma_wait3A_279, %dma_wait3A_280, %dma_wait3A_281] : memref<2x128x128xf32, #tpu.memory_space<vmem>> -> memref<1x128x128xf32, #tpu.memory_space<vmem>>
        %dma_wait3A_283 = tpu.memref_squeeze %dma_wait3A_282 : memref<1x128x128xf32, #tpu.memory_space<vmem>> -> memref<128x128xf32, #tpu.memory_space<vmem>>
        %dma_wait3A_284 = arith.constant 0 : i32
        %dma_wait3A_285 = tpu.memref_slice %arg8[%dma_wait3A_277, %dma_wait3A_278, %dma_wait3A_284] : memref<4x2x128xi32, #tpu.memory_space<vmem>> -> memref<1x1x128xi32, #tpu.memory_space<vmem>>
        %dma_wait3A_286 = tpu.memref_squeeze %dma_wait3A_285 : memref<1x1x128xi32, #tpu.memory_space<vmem>> -> memref<128xi32, #tpu.memory_space<vmem>>
        %dma_wait3A_287 = arith.constant 0 : i32
        %dma_wait3A_288 = arith.constant 0 : i32
        %dma_wait3A_289 = tpu.memref_slice %arg4[%dma_wait3A_287, %dma_wait3A_288] : memref<10000x128xf32, #tpu.memory_space<hbm>> -> memref<10000x128xf32, #tpu.memory_space<hbm>>
        tpu.wait_indirect_dma semaphore(%arg15 : memref<!tpu.dma_semaphore, #tpu.memory_space<semaphore_mem>>) src(%dma_wait3A_289 : memref<10000x128xf32, #tpu.memory_space<hbm>>) dst(%dma_wait3A_283 : memref<128x128xf32, #tpu.memory_space<vmem>>)
        %dma_start3A_290 = arith.constant 0 : i32
        %dma_start3A_291 = arith.constant 2 : i32
        %dma_start3A_292 = arith.constant 1 : i32
        %dma_start3A_293 = arith.constant 0 : i32
        %dma_start3A_294 = arith.constant 0 : i32
        %dma_start3A_295 = tpu.memref_slice %arg9[%dma_start3A_290, %dma_start3A_293, %dma_start3A_294] : memref<2x128x128xf32, #tpu.memory_space<vmem>> -> memref<1x128x128xf32, #tpu.memory_space<vmem>>
        %dma_start3A_296 = tpu.memref_squeeze %dma_start3A_295 : memref<1x128x128xf32, #tpu.memory_space<vmem>> -> memref<128x128xf32, #tpu.memory_space<vmem>>
        %dma_start3A_297 = arith.constant 0 : i32
        %dma_start3A_298 = tpu.memref_slice %arg8[%dma_start3A_291, %dma_start3A_292, %dma_start3A_297] : memref<4x2x128xi32, #tpu.memory_space<vmem>> -> memref<1x1x128xi32, #tpu.memory_space<vmem>>
        %dma_start3A_299 = tpu.memref_squeeze %dma_start3A_298 : memref<1x1x128xi32, #tpu.memory_space<vmem>> -> memref<128xi32, #tpu.memory_space<vmem>>
        %dma_start3A_300 = arith.constant 0 : i32
        %dma_start3A_301 = arith.constant 0 : i32
        %dma_start3A_302 = tpu.memref_slice %arg10[%dma_start3A_300, %dma_start3A_301] : memref<10112x128xf32, #tpu.memory_space<vmem_shared>> -> memref<10112x128xf32, #tpu.memory_space<vmem_shared>>
        tpu.enqueue_indirect_dma source(%dma_start3A_296 : memref<128x128xf32, #tpu.memory_space<vmem>>) target(%dma_start3A_302 : memref<10112x128xf32, #tpu.memory_space<vmem_shared>>) offsets(%dma_start3A_299 : memref<128xi32, #tpu.memory_space<vmem>>) semaphore(%arg17 : memref<!tpu.dma_semaphore, #tpu.memory_space<semaphore_mem>>) {add = true}
        %dma_wait3A_303 = arith.constant 1 : i32
        %dma_wait3A_304 = arith.constant 1 : i32
        %dma_wait3A_305 = arith.constant 1 : i32
        %dma_wait3A_306 = arith.constant 0 : i32
        %dma_wait3A_307 = arith.constant 0 : i32
        %dma_wait3A_308 = tpu.memref_slice %arg9[%dma_wait3A_303, %dma_wait3A_306, %dma_wait3A_307] : memref<2x128x128xf32, #tpu.memory_space<vmem>> -> memref<1x128x128xf32, #tpu.memory_space<vmem>>
        %dma_wait3A_309 = tpu.memref_squeeze %dma_wait3A_308 : memref<1x128x128xf32, #tpu.memory_space<vmem>> -> memref<128x128xf32, #tpu.memory_space<vmem>>
        %dma_wait3A_310 = arith.constant 0 : i32
        %dma_wait3A_311 = tpu.memref_slice %arg8[%dma_wait3A_304, %dma_wait3A_305, %dma_wait3A_310] : memref<4x2x128xi32, #tpu.memory_space<vmem>> -> memref<1x1x128xi32, #tpu.memory_space<vmem>>
        %dma_wait3A_312 = tpu.memref_squeeze %dma_wait3A_311 : memref<1x1x128xi32, #tpu.memory_space<vmem>> -> memref<128xi32, #tpu.memory_space<vmem>>
        %dma_wait3A_313 = arith.constant 0 : i32
        %dma_wait3A_314 = arith.constant 0 : i32
        %dma_wait3A_315 = tpu.memref_slice %arg10[%dma_wait3A_313, %dma_wait3A_314] : memref<10112x128xf32, #tpu.memory_space<vmem_shared>> -> memref<10112x128xf32, #tpu.memory_space<vmem_shared>>
        tpu.wait_indirect_dma semaphore(%arg18 : memref<!tpu.dma_semaphore, #tpu.memory_space<semaphore_mem>>) src(%dma_wait3A_309 : memref<128x128xf32, #tpu.memory_space<vmem>>) dst(%dma_wait3A_315 : memref<10112x128xf32, #tpu.memory_space<vmem_shared>>)
        %lt3A_316 = arith.constant 19 : i32
        %lt3A_317 = arith.cmpi slt, %scan3A_132, %lt3A_316 : i32
        %convert_element_type3A_318 = arith.extui %lt3A_317 : i1 to i32
        %cond3A_319 = arith.constant 0 : i32
        %cond3A_320 = arith.cmpi ne, %convert_element_type3A_318, %cond3A_319 : i32
        scf.if %cond3A_320 {
          %add3A_399 = arith.constant 3 : i32
          %add3A_400 = arith.addi %add3A_276, %add3A_399 : i32
          %dma_start3A_401 = arith.constant 1 : i32
          %dma_start3A_402 = arith.constant 0 : i32
          %dma_start3A_403 = arith.constant 0 : i32
          %dma_start3A_404 = tpu.memref_slice %arg8[%dma_start3A_401, %dma_start3A_402, %dma_start3A_403] : memref<4x2x128xi32, #tpu.memory_space<vmem>> -> memref<1x2x128xi32, #tpu.memory_space<vmem>>
          %dma_start3A_405 = tpu.memref_squeeze %dma_start3A_404 : memref<1x2x128xi32, #tpu.memory_space<vmem>> -> memref<2x128xi32, #tpu.memory_space<vmem>>
          %dma_start3A_406 = arith.constant 0 : i32
          %dma_start3A_407 = arith.constant 0 : i32
          %dma_start3A_408 = tpu.memref_slice %arg2[%arg1, %add3A_400, %dma_start3A_406, %dma_start3A_407] : memref<16x80x2x128xi32, #tpu.memory_space<hbm>> -> memref<1x1x2x128xi32, #tpu.memory_space<hbm>>
          %dma_start3A_409 = tpu.memref_squeeze %dma_start3A_408 : memref<1x1x2x128xi32, #tpu.memory_space<hbm>> -> memref<2x128xi32, #tpu.memory_space<hbm>>
          %dma_start3A_410 = arith.constant 0 : i32
          %dma_start3A_411 = arith.constant 0 : i32
          %dma_start3A_412 = tpu.memref_slice %arg8[%dma_start3A_401, %dma_start3A_410, %dma_start3A_411] : memref<4x2x128xi32, #tpu.memory_space<vmem>> -> memref<1x2x128xi32, #tpu.memory_space<vmem>>
          %dma_start3A_413 = tpu.memref_squeeze %dma_start3A_412 : memref<1x2x128xi32, #tpu.memory_space<vmem>> -> memref<2x128xi32, #tpu.memory_space<vmem>>
          %dma_start3A_414 = arith.constant 0 : i32
          %dma_start3A_415 = arith.constant 0 : i32
          %dma_start3A_416 = tpu.memref_slice %arg2[%arg1, %add3A_400, %dma_start3A_414, %dma_start3A_415] : memref<16x80x2x128xi32, #tpu.memory_space<hbm>> -> memref<1x1x2x128xi32, #tpu.memory_space<hbm>>
          %dma_start3A_417 = tpu.memref_squeeze %dma_start3A_416 : memref<1x1x2x128xi32, #tpu.memory_space<hbm>> -> memref<2x128xi32, #tpu.memory_space<hbm>>
          tpu.enqueue_dma source(%dma_start3A_417 : memref<2x128xi32, #tpu.memory_space<hbm>>) target(%dma_start3A_413 : memref<2x128xi32, #tpu.memory_space<vmem>>) target_semaphore(%arg12 : memref<!tpu.dma_semaphore, #tpu.memory_space<semaphore_mem>>)
        } else {
        }
        %add3A_321 = arith.constant 1 : i32
        %add3A_322 = arith.addi %add3A_276, %add3A_321 : i32
        %dma_wait3A_323 = arith.constant 3 : i32
        %dma_wait3A_324 = arith.constant 0 : i32
        %dma_wait3A_325 = arith.constant 0 : i32
        %dma_wait3A_326 = tpu.memref_slice %arg8[%dma_wait3A_323, %dma_wait3A_324, %dma_wait3A_325] : memref<4x2x128xi32, #tpu.memory_space<vmem>> -> memref<1x2x128xi32, #tpu.memory_space<vmem>>
        %dma_wait3A_327 = tpu.memref_squeeze %dma_wait3A_326 : memref<1x2x128xi32, #tpu.memory_space<vmem>> -> memref<2x128xi32, #tpu.memory_space<vmem>>
        %dma_wait3A_328 = arith.constant 0 : i32
        %dma_wait3A_329 = arith.constant 0 : i32
        %dma_wait3A_330 = tpu.memref_slice %arg2[%arg1, %add3A_322, %dma_wait3A_328, %dma_wait3A_329] : memref<16x80x2x128xi32, #tpu.memory_space<hbm>> -> memref<1x1x2x128xi32, #tpu.memory_space<hbm>>
        %dma_wait3A_331 = tpu.memref_squeeze %dma_wait3A_330 : memref<1x1x2x128xi32, #tpu.memory_space<hbm>> -> memref<2x128xi32, #tpu.memory_space<hbm>>
        %dma_wait3A_332 = arith.constant 0 : i32
        %dma_wait3A_333 = arith.constant 0 : i32
        %dma_wait3A_334 = tpu.memref_slice %arg8[%dma_wait3A_323, %dma_wait3A_332, %dma_wait3A_333] : memref<4x2x128xi32, #tpu.memory_space<vmem>> -> memref<1x2x128xi32, #tpu.memory_space<vmem>>
        %dma_wait3A_335 = tpu.memref_squeeze %dma_wait3A_334 : memref<1x2x128xi32, #tpu.memory_space<vmem>> -> memref<2x128xi32, #tpu.memory_space<vmem>>
        %dma_wait3A_336 = arith.constant 0 : i32
        %dma_wait3A_337 = arith.constant 0 : i32
        %dma_wait3A_338 = tpu.memref_slice %arg2[%arg1, %add3A_322, %dma_wait3A_336, %dma_wait3A_337] : memref<16x80x2x128xi32, #tpu.memory_space<hbm>> -> memref<1x1x2x128xi32, #tpu.memory_space<hbm>>
        %dma_wait3A_339 = tpu.memref_squeeze %dma_wait3A_338 : memref<1x1x2x128xi32, #tpu.memory_space<hbm>> -> memref<2x128xi32, #tpu.memory_space<hbm>>
        tpu.wait_dma2 semaphore(%arg14 : memref<!tpu.dma_semaphore, #tpu.memory_space<semaphore_mem>>) src(%dma_wait3A_339 : memref<2x128xi32, #tpu.memory_space<hbm>>) dst(%dma_wait3A_335 : memref<2x128xi32, #tpu.memory_space<vmem>>)
        %dma_start3A_340 = arith.constant 3 : i32
        %dma_start3A_341 = arith.constant 0 : i32
        %dma_start3A_342 = arith.constant 1 : i32
        %dma_start3A_343 = arith.constant 0 : i32
        %dma_start3A_344 = arith.constant 0 : i32
        %dma_start3A_345 = tpu.memref_slice %arg9[%dma_start3A_342, %dma_start3A_343, %dma_start3A_344] : memref<2x128x128xf32, #tpu.memory_space<vmem>> -> memref<1x128x128xf32, #tpu.memory_space<vmem>>
        %dma_start3A_346 = tpu.memref_squeeze %dma_start3A_345 : memref<1x128x128xf32, #tpu.memory_space<vmem>> -> memref<128x128xf32, #tpu.memory_space<vmem>>
        %dma_start3A_347 = arith.constant 0 : i32
        %dma_start3A_348 = tpu.memref_slice %arg8[%dma_start3A_340, %dma_start3A_341, %dma_start3A_347] : memref<4x2x128xi32, #tpu.memory_space<vmem>> -> memref<1x1x128xi32, #tpu.memory_space<vmem>>
        %dma_start3A_349 = tpu.memref_squeeze %dma_start3A_348 : memref<1x1x128xi32, #tpu.memory_space<vmem>> -> memref<128xi32, #tpu.memory_space<vmem>>
        %dma_start3A_350 = arith.constant 0 : i32
        %dma_start3A_351 = arith.constant 0 : i32
        %dma_start3A_352 = tpu.memref_slice %arg4[%dma_start3A_350, %dma_start3A_351] : memref<10000x128xf32, #tpu.memory_space<hbm>> -> memref<10000x128xf32, #tpu.memory_space<hbm>>
        tpu.enqueue_indirect_dma source(%dma_start3A_352 : memref<10000x128xf32, #tpu.memory_space<hbm>>) target(%dma_start3A_346 : memref<128x128xf32, #tpu.memory_space<vmem>>) offsets(%dma_start3A_349 : memref<128xi32, #tpu.memory_space<vmem>>) semaphore(%arg16 : memref<!tpu.dma_semaphore, #tpu.memory_space<semaphore_mem>>)
        %add3A_353 = arith.constant 3 : i32
        %add3A_354 = arith.addi %mul3A_134, %add3A_353 : i32
        %dma_wait3A_355 = arith.constant 3 : i32
        %dma_wait3A_356 = arith.constant 0 : i32
        %dma_wait3A_357 = arith.constant 1 : i32
        %dma_wait3A_358 = arith.constant 0 : i32
        %dma_wait3A_359 = arith.constant 0 : i32
        %dma_wait3A_360 = tpu.memref_slice %arg9[%dma_wait3A_357, %dma_wait3A_358, %dma_wait3A_359] : memref<2x128x128xf32, #tpu.memory_space<vmem>> -> memref<1x128x128xf32, #tpu.memory_space<vmem>>
        %dma_wait3A_361 = tpu.memref_squeeze %dma_wait3A_360 : memref<1x128x128xf32, #tpu.memory_space<vmem>> -> memref<128x128xf32, #tpu.memory_space<vmem>>
        %dma_wait3A_362 = arith.constant 0 : i32
        %dma_wait3A_363 = tpu.memref_slice %arg8[%dma_wait3A_355, %dma_wait3A_356, %dma_wait3A_362] : memref<4x2x128xi32, #tpu.memory_space<vmem>> -> memref<1x1x128xi32, #tpu.memory_space<vmem>>
        %dma_wait3A_364 = tpu.memref_squeeze %dma_wait3A_363 : memref<1x1x128xi32, #tpu.memory_space<vmem>> -> memref<128xi32, #tpu.memory_space<vmem>>
        %dma_wait3A_365 = arith.constant 0 : i32
        %dma_wait3A_366 = arith.constant 0 : i32
        %dma_wait3A_367 = tpu.memref_slice %arg4[%dma_wait3A_365, %dma_wait3A_366] : memref<10000x128xf32, #tpu.memory_space<hbm>> -> memref<10000x128xf32, #tpu.memory_space<hbm>>
        tpu.wait_indirect_dma semaphore(%arg16 : memref<!tpu.dma_semaphore, #tpu.memory_space<semaphore_mem>>) src(%dma_wait3A_367 : memref<10000x128xf32, #tpu.memory_space<hbm>>) dst(%dma_wait3A_361 : memref<128x128xf32, #tpu.memory_space<vmem>>)
        %dma_start3A_368 = arith.constant 1 : i32
        %dma_start3A_369 = arith.constant 3 : i32
        %dma_start3A_370 = arith.constant 1 : i32
        %dma_start3A_371 = arith.constant 0 : i32
        %dma_start3A_372 = arith.constant 0 : i32
        %dma_start3A_373 = tpu.memref_slice %arg9[%dma_start3A_368, %dma_start3A_371, %dma_start3A_372] : memref<2x128x128xf32, #tpu.memory_space<vmem>> -> memref<1x128x128xf32, #tpu.memory_space<vmem>>
        %dma_start3A_374 = tpu.memref_squeeze %dma_start3A_373 : memref<1x128x128xf32, #tpu.memory_space<vmem>> -> memref<128x128xf32, #tpu.memory_space<vmem>>
        %dma_start3A_375 = arith.constant 0 : i32
        %dma_start3A_376 = tpu.memref_slice %arg8[%dma_start3A_369, %dma_start3A_370, %dma_start3A_375] : memref<4x2x128xi32, #tpu.memory_space<vmem>> -> memref<1x1x128xi32, #tpu.memory_space<vmem>>
        %dma_start3A_377 = tpu.memref_squeeze %dma_start3A_376 : memref<1x1x128xi32, #tpu.memory_space<vmem>> -> memref<128xi32, #tpu.memory_space<vmem>>
        %dma_start3A_378 = arith.constant 0 : i32
        %dma_start3A_379 = arith.constant 0 : i32
        %dma_start3A_380 = tpu.memref_slice %arg10[%dma_start3A_378, %dma_start3A_379] : memref<10112x128xf32, #tpu.memory_space<vmem_shared>> -> memref<10112x128xf32, #tpu.memory_space<vmem_shared>>
        tpu.enqueue_indirect_dma source(%dma_start3A_374 : memref<128x128xf32, #tpu.memory_space<vmem>>) target(%dma_start3A_380 : memref<10112x128xf32, #tpu.memory_space<vmem_shared>>) offsets(%dma_start3A_377 : memref<128xi32, #tpu.memory_space<vmem>>) semaphore(%arg18 : memref<!tpu.dma_semaphore, #tpu.memory_space<semaphore_mem>>) {add = true}
        %dma_wait3A_381 = arith.constant 0 : i32
        %dma_wait3A_382 = arith.constant 2 : i32
        %dma_wait3A_383 = arith.constant 1 : i32
        %dma_wait3A_384 = arith.constant 0 : i32
        %dma_wait3A_385 = arith.constant 0 : i32
        %dma_wait3A_386 = tpu.memref_slice %arg9[%dma_wait3A_381, %dma_wait3A_384, %dma_wait3A_385] : memref<2x128x128xf32, #tpu.memory_space<vmem>> -> memref<1x128x128xf32, #tpu.memory_space<vmem>>
        %dma_wait3A_387 = tpu.memref_squeeze %dma_wait3A_386 : memref<1x128x128xf32, #tpu.memory_space<vmem>> -> memref<128x128xf32, #tpu.memory_space<vmem>>
        %dma_wait3A_388 = arith.constant 0 : i32
        %dma_wait3A_389 = tpu.memref_slice %arg8[%dma_wait3A_382, %dma_wait3A_383, %dma_wait3A_388] : memref<4x2x128xi32, #tpu.memory_space<vmem>> -> memref<1x1x128xi32, #tpu.memory_space<vmem>>
        %dma_wait3A_390 = tpu.memref_squeeze %dma_wait3A_389 : memref<1x1x128xi32, #tpu.memory_space<vmem>> -> memref<128xi32, #tpu.memory_space<vmem>>
        %dma_wait3A_391 = arith.constant 0 : i32
        %dma_wait3A_392 = arith.constant 0 : i32
        %dma_wait3A_393 = tpu.memref_slice %arg10[%dma_wait3A_391, %dma_wait3A_392] : memref<10112x128xf32, #tpu.memory_space<vmem_shared>> -> memref<10112x128xf32, #tpu.memory_space<vmem_shared>>
        tpu.wait_indirect_dma semaphore(%arg17 : memref<!tpu.dma_semaphore, #tpu.memory_space<semaphore_mem>>) src(%dma_wait3A_387 : memref<128x128xf32, #tpu.memory_space<vmem>>) dst(%dma_wait3A_393 : memref<10112x128xf32, #tpu.memory_space<vmem_shared>>)
        %lt3A_394 = arith.constant 19 : i32
        %lt3A_395 = arith.cmpi slt, %scan3A_132, %lt3A_394 : i32
        %convert_element_type3A_396 = arith.extui %lt3A_395 : i1 to i32
        %cond3A_397 = arith.constant 0 : i32
        %cond3A_398 = arith.cmpi ne, %convert_element_type3A_396, %cond3A_397 : i32
        scf.if %cond3A_398 {
          %add3A_399 = arith.constant 3 : i32
          %add3A_400 = arith.addi %add3A_354, %add3A_399 : i32
          %dma_start3A_401 = arith.constant 2 : i32
          %dma_start3A_402 = arith.constant 0 : i32
          %dma_start3A_403 = arith.constant 0 : i32
          %dma_start3A_404 = tpu.memref_slice %arg8[%dma_start3A_401, %dma_start3A_402, %dma_start3A_403] : memref<4x2x128xi32, #tpu.memory_space<vmem>> -> memref<1x2x128xi32, #tpu.memory_space<vmem>>
          %dma_start3A_405 = tpu.memref_squeeze %dma_start3A_404 : memref<1x2x128xi32, #tpu.memory_space<vmem>> -> memref<2x128xi32, #tpu.memory_space<vmem>>
          %dma_start3A_406 = arith.constant 0 : i32
          %dma_start3A_407 = arith.constant 0 : i32
          %dma_start3A_408 = tpu.memref_slice %arg2[%arg1, %add3A_400, %dma_start3A_406, %dma_start3A_407] : memref<16x80x2x128xi32, #tpu.memory_space<hbm>> -> memref<1x1x2x128xi32, #tpu.memory_space<hbm>>
          %dma_start3A_409 = tpu.memref_squeeze %dma_start3A_408 : memref<1x1x2x128xi32, #tpu.memory_space<hbm>> -> memref<2x128xi32, #tpu.memory_space<hbm>>
          %dma_start3A_410 = arith.constant 0 : i32
          %dma_start3A_411 = arith.constant 0 : i32
          %dma_start3A_412 = tpu.memref_slice %arg8[%dma_start3A_401, %dma_start3A_410, %dma_start3A_411] : memref<4x2x128xi32, #tpu.memory_space<vmem>> -> memref<1x2x128xi32, #tpu.memory_space<vmem>>
          %dma_start3A_413 = tpu.memref_squeeze %dma_start3A_412 : memref<1x2x128xi32, #tpu.memory_space<vmem>> -> memref<2x128xi32, #tpu.memory_space<vmem>>
          %dma_start3A_414 = arith.constant 0 : i32
          %dma_start3A_415 = arith.constant 0 : i32
          %dma_start3A_416 = tpu.memref_slice %arg2[%arg1, %add3A_400, %dma_start3A_414, %dma_start3A_415] : memref<16x80x2x128xi32, #tpu.memory_space<hbm>> -> memref<1x1x2x128xi32, #tpu.memory_space<hbm>>
          %dma_start3A_417 = tpu.memref_squeeze %dma_start3A_416 : memref<1x1x2x128xi32, #tpu.memory_space<hbm>> -> memref<2x128xi32, #tpu.memory_space<hbm>>
          tpu.enqueue_dma source(%dma_start3A_417 : memref<2x128xi32, #tpu.memory_space<hbm>>) target(%dma_start3A_413 : memref<2x128xi32, #tpu.memory_space<vmem>>) target_semaphore(%arg13 : memref<!tpu.dma_semaphore, #tpu.memory_space<semaphore_mem>>)
          %add3A_418 = arith.constant 1 : i32
          %add3A_419 = arith.addi %add3A_354, %add3A_418 : i32
          %dma_wait3A_420 = arith.constant 0 : i32
          %dma_wait3A_421 = arith.constant 0 : i32
          %dma_wait3A_422 = arith.constant 0 : i32
          %dma_wait3A_423 = tpu.memref_slice %arg8[%dma_wait3A_420, %dma_wait3A_421, %dma_wait3A_422] : memref<4x2x128xi32, #tpu.memory_space<vmem>> -> memref<1x2x128xi32, #tpu.memory_space<vmem>>
          %dma_wait3A_424 = tpu.memref_squeeze %dma_wait3A_423 : memref<1x2x128xi32, #tpu.memory_space<vmem>> -> memref<2x128xi32, #tpu.memory_space<vmem>>
          %dma_wait3A_425 = arith.constant 0 : i32
          %dma_wait3A_426 = arith.constant 0 : i32
          %dma_wait3A_427 = tpu.memref_slice %arg2[%arg1, %add3A_419, %dma_wait3A_425, %dma_wait3A_426] : memref<16x80x2x128xi32, #tpu.memory_space<hbm>> -> memref<1x1x2x128xi32, #tpu.memory_space<hbm>>
          %dma_wait3A_428 = tpu.memref_squeeze %dma_wait3A_427 : memref<1x1x2x128xi32, #tpu.memory_space<hbm>> -> memref<2x128xi32, #tpu.memory_space<hbm>>
          %dma_wait3A_429 = arith.constant 0 : i32
          %dma_wait3A_430 = arith.constant 0 : i32
          %dma_wait3A_431 = tpu.memref_slice %arg8[%dma_wait3A_420, %dma_wait3A_429, %dma_wait3A_430] : memref<4x2x128xi32, #tpu.memory_space<vmem>> -> memref<1x2x128xi32, #tpu.memory_space<vmem>>
          %dma_wait3A_432 = tpu.memref_squeeze %dma_wait3A_431 : memref<1x2x128xi32, #tpu.memory_space<vmem>> -> memref<2x128xi32, #tpu.memory_space<vmem>>
          %dma_wait3A_433 = arith.constant 0 : i32
          %dma_wait3A_434 = arith.constant 0 : i32
          %dma_wait3A_435 = tpu.memref_slice %arg2[%arg1, %add3A_419, %dma_wait3A_433, %dma_wait3A_434] : memref<16x80x2x128xi32, #tpu.memory_space<hbm>> -> memref<1x1x2x128xi32, #tpu.memory_space<hbm>>
          %dma_wait3A_436 = tpu.memref_squeeze %dma_wait3A_435 : memref<1x1x2x128xi32, #tpu.memory_space<hbm>> -> memref<2x128xi32, #tpu.memory_space<hbm>>
          tpu.wait_dma2 semaphore(%arg11 : memref<!tpu.dma_semaphore, #tpu.memory_space<semaphore_mem>>) src(%dma_wait3A_436 : memref<2x128xi32, #tpu.memory_space<hbm>>) dst(%dma_wait3A_432 : memref<2x128xi32, #tpu.memory_space<vmem>>)
          %dma_start3A_437 = arith.constant 0 : i32
          %dma_start3A_438 = arith.constant 0 : i32
          %dma_start3A_439 = arith.constant 0 : i32
          %dma_start3A_440 = arith.constant 0 : i32
          %dma_start3A_441 = arith.constant 0 : i32
          %dma_start3A_442 = tpu.memref_slice %arg9[%dma_start3A_439, %dma_start3A_440, %dma_start3A_441] : memref<2x128x128xf32, #tpu.memory_space<vmem>> -> memref<1x128x128xf32, #tpu.memory_space<vmem>>
          %dma_start3A_443 = tpu.memref_squeeze %dma_start3A_442 : memref<1x128x128xf32, #tpu.memory_space<vmem>> -> memref<128x128xf32, #tpu.memory_space<vmem>>
          %dma_start3A_444 = arith.constant 0 : i32
          %dma_start3A_445 = tpu.memref_slice %arg8[%dma_start3A_437, %dma_start3A_438, %dma_start3A_444] : memref<4x2x128xi32, #tpu.memory_space<vmem>> -> memref<1x1x128xi32, #tpu.memory_space<vmem>>
          %dma_start3A_446 = tpu.memref_squeeze %dma_start3A_445 : memref<1x1x128xi32, #tpu.memory_space<vmem>> -> memref<128xi32, #tpu.memory_space<vmem>>
          %dma_start3A_447 = arith.constant 0 : i32
          %dma_start3A_448 = arith.constant 0 : i32
          %dma_start3A_449 = tpu.memref_slice %arg4[%dma_start3A_447, %dma_start3A_448] : memref<10000x128xf32, #tpu.memory_space<hbm>> -> memref<10000x128xf32, #tpu.memory_space<hbm>>
          tpu.enqueue_indirect_dma source(%dma_start3A_449 : memref<10000x128xf32, #tpu.memory_space<hbm>>) target(%dma_start3A_443 : memref<128x128xf32, #tpu.memory_space<vmem>>) offsets(%dma_start3A_446 : memref<128xi32, #tpu.memory_space<vmem>>) semaphore(%arg15 : memref<!tpu.dma_semaphore, #tpu.memory_space<semaphore_mem>>)
        } else {
        }
      }
      %scan3A_113 = arith.constant 20 : i32
      %dma_wait3A_114 = arith.constant 1 : i32
      %dma_wait3A_115 = arith.constant 3 : i32
      %dma_wait3A_116 = arith.constant 1 : i32
      %dma_wait3A_117 = arith.constant 0 : i32
      %dma_wait3A_118 = arith.constant 0 : i32
      %dma_wait3A_119 = tpu.memref_slice %arg9[%dma_wait3A_114, %dma_wait3A_117, %dma_wait3A_118] : memref<2x128x128xf32, #tpu.memory_space<vmem>> -> memref<1x128x128xf32, #tpu.memory_space<vmem>>
      %dma_wait3A_120 = tpu.memref_squeeze %dma_wait3A_119 : memref<1x128x128xf32, #tpu.memory_space<vmem>> -> memref<128x128xf32, #tpu.memory_space<vmem>>
      %dma_wait3A_121 = arith.constant 0 : i32
      %dma_wait3A_122 = tpu.memref_slice %arg8[%dma_wait3A_115, %dma_wait3A_116, %dma_wait3A_121] : memref<4x2x128xi32, #tpu.memory_space<vmem>> -> memref<1x1x128xi32, #tpu.memory_space<vmem>>
      %dma_wait3A_123 = tpu.memref_squeeze %dma_wait3A_122 : memref<1x1x128xi32, #tpu.memory_space<vmem>> -> memref<128xi32, #tpu.memory_space<vmem>>
      %dma_wait3A_124 = arith.constant 0 : i32
      %dma_wait3A_125 = arith.constant 0 : i32
      %dma_wait3A_126 = tpu.memref_slice %arg10[%dma_wait3A_124, %dma_wait3A_125] : memref<10112x128xf32, #tpu.memory_space<vmem_shared>> -> memref<10112x128xf32, #tpu.memory_space<vmem_shared>>
      tpu.wait_indirect_dma semaphore(%arg18 : memref<!tpu.dma_semaphore, #tpu.memory_space<semaphore_mem>>) src(%dma_wait3A_120 : memref<128x128xf32, #tpu.memory_space<vmem>>) dst(%dma_wait3A_126 : memref<10112x128xf32, #tpu.memory_space<vmem_shared>>)
      %barrier3A_127 = arith.constant 0 : index
      tpu.barrier barrier_id(%barrier3A_127)
      %mul3A_128 = arith.constant 632 : i32
      %mul3A_129 = arith.muli %arg1, %mul3A_128 : i32
      %mul3A_130 = arith.constant 632 : i32
      %mul3A_131 = arith.muli %arg1, %mul3A_130 : i32
      "tpu.region"() ({
        %run_scoped3A = tpu.sem_alloc : memref<!tpu.dma_semaphore, #tpu.memory_space<semaphore_mem>>
        %dma_start3A_132 = arith.constant 0 : i32
        %dma_start3A_133 = tpu.memref_slice %arg7[%mul3A_131, %dma_start3A_132] : memref<10112x128xf32, #tpu.memory_space<hbm>> -> memref<632x128xf32, #tpu.memory_space<hbm>>
        %dma_start3A_134 = arith.constant 0 : i32
        %dma_start3A_135 = tpu.memref_slice %arg10[%mul3A_129, %dma_start3A_134] : memref<10112x128xf32, #tpu.memory_space<vmem_shared>> -> memref<632x128xf32, #tpu.memory_space<vmem_shared>>
        tpu.enqueue_dma source(%dma_start3A_135 : memref<632x128xf32, #tpu.memory_space<vmem_shared>>) target(%dma_start3A_133 : memref<632x128xf32, #tpu.memory_space<hbm>>) target_semaphore(%run_scoped3A : memref<!tpu.dma_semaphore, #tpu.memory_space<semaphore_mem>>)
        %dma_wait3A_136 = arith.constant 0 : i32
        %dma_wait3A_137 = tpu.memref_slice %arg7[%mul3A_131, %dma_wait3A_136] : memref<10112x128xf32, #tpu.memory_space<hbm>> -> memref<632x128xf32, #tpu.memory_space<hbm>>
        %dma_wait3A_138 = arith.constant 0 : i32
        %dma_wait3A_139 = tpu.memref_slice %arg10[%mul3A_129, %dma_wait3A_138] : memref<10112x128xf32, #tpu.memory_space<vmem_shared>> -> memref<632x128xf32, #tpu.memory_space<vmem_shared>>
        tpu.wait_dma2 semaphore(%run_scoped3A : memref<!tpu.dma_semaphore, #tpu.memory_space<semaphore_mem>>) src(%dma_wait3A_139 : memref<632x128xf32, #tpu.memory_space<vmem_shared>>) dst(%dma_wait3A_137 : memref<632x128xf32, #tpu.memory_space<hbm>>)
        tpu.yield
      }) : () -> ()
    } else {
    }
    return
  }
}

module attributes {stable_mosaic.version = 14 : i64} {
  func.func @_tc1_body(%arg0: i32, %arg1: memref<1000x256xf32, #tpu.memory_space<vmem>>, %arg2: memref<256x256xf32, #tpu.memory_space<vmem>>, %arg3: memref<1000x1xf32, #tpu.memory_space<vmem>>, %arg4: memref<1000x1xf32, #tpu.memory_space<vmem>>, %arg5: memref<1000x128xf32, #tpu.memory_space<vmem>>, %arg6: memref<1000x128xf32, #tpu.memory_space<vmem>>) attributes {dimension_semantics = [#tpu.dimension_semantics<arbitrary>], iteration_bounds = array<i64: 10>, scalar_prefetch = 0 : i64, scratch_operands = 0 : i64, tpu.core_type = #tpu.core_type<tc>, window_params = [{transform_indices = @transform_0, window_bounds = array<i64: 1000, 256>}, {pipeline_mode = #tpu.pipeline_mode<synchronous>, transform_indices = @transform_1, window_bounds = array<i64: 256, 256>}, {transform_indices = @transform_2, window_bounds = array<i64: 1000, 1>}, {transform_indices = @transform_3, window_bounds = array<i64: 1000, 1>}, {transform_indices = @transform_4, window_bounds = array<i64: 1000, 128>}, {transform_indices = @transform_5, window_bounds = array<i64: 1000, 128>}]} {
    %get3A = arith.constant 0 : index
    %get3A_0 = arith.constant 0 : index
    %get3A_1 = vector.load %arg3[%get3A, %get3A_0] : memref<1000x1xf32, #tpu.memory_space<vmem>>, vector<1000x1xf32>
    %get3A_2 = arith.constant 0 : index
    %get3A_3 = arith.constant 0 : index
    %get3A_4 = vector.load %arg4[%get3A_2, %get3A_3] : memref<1000x1xf32, #tpu.memory_space<vmem>>, vector<1000x1xf32>
    %add3A = arith.addf %get3A_1, %get3A_4 : vector<1000x1xf32>
    %add3A_5 = arith.constant 1.000000e+00 : f32
    %add3A_6 = vector.broadcast %add3A_5 : f32 to vector<1000x1xf32>
    %add3A_7 = arith.addf %add3A, %add3A_6 : vector<1000x1xf32>
    %rsqrt3A = math.rsqrt %add3A_7 : vector<1000x1xf32>
    %get3A_8 = arith.constant 0 : index
    %get3A_9 = arith.constant 0 : index
    %get3A_10 = vector.load %arg1[%get3A_8, %get3A_9] : memref<1000x256xf32, #tpu.memory_space<vmem>>, vector<1000x256xf32>
    %get3A_11 = arith.constant 0 : index
    %get3A_12 = arith.constant 0 : index
    %get3A_13 = vector.load %arg2[%get3A_11, %get3A_12] : memref<256x256xf32, #tpu.memory_space<vmem>>, vector<256x256xf32>
    %dot_general3A = arith.constant dense<0.000000e+00> : vector<1000x256xf32>
    %dot_general3A_14 = tpu.matmul %get3A_10, %get3A_13, %dot_general3A {dimension_numbers = #tpu.dot_dimension_numbers<[1], [0], [0], [1], [0, 0, 1, 1], [], []>, transpose_lhs_hint = false} : vector<1000x256xf32>, vector<256x256xf32>, vector<1000x256xf32> -> vector<1000x256xf32>
    %mul3A = vector.broadcast %rsqrt3A : vector<1000x1xf32> to vector<1000x256xf32>
    %mul3A_15 = arith.mulf %dot_general3A_14, %mul3A : vector<1000x256xf32>
    %slice3A = vector.extract_strided_slice %mul3A_15 {offsets = [0, 0], sizes = [1000, 128], strides = [1, 1]} : vector<1000x256xf32> to vector<1000x128xf32>
    %swap3A = arith.constant 0 : index
    %swap3A_16 = arith.constant 0 : index
    %swap3A_17 = vector.load %arg5[%swap3A, %swap3A_16] : memref<1000x128xf32, #tpu.memory_space<vmem>>, vector<1000x128xf32>
    tpu.vector_store %arg5[%swap3A, %swap3A_16], %slice3A {strides = array<i32>} : memref<1000x128xf32, #tpu.memory_space<vmem>>, vector<1000x128xf32>,
    %slice3A_18 = vector.extract_strided_slice %mul3A_15 {offsets = [0, 128], sizes = [1000, 128], strides = [1, 1]} : vector<1000x256xf32> to vector<1000x128xf32>
    %swap3A_19 = arith.constant 0 : index
    %swap3A_20 = arith.constant 0 : index
    %swap3A_21 = vector.load %arg6[%swap3A_19, %swap3A_20] : memref<1000x128xf32, #tpu.memory_space<vmem>>, vector<1000x128xf32>
    tpu.vector_store %arg6[%swap3A_19, %swap3A_20], %slice3A_18 {strides = array<i32>} : memref<1000x128xf32, #tpu.memory_space<vmem>>, vector<1000x128xf32>,
    return
  }
  func.func @transform_0(%arg0: i32) -> (i32, i32) {
    %c0_i32 = arith.constant 0 : i32
    %c0_i32_0 = arith.constant 0 : i32
    return %arg0, %c0_i32 : i32, i32
  }
  func.func @transform_1(%arg0: i32) -> (i32, i32) {
    %c0_i32 = arith.constant 0 : i32
    %c0_i32_0 = arith.constant 0 : i32
    %c0_i32_1 = arith.constant 0 : i32
    return %c0_i32, %c0_i32_0 : i32, i32
  }
  func.func @transform_2(%arg0: i32) -> (i32, i32) {
    %c0_i32 = arith.constant 0 : i32
    %c0_i32_0 = arith.constant 0 : i32
    return %arg0, %c0_i32 : i32, i32
  }
  func.func @transform_3(%arg0: i32) -> (i32, i32) {
    %c0_i32 = arith.constant 0 : i32
    %c0_i32_0 = arith.constant 0 : i32
    return %arg0, %c0_i32 : i32, i32
  }
  func.func @transform_4(%arg0: i32) -> (i32, i32) {
    %c0_i32 = arith.constant 0 : i32
    %c0_i32_0 = arith.constant 0 : i32
    return %arg0, %c0_i32 : i32, i32
  }
  func.func @transform_5(%arg0: i32) -> (i32, i32) {
    %c0_i32 = arith.constant 0 : i32
    %c0_i32_0 = arith.constant 0 : i32
    return %arg0, %c0_i32 : i32, i32
  }
}

module attributes {stable_mosaic.version = 14 : i64} {
  func.func @_tc_mid_body(%arg0: i32, %arg1: memref<1000x128xf32, #tpu.memory_space<vmem>>, %arg2: memref<1000x128xf32, #tpu.memory_space<vmem>>, %arg3: memref<1000x128xf32, #tpu.memory_space<vmem>>, %arg4: memref<1000x128xf32, #tpu.memory_space<vmem>>, %arg5: memref<1000x1xf32, #tpu.memory_space<vmem>>, %arg6: memref<1000x1xf32, #tpu.memory_space<vmem>>, %arg7: memref<256x256xf32, #tpu.memory_space<vmem>>, %arg8: memref<1x256xf32, #tpu.memory_space<vmem>>, %arg9: memref<1000x128xf32, #tpu.memory_space<vmem>>, %arg10: memref<1000x128xf32, #tpu.memory_space<vmem>>) attributes {dimension_semantics = [#tpu.dimension_semantics<arbitrary>], iteration_bounds = array<i64: 10>, scalar_prefetch = 0 : i64, scratch_operands = 0 : i64, tpu.core_type = #tpu.core_type<tc>, window_params = [{transform_indices = @transform_0, window_bounds = array<i64: 1000, 128>}, {transform_indices = @transform_1, window_bounds = array<i64: 1000, 128>}, {transform_indices = @transform_2, window_bounds = array<i64: 1000, 128>}, {transform_indices = @transform_3, window_bounds = array<i64: 1000, 128>}, {transform_indices = @transform_4, window_bounds = array<i64: 1000, 1>}, {transform_indices = @transform_5, window_bounds = array<i64: 1000, 1>}, {pipeline_mode = #tpu.pipeline_mode<synchronous>, transform_indices = @transform_6, window_bounds = array<i64: 256, 256>}, {pipeline_mode = #tpu.pipeline_mode<synchronous>, transform_indices = @transform_7, window_bounds = array<i64: 1, 256>}, {transform_indices = @transform_8, window_bounds = array<i64: 1000, 128>}, {transform_indices = @transform_9, window_bounds = array<i64: 1000, 128>}]} {
    %get3A = arith.constant 0 : index
    %get3A_0 = arith.constant 0 : index
    %get3A_1 = vector.load %arg5[%get3A, %get3A_0] : memref<1000x1xf32, #tpu.memory_space<vmem>>, vector<1000x1xf32>
    %get3A_2 = arith.constant 0 : index
    %get3A_3 = arith.constant 0 : index
    %get3A_4 = vector.load %arg6[%get3A_2, %get3A_3] : memref<1000x1xf32, #tpu.memory_space<vmem>>, vector<1000x1xf32>
    %add3A = arith.addf %get3A_1, %get3A_4 : vector<1000x1xf32>
    %add3A_5 = arith.constant 1.000000e+00 : f32
    %add3A_6 = vector.broadcast %add3A_5 : f32 to vector<1000x1xf32>
    %add3A_7 = arith.addf %add3A, %add3A_6 : vector<1000x1xf32>
    %rsqrt3A = math.rsqrt %add3A_7 : vector<1000x1xf32>
    %get3A_8 = arith.constant 0 : index
    %get3A_9 = arith.constant 0 : index
    %get3A_10 = vector.load %arg1[%get3A_8, %get3A_9] : memref<1000x128xf32, #tpu.memory_space<vmem>>, vector<1000x128xf32>
    %get3A_11 = arith.constant 0 : index
    %get3A_12 = arith.constant 0 : index
    %get3A_13 = vector.load %arg3[%get3A_11, %get3A_12] : memref<1000x128xf32, #tpu.memory_space<vmem>>, vector<1000x128xf32>
    %add3A_14 = arith.addf %get3A_10, %get3A_13 : vector<1000x128xf32>
    %get3A_15 = arith.constant 0 : index
    %get3A_16 = arith.constant 0 : index
    %get3A_17 = vector.load %arg2[%get3A_15, %get3A_16] : memref<1000x128xf32, #tpu.memory_space<vmem>>, vector<1000x128xf32>
    %get3A_18 = arith.constant 0 : index
    %get3A_19 = arith.constant 0 : index
    %get3A_20 = vector.load %arg4[%get3A_18, %get3A_19] : memref<1000x128xf32, #tpu.memory_space<vmem>>, vector<1000x128xf32>
    %add3A_21 = arith.addf %get3A_17, %get3A_20 : vector<1000x128xf32>
    %concatenate3A = tpu.concatenate %add3A_14, %add3A_21 in 1 : vector<1000x128xf32>, vector<1000x128xf32> -> vector<1000x256xf32>
    %mul3A = vector.broadcast %rsqrt3A : vector<1000x1xf32> to vector<1000x256xf32>
    %mul3A_22 = arith.mulf %concatenate3A, %mul3A : vector<1000x256xf32>
    %get3A_23 = arith.constant 0 : index
    %get3A_24 = arith.constant 0 : index
    %get3A_25 = vector.load %arg8[%get3A_23, %get3A_24] : memref<1x256xf32, #tpu.memory_space<vmem>>, vector<1x256xf32>
    %add3A_26 = vector.broadcast %get3A_25 : vector<1x256xf32> to vector<1000x256xf32>
    %add3A_27 = arith.addf %mul3A_22, %add3A_26 : vector<1000x256xf32>
    %max3A = arith.constant 0.000000e+00 : f32
    %max3A_28 = vector.broadcast %max3A : f32 to vector<1000x256xf32>
    %max3A_29 = arith.maximumf %add3A_27, %max3A_28 : vector<1000x256xf32>
    %get3A_30 = arith.constant 0 : index
    %get3A_31 = arith.constant 0 : index
    %get3A_32 = vector.load %arg7[%get3A_30, %get3A_31] : memref<256x256xf32, #tpu.memory_space<vmem>>, vector<256x256xf32>
    %dot_general3A = arith.constant dense<0.000000e+00> : vector<1000x256xf32>
    %dot_general3A_33 = tpu.matmul %max3A_29, %get3A_32, %dot_general3A {dimension_numbers = #tpu.dot_dimension_numbers<[1], [0], [0], [1], [0, 0, 1, 1], [], []>, transpose_lhs_hint = false} : vector<1000x256xf32>, vector<256x256xf32>, vector<1000x256xf32> -> vector<1000x256xf32>
    %mul3A_34 = vector.broadcast %rsqrt3A : vector<1000x1xf32> to vector<1000x256xf32>
    %mul3A_35 = arith.mulf %dot_general3A_33, %mul3A_34 : vector<1000x256xf32>
    %slice3A = vector.extract_strided_slice %mul3A_35 {offsets = [0, 0], sizes = [1000, 128], strides = [1, 1]} : vector<1000x256xf32> to vector<1000x128xf32>
    %swap3A = arith.constant 0 : index
    %swap3A_36 = arith.constant 0 : index
    %swap3A_37 = vector.load %arg9[%swap3A, %swap3A_36] : memref<1000x128xf32, #tpu.memory_space<vmem>>, vector<1000x128xf32>
    tpu.vector_store %arg9[%swap3A, %swap3A_36], %slice3A {strides = array<i32>} : memref<1000x128xf32, #tpu.memory_space<vmem>>, vector<1000x128xf32>,
    %slice3A_38 = vector.extract_strided_slice %mul3A_35 {offsets = [0, 128], sizes = [1000, 128], strides = [1, 1]} : vector<1000x256xf32> to vector<1000x128xf32>
    %swap3A_39 = arith.constant 0 : index
    %swap3A_40 = arith.constant 0 : index
    %swap3A_41 = vector.load %arg10[%swap3A_39, %swap3A_40] : memref<1000x128xf32, #tpu.memory_space<vmem>>, vector<1000x128xf32>
    tpu.vector_store %arg10[%swap3A_39, %swap3A_40], %slice3A_38 {strides = array<i32>} : memref<1000x128xf32, #tpu.memory_space<vmem>>, vector<1000x128xf32>,
    return
  }
  func.func @transform_0(%arg0: i32) -> (i32, i32) {
    %c0_i32 = arith.constant 0 : i32
    %c0_i32_0 = arith.constant 0 : i32
    return %arg0, %c0_i32 : i32, i32
  }
  func.func @transform_1(%arg0: i32) -> (i32, i32) {
    %c0_i32 = arith.constant 0 : i32
    %c0_i32_0 = arith.constant 0 : i32
    return %arg0, %c0_i32 : i32, i32
  }
  func.func @transform_2(%arg0: i32) -> (i32, i32) {
    %c0_i32 = arith.constant 0 : i32
    %c0_i32_0 = arith.constant 0 : i32
    return %arg0, %c0_i32 : i32, i32
  }
  func.func @transform_3(%arg0: i32) -> (i32, i32) {
    %c0_i32 = arith.constant 0 : i32
    %c0_i32_0 = arith.constant 0 : i32
    return %arg0, %c0_i32 : i32, i32
  }
  func.func @transform_4(%arg0: i32) -> (i32, i32) {
    %c0_i32 = arith.constant 0 : i32
    %c0_i32_0 = arith.constant 0 : i32
    return %arg0, %c0_i32 : i32, i32
  }
  func.func @transform_5(%arg0: i32) -> (i32, i32) {
    %c0_i32 = arith.constant 0 : i32
    %c0_i32_0 = arith.constant 0 : i32
    return %arg0, %c0_i32 : i32, i32
  }
  func.func @transform_6(%arg0: i32) -> (i32, i32) {
    %c0_i32 = arith.constant 0 : i32
    %c0_i32_0 = arith.constant 0 : i32
    %c0_i32_1 = arith.constant 0 : i32
    return %c0_i32, %c0_i32_0 : i32, i32
  }
  func.func @transform_7(%arg0: i32) -> (i32, i32) {
    %c0_i32 = arith.constant 0 : i32
    %c0_i32_0 = arith.constant 0 : i32
    %c0_i32_1 = arith.constant 0 : i32
    return %c0_i32, %c0_i32_0 : i32, i32
  }
  func.func @transform_8(%arg0: i32) -> (i32, i32) {
    %c0_i32 = arith.constant 0 : i32
    %c0_i32_0 = arith.constant 0 : i32
    return %arg0, %c0_i32 : i32, i32
  }
  func.func @transform_9(%arg0: i32) -> (i32, i32) {
    %c0_i32 = arith.constant 0 : i32
    %c0_i32_0 = arith.constant 0 : i32
    return %arg0, %c0_i32 : i32, i32
  }
}

module attributes {stable_mosaic.version = 14 : i64} {
  func.func @_tc_fin_body(%arg0: i32, %arg1: memref<1000x128xf32, #tpu.memory_space<vmem>>, %arg2: memref<1000x128xf32, #tpu.memory_space<vmem>>, %arg3: memref<1000x128xf32, #tpu.memory_space<vmem>>, %arg4: memref<1000x128xf32, #tpu.memory_space<vmem>>, %arg5: memref<1000x1xf32, #tpu.memory_space<vmem>>, %arg6: memref<1000x1xf32, #tpu.memory_space<vmem>>, %arg7: memref<1x256xf32, #tpu.memory_space<vmem>>, %arg8: memref<256x1xf32, #tpu.memory_space<vmem>>, %arg9: memref<1x1xf32, #tpu.memory_space<vmem>>, %arg10: memref<1000x1xf32, #tpu.memory_space<vmem>>) attributes {dimension_semantics = [#tpu.dimension_semantics<arbitrary>], iteration_bounds = array<i64: 10>, scalar_prefetch = 0 : i64, scratch_operands = 0 : i64, tpu.core_type = #tpu.core_type<tc>, window_params = [{transform_indices = @transform_0, window_bounds = array<i64: 1000, 128>}, {transform_indices = @transform_1, window_bounds = array<i64: 1000, 128>}, {transform_indices = @transform_2, window_bounds = array<i64: 1000, 128>}, {transform_indices = @transform_3, window_bounds = array<i64: 1000, 128>}, {transform_indices = @transform_4, window_bounds = array<i64: 1000, 1>}, {transform_indices = @transform_5, window_bounds = array<i64: 1000, 1>}, {pipeline_mode = #tpu.pipeline_mode<synchronous>, transform_indices = @transform_6, window_bounds = array<i64: 1, 256>}, {pipeline_mode = #tpu.pipeline_mode<synchronous>, transform_indices = @transform_7, window_bounds = array<i64: 256, 1>}, {pipeline_mode = #tpu.pipeline_mode<synchronous>, transform_indices = @transform_8, window_bounds = array<i64: 1, 1>}, {transform_indices = @transform_9, window_bounds = array<i64: 1000, 1>}]} {
    %get3A = arith.constant 0 : index
    %get3A_0 = arith.constant 0 : index
    %get3A_1 = vector.load %arg5[%get3A, %get3A_0] : memref<1000x1xf32, #tpu.memory_space<vmem>>, vector<1000x1xf32>
    %get3A_2 = arith.constant 0 : index
    %get3A_3 = arith.constant 0 : index
    %get3A_4 = vector.load %arg6[%get3A_2, %get3A_3] : memref<1000x1xf32, #tpu.memory_space<vmem>>, vector<1000x1xf32>
    %add3A = arith.addf %get3A_1, %get3A_4 : vector<1000x1xf32>
    %add3A_5 = arith.constant 1.000000e+00 : f32
    %add3A_6 = vector.broadcast %add3A_5 : f32 to vector<1000x1xf32>
    %add3A_7 = arith.addf %add3A, %add3A_6 : vector<1000x1xf32>
    %rsqrt3A = math.rsqrt %add3A_7 : vector<1000x1xf32>
    %get3A_8 = arith.constant 0 : index
    %get3A_9 = arith.constant 0 : index
    %get3A_10 = vector.load %arg1[%get3A_8, %get3A_9] : memref<1000x128xf32, #tpu.memory_space<vmem>>, vector<1000x128xf32>
    %get3A_11 = arith.constant 0 : index
    %get3A_12 = arith.constant 0 : index
    %get3A_13 = vector.load %arg3[%get3A_11, %get3A_12] : memref<1000x128xf32, #tpu.memory_space<vmem>>, vector<1000x128xf32>
    %add3A_14 = arith.addf %get3A_10, %get3A_13 : vector<1000x128xf32>
    %get3A_15 = arith.constant 0 : index
    %get3A_16 = arith.constant 0 : index
    %get3A_17 = vector.load %arg2[%get3A_15, %get3A_16] : memref<1000x128xf32, #tpu.memory_space<vmem>>, vector<1000x128xf32>
    %get3A_18 = arith.constant 0 : index
    %get3A_19 = arith.constant 0 : index
    %get3A_20 = vector.load %arg4[%get3A_18, %get3A_19] : memref<1000x128xf32, #tpu.memory_space<vmem>>, vector<1000x128xf32>
    %add3A_21 = arith.addf %get3A_17, %get3A_20 : vector<1000x128xf32>
    %concatenate3A = tpu.concatenate %add3A_14, %add3A_21 in 1 : vector<1000x128xf32>, vector<1000x128xf32> -> vector<1000x256xf32>
    %mul3A = vector.broadcast %rsqrt3A : vector<1000x1xf32> to vector<1000x256xf32>
    %mul3A_22 = arith.mulf %concatenate3A, %mul3A : vector<1000x256xf32>
    %get3A_23 = arith.constant 0 : index
    %get3A_24 = arith.constant 0 : index
    %get3A_25 = vector.load %arg7[%get3A_23, %get3A_24] : memref<1x256xf32, #tpu.memory_space<vmem>>, vector<1x256xf32>
    %add3A_26 = vector.broadcast %get3A_25 : vector<1x256xf32> to vector<1000x256xf32>
    %add3A_27 = arith.addf %mul3A_22, %add3A_26 : vector<1000x256xf32>
    %max3A = arith.constant 0.000000e+00 : f32
    %max3A_28 = vector.broadcast %max3A : f32 to vector<1000x256xf32>
    %max3A_29 = arith.maximumf %add3A_27, %max3A_28 : vector<1000x256xf32>
    %get3A_30 = arith.constant 0 : index
    %get3A_31 = arith.constant 0 : index
    %get3A_32 = vector.load %arg8[%get3A_30, %get3A_31] : memref<256x1xf32, #tpu.memory_space<vmem>>, vector<256x1xf32>
    %dot_general3A = arith.constant dense<0.000000e+00> : vector<1000x1xf32>
    %dot_general3A_33 = tpu.matmul %max3A_29, %get3A_32, %dot_general3A {dimension_numbers = #tpu.dot_dimension_numbers<[1], [0], [0], [1], [0, 0, 1, 1], [], []>, transpose_lhs_hint = false} : vector<1000x256xf32>, vector<256x1xf32>, vector<1000x1xf32> -> vector<1000x1xf32>
    %get3A_34 = arith.constant 0 : index
    %get3A_35 = arith.constant 0 : index
    %get3A_36 = vector.load %arg9[%get3A_34, %get3A_35] : memref<1x1xf32, #tpu.memory_space<vmem>>, vector<1x1xf32>
    %add3A_37 = vector.broadcast %get3A_36 : vector<1x1xf32> to vector<1000x1xf32>
    %add3A_38 = arith.addf %dot_general3A_33, %add3A_37 : vector<1000x1xf32>
    %swap3A = arith.constant 0 : index
    %swap3A_39 = arith.constant 0 : index
    %swap3A_40 = vector.load %arg10[%swap3A, %swap3A_39] : memref<1000x1xf32, #tpu.memory_space<vmem>>, vector<1000x1xf32>
    tpu.vector_store %arg10[%swap3A, %swap3A_39], %add3A_38 {strides = array<i32>} : memref<1000x1xf32, #tpu.memory_space<vmem>>, vector<1000x1xf32>,
    return
  }
  func.func @transform_0(%arg0: i32) -> (i32, i32) {
    %c0_i32 = arith.constant 0 : i32
    %c0_i32_0 = arith.constant 0 : i32
    return %arg0, %c0_i32 : i32, i32
  }
  func.func @transform_1(%arg0: i32) -> (i32, i32) {
    %c0_i32 = arith.constant 0 : i32
    %c0_i32_0 = arith.constant 0 : i32
    return %arg0, %c0_i32 : i32, i32
  }
  func.func @transform_2(%arg0: i32) -> (i32, i32) {
    %c0_i32 = arith.constant 0 : i32
    %c0_i32_0 = arith.constant 0 : i32
    return %arg0, %c0_i32 : i32, i32
  }
  func.func @transform_3(%arg0: i32) -> (i32, i32) {
    %c0_i32 = arith.constant 0 : i32
    %c0_i32_0 = arith.constant 0 : i32
    return %arg0, %c0_i32 : i32, i32
  }
  func.func @transform_4(%arg0: i32) -> (i32, i32) {
    %c0_i32 = arith.constant 0 : i32
    %c0_i32_0 = arith.constant 0 : i32
    return %arg0, %c0_i32 : i32, i32
  }
  func.func @transform_5(%arg0: i32) -> (i32, i32) {
    %c0_i32 = arith.constant 0 : i32
    %c0_i32_0 = arith.constant 0 : i32
    return %arg0, %c0_i32 : i32, i32
  }
  func.func @transform_6(%arg0: i32) -> (i32, i32) {
    %c0_i32 = arith.constant 0 : i32
    %c0_i32_0 = arith.constant 0 : i32
    %c0_i32_1 = arith.constant 0 : i32
    return %c0_i32, %c0_i32_0 : i32, i32
  }
  func.func @transform_7(%arg0: i32) -> (i32, i32) {
    %c0_i32 = arith.constant 0 : i32
    %c0_i32_0 = arith.constant 0 : i32
    %c0_i32_1 = arith.constant 0 : i32
    return %c0_i32, %c0_i32_0 : i32, i32
  }
  func.func @transform_8(%arg0: i32) -> (i32, i32) {
    %c0_i32 = arith.constant 0 : i32
    %c0_i32_0 = arith.constant 0 : i32
    %c0_i32_1 = arith.constant 0 : i32
    return %c0_i32, %c0_i32_0 : i32, i32
  }
  func.func @transform_9(%arg0: i32) -> (i32, i32) {
    %c0_i32 = arith.constant 0 : i32
    %c0_i32_0 = arith.constant 0 : i32
    return %arg0, %c0_i32 : i32, i32
  }
}

</mosaic_0001>

<sc_bundles>
// kernel: kernel.10.cloned.1.call-start
scs
__scs_entry_jumppad:
0x0: {  	(pc) =	sbr.rel $0x88, $3  }
0x1: {  	(tag) =	ssettag $0x0;
	lr =	simm.s32 $0x1  }
0x2: {  	[smem:$0x3F99] =	sst lr;
	_ =	strace $0xD0000000  }
0x3: {  	_ = 	snop  }
0x4: {  	_ = 	snop  }
0x5: {  	_ = 	snop  }
0x6: {  	_ = 	snop  }
0x7: {  	_ = 	snop  }
__scs_overlays_trampoline_lowered:
0x8: {  	[smem:$0x3FA8] =	sst s0  }
0x9: {  	[smem:$0x3FA9] =	sst s1  }
0xa: {  	[smem:$0x3FAA] =	sst s2  }
0xb: {  	[smem:$0x3FAB] =	sst s3  }
0xc: {  	[smem:$0x3FAC] =	sst s4  }
0xd: {  	[smem:$0x3FAD] =	sst s5  }
0xe: {  	[smem:$0x3FAE] =	sst s6  }
0xf: {  	[smem:$0x3FAF] =	sst s7  }
0x10: {  	[smem:$0x3FB0] =	sst s8  }
0x11: {  	[smem:$0x3FB1] =	sst s9;
	s0 =	simm.s32 @!p0 $0x0  }
0x12: {  	s1 =	sld [smem:$0x3F97];
	s0 =	simm.s32 @p0 $0x1  }
0x13: {  	[smem:$0x3FB2] =	sst s0;
	s0 =	simm.s32 @!p1 $0x0  }
0x14: {  	s2 =	sld [smem:$0x3F96];
	s0 =	simm.s32 @p1 $0x1  }
0x15: {  	[smem:$0x3FB3] =	sst s0;
	s0 =	simm.s32 @!p2 $0x0  }
0x16: {  	s3 =	sld [smem:$0x3FDB];
	s0 =	simm.s32 @p2 $0x1  }
0x17: {  	s4 =	simm.s32 $0x1BF5;
	[smem:$0x3FB5] =	sst s0  }
0x18: {  	s0 =	sld [smem:$0x3F98];
	_ =	swait.ge [sflag:s4], $0x0  }
0x19: {  	s7 =	sld [smem:$0x3F99]  }
0x1a: {  	s8 =	sadd.s32 $0xFFFFE003, lr  }
0x1b: {  	s9 =	sadd.s32 $0xFFFFFEF7, lr;
	s5 =	simm.s32 $0xFFFFFFFF;
	p2 =	slt.u32 s8, $0xFFFFF086  }
0x1c: {  	p1 =	slt.u32 s9, $0xF7A;
	s5 =	simm.s32 @!p2 $0x0  }
0x1d: {  	s5 =	simm.s32 @p1 $0x1;
	p0 =	seq.s32 s7, s2  }
0x1e: {  	s7 =	smul.u32 @!p0 $0xF7A, s2;
	p2 =	seq.s32 @!p0 s5, $0x0  }
0x1f: {  	s9 =	smul.u32 $0xF7A, s1;
	s8 =	simm.s32 @!p0 $0x1BF5;
	p2 =	por !p2, p0  }
0x20: {  	[sflag:s8] =	ssyncset.s32 @!p0 $0xFFFFF086;
	s6 =	sadd.s32 @!p0 s3, s7;
	s7 =	simm.s32 @!p0 $0x108  }
0x21: {  	s3 =	sadd.s32 s3, s9;
	s6 =	sadd.s32 @!p0 $0x88, s6;
	s7 =	simm.s32 @p2 $0x1082  }
0x22: {  	[simem:s7], [sflag:s8] =	dma.local @!p0 [hbm:s6], $0xF7A  }
0x23: {  	s9 =	sor.u32 $0xD0000000, s2;
	s6 =	simm.s32 $0x108;
	_ =	swait.ge @!p0 [sflag:s8], $0x0  }
0x24: {  	s3 =	sadd.s32 $0x88, s3;
	s6 =	simm.s32 @!p1 $0x1082;
	[sflag:s4] =	ssyncset.s32 $0xFFFFF086  }
0x25: {  	[simem:s6], [sflag:s4] =	dma.local [hbm:s3], $0xF7A  }
0x26: {  	[smem:$0x3F99] =	sst s1;
	(tag) =	ssettag s2;
	_ =	strace s9  }
0x27: {  	s1 =	sld [smem:$0x3FA9]  }
0x28: {  	s2 =	sld [smem:$0x3FAA]  }
0x29: {  	s4 =	sld [smem:$0x3FAC]  }
0x2a: {  	p0 =	seq.s32 s5, $0x0;
	s5 =	sld [smem:$0x3FAD]  }
0x2b: {  	s6 =	sld [smem:$0x3FAE]  }
0x2c: {  	s7 =	sld [smem:$0x3FAF]  }
0x2d: {  	s3 =	simm.s32 $0x108;
	s8 =	sld [smem:$0x3FB0]  }
0x2e: {  	s3 =	simm.s32 @!p0 $0x1082;
	s9 =	sld [smem:$0x3FB1]  }
0x2f: {  	lr =	sadd.s32 s0, s3;
	s0 =	sld [smem:$0x3FA8]  }
0x30: {  	s3 =	sld [smem:$0x3FAB]  }
0x31: {  	[smem:$0x3FB4] =	sst s10  }
0x32: {  	s10 =	sld [smem:$0x3FB2];
	_ =	sdelay $0x3  }
0x33: {  	p0 =	seq.s32 s10, $0x1;
	s10 =	sld [smem:$0x3FB4];
	_ =	sdelay $0x3  }
0x34: {  	[smem:$0x3FB4] =	sst s10  }
0x35: {  	s10 =	sld [smem:$0x3FB3];
	_ =	sdelay $0x3  }
0x36: {  	p1 =	seq.s32 s10, $0x1;
	s10 =	sld [smem:$0x3FB4];
	_ =	sdelay $0x3  }
0x37: {  	[smem:$0x3FB4] =	sst s10  }
0x38: {  	s10 =	sld [smem:$0x3FB5]  }
0x39: {  	_ = 	snop;
	(pc) =	sbr.ind lr, $3  }
0x3a: {  	_ = 	snop  }
0x3b: {  	_ = 	snop  }
0x3c: {  	p2 =	seq.s32 s10, $0x1;
	s10 =	sld [smem:$0x3FB4]  }
0x3d: {  	_ =	shalt  }
0x3e: {  	_ =	shalt  }
0x3f: {  	_ =	shalt  }
0x40: {  	_ =	shalt  }
0x41: {  	_ =	shalt  }
0x42: {  	_ =	shalt  }
0x43: {  	_ =	shalt  }
0x44: {  	_ =	shalt  }
0x45: {  	_ =	shalt  }
0x46: {  	_ =	shalt  }
0x47: {  	_ =	shalt  }
0x48: {  	_ =	shalt  }
0x49: {  	_ =	shalt  }
0x4a: {  	_ =	shalt  }
0x4b: {  	_ =	shalt  }
0x4c: {  	_ =	shalt  }
0x4d: {  	_ =	shalt  }
0x4e: {  	_ =	shalt  }
0x4f: {  	_ =	shalt  }
0x50: {  	_ =	shalt  }
0x51: {  	_ =	shalt  }
0x52: {  	_ =	shalt  }
0x53: {  	_ =	shalt  }
0x54: {  	_ =	shalt  }
0x55: {  	_ =	shalt  }
0x56: {  	_ =	shalt  }
0x57: {  	_ =	shalt  }
0x58: {  	_ =	shalt  }
0x59: {  	_ =	shalt  }
0x5a: {  	_ =	shalt  }
0x5b: {  	_ =	shalt  }
0x5c: {  	_ =	shalt  }
0x5d: {  	_ =	shalt  }
0x5e: {  	_ =	shalt  }
0x5f: {  	_ =	shalt  }
0x60: {  	_ =	shalt  }
0x61: {  	_ =	shalt  }
0x62: {  	_ =	shalt  }
0x63: {  	_ =	shalt  }
0x64: {  	_ =	shalt  }
0x65: {  	_ =	shalt  }
0x66: {  	_ =	shalt  }
0x67: {  	_ =	shalt  }
0x68: {  	_ =	shalt  }
0x69: {  	_ =	shalt  }
0x6a: {  	_ =	shalt  }
0x6b: {  	_ =	shalt  }
0x6c: {  	_ =	shalt  }
0x6d: {  	_ =	shalt  }
0x6e: {  	_ =	shalt  }
0x6f: {  	_ =	shalt  }
0x70: {  	_ =	shalt  }
0x71: {  	_ =	shalt  }
0x72: {  	_ =	shalt  }
0x73: {  	_ =	shalt  }
0x74: {  	_ =	shalt  }
0x75: {  	_ =	shalt  }
0x76: {  	_ =	shalt  }
0x77: {  	_ =	shalt  }
0x78: {  	_ =	shalt  }
0x79: {  	_ =	shalt  }
0x7a: {  	_ =	shalt  }
0x7b: {  	_ =	shalt  }
0x7c: {  	_ =	shalt  }
0x7d: {  	_ =	shalt  }
0x7e: {  	_ =	shalt  }
0x7f: {  	_ =	shalt  }
0x80: {  	_ =	shalt  }
0x81: {  	_ =	shalt  }
0x82: {  	_ =	shalt  }
0x83: {  	_ =	shalt  }
0x84: {  	_ =	shalt  }
0x85: {  	_ =	shalt  }
0x86: {  	_ =	shalt  }
0x87: {  	_ =	shalt  }
.Lfunc_end0:
.L_simem_size_0:
called_computation_lowered:
.L_overlay_start_0:
0x88: {  	s2 =	sld [smem:$0x3FD9]  }
0x89: {  	s3 =	sld [smem:$0x3FFE];
	_ =	sdelay $0x1  }
0x8a: {  	s1 =	srdreg.scid  }
0x8b: {  	s0 =	sand.u32 $0x1, s1  }
0x8c: {  	s16 =	sshll.u32 s0, $0xA;
	s2 =	sadd.s32 s3, s2  }
0x8d: {  	s2 =	sadd.s32 s2, s16  }
0x8e: {  	[smem:$0x3FC0] =	sst s2  }
0x8f: {  	_ = 	snop  }
0x90: {  	(tm) =	ssettm $0x1  }
0x91: {  	s17 =	sld [smem:$0x3FFB];
	_ =	sdelay $0x3  }
0x92: {  	_ =	strace s17  }
0x93: {  	s2 =	sld [smem:$0x3FFC];
	_ =	sdelay $0x3  }
0x94: {  	_ =	strace s2  }
0x95: {  	s2 =	sld [smem:$0x3FFD];
	_ =	sdelay $0x3  }
0x96: {  	_ =	strace s2  }
0x97: {  	_ =	strace $0x8FFFFFFF  }
0x98: {  	s18 =	sld [smem:$0x3FDB];
	_ =	sdelay $0x1  }
0x99: {  	s19 =	simm.s32 $_scs_section_size  }
0x9a: {  	s4 =	simm.s32 $_size__tile_overlayer_lowered;
	s5 =	simm.s32 $_tile_overlayer_lowered  }
0x9b: {  	s22 =	simm.s32 $0x1BFF;
	s21 =	sshll.u32 s5, $0x1;
	s2 =	sadd.s32 s19, s18  }
0x9c: {  	s6 =	simm.s32 $0x0;
	s20 =	sshll.u32 s4, $0x1;
	s4 =	sadd.s32 s21, s2  }
0x9d: {  	[timem:s6], [sflag:s22] =	dma.local [hbm:s4], s20  }
0x9e: {  	_ =	swait.ge [sflag:s22], s20  }
0x9f: {  	s3 =	ssub.s32 $0x0, s20;
	[sflag:s22] =	ssyncset.done $0x0  }
0xa0: {  	[sflag:s22] =	ssyncadd.s32 s3;
	_ =	sdelay $0x1  }
0xa1: {  	s23 =	simm.s32 $0x1B8B  }
0xa2: {  	_ =	swait.ge [sflag:s23], $0x1  }
0xa3: {  	[sflag:s23] =	ssyncset.done $0x0  }
0xa4: {  	s25 =	simm.s32 $0x1B8E;
	s24 =	sld [smem:$0x3FFE];
	[sflag:s23] =	ssyncadd.s32 $0xFFFFFFFF  }
0xa5: {  	s26 =	simm.s32 $execute0_lowered;
	[smem:$0x3FD2] =	sst s25  }
0xa6: {  	s4 =	sshll.u32 s26, $0x1;
	_ =	strace $0x80000046;
	[dreg:$0x1] =	wrdreg $0xFFFFFFFF  }
0xa7: {  	s28 =	simm.s32 $_size_execute0_lowered;
	s2 =	sadd.s32 s2, s4;
	[dreg:$0x0] =	wrdreg $0x0  }
0xa8: {  	s4 =	sshll.u32 s28, $0x1;
	[dreg:$0x2] =	wrdreg s2  }
0xa9: {  	[dreg:$0x3] =	wrdreg s4  }
0xaa: {  	[dreg:$0x4] =	wrdreg $0xC0  }
0xab: {  	_ =	task [dreg:s6], $0x5FFFF  }
0xac: {  	[dreg:$0x1] =	wrdreg $0xFFFFFFFF  }
0xad: {  	[dreg:$0x0] =	wrdreg $0x60  }
0xae: {  	[dreg:$0x2] =	wrdreg s24  }
0xaf: {  	[dreg:$0x3] =	wrdreg $0x28800  }
0xb0: {  	[dreg:$0x4] =	wrdreg $0x9  }
0xb1: {  	_ =	task.clear_ibuf [dreg:s6], $0x5FFFF;
	_ =	strace $0x90000046  }
0xb2: {  	s29 =	simm.s32 $0x9;
	_ =	strace $0x80000048  }
0xb3: {  	_ =	swait.ge [sflag:s29], $0x1  }
0xb4: {  	[sflag:s29] =	ssyncadd.s32 $0xFFFFFFFF  }
0xb5: {  	_ =	strace $0x90000048  }
0xb6: {  	_ =	sfence  }
0xb7: {  	s30 =	sld [smem:$0x0];
	_ =	sdelay $0x2  }
0xb8: {  	s31 =	sshll.u32 s1, $0xD;
	s1 =	sshrl.u32 s1, $0x2  }
0xb9: {  	s3 =	sand.u32 $0x4000, s31;
	s1 =	sadd.s32 s1, s30  }
0xba: {  	s0 =	sor.u32 s3, s0;
	s1 =	sshll.u32 s1, $0x11  }
0xbb: {  	s0 =	sor.u32 s1, s0  }
0xbc: {  	s0 =	sadd.s32 $0x8F2B, s0  }
0xbd: {  	[sflag:s0] =	ssyncadd.remote.s32 $0x1  }
0xbe: {  	_ =	sfence.sel $0xFFFF  }
0xbf: {  	[dreg:$0x0] =	wrdreg $0xFFFFFFFF;
	(pc) =	sbr.abs _section_cstart, $3  }
0xc0: {  	[dreg:$0x1] =	wrdreg $0xFFFFFFFF  }
0xc1: {  	_ =	task.clear_ibuf [dreg:s6], $0x2FFFF;
	_ =	strace $0x9FFFFFFF  }
0xc2: {  	(tm) =	ssettm $0x7FFFFFFF  }
0xc3: {  	_ =	shalt  }
tec
execute0_lowered:
.L_overlay_start_1:
0x0: {  	(tag) =	ssettag $0x1  }
0x1: {  	s0 =	srdreg.scid;
	s4 =	rddreg [dreg:$0x0]  }
0x2: {  	s6 =	stileid.u32;
	s1 =	rddreg [dreg:$0x1];
	s2 =	simm.s32 $0x0  }
0x3: {  	s10 =	simm.s32 $0x2800;
	s3 =	sand.u32 $0x1, s0;
	s0 =	rddreg [dreg:$0x2]  }
0x4: {  	s11 =	simm.s32 $0x0;
	s5 =	smul.u32 $0x5000, s6;
	[smem:$0x7FF] =	sst s2  }
0x5: {  	p0 =	sne.s32 s6, $0x0;
	s7 =	smul.u32 $0x2800, s3;
	_ =	strace $0x80000047  }
0x6: {  	s31 =	ssub.s32 $0x2, s3;
	s8 =	sshll.u32 s3, $0x4;
	s3 =	sadd.s32 $0xEC00, s4  }
0x7: {  	s9 =	sshrl.u32 s31, $0x1;
	s8 =	sadd.s32 s8, s4;
	s5 =	sadd.s32 s7, s5  }
0x8: {  	s7 =	ssub.s32 s31, s9;
	s9 =	simm.s32 $0x80;
	s5 =	sshrl.u32 s5, $0x3  }
0x9: {  	s6 =	smax.u32 s7, $0x1;
	s7 =	simm.s32 $0x1;
	s5 =	sadd.s32 s5, s4  }
0xa: {  	v0 =	vimm.f32 $1.000000000e+00;
	s4 =	sadd.s32 $0x4C00, s5;
	s5 =	sadd.s32 $0xF200, s8;
	s8 =	sshrl.u32 @!p0 s1, $0x3  }
.LBB2_1:
0xb: {  	[tilespmem:s2], [sflag:$0x1] =	stream.linear.gather [hbm4b:s4+s2], $0x2800, $0x38;
	[tilespmem:$0x2AF8] =	vst v63  }
0xc: {  	_ =	swait.ge [sflag:s7], $0x2800  }
0xd: {  	[sflag:s7] =	ssyncset.done $0x0  }
0xe: {  	[sflag:s7] =	ssyncadd.s32 $0xFFFFD800  }
0xf: {  	[tilespmem:$0x2800] =	vst v0  }
0x10: {  	[tilespmem:$0x2810] =	vst v0  }
0x11: {  	[tilespmem:$0x2820] =	vst v0  }
0x12: {  	[tilespmem:$0x2830] =	vst v0  }
0x13: {  	[tilespmem:$0x2840] =	vst v0  }
0x14: {  	[tilespmem:$0x2850] =	vst v0  }
0x15: {  	[tilespmem:$0x2860] =	vst v0  }
0x16: {  	s12 =	simm.s32 @!p0 $0x1C01;
	[tilespmem:$0x2870] =	vst v0  }
0x17: {  	[spmem:s8], [sflag:s12] =	dma.local @!p0 [hbm:s3], $0x4F0  }
0x18: {  	s12 =	simm.s32 @!p0 $0x1  }
0x19: {  	_ =	swait.ge @!p0 [sflag:s12], $0x4F0  }
0x1a: {  	[sflag:s12] =	ssyncset.done @!p0 $0x0  }
0x1b: {  	[sflag:s12] =	ssyncadd.s32 @!p0 $0xFFFFFB10  }
0x1c: {  	s31 =	simm.s32 $0x80;
	[bflag:$0x0] =	sbarrier.arrive $0xFFFF  }
0x1d: {  	[spmem:s1] =	stream.indirect.scatter.add.f32 [tilespmem:s10], [sflag:$0x1], $0x1, s31, s9, $0xb8;
	[tilespmem:$0x2AF8] =	vst v63  }
0x1e: {  	_ =	swait.ge [sflag:s7], $0x80  }
0x1f: {  	s12 =	simm.s32 $0x600;
	[sflag:s7] =	ssyncset.done $0x0  }
.LBB2_2:
0x20: {  	s13 =	sshra.s32 s12, $0x2;
	[sflag:s7] =	ssyncadd.s32 $0xFFFFFF80;
	p1 =	sne.s32 s12, $0x9E00  }
0x21: {  	[spmem:s1] =	stream.indirect.scatter.add.f32 [tilespmem:s10], [sflag:$0x1], $0x1, s13, s9, $0xb8;
	[tilespmem:$0x2AF8] =	vst v63  }
.Ltmp0:
0x22: {  	_ = 	snop;
	(pc) =	sbr.rel @p1 .LBB2_2-.Ltmp0, $4  }
0x23: {  	_ = 	snop  }
0x24: {  	s12 =	sadd.s32 $0x400, s12  }
0x25: {  	_ =	swait.ge [sflag:s7], $0x80  }
0x26: {  	[sflag:s7] =	ssyncset.done $0x0  }
0x27: {  	[sflag:s7] =	ssyncadd.s32 $0xFFFFFF80;
	s12 =	simm.s32 @!p0 $0x1;
	s11 =	sadd.s32 $0x1, s11  }
0x28: {  	s13 =	simm.s32 @!p0 $0x20;
	s14 =	simm.s32 @!p0 $0x10;
	p1 =	sne.s32 s11, s6  }
.Ltmp1:
0x29: {  	s15 =	simm.s32 @!p0 $0x1C01;
	[bflag:$0x0] =	sbarrier.arrive $0xFFFF;
	(pc) =	sbr.rel @p1 .LBB2_1-.Ltmp1, $4  }
0x2a: {  	[hbm:s5@s13], [sflag:s15] =	dma.strided @!p0 [spmem:s8@s14], $0x4F0, s12, $0x10   }
0x2b: {  	_ =	swait.ge @!p0 [sflag:s12], $0x4F0  }
0x2c: {  	[sflag:s12] =	ssyncset.done @!p0 $0x0  }
0x2d: {  	[sflag:s12] =	ssyncadd.s32 @!p0 $0xFFFFFB10  }
0x2e: {  	_ =	sfence.sel $0x180000  }
0x2f: {  	[bflag:$0x0] =	sbarrier.arrive $0xFFFF  }
0x30: {  	_ =	strace $0x90000047  }
0x31: {  	s0 =	sadd.s32 @!p0 $0x100000, s0;
	[bflag:$0x2] =	sbarrier.arrive $0xFFFF  }
0x32: {  	[sflag:s0] =	ssyncadd.tile.s32 @!p0 $0x1;
	_ =	shalt  }
.Lfunc_end2:
_tile_overlayer_lowered:
.L_overlay_start_2:
0x33: {  	(tag) =	ssettag $0x2  }
0x34: {  	s0 =	rddreg [dreg:$0x0];
	s2 =	stileid.u32  }
0x35: {  	s1 =	rddreg [dreg:$0x1];
	p0 =	sne.s32 s2, $0x0  }
0x36: {  	s3 =	rddreg [dreg:$0x2];
	[bflag:$0x3] =	sbarrier.arrive $0xFFFF;
	s2 =	simm.s32 @!p0 $0x1C01  }
0x37: {  	[timem:s3], [sflag:s2] =	dma.local @!p0 [hbm:s0], s1  }
0x38: {  	s0 =	simm.s32 @!p0 $0x1  }
0x39: {  	_ =	swait.ge @!p0 [sflag:s0], s1  }
0x3a: {  	s1 =	ssub.s32 @!p0 $0x0, s1;
	[sflag:s0] =	ssyncset.done @!p0 $0x0  }
0x3b: {  	[sflag:s0] =	ssyncadd.s32 @!p0 s1  }
0x3c: {  	[bflag:$0x3] =	sbarrier.arrive $0xFFFF  }
0x3d: {  	_ =	shalt  }

// kernel: kernel.13.cloned.1.call-start
scs
__scs_entry_jumppad:
0x0: {  	(pc) =	sbr.rel $0x88, $3  }
0x1: {  	(tag) =	ssettag $0x0;
	lr =	simm.s32 $0x1  }
0x2: {  	[smem:$0x3F99] =	sst lr;
	_ =	strace $0xD0000000  }
0x3: {  	_ = 	snop  }
0x4: {  	_ = 	snop  }
0x5: {  	_ = 	snop  }
0x6: {  	_ = 	snop  }
0x7: {  	_ = 	snop  }
__scs_overlays_trampoline_lowered:
0x8: {  	[smem:$0x3FA8] =	sst s0  }
0x9: {  	[smem:$0x3FA9] =	sst s1  }
0xa: {  	[smem:$0x3FAA] =	sst s2  }
0xb: {  	[smem:$0x3FAB] =	sst s3  }
0xc: {  	[smem:$0x3FAC] =	sst s4  }
0xd: {  	[smem:$0x3FAD] =	sst s5  }
0xe: {  	[smem:$0x3FAE] =	sst s6  }
0xf: {  	[smem:$0x3FAF] =	sst s7  }
0x10: {  	[smem:$0x3FB0] =	sst s8  }
0x11: {  	[smem:$0x3FB1] =	sst s9;
	s0 =	simm.s32 @!p0 $0x0  }
0x12: {  	s1 =	sld [smem:$0x3F97];
	s0 =	simm.s32 @p0 $0x1  }
0x13: {  	[smem:$0x3FB2] =	sst s0;
	s0 =	simm.s32 @!p1 $0x0  }
0x14: {  	s2 =	sld [smem:$0x3F96];
	s0 =	simm.s32 @p1 $0x1  }
0x15: {  	[smem:$0x3FB3] =	sst s0;
	s0 =	simm.s32 @!p2 $0x0  }
0x16: {  	s3 =	sld [smem:$0x3FDB];
	s0 =	simm.s32 @p2 $0x1  }
0x17: {  	s4 =	simm.s32 $0x1BF5;
	[smem:$0x3FB5] =	sst s0  }
0x18: {  	s0 =	sld [smem:$0x3F98];
	_ =	swait.ge [sflag:s4], $0x0  }
0x19: {  	s7 =	sld [smem:$0x3F99]  }
0x1a: {  	s8 =	sadd.s32 $0xFFFFE003, lr  }
0x1b: {  	s9 =	sadd.s32 $0xFFFFFEF7, lr;
	s5 =	simm.s32 $0xFFFFFFFF;
	p2 =	slt.u32 s8, $0xFFFFF086  }
0x1c: {  	p1 =	slt.u32 s9, $0xF7A;
	s5 =	simm.s32 @!p2 $0x0  }
0x1d: {  	s5 =	simm.s32 @p1 $0x1;
	p0 =	seq.s32 s7, s2  }
0x1e: {  	s7 =	smul.u32 @!p0 $0xF7A, s2;
	p2 =	seq.s32 @!p0 s5, $0x0  }
0x1f: {  	s9 =	smul.u32 $0xF7A, s1;
	s8 =	simm.s32 @!p0 $0x1BF5;
	p2 =	por !p2, p0  }
0x20: {  	[sflag:s8] =	ssyncset.s32 @!p0 $0xFFFFF086;
	s6 =	sadd.s32 @!p0 s3, s7;
	s7 =	simm.s32 @!p0 $0x108  }
0x21: {  	s3 =	sadd.s32 s3, s9;
	s6 =	sadd.s32 @!p0 $0x88, s6;
	s7 =	simm.s32 @p2 $0x1082  }
0x22: {  	[simem:s7], [sflag:s8] =	dma.local @!p0 [hbm:s6], $0xF7A  }
0x23: {  	s9 =	sor.u32 $0xD0000000, s2;
	s6 =	simm.s32 $0x108;
	_ =	swait.ge @!p0 [sflag:s8], $0x0  }
0x24: {  	s3 =	sadd.s32 $0x88, s3;
	s6 =	simm.s32 @!p1 $0x1082;
	[sflag:s4] =	ssyncset.s32 $0xFFFFF086  }
0x25: {  	[simem:s6], [sflag:s4] =	dma.local [hbm:s3], $0xF7A  }
0x26: {  	[smem:$0x3F99] =	sst s1;
	(tag) =	ssettag s2;
	_ =	strace s9  }
0x27: {  	s1 =	sld [smem:$0x3FA9]  }
0x28: {  	s2 =	sld [smem:$0x3FAA]  }
0x29: {  	s4 =	sld [smem:$0x3FAC]  }
0x2a: {  	p0 =	seq.s32 s5, $0x0;
	s5 =	sld [smem:$0x3FAD]  }
0x2b: {  	s6 =	sld [smem:$0x3FAE]  }
0x2c: {  	s7 =	sld [smem:$0x3FAF]  }
0x2d: {  	s3 =	simm.s32 $0x108;
	s8 =	sld [smem:$0x3FB0]  }
0x2e: {  	s3 =	simm.s32 @!p0 $0x1082;
	s9 =	sld [smem:$0x3FB1]  }
0x2f: {  	lr =	sadd.s32 s0, s3;
	s0 =	sld [smem:$0x3FA8]  }
0x30: {  	s3 =	sld [smem:$0x3FAB]  }
0x31: {  	[smem:$0x3FB4] =	sst s10  }
0x32: {  	s10 =	sld [smem:$0x3FB2];
	_ =	sdelay $0x3  }
0x33: {  	p0 =	seq.s32 s10, $0x1;
	s10 =	sld [smem:$0x3FB4];
	_ =	sdelay $0x3  }
0x34: {  	[smem:$0x3FB4] =	sst s10  }
0x35: {  	s10 =	sld [smem:$0x3FB3];
	_ =	sdelay $0x3  }
0x36: {  	p1 =	seq.s32 s10, $0x1;
	s10 =	sld [smem:$0x3FB4];
	_ =	sdelay $0x3  }
0x37: {  	[smem:$0x3FB4] =	sst s10  }
0x38: {  	s10 =	sld [smem:$0x3FB5]  }
0x39: {  	_ = 	snop;
	(pc) =	sbr.ind lr, $3  }
0x3a: {  	_ = 	snop  }
0x3b: {  	_ = 	snop  }
0x3c: {  	p2 =	seq.s32 s10, $0x1;
	s10 =	sld [smem:$0x3FB4]  }
0x3d: {  	_ =	shalt  }
0x3e: {  	_ =	shalt  }
0x3f: {  	_ =	shalt  }
0x40: {  	_ =	shalt  }
0x41: {  	_ =	shalt  }
0x42: {  	_ =	shalt  }
0x43: {  	_ =	shalt  }
0x44: {  	_ =	shalt  }
0x45: {  	_ =	shalt  }
0x46: {  	_ =	shalt  }
0x47: {  	_ =	shalt  }
0x48: {  	_ =	shalt  }
0x49: {  	_ =	shalt  }
0x4a: {  	_ =	shalt  }
0x4b: {  	_ =	shalt  }
0x4c: {  	_ =	shalt  }
0x4d: {  	_ =	shalt  }
0x4e: {  	_ =	shalt  }
0x4f: {  	_ =	shalt  }
0x50: {  	_ =	shalt  }
0x51: {  	_ =	shalt  }
0x52: {  	_ =	shalt  }
0x53: {  	_ =	shalt  }
0x54: {  	_ =	shalt  }
0x55: {  	_ =	shalt  }
0x56: {  	_ =	shalt  }
0x57: {  	_ =	shalt  }
0x58: {  	_ =	shalt  }
0x59: {  	_ =	shalt  }
0x5a: {  	_ =	shalt  }
0x5b: {  	_ =	shalt  }
0x5c: {  	_ =	shalt  }
0x5d: {  	_ =	shalt  }
0x5e: {  	_ =	shalt  }
0x5f: {  	_ =	shalt  }
0x60: {  	_ =	shalt  }
0x61: {  	_ =	shalt  }
0x62: {  	_ =	shalt  }
0x63: {  	_ =	shalt  }
0x64: {  	_ =	shalt  }
0x65: {  	_ =	shalt  }
0x66: {  	_ =	shalt  }
0x67: {  	_ =	shalt  }
0x68: {  	_ =	shalt  }
0x69: {  	_ =	shalt  }
0x6a: {  	_ =	shalt  }
0x6b: {  	_ =	shalt  }
0x6c: {  	_ =	shalt  }
0x6d: {  	_ =	shalt  }
0x6e: {  	_ =	shalt  }
0x6f: {  	_ =	shalt  }
0x70: {  	_ =	shalt  }
0x71: {  	_ =	shalt  }
0x72: {  	_ =	shalt  }
0x73: {  	_ =	shalt  }
0x74: {  	_ =	shalt  }
0x75: {  	_ =	shalt  }
0x76: {  	_ =	shalt  }
0x77: {  	_ =	shalt  }
0x78: {  	_ =	shalt  }
0x79: {  	_ =	shalt  }
0x7a: {  	_ =	shalt  }
0x7b: {  	_ =	shalt  }
0x7c: {  	_ =	shalt  }
0x7d: {  	_ =	shalt  }
0x7e: {  	_ =	shalt  }
0x7f: {  	_ =	shalt  }
0x80: {  	_ =	shalt  }
0x81: {  	_ =	shalt  }
0x82: {  	_ =	shalt  }
0x83: {  	_ =	shalt  }
0x84: {  	_ =	shalt  }
0x85: {  	_ =	shalt  }
0x86: {  	_ =	shalt  }
0x87: {  	_ =	shalt  }
.Lfunc_end0:
.L_simem_size_0:
called_computation.1_lowered:
.L_overlay_start_0:
0x88: {  	s2 =	sld [smem:$0x3FD9]  }
0x89: {  	s3 =	sld [smem:$0x3FFE];
	_ =	sdelay $0x1  }
0x8a: {  	s1 =	srdreg.scid  }
0x8b: {  	s0 =	sand.u32 $0x1, s1  }
0x8c: {  	s16 =	sshll.u32 s0, $0xA;
	s2 =	sadd.s32 s3, s2  }
0x8d: {  	s2 =	sadd.s32 s2, s16  }
0x8e: {  	[smem:$0x3FC0] =	sst s2  }
0x8f: {  	_ = 	snop  }
0x90: {  	(tm) =	ssettm $0x1  }
0x91: {  	s17 =	sld [smem:$0x3FFB];
	_ =	sdelay $0x3  }
0x92: {  	_ =	strace s17  }
0x93: {  	s2 =	sld [smem:$0x3FFC];
	_ =	sdelay $0x3  }
0x94: {  	_ =	strace s2  }
0x95: {  	s2 =	sld [smem:$0x3FFD];
	_ =	sdelay $0x3  }
0x96: {  	_ =	strace s2  }
0x97: {  	_ =	strace $0x8FFFFFFF  }
0x98: {  	s18 =	sld [smem:$0x3FDB];
	_ =	sdelay $0x1  }
0x99: {  	s19 =	simm.s32 $_scs_section_size  }
0x9a: {  	s4 =	simm.s32 $_size__tile_overlayer_lowered;
	s5 =	simm.s32 $_tile_overlayer_lowered  }
0x9b: {  	s22 =	simm.s32 $0x1BFF;
	s21 =	sshll.u32 s5, $0x1;
	s2 =	sadd.s32 s19, s18  }
0x9c: {  	s6 =	simm.s32 $0x0;
	s20 =	sshll.u32 s4, $0x1;
	s4 =	sadd.s32 s21, s2  }
0x9d: {  	[timem:s6], [sflag:s22] =	dma.local [hbm:s4], s20  }
0x9e: {  	_ =	swait.ge [sflag:s22], s20  }
0x9f: {  	s3 =	ssub.s32 $0x0, s20;
	[sflag:s22] =	ssyncset.done $0x0  }
0xa0: {  	[sflag:s22] =	ssyncadd.s32 s3;
	_ =	sdelay $0x1  }
0xa1: {  	s23 =	simm.s32 $0x1B8B  }
0xa2: {  	_ =	swait.ge [sflag:s23], $0x1  }
0xa3: {  	[sflag:s23] =	ssyncset.done $0x0  }
0xa4: {  	s25 =	simm.s32 $0x1B8E;
	s24 =	sld [smem:$0x3FFE];
	[sflag:s23] =	ssyncadd.s32 $0xFFFFFFFF  }
0xa5: {  	s26 =	simm.s32 $execute0_lowered;
	[smem:$0x3FD2] =	sst s25  }
0xa6: {  	s4 =	sshll.u32 s26, $0x1;
	_ =	strace $0x80000049;
	[dreg:$0x1] =	wrdreg $0xFFFFFFFF  }
0xa7: {  	s28 =	simm.s32 $_size_execute0_lowered;
	s2 =	sadd.s32 s2, s4;
	[dreg:$0x0] =	wrdreg $0x0  }
0xa8: {  	s4 =	sshll.u32 s28, $0x1;
	[dreg:$0x2] =	wrdreg s2  }
0xa9: {  	[dreg:$0x3] =	wrdreg s4  }
0xaa: {  	[dreg:$0x4] =	wrdreg $0xC0  }
0xab: {  	_ =	task [dreg:s6], $0x5FFFF  }
0xac: {  	[dreg:$0x1] =	wrdreg $0xFFFFFFFF  }
0xad: {  	[dreg:$0x0] =	wrdreg $0x60  }
0xae: {  	[dreg:$0x2] =	wrdreg s24  }
0xaf: {  	[dreg:$0x3] =	wrdreg $0x84000  }
0xb0: {  	[dreg:$0x4] =	wrdreg $0x9  }
0xb1: {  	_ =	task.clear_ibuf [dreg:s6], $0x5FFFF;
	_ =	strace $0x90000049  }
0xb2: {  	s29 =	simm.s32 $0x9;
	_ =	strace $0x8000004B  }
0xb3: {  	_ =	swait.ge [sflag:s29], $0x1  }
0xb4: {  	[sflag:s29] =	ssyncadd.s32 $0xFFFFFFFF  }
0xb5: {  	_ =	strace $0x9000004B  }
0xb6: {  	_ =	sfence  }
0xb7: {  	s30 =	sld [smem:$0x0];
	_ =	sdelay $0x2  }
0xb8: {  	s31 =	sshll.u32 s1, $0xD;
	s1 =	sshrl.u32 s1, $0x2  }
0xb9: {  	s3 =	sand.u32 $0x4000, s31;
	s1 =	sadd.s32 s1, s30  }
0xba: {  	s0 =	sor.u32 s3, s0;
	s1 =	sshll.u32 s1, $0x11  }
0xbb: {  	s0 =	sor.u32 s1, s0  }
0xbc: {  	s0 =	sadd.s32 $0x8F2B, s0  }
0xbd: {  	[sflag:s0] =	ssyncadd.remote.s32 $0x1  }
0xbe: {  	_ =	sfence.sel $0xFFFF  }
0xbf: {  	[dreg:$0x0] =	wrdreg $0xFFFFFFFF;
	(pc) =	sbr.abs _section_cstart, $3  }
0xc0: {  	[dreg:$0x1] =	wrdreg $0xFFFFFFFF  }
0xc1: {  	_ =	task.clear_ibuf [dreg:s6], $0x2FFFF;
	_ =	strace $0x9FFFFFFF  }
0xc2: {  	(tm) =	ssettm $0x7FFFFFFF  }
0xc3: {  	_ =	shalt  }
tec
execute0_lowered:
.L_overlay_start_1:
0x0: {  	(tag) =	ssettag $0x1  }
0x1: {  	s0 =	rddreg [dreg:$0x0]  }
0x2: {  	s1 =	rddreg [dreg:$0x1];
	s2 =	simm.s32 $0x0;
	s9 =	stileid.u32  }
0x3: {  	s6 =	srdreg.scid;
	s28 =	simm.s32 $0x2;
	s29 =	simm.s32 $0x4400  }
0x4: {  	s30 =	simm.s32 $0x6;
	s31 =	simm.s32 $0x180;
	[smem:$0x7FF] =	sst s2  }
0x5: {  	s3 =	sadd.s32 $0x4C00, s0;
	s4 =	sadd.s32 $0x5D000, s0;
	s5 =	sadd.s32 $0x84200, s0  }
0x6: {  	s7 =	smul.u32 $0x5000, s9;
	s8 =	sadd.s32 $0xAB400, s0;
	s16 =	sadd.s32 $0xADC00, s0  }
0x7: {  	s6 =	sand.u32 $0x1, s6;
	s0 =	sadd.s32 $0xD5400, s0;
	s19 =	smul.u32 $0x4F000, s9  }
0x8: {  	s23 =	smul.u32 $0xA00, s9;
	_ =	strace $0x8000004A;
	[dreg:$0x3] =	wrdreg s8  }
0x9: {  	s25 =	smul.u32 $0x2780, s9;
	s26 =	sshll.u32 s9, $0x6;
	[dreg:$0x4] =	wrdreg s16  }
0xa: {  	[dreg:$0x5] =	wrdreg s0;
	s17 =	ssub.s32 $0x2, s6;
	p0 =	seq.s32 s6, $0x1  }
0xb: {  	s16 =	simm.s32 $0x100;
	[dreg:$0xc] =	wrdreg s26;
	s11 =	sor.u32 $0x1C09, s26  }
0xc: {  	s26 =	simm.s32 $0x5;
	s8 =	simm.s32 $0x8;
	s7 =	sshrl.u32 s7, $0x3  }
0xd: {  	s18 =	sshrl.u32 s17, $0x1;
	s22 =	sshrl.u32 s19, $0x2;
	[dreg:$0xa] =	wrdreg s25  }
0xe: {  	s15 =	sadd.s32 s23, s3;
	s19 =	simm.s32 $0x1;
	s25 =	simm.s32 $0x9  }
0xf: {  	s10 =	sadd.s32 s3, s7;
	s0 =	ssub.s32 s17, s18;
	s6 =	sadd.s32 s22, s1  }
0x10: {  	s17 =	simm.s32 $0x200;
	s18 =	simm.s32 $0x300;
	s3 =	simm.s32 $0x3  }
0x11: {  	s7 =	simm.s32 $0x280;
	s20 =	sadd.s32 $0x20, s10;
	[dreg:$0x6] =	wrdreg s10  }
.Ltmp0:
0x12: {  	s21 =	sadd.s32 $0x40, s10;
	[dreg:$0x7] =	wrdreg s20;
	(pc) =	sbr.rel .LBB2_1-.Ltmp0, $4  }
0x13: {  	s22 =	simm.s32 $0x4;
	s24 =	sadd.s32 $0x60, s10;
	[dreg:$0x8] =	wrdreg s21  }
0x14: {  	s0 =	smax.u32 s0, $0x1;
	s10 =	simm.s32 $0x0;
	[dreg:$0x9] =	wrdreg s24  }
0x15: {  	[dreg:$0xb] =	wrdreg s0;
	s20 =	simm.s32 $0x80;
	s21 =	simm.s32 $0x400  }
0x16: {  	s24 =	sshrl.u32 s6, $0x3;
	s0 =	simm.s32 $0x7;
	s6 =	simm.s32 $0x380  }
.LBB2_8:
0x17: {  	s12 =	rddreg [dreg:$0x5];
	s23 =	smov.u32 s11  }
.LBB2_9:
0x18: {  	_ =	swait.ge [sflag:s8], $0x4000  }
0x19: {  	[sflag:s8] =	ssyncset.done $0x0  }
0x1a: {  	s9 =	rddreg [dreg:$0xa];
	[sflag:s8] =	ssyncadd.s32 $0xFFFFC000  }
0x1b: {  	s9 =	sadd.s32 s12, s9;
	[bflag:$0x0] =	sbarrier.arrive $0xFFFF  }
0x1c: {  	[hbm:s9], [sflag:s23] =	dma.local [spmem:s24], $0x2780  }
0x1d: {  	_ =	swait.ge [sflag:s25], $0x2780  }
0x1e: {  	s10 =	sadd.s32 $0x1, s10;
	s23 =	rddreg [dreg:$0xb]  }
0x1f: {  	p1 =	sne.s32 s10, s23  }
.Ltmp1:
0x20: {  	_ = 	snop;
	(pc) =	sbr.rel @!p1 .LBB2_10-.Ltmp1, $3  }
0x21: {  	_ =	sdelay $0x1  }
0x22: {  	[sflag:s25] =	ssyncset.done $0x0  }
0x23: {  	[sflag:s25] =	ssyncadd.s32 $0xFFFFD880  }
.LBB2_1:
0x24: {  	s9 =	rddreg [dreg:$0x6]  }
0x25: {  	[tilespmem:s2], [sflag:$0x1] =	stream.linear.gather [hbm4b:s9+s2], $0x100, $0x38;
	[tilespmem:$0x1C000] =	vst v63  }
0x26: {  	s13 =	rddreg [dreg:$0x7]  }
0x27: {  	[tilespmem:s16], [sflag:$0x2] =	stream.linear.gather [hbm4b:s13+s2], $0x100, $0x38;
	[tilespmem:$0x1C000] =	vst v63  }
0x28: {  	s14 =	rddreg [dreg:$0x8]  }
0x29: {  	[tilespmem:s17], [sflag:$0x3] =	stream.linear.gather [hbm4b:s14+s2], $0x100, $0x38;
	[tilespmem:$0x1C000] =	vst v63  }
.Ltmp2:
0x2a: {  	s23 =	rddreg [dreg:$0x9];
	(pc) =	sbr.rel @!p0 .LBB2_2-.Ltmp2, $4  }
0x2b: {  	[tilespmem:s18], [sflag:$0x4] =	stream.linear.gather [hbm4b:s23+s2], $0x100, $0x38;
	[tilespmem:$0x1C000] =	vst v63  }
0x2c: {  	_ =	swait.ge [sflag:s19], $0x100  }
0x2d: {  	[sflag:s19] =	ssyncset.done $0x0  }
0x2e: {  	s12 =	simm.s32 $0x0;
	[sflag:s19] =	ssyncadd.s32 $0xFFFFFF00  }
0x2f: {  	[tilespmem:s21], [sflag:$0x5] =	stream.indirect.gather [hbm4b:s5+s20], $0x80, s12, s20, $0xb8;
	[tilespmem:$0x1C000] =	vst v63  }
0x30: {  	s9 =	rddreg [dreg:$0x3]  }
0x31: {  	[spmem:s24], [sflag:s11] =	dma.local [hbm:s9], $0x2780  }
0x32: {  	_ =	swait.ge [sflag:s25], $0x2780  }
0x33: {  	[sflag:s25] =	ssyncset.done $0x0  }
0x34: {  	[sflag:s25] =	ssyncadd.s32 $0xFFFFD880  }
0x35: {  	[bflag:$0x0] =	sbarrier.arrive $0xFFFF  }
.LBB2_7:
0x36: {  	_ =	swait.ge [sflag:s26], $0x4000  }
0x37: {  	p1 =	seq.s32 s12, $0x0;
	[sflag:s26] =	ssyncset.done $0x0  }
0x38: {  	s9 =	simm.s32 @!p1 $0x8;
	[sflag:s26] =	ssyncadd.s32 $0xFFFFC000  }
0x39: {  	[spmem:s1] =	stream.indirect.scatter.add.f32 [tilespmem:s21], [sflag:$0x7], $0x80, s20, s20, $0xb8;
	[tilespmem:$0x1C000] =	vst v63  }
0x3a: {  	_ =	swait.ge @!p1 [sflag:s9], $0x4000  }
0x3b: {  	[sflag:s9] =	ssyncset.done @!p1 $0x0  }
0x3c: {  	[sflag:s9] =	ssyncadd.s32 @!p1 $0xFFFFC000;
	s9 =	sadd.s32 @!p1 s12, s15  }
0x3d: {  	s13 =	simm.s32 @!p1 $0x0;
	s14 =	simm.s32 @!p1 $0x300;
	s9 =	sadd.s32 @!p1 $0x60, s9  }
0x3e: {  	[tilespmem:s14], [sflag:$0x4] =	stream.linear.gather @!p1 [hbm4b:s9+s13], $0x100, $0x38;
	[tilespmem:$0x1C000] =	vst v63  }
0x3f: {  	_ =	swait.ge [sflag:s28], $0x100  }
0x40: {  	[sflag:s28] =	ssyncset.done $0x0  }
0x41: {  	[sflag:s28] =	ssyncadd.s32 $0xFFFFFF00  }
0x42: {  	[tilespmem:s29], [sflag:$0x6] =	stream.indirect.gather [hbm4b:s5+s20], $0x80, s16, s20, $0xb8;
	[tilespmem:$0x1C000] =	vst v63  }
0x43: {  	_ =	swait.ge [sflag:s30], $0x4000  }
0x44: {  	[sflag:s30] =	ssyncset.done $0x0  }
0x45: {  	[sflag:s30] =	ssyncadd.s32 $0xFFFFC000  }
0x46: {  	[spmem:s1] =	stream.indirect.scatter.add.f32 [tilespmem:s29], [sflag:$0x8], $0x80, s31, s20, $0xb8;
	[tilespmem:$0x1C000] =	vst v63  }
0x47: {  	p1 =	seq.s32 s12, $0x980;
	_ =	swait.ge [sflag:s0], $0x4000  }
0x48: {  	s9 =	sadd.s32 @!p1 s12, s15;
	[sflag:s0] =	ssyncset.done $0x0  }
0x49: {  	s14 =	simm.s32 @!p1 $0x0;
	s13 =	sadd.s32 @!p1 $0x80, s9;
	[sflag:s0] =	ssyncadd.s32 $0xFFFFC000  }
0x4a: {  	[tilespmem:s14], [sflag:$0x1] =	stream.linear.gather @!p1 [hbm4b:s13+s14], $0x100, $0x38;
	[tilespmem:$0x1C000] =	vst v63  }
0x4b: {  	_ =	swait.ge [sflag:s3], $0x100  }
0x4c: {  	[sflag:s3] =	ssyncset.done $0x0  }
0x4d: {  	[sflag:s3] =	ssyncadd.s32 $0xFFFFFF00  }
0x4e: {  	[tilespmem:s21], [sflag:$0x5] =	stream.indirect.gather [hbm4b:s5+s20], $0x80, s17, s20, $0xb8;
	[tilespmem:$0x1C000] =	vst v63  }
0x4f: {  	_ =	swait.ge [sflag:s26], $0x4000  }
0x50: {  	[sflag:s26] =	ssyncset.done $0x0  }
0x51: {  	[sflag:s26] =	ssyncadd.s32 $0xFFFFC000  }
0x52: {  	[spmem:s1] =	stream.indirect.scatter.add.f32 [tilespmem:s21], [sflag:$0x7], $0x80, s7, s20, $0xb8;
	[tilespmem:$0x1C000] =	vst v63  }
0x53: {  	_ =	swait.ge [sflag:s8], $0x4000  }
0x54: {  	[sflag:s8] =	ssyncset.done $0x0  }
0x55: {  	s9 =	sadd.s32 @!p1 $0xA0, s9;
	s13 =	simm.s32 @!p1 $0x100;
	[sflag:s8] =	ssyncadd.s32 $0xFFFFC000  }
0x56: {  	[tilespmem:s13], [sflag:$0x2] =	stream.linear.gather @!p1 [hbm4b:s9+s14], $0x100, $0x38;
	[tilespmem:$0x1C000] =	vst v63  }
0x57: {  	_ =	swait.ge [sflag:s22], $0x100  }
0x58: {  	[sflag:s22] =	ssyncset.done $0x0  }
0x59: {  	[sflag:s22] =	ssyncadd.s32 $0xFFFFFF00  }
0x5a: {  	[tilespmem:s29], [sflag:$0x6] =	stream.indirect.gather [hbm4b:s5+s20], $0x80, s18, s20, $0xb8;
	[tilespmem:$0x1C000] =	vst v63  }
0x5b: {  	_ =	swait.ge [sflag:s30], $0x4000  }
0x5c: {  	[sflag:s30] =	ssyncset.done $0x0  }
.Ltmp3:
0x5d: {  	[sflag:s30] =	ssyncadd.s32 $0xFFFFC000;
	(pc) =	sbr.rel @p1 .LBB2_8-.Ltmp3, $4  }
0x5e: {  	[spmem:s1] =	stream.indirect.scatter.add.f32 [tilespmem:s29], [sflag:$0x8], $0x80, s6, s20, $0xb8;
	[tilespmem:$0x1C000] =	vst v63  }
0x5f: {  	_ =	swait.ge [sflag:s0], $0x4000  }
0x60: {  	[sflag:s0] =	ssyncset.done $0x0  }
0x61: {  	[sflag:s0] =	ssyncadd.s32 $0xFFFFC000  }
0x62: {  	s9 =	sadd.s32 s12, s15  }
0x63: {  	s9 =	sadd.s32 $0xC0, s9  }
0x64: {  	[tilespmem:s17], [sflag:$0x3] =	stream.linear.gather [hbm4b:s9+s2], $0x100, $0x38;
	[tilespmem:$0x1C000] =	vst v63  }
.Ltmp4:
0x65: {  	_ = 	snop;
	(pc) =	sbr.rel .LBB2_7-.Ltmp4, $4  }
0x66: {  	_ =	swait.ge [sflag:s19], $0x100  }
0x67: {  	[sflag:s19] =	ssyncset.done $0x0  }
0x68: {  	s12 =	sadd.s32 $0x80, s12;
	[sflag:s19] =	ssyncadd.s32 $0xFFFFFF00  }
0x69: {  	[tilespmem:s21], [sflag:$0x5] =	stream.indirect.gather [hbm4b:s5+s20], $0x80, s2, s20, $0xb8;
	[tilespmem:$0x1C000] =	vst v63  }
.LBB2_2:
0x6a: {  	[tilespmem:s21], [sflag:$0x5] =	stream.indirect.gather [hbm4b:s4+s20], $0x80, s12, s20, $0xb8;
	[tilespmem:$0x1C000] =	vst v63  }
0x6b: {  	s9 =	rddreg [dreg:$0xc]  }
0x6c: {  	s14 =	rddreg [dreg:$0x3];
	s23 =	sor.u32 $0x1C09, s9  }
0x6d: {  	[spmem:s24], [sflag:s23] =	dma.local [hbm:s14], $0x2780  }
0x6e: {  	_ =	swait.ge [sflag:s25], $0x2780  }
0x6f: {  	[sflag:s25] =	ssyncset.done $0x0  }
0x70: {  	[sflag:s25] =	ssyncadd.s32 $0xFFFFD880  }
0x71: {  	[bflag:$0x0] =	sbarrier.arrive $0xFFFF  }
.LBB2_3:
0x72: {  	_ =	swait.ge [sflag:s26], $0x4000  }
0x73: {  	p1 =	seq.s32 s12, $0x0;
	[sflag:s26] =	ssyncset.done $0x0  }
0x74: {  	s13 =	simm.s32 @!p1 $0x8;
	[sflag:s26] =	ssyncadd.s32 $0xFFFFC000  }
0x75: {  	[spmem:s1] =	stream.indirect.scatter.add.f32 [tilespmem:s21], [sflag:$0x7], $0x80, s20, s20, $0xb8;
	[tilespmem:$0x1C000] =	vst v63  }
0x76: {  	_ =	swait.ge @!p1 [sflag:s13], $0x4000  }
0x77: {  	[sflag:s13] =	ssyncset.done @!p1 $0x0  }
0x78: {  	[sflag:s13] =	ssyncadd.s32 @!p1 $0xFFFFC000;
	s13 =	sadd.s32 @!p1 s12, s15  }
0x79: {  	s14 =	simm.s32 @!p1 $0x0;
	s9 =	simm.s32 @!p1 $0x300;
	s13 =	sadd.s32 @!p1 $0x60, s13  }
0x7a: {  	[tilespmem:s9], [sflag:$0x4] =	stream.linear.gather @!p1 [hbm4b:s13+s14], $0x100, $0x38;
	[tilespmem:$0x1C000] =	vst v63  }
0x7b: {  	_ =	swait.ge [sflag:s28], $0x100  }
0x7c: {  	[sflag:s28] =	ssyncset.done $0x0  }
0x7d: {  	[sflag:s28] =	ssyncadd.s32 $0xFFFFFF00  }
0x7e: {  	[tilespmem:s29], [sflag:$0x6] =	stream.indirect.gather [hbm4b:s4+s20], $0x80, s16, s20, $0xb8;
	[tilespmem:$0x1C000] =	vst v63  }
0x7f: {  	_ =	swait.ge [sflag:s30], $0x4000  }
0x80: {  	[sflag:s30] =	ssyncset.done $0x0  }
0x81: {  	[sflag:s30] =	ssyncadd.s32 $0xFFFFC000  }
0x82: {  	[spmem:s1] =	stream.indirect.scatter.add.f32 [tilespmem:s29], [sflag:$0x8], $0x80, s31, s20, $0xb8;
	[tilespmem:$0x1C000] =	vst v63  }
0x83: {  	p1 =	seq.s32 s12, $0x980;
	_ =	swait.ge [sflag:s0], $0x4000  }
0x84: {  	s9 =	sadd.s32 @!p1 s12, s15;
	[sflag:s0] =	ssyncset.done $0x0  }
0x85: {  	s14 =	simm.s32 @!p1 $0x0;
	s13 =	sadd.s32 @!p1 $0x80, s9;
	[sflag:s0] =	ssyncadd.s32 $0xFFFFC000  }
0x86: {  	[tilespmem:s14], [sflag:$0x1] =	stream.linear.gather @!p1 [hbm4b:s13+s14], $0x100, $0x38;
	[tilespmem:$0x1C000] =	vst v63  }
0x87: {  	_ =	swait.ge [sflag:s3], $0x100  }
0x88: {  	[sflag:s3] =	ssyncset.done $0x0  }
0x89: {  	[sflag:s3] =	ssyncadd.s32 $0xFFFFFF00  }
0x8a: {  	[tilespmem:s21], [sflag:$0x5] =	stream.indirect.gather [hbm4b:s4+s20], $0x80, s17, s20, $0xb8;
	[tilespmem:$0x1C000] =	vst v63  }
0x8b: {  	_ =	swait.ge [sflag:s26], $0x4000  }
0x8c: {  	[sflag:s26] =	ssyncset.done $0x0  }
0x8d: {  	[sflag:s26] =	ssyncadd.s32 $0xFFFFC000  }
0x8e: {  	[spmem:s1] =	stream.indirect.scatter.add.f32 [tilespmem:s21], [sflag:$0x7], $0x80, s7, s20, $0xb8;
	[tilespmem:$0x1C000] =	vst v63  }
0x8f: {  	_ =	swait.ge [sflag:s8], $0x4000  }
0x90: {  	[sflag:s8] =	ssyncset.done $0x0  }
0x91: {  	s9 =	sadd.s32 @!p1 $0xA0, s9;
	s13 =	simm.s32 @!p1 $0x100;
	[sflag:s8] =	ssyncadd.s32 $0xFFFFC000  }
0x92: {  	[tilespmem:s13], [sflag:$0x2] =	stream.linear.gather @!p1 [hbm4b:s9+s14], $0x100, $0x38;
	[tilespmem:$0x1C000] =	vst v63  }
0x93: {  	_ =	swait.ge [sflag:s22], $0x100  }
0x94: {  	[sflag:s22] =	ssyncset.done $0x0  }
0x95: {  	[sflag:s22] =	ssyncadd.s32 $0xFFFFFF00  }
0x96: {  	[tilespmem:s29], [sflag:$0x6] =	stream.indirect.gather [hbm4b:s4+s20], $0x80, s18, s20, $0xb8;
	[tilespmem:$0x1C000] =	vst v63  }
0x97: {  	_ =	swait.ge [sflag:s30], $0x4000  }
0x98: {  	[sflag:s30] =	ssyncset.done $0x0  }
.Ltmp5:
0x99: {  	[sflag:s30] =	ssyncadd.s32 $0xFFFFC000;
	(pc) =	sbr.rel @p1 .LBB2_4-.Ltmp5, $4  }
0x9a: {  	[spmem:s1] =	stream.indirect.scatter.add.f32 [tilespmem:s29], [sflag:$0x8], $0x80, s6, s20, $0xb8;
	[tilespmem:$0x1C000] =	vst v63  }
0x9b: {  	_ =	swait.ge [sflag:s0], $0x4000  }
0x9c: {  	[sflag:s0] =	ssyncset.done $0x0  }
0x9d: {  	[sflag:s0] =	ssyncadd.s32 $0xFFFFC000  }
0x9e: {  	s9 =	sadd.s32 s12, s15  }
0x9f: {  	s9 =	sadd.s32 $0xC0, s9  }
0xa0: {  	[tilespmem:s17], [sflag:$0x3] =	stream.linear.gather [hbm4b:s9+s2], $0x100, $0x38;
	[tilespmem:$0x1C000] =	vst v63  }
.Ltmp6:
0xa1: {  	_ = 	snop;
	(pc) =	sbr.rel .LBB2_3-.Ltmp6, $4  }
0xa2: {  	_ =	swait.ge [sflag:s19], $0x100  }
0xa3: {  	[sflag:s19] =	ssyncset.done $0x0  }
0xa4: {  	s12 =	sadd.s32 $0x80, s12;
	[sflag:s19] =	ssyncadd.s32 $0xFFFFFF00  }
0xa5: {  	[tilespmem:s21], [sflag:$0x5] =	stream.indirect.gather [hbm4b:s4+s20], $0x80, s2, s20, $0xb8;
	[tilespmem:$0x1C000] =	vst v63  }
.LBB2_4:
.Ltmp7:
0xa6: {  	(pc) =	sbr.rel .LBB2_9-.Ltmp7, $2  }
0xa7: {  	_ =	sdelay $0x2  }
0xa8: {  	s12 =	rddreg [dreg:$0x4]  }
.LBB2_10:
0xa9: {  	_ =	sfence.sel $0x180000  }
0xaa: {  	[bflag:$0x0] =	sbarrier.arrive $0xFFFF  }
0xab: {  	_ =	strace $0x9000004A  }
0xac: {  	s0 =	stileid.u32;
	[bflag:$0x2] =	sbarrier.arrive $0xFFFF  }
0xad: {  	p0 =	sne.s32 s0, $0x0;
	s0 =	rddreg [dreg:$0x2]  }
0xae: {  	s0 =	sadd.s32 @!p0 $0x100000, s0  }
0xaf: {  	[sflag:s0] =	ssyncadd.tile.s32 @!p0 $0x1;
	_ =	shalt  }
.Lfunc_end2:
_tile_overlayer_lowered:
.L_overlay_start_2:
0xb0: {  	(tag) =	ssettag $0x2  }
0xb1: {  	s0 =	rddreg [dreg:$0x0];
	s2 =	stileid.u32  }
0xb2: {  	s1 =	rddreg [dreg:$0x1];
	p0 =	sne.s32 s2, $0x0  }
0xb3: {  	s3 =	rddreg [dreg:$0x2];
	[bflag:$0x3] =	sbarrier.arrive $0xFFFF;
	s2 =	simm.s32 @!p0 $0x1C09  }
0xb4: {  	[timem:s3], [sflag:s2] =	dma.local @!p0 [hbm:s0], s1  }
0xb5: {  	s0 =	simm.s32 @!p0 $0x9  }
0xb6: {  	_ =	swait.ge @!p0 [sflag:s0], s1  }
0xb7: {  	s1 =	ssub.s32 @!p0 $0x0, s1;
	[sflag:s0] =	ssyncset.done @!p0 $0x0  }
0xb8: {  	[sflag:s0] =	ssyncadd.s32 @!p0 s1  }
0xb9: {  	[bflag:$0x3] =	sbarrier.arrive $0xFFFF  }
0xba: {  	_ =	shalt  }

// kernel: kernel.16.cloned.1.call-start
scs
__scs_entry_jumppad:
0x0: {  	(pc) =	sbr.rel $0x88, $3  }
0x1: {  	(tag) =	ssettag $0x0;
	lr =	simm.s32 $0x1  }
0x2: {  	[smem:$0x3F99] =	sst lr;
	_ =	strace $0xD0000000  }
0x3: {  	_ = 	snop  }
0x4: {  	_ = 	snop  }
0x5: {  	_ = 	snop  }
0x6: {  	_ = 	snop  }
0x7: {  	_ = 	snop  }
__scs_overlays_trampoline_lowered:
0x8: {  	[smem:$0x3FA8] =	sst s0  }
0x9: {  	[smem:$0x3FA9] =	sst s1  }
0xa: {  	[smem:$0x3FAA] =	sst s2  }
0xb: {  	[smem:$0x3FAB] =	sst s3  }
0xc: {  	[smem:$0x3FAC] =	sst s4  }
0xd: {  	[smem:$0x3FAD] =	sst s5  }
0xe: {  	[smem:$0x3FAE] =	sst s6  }
0xf: {  	[smem:$0x3FAF] =	sst s7  }
0x10: {  	[smem:$0x3FB0] =	sst s8  }
0x11: {  	[smem:$0x3FB1] =	sst s9;
	s0 =	simm.s32 @!p0 $0x0  }
0x12: {  	s1 =	sld [smem:$0x3F97];
	s0 =	simm.s32 @p0 $0x1  }
0x13: {  	[smem:$0x3FB2] =	sst s0;
	s0 =	simm.s32 @!p1 $0x0  }
0x14: {  	s2 =	sld [smem:$0x3F96];
	s0 =	simm.s32 @p1 $0x1  }
0x15: {  	[smem:$0x3FB3] =	sst s0;
	s0 =	simm.s32 @!p2 $0x0  }
0x16: {  	s3 =	sld [smem:$0x3FDB];
	s0 =	simm.s32 @p2 $0x1  }
0x17: {  	s4 =	simm.s32 $0x1BF5;
	[smem:$0x3FB5] =	sst s0  }
0x18: {  	s0 =	sld [smem:$0x3F98];
	_ =	swait.ge [sflag:s4], $0x0  }
0x19: {  	s7 =	sld [smem:$0x3F99]  }
0x1a: {  	s8 =	sadd.s32 $0xFFFFE003, lr  }
0x1b: {  	s9 =	sadd.s32 $0xFFFFFEF7, lr;
	s5 =	simm.s32 $0xFFFFFFFF;
	p2 =	slt.u32 s8, $0xFFFFF086  }
0x1c: {  	p1 =	slt.u32 s9, $0xF7A;
	s5 =	simm.s32 @!p2 $0x0  }
0x1d: {  	s5 =	simm.s32 @p1 $0x1;
	p0 =	seq.s32 s7, s2  }
0x1e: {  	s7 =	smul.u32 @!p0 $0xF7A, s2;
	p2 =	seq.s32 @!p0 s5, $0x0  }
0x1f: {  	s9 =	smul.u32 $0xF7A, s1;
	s8 =	simm.s32 @!p0 $0x1BF5;
	p2 =	por !p2, p0  }
0x20: {  	[sflag:s8] =	ssyncset.s32 @!p0 $0xFFFFF086;
	s6 =	sadd.s32 @!p0 s3, s7;
	s7 =	simm.s32 @!p0 $0x108  }
0x21: {  	s3 =	sadd.s32 s3, s9;
	s6 =	sadd.s32 @!p0 $0x88, s6;
	s7 =	simm.s32 @p2 $0x1082  }
0x22: {  	[simem:s7], [sflag:s8] =	dma.local @!p0 [hbm:s6], $0xF7A  }
0x23: {  	s9 =	sor.u32 $0xD0000000, s2;
	s6 =	simm.s32 $0x108;
	_ =	swait.ge @!p0 [sflag:s8], $0x0  }
0x24: {  	s3 =	sadd.s32 $0x88, s3;
	s6 =	simm.s32 @!p1 $0x1082;
	[sflag:s4] =	ssyncset.s32 $0xFFFFF086  }
0x25: {  	[simem:s6], [sflag:s4] =	dma.local [hbm:s3], $0xF7A  }
0x26: {  	[smem:$0x3F99] =	sst s1;
	(tag) =	ssettag s2;
	_ =	strace s9  }
0x27: {  	s1 =	sld [smem:$0x3FA9]  }
0x28: {  	s2 =	sld [smem:$0x3FAA]  }
0x29: {  	s4 =	sld [smem:$0x3FAC]  }
0x2a: {  	p0 =	seq.s32 s5, $0x0;
	s5 =	sld [smem:$0x3FAD]  }
0x2b: {  	s6 =	sld [smem:$0x3FAE]  }
0x2c: {  	s7 =	sld [smem:$0x3FAF]  }
0x2d: {  	s3 =	simm.s32 $0x108;
	s8 =	sld [smem:$0x3FB0]  }
0x2e: {  	s3 =	simm.s32 @!p0 $0x1082;
	s9 =	sld [smem:$0x3FB1]  }
0x2f: {  	lr =	sadd.s32 s0, s3;
	s0 =	sld [smem:$0x3FA8]  }
0x30: {  	s3 =	sld [smem:$0x3FAB]  }
0x31: {  	[smem:$0x3FB4] =	sst s10  }
0x32: {  	s10 =	sld [smem:$0x3FB2];
	_ =	sdelay $0x3  }
0x33: {  	p0 =	seq.s32 s10, $0x1;
	s10 =	sld [smem:$0x3FB4];
	_ =	sdelay $0x3  }
0x34: {  	[smem:$0x3FB4] =	sst s10  }
0x35: {  	s10 =	sld [smem:$0x3FB3];
	_ =	sdelay $0x3  }
0x36: {  	p1 =	seq.s32 s10, $0x1;
	s10 =	sld [smem:$0x3FB4];
	_ =	sdelay $0x3  }
0x37: {  	[smem:$0x3FB4] =	sst s10  }
0x38: {  	s10 =	sld [smem:$0x3FB5]  }
0x39: {  	_ = 	snop;
	(pc) =	sbr.ind lr, $3  }
0x3a: {  	_ = 	snop  }
0x3b: {  	_ = 	snop  }
0x3c: {  	p2 =	seq.s32 s10, $0x1;
	s10 =	sld [smem:$0x3FB4]  }
0x3d: {  	_ =	shalt  }
0x3e: {  	_ =	shalt  }
0x3f: {  	_ =	shalt  }
0x40: {  	_ =	shalt  }
0x41: {  	_ =	shalt  }
0x42: {  	_ =	shalt  }
0x43: {  	_ =	shalt  }
0x44: {  	_ =	shalt  }
0x45: {  	_ =	shalt  }
0x46: {  	_ =	shalt  }
0x47: {  	_ =	shalt  }
0x48: {  	_ =	shalt  }
0x49: {  	_ =	shalt  }
0x4a: {  	_ =	shalt  }
0x4b: {  	_ =	shalt  }
0x4c: {  	_ =	shalt  }
0x4d: {  	_ =	shalt  }
0x4e: {  	_ =	shalt  }
0x4f: {  	_ =	shalt  }
0x50: {  	_ =	shalt  }
0x51: {  	_ =	shalt  }
0x52: {  	_ =	shalt  }
0x53: {  	_ =	shalt  }
0x54: {  	_ =	shalt  }
0x55: {  	_ =	shalt  }
0x56: {  	_ =	shalt  }
0x57: {  	_ =	shalt  }
0x58: {  	_ =	shalt  }
0x59: {  	_ =	shalt  }
0x5a: {  	_ =	shalt  }
0x5b: {  	_ =	shalt  }
0x5c: {  	_ =	shalt  }
0x5d: {  	_ =	shalt  }
0x5e: {  	_ =	shalt  }
0x5f: {  	_ =	shalt  }
0x60: {  	_ =	shalt  }
0x61: {  	_ =	shalt  }
0x62: {  	_ =	shalt  }
0x63: {  	_ =	shalt  }
0x64: {  	_ =	shalt  }
0x65: {  	_ =	shalt  }
0x66: {  	_ =	shalt  }
0x67: {  	_ =	shalt  }
0x68: {  	_ =	shalt  }
0x69: {  	_ =	shalt  }
0x6a: {  	_ =	shalt  }
0x6b: {  	_ =	shalt  }
0x6c: {  	_ =	shalt  }
0x6d: {  	_ =	shalt  }
0x6e: {  	_ =	shalt  }
0x6f: {  	_ =	shalt  }
0x70: {  	_ =	shalt  }
0x71: {  	_ =	shalt  }
0x72: {  	_ =	shalt  }
0x73: {  	_ =	shalt  }
0x74: {  	_ =	shalt  }
0x75: {  	_ =	shalt  }
0x76: {  	_ =	shalt  }
0x77: {  	_ =	shalt  }
0x78: {  	_ =	shalt  }
0x79: {  	_ =	shalt  }
0x7a: {  	_ =	shalt  }
0x7b: {  	_ =	shalt  }
0x7c: {  	_ =	shalt  }
0x7d: {  	_ =	shalt  }
0x7e: {  	_ =	shalt  }
0x7f: {  	_ =	shalt  }
0x80: {  	_ =	shalt  }
0x81: {  	_ =	shalt  }
0x82: {  	_ =	shalt  }
0x83: {  	_ =	shalt  }
0x84: {  	_ =	shalt  }
0x85: {  	_ =	shalt  }
0x86: {  	_ =	shalt  }
0x87: {  	_ =	shalt  }
.Lfunc_end0:
.L_simem_size_0:
called_computation.2_lowered:
.L_overlay_start_0:
0x88: {  	s2 =	sld [smem:$0x3FD9]  }
0x89: {  	s3 =	sld [smem:$0x3FFE];
	_ =	sdelay $0x1  }
0x8a: {  	s1 =	srdreg.scid  }
0x8b: {  	s0 =	sand.u32 $0x1, s1  }
0x8c: {  	s16 =	sshll.u32 s0, $0xA;
	s2 =	sadd.s32 s3, s2  }
0x8d: {  	s2 =	sadd.s32 s2, s16  }
0x8e: {  	[smem:$0x3FC0] =	sst s2  }
0x8f: {  	_ = 	snop  }
0x90: {  	(tm) =	ssettm $0x1  }
0x91: {  	s17 =	sld [smem:$0x3FFB];
	_ =	sdelay $0x3  }
0x92: {  	_ =	strace s17  }
0x93: {  	s2 =	sld [smem:$0x3FFC];
	_ =	sdelay $0x3  }
0x94: {  	_ =	strace s2  }
0x95: {  	s2 =	sld [smem:$0x3FFD];
	_ =	sdelay $0x3  }
0x96: {  	_ =	strace s2  }
0x97: {  	_ =	strace $0x8FFFFFFF  }
0x98: {  	s18 =	sld [smem:$0x3FDB];
	_ =	sdelay $0x1  }
0x99: {  	s19 =	simm.s32 $_scs_section_size  }
0x9a: {  	s4 =	simm.s32 $_size__tile_overlayer_lowered;
	s5 =	simm.s32 $_tile_overlayer_lowered  }
0x9b: {  	s22 =	simm.s32 $0x1BFF;
	s21 =	sshll.u32 s5, $0x1;
	s2 =	sadd.s32 s19, s18  }
0x9c: {  	s6 =	simm.s32 $0x0;
	s20 =	sshll.u32 s4, $0x1;
	s4 =	sadd.s32 s21, s2  }
0x9d: {  	[timem:s6], [sflag:s22] =	dma.local [hbm:s4], s20  }
0x9e: {  	_ =	swait.ge [sflag:s22], s20  }
0x9f: {  	s3 =	ssub.s32 $0x0, s20;
	[sflag:s22] =	ssyncset.done $0x0  }
0xa0: {  	[sflag:s22] =	ssyncadd.s32 s3;
	_ =	sdelay $0x1  }
0xa1: {  	s23 =	simm.s32 $0x1B8B  }
0xa2: {  	_ =	swait.ge [sflag:s23], $0x1  }
0xa3: {  	[sflag:s23] =	ssyncset.done $0x0  }
0xa4: {  	s25 =	simm.s32 $0x1B8E;
	s24 =	sld [smem:$0x3FFE];
	[sflag:s23] =	ssyncadd.s32 $0xFFFFFFFF  }
0xa5: {  	s26 =	simm.s32 $execute0_lowered;
	[smem:$0x3FD2] =	sst s25  }
0xa6: {  	s4 =	sshll.u32 s26, $0x1;
	_ =	strace $0x8000004C;
	[dreg:$0x1] =	wrdreg $0xFFFFFFFF  }
0xa7: {  	s28 =	simm.s32 $_size_execute0_lowered;
	s2 =	sadd.s32 s2, s4;
	[dreg:$0x0] =	wrdreg $0x0  }
0xa8: {  	s4 =	sshll.u32 s28, $0x1;
	[dreg:$0x2] =	wrdreg s2  }
0xa9: {  	[dreg:$0x3] =	wrdreg s4  }
0xaa: {  	[dreg:$0x4] =	wrdreg $0xC0  }
0xab: {  	_ =	task [dreg:s6], $0x5FFFF  }
0xac: {  	[dreg:$0x1] =	wrdreg $0xFFFFFFFF  }
0xad: {  	[dreg:$0x0] =	wrdreg $0x60  }
0xae: {  	[dreg:$0x2] =	wrdreg s24  }
0xaf: {  	[dreg:$0x3] =	wrdreg $0x84000  }
0xb0: {  	[dreg:$0x4] =	wrdreg $0x9  }
0xb1: {  	_ =	task.clear_ibuf [dreg:s6], $0x5FFFF;
	_ =	strace $0x9000004C  }
0xb2: {  	s29 =	simm.s32 $0x9;
	_ =	strace $0x8000004E  }
0xb3: {  	_ =	swait.ge [sflag:s29], $0x1  }
0xb4: {  	[sflag:s29] =	ssyncadd.s32 $0xFFFFFFFF  }
0xb5: {  	_ =	strace $0x9000004E  }
0xb6: {  	_ =	sfence  }
0xb7: {  	s30 =	sld [smem:$0x0];
	_ =	sdelay $0x2  }
0xb8: {  	s31 =	sshll.u32 s1, $0xD;
	s1 =	sshrl.u32 s1, $0x2  }
0xb9: {  	s3 =	sand.u32 $0x4000, s31;
	s1 =	sadd.s32 s1, s30  }
0xba: {  	s0 =	sor.u32 s3, s0;
	s1 =	sshll.u32 s1, $0x11  }
0xbb: {  	s0 =	sor.u32 s1, s0  }
0xbc: {  	s0 =	sadd.s32 $0x8F2B, s0  }
0xbd: {  	[sflag:s0] =	ssyncadd.remote.s32 $0x1  }
0xbe: {  	_ =	sfence.sel $0xFFFF  }
0xbf: {  	[dreg:$0x0] =	wrdreg $0xFFFFFFFF;
	(pc) =	sbr.abs _section_cstart, $3  }
0xc0: {  	[dreg:$0x1] =	wrdreg $0xFFFFFFFF  }
0xc1: {  	_ =	task.clear_ibuf [dreg:s6], $0x2FFFF;
	_ =	strace $0x9FFFFFFF  }
0xc2: {  	(tm) =	ssettm $0x7FFFFFFF  }
0xc3: {  	_ =	shalt  }
tec
execute0_lowered:
.L_overlay_start_1:
0x0: {  	(tag) =	ssettag $0x1  }
0x1: {  	s0 =	rddreg [dreg:$0x0]  }
0x2: {  	s1 =	rddreg [dreg:$0x1];
	s2 =	simm.s32 $0x0;
	s9 =	stileid.u32  }
0x3: {  	s6 =	srdreg.scid;
	s28 =	simm.s32 $0x2;
	s29 =	simm.s32 $0x4400  }
0x4: {  	s30 =	simm.s32 $0x6;
	s31 =	simm.s32 $0x180;
	[smem:$0x7FF] =	sst s2  }
0x5: {  	s3 =	sadd.s32 $0x4C00, s0;
	s4 =	sadd.s32 $0x5D000, s0;
	s5 =	sadd.s32 $0x84200, s0  }
0x6: {  	s7 =	smul.u32 $0x5000, s9;
	s8 =	sadd.s32 $0xAB400, s0;
	s16 =	sadd.s32 $0xADC00, s0  }
0x7: {  	s6 =	sand.u32 $0x1, s6;
	s0 =	sadd.s32 $0xD5400, s0;
	s19 =	smul.u32 $0x4F000, s9  }
0x8: {  	s23 =	smul.u32 $0xA00, s9;
	_ =	strace $0x8000004D;
	[dreg:$0x3] =	wrdreg s8  }
0x9: {  	s25 =	smul.u32 $0x2780, s9;
	s26 =	sshll.u32 s9, $0x6;
	[dreg:$0x4] =	wrdreg s16  }
0xa: {  	[dreg:$0x5] =	wrdreg s0;
	s17 =	ssub.s32 $0x2, s6;
	p0 =	seq.s32 s6, $0x1  }
0xb: {  	s16 =	simm.s32 $0x100;
	[dreg:$0xc] =	wrdreg s26;
	s11 =	sor.u32 $0x1C09, s26  }
0xc: {  	s26 =	simm.s32 $0x5;
	s8 =	simm.s32 $0x8;
	s7 =	sshrl.u32 s7, $0x3  }
0xd: {  	s18 =	sshrl.u32 s17, $0x1;
	s22 =	sshrl.u32 s19, $0x2;
	[dreg:$0xa] =	wrdreg s25  }
0xe: {  	s15 =	sadd.s32 s23, s3;
	s19 =	simm.s32 $0x1;
	s25 =	simm.s32 $0x9  }
0xf: {  	s10 =	sadd.s32 s3, s7;
	s0 =	ssub.s32 s17, s18;
	s6 =	sadd.s32 s22, s1  }
0x10: {  	s17 =	simm.s32 $0x200;
	s18 =	simm.s32 $0x300;
	s3 =	simm.s32 $0x3  }
0x11: {  	s7 =	simm.s32 $0x280;
	s20 =	sadd.s32 $0x20, s10;
	[dreg:$0x6] =	wrdreg s10  }
.Ltmp0:
0x12: {  	s21 =	sadd.s32 $0x40, s10;
	[dreg:$0x7] =	wrdreg s20;
	(pc) =	sbr.rel .LBB2_1-.Ltmp0, $4  }
0x13: {  	s22 =	simm.s32 $0x4;
	s24 =	sadd.s32 $0x60, s10;
	[dreg:$0x8] =	wrdreg s21  }
0x14: {  	s0 =	smax.u32 s0, $0x1;
	s10 =	simm.s32 $0x0;
	[dreg:$0x9] =	wrdreg s24  }
0x15: {  	[dreg:$0xb] =	wrdreg s0;
	s20 =	simm.s32 $0x80;
	s21 =	simm.s32 $0x400  }
0x16: {  	s24 =	sshrl.u32 s6, $0x3;
	s0 =	simm.s32 $0x7;
	s6 =	simm.s32 $0x380  }
.LBB2_8:
0x17: {  	s12 =	rddreg [dreg:$0x5];
	s23 =	smov.u32 s11  }
.LBB2_9:
0x18: {  	_ =	swait.ge [sflag:s8], $0x4000  }
0x19: {  	[sflag:s8] =	ssyncset.done $0x0  }
0x1a: {  	s9 =	rddreg [dreg:$0xa];
	[sflag:s8] =	ssyncadd.s32 $0xFFFFC000  }
0x1b: {  	s9 =	sadd.s32 s12, s9;
	[bflag:$0x0] =	sbarrier.arrive $0xFFFF  }
0x1c: {  	[hbm:s9], [sflag:s23] =	dma.local [spmem:s24], $0x2780  }
0x1d: {  	_ =	swait.ge [sflag:s25], $0x2780  }
0x1e: {  	s10 =	sadd.s32 $0x1, s10;
	s23 =	rddreg [dreg:$0xb]  }
0x1f: {  	p1 =	sne.s32 s10, s23  }
.Ltmp1:
0x20: {  	_ = 	snop;
	(pc) =	sbr.rel @!p1 .LBB2_10-.Ltmp1, $3  }
0x21: {  	_ =	sdelay $0x1  }
0x22: {  	[sflag:s25] =	ssyncset.done $0x0  }
0x23: {  	[sflag:s25] =	ssyncadd.s32 $0xFFFFD880  }
.LBB2_1:
0x24: {  	s9 =	rddreg [dreg:$0x6]  }
0x25: {  	[tilespmem:s2], [sflag:$0x1] =	stream.linear.gather [hbm4b:s9+s2], $0x100, $0x38;
	[tilespmem:$0x1C000] =	vst v63  }
0x26: {  	s13 =	rddreg [dreg:$0x7]  }
0x27: {  	[tilespmem:s16], [sflag:$0x2] =	stream.linear.gather [hbm4b:s13+s2], $0x100, $0x38;
	[tilespmem:$0x1C000] =	vst v63  }
0x28: {  	s14 =	rddreg [dreg:$0x8]  }
0x29: {  	[tilespmem:s17], [sflag:$0x3] =	stream.linear.gather [hbm4b:s14+s2], $0x100, $0x38;
	[tilespmem:$0x1C000] =	vst v63  }
.Ltmp2:
0x2a: {  	s23 =	rddreg [dreg:$0x9];
	(pc) =	sbr.rel @!p0 .LBB2_2-.Ltmp2, $4  }
0x2b: {  	[tilespmem:s18], [sflag:$0x4] =	stream.linear.gather [hbm4b:s23+s2], $0x100, $0x38;
	[tilespmem:$0x1C000] =	vst v63  }
0x2c: {  	_ =	swait.ge [sflag:s19], $0x100  }
0x2d: {  	[sflag:s19] =	ssyncset.done $0x0  }
0x2e: {  	s12 =	simm.s32 $0x0;
	[sflag:s19] =	ssyncadd.s32 $0xFFFFFF00  }
0x2f: {  	[tilespmem:s21], [sflag:$0x5] =	stream.indirect.gather [hbm4b:s5+s20], $0x80, s12, s20, $0xb8;
	[tilespmem:$0x1C000] =	vst v63  }
0x30: {  	s9 =	rddreg [dreg:$0x3]  }
0x31: {  	[spmem:s24], [sflag:s11] =	dma.local [hbm:s9], $0x2780  }
0x32: {  	_ =	swait.ge [sflag:s25], $0x2780  }
0x33: {  	[sflag:s25] =	ssyncset.done $0x0  }
0x34: {  	[sflag:s25] =	ssyncadd.s32 $0xFFFFD880  }
0x35: {  	[bflag:$0x0] =	sbarrier.arrive $0xFFFF  }
.LBB2_7:
0x36: {  	_ =	swait.ge [sflag:s26], $0x4000  }
0x37: {  	p1 =	seq.s32 s12, $0x0;
	[sflag:s26] =	ssyncset.done $0x0  }
0x38: {  	s9 =	simm.s32 @!p1 $0x8;
	[sflag:s26] =	ssyncadd.s32 $0xFFFFC000  }
0x39: {  	[spmem:s1] =	stream.indirect.scatter.add.f32 [tilespmem:s21], [sflag:$0x7], $0x80, s20, s20, $0xb8;
	[tilespmem:$0x1C000] =	vst v63  }
0x3a: {  	_ =	swait.ge @!p1 [sflag:s9], $0x4000  }
0x3b: {  	[sflag:s9] =	ssyncset.done @!p1 $0x0  }
0x3c: {  	[sflag:s9] =	ssyncadd.s32 @!p1 $0xFFFFC000;
	s9 =	sadd.s32 @!p1 s12, s15  }
0x3d: {  	s13 =	simm.s32 @!p1 $0x0;
	s14 =	simm.s32 @!p1 $0x300;
	s9 =	sadd.s32 @!p1 $0x60, s9  }
0x3e: {  	[tilespmem:s14], [sflag:$0x4] =	stream.linear.gather @!p1 [hbm4b:s9+s13], $0x100, $0x38;
	[tilespmem:$0x1C000] =	vst v63  }
0x3f: {  	_ =	swait.ge [sflag:s28], $0x100  }
0x40: {  	[sflag:s28] =	ssyncset.done $0x0  }
0x41: {  	[sflag:s28] =	ssyncadd.s32 $0xFFFFFF00  }
0x42: {  	[tilespmem:s29], [sflag:$0x6] =	stream.indirect.gather [hbm4b:s5+s20], $0x80, s16, s20, $0xb8;
	[tilespmem:$0x1C000] =	vst v63  }
0x43: {  	_ =	swait.ge [sflag:s30], $0x4000  }
0x44: {  	[sflag:s30] =	ssyncset.done $0x0  }
0x45: {  	[sflag:s30] =	ssyncadd.s32 $0xFFFFC000  }
0x46: {  	[spmem:s1] =	stream.indirect.scatter.add.f32 [tilespmem:s29], [sflag:$0x8], $0x80, s31, s20, $0xb8;
	[tilespmem:$0x1C000] =	vst v63  }
0x47: {  	p1 =	seq.s32 s12, $0x980;
	_ =	swait.ge [sflag:s0], $0x4000  }
0x48: {  	s9 =	sadd.s32 @!p1 s12, s15;
	[sflag:s0] =	ssyncset.done $0x0  }
0x49: {  	s14 =	simm.s32 @!p1 $0x0;
	s13 =	sadd.s32 @!p1 $0x80, s9;
	[sflag:s0] =	ssyncadd.s32 $0xFFFFC000  }
0x4a: {  	[tilespmem:s14], [sflag:$0x1] =	stream.linear.gather @!p1 [hbm4b:s13+s14], $0x100, $0x38;
	[tilespmem:$0x1C000] =	vst v63  }
0x4b: {  	_ =	swait.ge [sflag:s3], $0x100  }
0x4c: {  	[sflag:s3] =	ssyncset.done $0x0  }
0x4d: {  	[sflag:s3] =	ssyncadd.s32 $0xFFFFFF00  }
0x4e: {  	[tilespmem:s21], [sflag:$0x5] =	stream.indirect.gather [hbm4b:s5+s20], $0x80, s17, s20, $0xb8;
	[tilespmem:$0x1C000] =	vst v63  }
0x4f: {  	_ =	swait.ge [sflag:s26], $0x4000  }
0x50: {  	[sflag:s26] =	ssyncset.done $0x0  }
0x51: {  	[sflag:s26] =	ssyncadd.s32 $0xFFFFC000  }
0x52: {  	[spmem:s1] =	stream.indirect.scatter.add.f32 [tilespmem:s21], [sflag:$0x7], $0x80, s7, s20, $0xb8;
	[tilespmem:$0x1C000] =	vst v63  }
0x53: {  	_ =	swait.ge [sflag:s8], $0x4000  }
0x54: {  	[sflag:s8] =	ssyncset.done $0x0  }
0x55: {  	s9 =	sadd.s32 @!p1 $0xA0, s9;
	s13 =	simm.s32 @!p1 $0x100;
	[sflag:s8] =	ssyncadd.s32 $0xFFFFC000  }
0x56: {  	[tilespmem:s13], [sflag:$0x2] =	stream.linear.gather @!p1 [hbm4b:s9+s14], $0x100, $0x38;
	[tilespmem:$0x1C000] =	vst v63  }
0x57: {  	_ =	swait.ge [sflag:s22], $0x100  }
0x58: {  	[sflag:s22] =	ssyncset.done $0x0  }
0x59: {  	[sflag:s22] =	ssyncadd.s32 $0xFFFFFF00  }
0x5a: {  	[tilespmem:s29], [sflag:$0x6] =	stream.indirect.gather [hbm4b:s5+s20], $0x80, s18, s20, $0xb8;
	[tilespmem:$0x1C000] =	vst v63  }
0x5b: {  	_ =	swait.ge [sflag:s30], $0x4000  }
0x5c: {  	[sflag:s30] =	ssyncset.done $0x0  }
.Ltmp3:
0x5d: {  	[sflag:s30] =	ssyncadd.s32 $0xFFFFC000;
	(pc) =	sbr.rel @p1 .LBB2_8-.Ltmp3, $4  }
0x5e: {  	[spmem:s1] =	stream.indirect.scatter.add.f32 [tilespmem:s29], [sflag:$0x8], $0x80, s6, s20, $0xb8;
	[tilespmem:$0x1C000] =	vst v63  }
0x5f: {  	_ =	swait.ge [sflag:s0], $0x4000  }
0x60: {  	[sflag:s0] =	ssyncset.done $0x0  }
0x61: {  	[sflag:s0] =	ssyncadd.s32 $0xFFFFC000  }
0x62: {  	s9 =	sadd.s32 s12, s15  }
0x63: {  	s9 =	sadd.s32 $0xC0, s9  }
0x64: {  	[tilespmem:s17], [sflag:$0x3] =	stream.linear.gather [hbm4b:s9+s2], $0x100, $0x38;
	[tilespmem:$0x1C000] =	vst v63  }
.Ltmp4:
0x65: {  	_ = 	snop;
	(pc) =	sbr.rel .LBB2_7-.Ltmp4, $4  }
0x66: {  	_ =	swait.ge [sflag:s19], $0x100  }
0x67: {  	[sflag:s19] =	ssyncset.done $0x0  }
0x68: {  	s12 =	sadd.s32 $0x80, s12;
	[sflag:s19] =	ssyncadd.s32 $0xFFFFFF00  }
0x69: {  	[tilespmem:s21], [sflag:$0x5] =	stream.indirect.gather [hbm4b:s5+s20], $0x80, s2, s20, $0xb8;
	[tilespmem:$0x1C000] =	vst v63  }
.LBB2_2:
0x6a: {  	[tilespmem:s21], [sflag:$0x5] =	stream.indirect.gather [hbm4b:s4+s20], $0x80, s12, s20, $0xb8;
	[tilespmem:$0x1C000] =	vst v63  }
0x6b: {  	s9 =	rddreg [dreg:$0xc]  }
0x6c: {  	s14 =	rddreg [dreg:$0x3];
	s23 =	sor.u32 $0x1C09, s9  }
0x6d: {  	[spmem:s24], [sflag:s23] =	dma.local [hbm:s14], $0x2780  }
0x6e: {  	_ =	swait.ge [sflag:s25], $0x2780  }
0x6f: {  	[sflag:s25] =	ssyncset.done $0x0  }
0x70: {  	[sflag:s25] =	ssyncadd.s32 $0xFFFFD880  }
0x71: {  	[bflag:$0x0] =	sbarrier.arrive $0xFFFF  }
.LBB2_3:
0x72: {  	_ =	swait.ge [sflag:s26], $0x4000  }
0x73: {  	p1 =	seq.s32 s12, $0x0;
	[sflag:s26] =	ssyncset.done $0x0  }
0x74: {  	s13 =	simm.s32 @!p1 $0x8;
	[sflag:s26] =	ssyncadd.s32 $0xFFFFC000  }
0x75: {  	[spmem:s1] =	stream.indirect.scatter.add.f32 [tilespmem:s21], [sflag:$0x7], $0x80, s20, s20, $0xb8;
	[tilespmem:$0x1C000] =	vst v63  }
0x76: {  	_ =	swait.ge @!p1 [sflag:s13], $0x4000  }
0x77: {  	[sflag:s13] =	ssyncset.done @!p1 $0x0  }
0x78: {  	[sflag:s13] =	ssyncadd.s32 @!p1 $0xFFFFC000;
	s13 =	sadd.s32 @!p1 s12, s15  }
0x79: {  	s14 =	simm.s32 @!p1 $0x0;
	s9 =	simm.s32 @!p1 $0x300;
	s13 =	sadd.s32 @!p1 $0x60, s13  }
0x7a: {  	[tilespmem:s9], [sflag:$0x4] =	stream.linear.gather @!p1 [hbm4b:s13+s14], $0x100, $0x38;
	[tilespmem:$0x1C000] =	vst v63  }
0x7b: {  	_ =	swait.ge [sflag:s28], $0x100  }
0x7c: {  	[sflag:s28] =	ssyncset.done $0x0  }
0x7d: {  	[sflag:s28] =	ssyncadd.s32 $0xFFFFFF00  }
0x7e: {  	[tilespmem:s29], [sflag:$0x6] =	stream.indirect.gather [hbm4b:s4+s20], $0x80, s16, s20, $0xb8;
	[tilespmem:$0x1C000] =	vst v63  }
0x7f: {  	_ =	swait.ge [sflag:s30], $0x4000  }
0x80: {  	[sflag:s30] =	ssyncset.done $0x0  }
0x81: {  	[sflag:s30] =	ssyncadd.s32 $0xFFFFC000  }
0x82: {  	[spmem:s1] =	stream.indirect.scatter.add.f32 [tilespmem:s29], [sflag:$0x8], $0x80, s31, s20, $0xb8;
	[tilespmem:$0x1C000] =	vst v63  }
0x83: {  	p1 =	seq.s32 s12, $0x980;
	_ =	swait.ge [sflag:s0], $0x4000  }
0x84: {  	s9 =	sadd.s32 @!p1 s12, s15;
	[sflag:s0] =	ssyncset.done $0x0  }
0x85: {  	s14 =	simm.s32 @!p1 $0x0;
	s13 =	sadd.s32 @!p1 $0x80, s9;
	[sflag:s0] =	ssyncadd.s32 $0xFFFFC000  }
0x86: {  	[tilespmem:s14], [sflag:$0x1] =	stream.linear.gather @!p1 [hbm4b:s13+s14], $0x100, $0x38;
	[tilespmem:$0x1C000] =	vst v63  }
0x87: {  	_ =	swait.ge [sflag:s3], $0x100  }
0x88: {  	[sflag:s3] =	ssyncset.done $0x0  }
0x89: {  	[sflag:s3] =	ssyncadd.s32 $0xFFFFFF00  }
0x8a: {  	[tilespmem:s21], [sflag:$0x5] =	stream.indirect.gather [hbm4b:s4+s20], $0x80, s17, s20, $0xb8;
	[tilespmem:$0x1C000] =	vst v63  }
0x8b: {  	_ =	swait.ge [sflag:s26], $0x4000  }
0x8c: {  	[sflag:s26] =	ssyncset.done $0x0  }
0x8d: {  	[sflag:s26] =	ssyncadd.s32 $0xFFFFC000  }
0x8e: {  	[spmem:s1] =	stream.indirect.scatter.add.f32 [tilespmem:s21], [sflag:$0x7], $0x80, s7, s20, $0xb8;
	[tilespmem:$0x1C000] =	vst v63  }
0x8f: {  	_ =	swait.ge [sflag:s8], $0x4000  }
0x90: {  	[sflag:s8] =	ssyncset.done $0x0  }
0x91: {  	s9 =	sadd.s32 @!p1 $0xA0, s9;
	s13 =	simm.s32 @!p1 $0x100;
	[sflag:s8] =	ssyncadd.s32 $0xFFFFC000  }
0x92: {  	[tilespmem:s13], [sflag:$0x2] =	stream.linear.gather @!p1 [hbm4b:s9+s14], $0x100, $0x38;
	[tilespmem:$0x1C000] =	vst v63  }
0x93: {  	_ =	swait.ge [sflag:s22], $0x100  }
0x94: {  	[sflag:s22] =	ssyncset.done $0x0  }
0x95: {  	[sflag:s22] =	ssyncadd.s32 $0xFFFFFF00  }
0x96: {  	[tilespmem:s29], [sflag:$0x6] =	stream.indirect.gather [hbm4b:s4+s20], $0x80, s18, s20, $0xb8;
	[tilespmem:$0x1C000] =	vst v63  }
0x97: {  	_ =	swait.ge [sflag:s30], $0x4000  }
0x98: {  	[sflag:s30] =	ssyncset.done $0x0  }
.Ltmp5:
0x99: {  	[sflag:s30] =	ssyncadd.s32 $0xFFFFC000;
	(pc) =	sbr.rel @p1 .LBB2_4-.Ltmp5, $4  }
0x9a: {  	[spmem:s1] =	stream.indirect.scatter.add.f32 [tilespmem:s29], [sflag:$0x8], $0x80, s6, s20, $0xb8;
	[tilespmem:$0x1C000] =	vst v63  }
0x9b: {  	_ =	swait.ge [sflag:s0], $0x4000  }
0x9c: {  	[sflag:s0] =	ssyncset.done $0x0  }
0x9d: {  	[sflag:s0] =	ssyncadd.s32 $0xFFFFC000  }
0x9e: {  	s9 =	sadd.s32 s12, s15  }
0x9f: {  	s9 =	sadd.s32 $0xC0, s9  }
0xa0: {  	[tilespmem:s17], [sflag:$0x3] =	stream.linear.gather [hbm4b:s9+s2], $0x100, $0x38;
	[tilespmem:$0x1C000] =	vst v63  }
.Ltmp6:
0xa1: {  	_ = 	snop;
	(pc) =	sbr.rel .LBB2_3-.Ltmp6, $4  }
0xa2: {  	_ =	swait.ge [sflag:s19], $0x100  }
0xa3: {  	[sflag:s19] =	ssyncset.done $0x0  }
0xa4: {  	s12 =	sadd.s32 $0x80, s12;
	[sflag:s19] =	ssyncadd.s32 $0xFFFFFF00  }
0xa5: {  	[tilespmem:s21], [sflag:$0x5] =	stream.indirect.gather [hbm4b:s4+s20], $0x80, s2, s20, $0xb8;
	[tilespmem:$0x1C000] =	vst v63  }
.LBB2_4:
.Ltmp7:
0xa6: {  	(pc) =	sbr.rel .LBB2_9-.Ltmp7, $2  }
0xa7: {  	_ =	sdelay $0x2  }
0xa8: {  	s12 =	rddreg [dreg:$0x4]  }
.LBB2_10:
0xa9: {  	_ =	sfence.sel $0x180000  }
0xaa: {  	[bflag:$0x0] =	sbarrier.arrive $0xFFFF  }
0xab: {  	_ =	strace $0x9000004D  }
0xac: {  	s0 =	stileid.u32;
	[bflag:$0x2] =	sbarrier.arrive $0xFFFF  }
0xad: {  	p0 =	sne.s32 s0, $0x0;
	s0 =	rddreg [dreg:$0x2]  }
0xae: {  	s0 =	sadd.s32 @!p0 $0x100000, s0  }
0xaf: {  	[sflag:s0] =	ssyncadd.tile.s32 @!p0 $0x1;
	_ =	shalt  }
.Lfunc_end2:
_tile_overlayer_lowered:
.L_overlay_start_2:
0xb0: {  	(tag) =	ssettag $0x2  }
0xb1: {  	s0 =	rddreg [dreg:$0x0];
	s2 =	stileid.u32  }
0xb2: {  	s1 =	rddreg [dreg:$0x1];
	p0 =	sne.s32 s2, $0x0  }
0xb3: {  	s3 =	rddreg [dreg:$0x2];
	[bflag:$0x3] =	sbarrier.arrive $0xFFFF;
	s2 =	simm.s32 @!p0 $0x1C09  }
0xb4: {  	[timem:s3], [sflag:s2] =	dma.local @!p0 [hbm:s0], s1  }
0xb5: {  	s0 =	simm.s32 @!p0 $0x9  }
0xb6: {  	_ =	swait.ge @!p0 [sflag:s0], s1  }
0xb7: {  	s1 =	ssub.s32 @!p0 $0x0, s1;
	[sflag:s0] =	ssyncset.done @!p0 $0x0  }
0xb8: {  	[sflag:s0] =	ssyncadd.s32 @!p0 s1  }
0xb9: {  	[bflag:$0x3] =	sbarrier.arrive $0xFFFF  }
0xba: {  	_ =	shalt  }

// kernel: kernel.19.cloned.1.call-start
scs
__scs_entry_jumppad:
0x0: {  	(pc) =	sbr.rel $0x88, $3  }
0x1: {  	(tag) =	ssettag $0x0;
	lr =	simm.s32 $0x1  }
0x2: {  	[smem:$0x3F99] =	sst lr;
	_ =	strace $0xD0000000  }
0x3: {  	_ = 	snop  }
0x4: {  	_ = 	snop  }
0x5: {  	_ = 	snop  }
0x6: {  	_ = 	snop  }
0x7: {  	_ = 	snop  }
__scs_overlays_trampoline_lowered:
0x8: {  	[smem:$0x3FA8] =	sst s0  }
0x9: {  	[smem:$0x3FA9] =	sst s1  }
0xa: {  	[smem:$0x3FAA] =	sst s2  }
0xb: {  	[smem:$0x3FAB] =	sst s3  }
0xc: {  	[smem:$0x3FAC] =	sst s4  }
0xd: {  	[smem:$0x3FAD] =	sst s5  }
0xe: {  	[smem:$0x3FAE] =	sst s6  }
0xf: {  	[smem:$0x3FAF] =	sst s7  }
0x10: {  	[smem:$0x3FB0] =	sst s8  }
0x11: {  	[smem:$0x3FB1] =	sst s9;
	s0 =	simm.s32 @!p0 $0x0  }
0x12: {  	s1 =	sld [smem:$0x3F97];
	s0 =	simm.s32 @p0 $0x1  }
0x13: {  	[smem:$0x3FB2] =	sst s0;
	s0 =	simm.s32 @!p1 $0x0  }
0x14: {  	s2 =	sld [smem:$0x3F96];
	s0 =	simm.s32 @p1 $0x1  }
0x15: {  	[smem:$0x3FB3] =	sst s0;
	s0 =	simm.s32 @!p2 $0x0  }
0x16: {  	s3 =	sld [smem:$0x3FDB];
	s0 =	simm.s32 @p2 $0x1  }
0x17: {  	s4 =	simm.s32 $0x1BF5;
	[smem:$0x3FB5] =	sst s0  }
0x18: {  	s0 =	sld [smem:$0x3F98];
	_ =	swait.ge [sflag:s4], $0x0  }
0x19: {  	s7 =	sld [smem:$0x3F99]  }
0x1a: {  	s8 =	sadd.s32 $0xFFFFE003, lr  }
0x1b: {  	s9 =	sadd.s32 $0xFFFFFEF7, lr;
	s5 =	simm.s32 $0xFFFFFFFF;
	p2 =	slt.u32 s8, $0xFFFFF086  }
0x1c: {  	p1 =	slt.u32 s9, $0xF7A;
	s5 =	simm.s32 @!p2 $0x0  }
0x1d: {  	s5 =	simm.s32 @p1 $0x1;
	p0 =	seq.s32 s7, s2  }
0x1e: {  	s7 =	smul.u32 @!p0 $0xF7A, s2;
	p2 =	seq.s32 @!p0 s5, $0x0  }
0x1f: {  	s9 =	smul.u32 $0xF7A, s1;
	s8 =	simm.s32 @!p0 $0x1BF5;
	p2 =	por !p2, p0  }
0x20: {  	[sflag:s8] =	ssyncset.s32 @!p0 $0xFFFFF086;
	s6 =	sadd.s32 @!p0 s3, s7;
	s7 =	simm.s32 @!p0 $0x108  }
0x21: {  	s3 =	sadd.s32 s3, s9;
	s6 =	sadd.s32 @!p0 $0x88, s6;
	s7 =	simm.s32 @p2 $0x1082  }
0x22: {  	[simem:s7], [sflag:s8] =	dma.local @!p0 [hbm:s6], $0xF7A  }
0x23: {  	s9 =	sor.u32 $0xD0000000, s2;
	s6 =	simm.s32 $0x108;
	_ =	swait.ge @!p0 [sflag:s8], $0x0  }
0x24: {  	s3 =	sadd.s32 $0x88, s3;
	s6 =	simm.s32 @!p1 $0x1082;
	[sflag:s4] =	ssyncset.s32 $0xFFFFF086  }
0x25: {  	[simem:s6], [sflag:s4] =	dma.local [hbm:s3], $0xF7A  }
0x26: {  	[smem:$0x3F99] =	sst s1;
	(tag) =	ssettag s2;
	_ =	strace s9  }
0x27: {  	s1 =	sld [smem:$0x3FA9]  }
0x28: {  	s2 =	sld [smem:$0x3FAA]  }
0x29: {  	s4 =	sld [smem:$0x3FAC]  }
0x2a: {  	p0 =	seq.s32 s5, $0x0;
	s5 =	sld [smem:$0x3FAD]  }
0x2b: {  	s6 =	sld [smem:$0x3FAE]  }
0x2c: {  	s7 =	sld [smem:$0x3FAF]  }
0x2d: {  	s3 =	simm.s32 $0x108;
	s8 =	sld [smem:$0x3FB0]  }
0x2e: {  	s3 =	simm.s32 @!p0 $0x1082;
	s9 =	sld [smem:$0x3FB1]  }
0x2f: {  	lr =	sadd.s32 s0, s3;
	s0 =	sld [smem:$0x3FA8]  }
0x30: {  	s3 =	sld [smem:$0x3FAB]  }
0x31: {  	[smem:$0x3FB4] =	sst s10  }
0x32: {  	s10 =	sld [smem:$0x3FB2];
	_ =	sdelay $0x3  }
0x33: {  	p0 =	seq.s32 s10, $0x1;
	s10 =	sld [smem:$0x3FB4];
	_ =	sdelay $0x3  }
0x34: {  	[smem:$0x3FB4] =	sst s10  }
0x35: {  	s10 =	sld [smem:$0x3FB3];
	_ =	sdelay $0x3  }
0x36: {  	p1 =	seq.s32 s10, $0x1;
	s10 =	sld [smem:$0x3FB4];
	_ =	sdelay $0x3  }
0x37: {  	[smem:$0x3FB4] =	sst s10  }
0x38: {  	s10 =	sld [smem:$0x3FB5]  }
0x39: {  	_ = 	snop;
	(pc) =	sbr.ind lr, $3  }
0x3a: {  	_ = 	snop  }
0x3b: {  	_ = 	snop  }
0x3c: {  	p2 =	seq.s32 s10, $0x1;
	s10 =	sld [smem:$0x3FB4]  }
0x3d: {  	_ =	shalt  }
0x3e: {  	_ =	shalt  }
0x3f: {  	_ =	shalt  }
0x40: {  	_ =	shalt  }
0x41: {  	_ =	shalt  }
0x42: {  	_ =	shalt  }
0x43: {  	_ =	shalt  }
0x44: {  	_ =	shalt  }
0x45: {  	_ =	shalt  }
0x46: {  	_ =	shalt  }
0x47: {  	_ =	shalt  }
0x48: {  	_ =	shalt  }
0x49: {  	_ =	shalt  }
0x4a: {  	_ =	shalt  }
0x4b: {  	_ =	shalt  }
0x4c: {  	_ =	shalt  }
0x4d: {  	_ =	shalt  }
0x4e: {  	_ =	shalt  }
0x4f: {  	_ =	shalt  }
0x50: {  	_ =	shalt  }
0x51: {  	_ =	shalt  }
0x52: {  	_ =	shalt  }
0x53: {  	_ =	shalt  }
0x54: {  	_ =	shalt  }
0x55: {  	_ =	shalt  }
0x56: {  	_ =	shalt  }
0x57: {  	_ =	shalt  }
0x58: {  	_ =	shalt  }
0x59: {  	_ =	shalt  }
0x5a: {  	_ =	shalt  }
0x5b: {  	_ =	shalt  }
0x5c: {  	_ =	shalt  }
0x5d: {  	_ =	shalt  }
0x5e: {  	_ =	shalt  }
0x5f: {  	_ =	shalt  }
0x60: {  	_ =	shalt  }
0x61: {  	_ =	shalt  }
0x62: {  	_ =	shalt  }
0x63: {  	_ =	shalt  }
0x64: {  	_ =	shalt  }
0x65: {  	_ =	shalt  }
0x66: {  	_ =	shalt  }
0x67: {  	_ =	shalt  }
0x68: {  	_ =	shalt  }
0x69: {  	_ =	shalt  }
0x6a: {  	_ =	shalt  }
0x6b: {  	_ =	shalt  }
0x6c: {  	_ =	shalt  }
0x6d: {  	_ =	shalt  }
0x6e: {  	_ =	shalt  }
0x6f: {  	_ =	shalt  }
0x70: {  	_ =	shalt  }
0x71: {  	_ =	shalt  }
0x72: {  	_ =	shalt  }
0x73: {  	_ =	shalt  }
0x74: {  	_ =	shalt  }
0x75: {  	_ =	shalt  }
0x76: {  	_ =	shalt  }
0x77: {  	_ =	shalt  }
0x78: {  	_ =	shalt  }
0x79: {  	_ =	shalt  }
0x7a: {  	_ =	shalt  }
0x7b: {  	_ =	shalt  }
0x7c: {  	_ =	shalt  }
0x7d: {  	_ =	shalt  }
0x7e: {  	_ =	shalt  }
0x7f: {  	_ =	shalt  }
0x80: {  	_ =	shalt  }
0x81: {  	_ =	shalt  }
0x82: {  	_ =	shalt  }
0x83: {  	_ =	shalt  }
0x84: {  	_ =	shalt  }
0x85: {  	_ =	shalt  }
0x86: {  	_ =	shalt  }
0x87: {  	_ =	shalt  }
.Lfunc_end0:
.L_simem_size_0:
called_computation.3_lowered:
.L_overlay_start_0:
0x88: {  	s2 =	sld [smem:$0x3FD9]  }
0x89: {  	s3 =	sld [smem:$0x3FFE];
	_ =	sdelay $0x1  }
0x8a: {  	s1 =	srdreg.scid  }
0x8b: {  	s0 =	sand.u32 $0x1, s1  }
0x8c: {  	s16 =	sshll.u32 s0, $0xA;
	s2 =	sadd.s32 s3, s2  }
0x8d: {  	s2 =	sadd.s32 s2, s16  }
0x8e: {  	[smem:$0x3FC0] =	sst s2  }
0x8f: {  	_ = 	snop  }
0x90: {  	(tm) =	ssettm $0x1  }
0x91: {  	s17 =	sld [smem:$0x3FFB];
	_ =	sdelay $0x3  }
0x92: {  	_ =	strace s17  }
0x93: {  	s2 =	sld [smem:$0x3FFC];
	_ =	sdelay $0x3  }
0x94: {  	_ =	strace s2  }
0x95: {  	s2 =	sld [smem:$0x3FFD];
	_ =	sdelay $0x3  }
0x96: {  	_ =	strace s2  }
0x97: {  	_ =	strace $0x8FFFFFFF  }
0x98: {  	s18 =	sld [smem:$0x3FDB];
	_ =	sdelay $0x1  }
0x99: {  	s19 =	simm.s32 $_scs_section_size  }
0x9a: {  	s4 =	simm.s32 $_size__tile_overlayer_lowered;
	s5 =	simm.s32 $_tile_overlayer_lowered  }
0x9b: {  	s22 =	simm.s32 $0x1BFF;
	s21 =	sshll.u32 s5, $0x1;
	s2 =	sadd.s32 s19, s18  }
0x9c: {  	s6 =	simm.s32 $0x0;
	s20 =	sshll.u32 s4, $0x1;
	s4 =	sadd.s32 s21, s2  }
0x9d: {  	[timem:s6], [sflag:s22] =	dma.local [hbm:s4], s20  }
0x9e: {  	_ =	swait.ge [sflag:s22], s20  }
0x9f: {  	s3 =	ssub.s32 $0x0, s20;
	[sflag:s22] =	ssyncset.done $0x0  }
0xa0: {  	[sflag:s22] =	ssyncadd.s32 s3;
	_ =	sdelay $0x1  }
0xa1: {  	s23 =	simm.s32 $0x1B8B  }
0xa2: {  	_ =	swait.ge [sflag:s23], $0x1  }
0xa3: {  	[sflag:s23] =	ssyncset.done $0x0  }
0xa4: {  	s25 =	simm.s32 $0x1B8E;
	s24 =	sld [smem:$0x3FFE];
	[sflag:s23] =	ssyncadd.s32 $0xFFFFFFFF  }
0xa5: {  	s26 =	simm.s32 $execute0_lowered;
	[smem:$0x3FD2] =	sst s25  }
0xa6: {  	s4 =	sshll.u32 s26, $0x1;
	_ =	strace $0x8000004F;
	[dreg:$0x1] =	wrdreg $0xFFFFFFFF  }
0xa7: {  	s28 =	simm.s32 $_size_execute0_lowered;
	s2 =	sadd.s32 s2, s4;
	[dreg:$0x0] =	wrdreg $0x0  }
0xa8: {  	s4 =	sshll.u32 s28, $0x1;
	[dreg:$0x2] =	wrdreg s2  }
0xa9: {  	[dreg:$0x3] =	wrdreg s4  }
0xaa: {  	[dreg:$0x4] =	wrdreg $0xC0  }
0xab: {  	_ =	task [dreg:s6], $0x5FFFF  }
0xac: {  	[dreg:$0x1] =	wrdreg $0xFFFFFFFF  }
0xad: {  	[dreg:$0x0] =	wrdreg $0x60  }
0xae: {  	[dreg:$0x2] =	wrdreg s24  }
0xaf: {  	[dreg:$0x3] =	wrdreg $0x84000  }
0xb0: {  	[dreg:$0x4] =	wrdreg $0x9  }
0xb1: {  	_ =	task.clear_ibuf [dreg:s6], $0x5FFFF;
	_ =	strace $0x9000004F  }
0xb2: {  	s29 =	simm.s32 $0x9;
	_ =	strace $0x80000051  }
0xb3: {  	_ =	swait.ge [sflag:s29], $0x1  }
0xb4: {  	[sflag:s29] =	ssyncadd.s32 $0xFFFFFFFF  }
0xb5: {  	_ =	strace $0x90000051  }
0xb6: {  	_ =	sfence  }
0xb7: {  	s30 =	sld [smem:$0x0];
	_ =	sdelay $0x2  }
0xb8: {  	s31 =	sshll.u32 s1, $0xD;
	s1 =	sshrl.u32 s1, $0x2  }
0xb9: {  	s3 =	sand.u32 $0x4000, s31;
	s1 =	sadd.s32 s1, s30  }
0xba: {  	s0 =	sor.u32 s3, s0;
	s1 =	sshll.u32 s1, $0x11  }
0xbb: {  	s0 =	sor.u32 s1, s0  }
0xbc: {  	s0 =	sadd.s32 $0x8F2B, s0  }
0xbd: {  	[sflag:s0] =	ssyncadd.remote.s32 $0x1  }
0xbe: {  	_ =	sfence.sel $0xFFFF  }
0xbf: {  	[dreg:$0x0] =	wrdreg $0xFFFFFFFF;
	(pc) =	sbr.abs _section_cstart, $3  }
0xc0: {  	[dreg:$0x1] =	wrdreg $0xFFFFFFFF  }
0xc1: {  	_ =	task.clear_ibuf [dreg:s6], $0x2FFFF;
	_ =	strace $0x9FFFFFFF  }
0xc2: {  	(tm) =	ssettm $0x7FFFFFFF  }
0xc3: {  	_ =	shalt  }
tec
execute0_lowered:
.L_overlay_start_1:
0x0: {  	(tag) =	ssettag $0x1  }
0x1: {  	s0 =	rddreg [dreg:$0x0]  }
0x2: {  	s1 =	rddreg [dreg:$0x1];
	s2 =	simm.s32 $0x0;
	s9 =	stileid.u32  }
0x3: {  	s6 =	srdreg.scid;
	s28 =	simm.s32 $0x2;
	s29 =	simm.s32 $0x4400  }
0x4: {  	s30 =	simm.s32 $0x6;
	s31 =	simm.s32 $0x180;
	[smem:$0x7FF] =	sst s2  }
0x5: {  	s3 =	sadd.s32 $0x4C00, s0;
	s4 =	sadd.s32 $0x5D000, s0;
	s5 =	sadd.s32 $0x84200, s0  }
0x6: {  	s7 =	smul.u32 $0x5000, s9;
	s8 =	sadd.s32 $0xAB400, s0;
	s16 =	sadd.s32 $0xADC00, s0  }
0x7: {  	s6 =	sand.u32 $0x1, s6;
	s0 =	sadd.s32 $0xD5400, s0;
	s19 =	smul.u32 $0x4F000, s9  }
0x8: {  	s23 =	smul.u32 $0xA00, s9;
	_ =	strace $0x80000050;
	[dreg:$0x3] =	wrdreg s8  }
0x9: {  	s25 =	smul.u32 $0x2780, s9;
	s26 =	sshll.u32 s9, $0x6;
	[dreg:$0x4] =	wrdreg s16  }
0xa: {  	[dreg:$0x5] =	wrdreg s0;
	s17 =	ssub.s32 $0x2, s6;
	p0 =	seq.s32 s6, $0x1  }
0xb: {  	s16 =	simm.s32 $0x100;
	[dreg:$0xc] =	wrdreg s26;
	s11 =	sor.u32 $0x1C09, s26  }
0xc: {  	s26 =	simm.s32 $0x5;
	s8 =	simm.s32 $0x8;
	s7 =	sshrl.u32 s7, $0x3  }
0xd: {  	s18 =	sshrl.u32 s17, $0x1;
	s22 =	sshrl.u32 s19, $0x2;
	[dreg:$0xa] =	wrdreg s25  }
0xe: {  	s15 =	sadd.s32 s23, s3;
	s19 =	simm.s32 $0x1;
	s25 =	simm.s32 $0x9  }
0xf: {  	s10 =	sadd.s32 s3, s7;
	s0 =	ssub.s32 s17, s18;
	s6 =	sadd.s32 s22, s1  }
0x10: {  	s17 =	simm.s32 $0x200;
	s18 =	simm.s32 $0x300;
	s3 =	simm.s32 $0x3  }
0x11: {  	s7 =	simm.s32 $0x280;
	s20 =	sadd.s32 $0x20, s10;
	[dreg:$0x6] =	wrdreg s10  }
.Ltmp0:
0x12: {  	s21 =	sadd.s32 $0x40, s10;
	[dreg:$0x7] =	wrdreg s20;
	(pc) =	sbr.rel .LBB2_1-.Ltmp0, $4  }
0x13: {  	s22 =	simm.s32 $0x4;
	s24 =	sadd.s32 $0x60, s10;
	[dreg:$0x8] =	wrdreg s21  }
0x14: {  	s0 =	smax.u32 s0, $0x1;
	s10 =	simm.s32 $0x0;
	[dreg:$0x9] =	wrdreg s24  }
0x15: {  	[dreg:$0xb] =	wrdreg s0;
	s20 =	simm.s32 $0x80;
	s21 =	simm.s32 $0x400  }
0x16: {  	s24 =	sshrl.u32 s6, $0x3;
	s0 =	simm.s32 $0x7;
	s6 =	simm.s32 $0x380  }
.LBB2_8:
0x17: {  	s12 =	rddreg [dreg:$0x5];
	s23 =	smov.u32 s11  }
.LBB2_9:
0x18: {  	_ =	swait.ge [sflag:s8], $0x4000  }
0x19: {  	[sflag:s8] =	ssyncset.done $0x0  }
0x1a: {  	s9 =	rddreg [dreg:$0xa];
	[sflag:s8] =	ssyncadd.s32 $0xFFFFC000  }
0x1b: {  	s9 =	sadd.s32 s12, s9;
	[bflag:$0x0] =	sbarrier.arrive $0xFFFF  }
0x1c: {  	[hbm:s9], [sflag:s23] =	dma.local [spmem:s24], $0x2780  }
0x1d: {  	_ =	swait.ge [sflag:s25], $0x2780  }
0x1e: {  	s10 =	sadd.s32 $0x1, s10;
	s23 =	rddreg [dreg:$0xb]  }
0x1f: {  	p1 =	sne.s32 s10, s23  }
.Ltmp1:
0x20: {  	_ = 	snop;
	(pc) =	sbr.rel @!p1 .LBB2_10-.Ltmp1, $3  }
0x21: {  	_ =	sdelay $0x1  }
0x22: {  	[sflag:s25] =	ssyncset.done $0x0  }
0x23: {  	[sflag:s25] =	ssyncadd.s32 $0xFFFFD880  }
.LBB2_1:
0x24: {  	s9 =	rddreg [dreg:$0x6]  }
0x25: {  	[tilespmem:s2], [sflag:$0x1] =	stream.linear.gather [hbm4b:s9+s2], $0x100, $0x38;
	[tilespmem:$0x1C000] =	vst v63  }
0x26: {  	s13 =	rddreg [dreg:$0x7]  }
0x27: {  	[tilespmem:s16], [sflag:$0x2] =	stream.linear.gather [hbm4b:s13+s2], $0x100, $0x38;
	[tilespmem:$0x1C000] =	vst v63  }
0x28: {  	s14 =	rddreg [dreg:$0x8]  }
0x29: {  	[tilespmem:s17], [sflag:$0x3] =	stream.linear.gather [hbm4b:s14+s2], $0x100, $0x38;
	[tilespmem:$0x1C000] =	vst v63  }
.Ltmp2:
0x2a: {  	s23 =	rddreg [dreg:$0x9];
	(pc) =	sbr.rel @!p0 .LBB2_2-.Ltmp2, $4  }
0x2b: {  	[tilespmem:s18], [sflag:$0x4] =	stream.linear.gather [hbm4b:s23+s2], $0x100, $0x38;
	[tilespmem:$0x1C000] =	vst v63  }
0x2c: {  	_ =	swait.ge [sflag:s19], $0x100  }
0x2d: {  	[sflag:s19] =	ssyncset.done $0x0  }
0x2e: {  	s12 =	simm.s32 $0x0;
	[sflag:s19] =	ssyncadd.s32 $0xFFFFFF00  }
0x2f: {  	[tilespmem:s21], [sflag:$0x5] =	stream.indirect.gather [hbm4b:s5+s20], $0x80, s12, s20, $0xb8;
	[tilespmem:$0x1C000] =	vst v63  }
0x30: {  	s9 =	rddreg [dreg:$0x3]  }
0x31: {  	[spmem:s24], [sflag:s11] =	dma.local [hbm:s9], $0x2780  }
0x32: {  	_ =	swait.ge [sflag:s25], $0x2780  }
0x33: {  	[sflag:s25] =	ssyncset.done $0x0  }
0x34: {  	[sflag:s25] =	ssyncadd.s32 $0xFFFFD880  }
0x35: {  	[bflag:$0x0] =	sbarrier.arrive $0xFFFF  }
.LBB2_7:
0x36: {  	_ =	swait.ge [sflag:s26], $0x4000  }
0x37: {  	p1 =	seq.s32 s12, $0x0;
	[sflag:s26] =	ssyncset.done $0x0  }
0x38: {  	s9 =	simm.s32 @!p1 $0x8;
	[sflag:s26] =	ssyncadd.s32 $0xFFFFC000  }
0x39: {  	[spmem:s1] =	stream.indirect.scatter.add.f32 [tilespmem:s21], [sflag:$0x7], $0x80, s20, s20, $0xb8;
	[tilespmem:$0x1C000] =	vst v63  }
0x3a: {  	_ =	swait.ge @!p1 [sflag:s9], $0x4000  }
0x3b: {  	[sflag:s9] =	ssyncset.done @!p1 $0x0  }
0x3c: {  	[sflag:s9] =	ssyncadd.s32 @!p1 $0xFFFFC000;
	s9 =	sadd.s32 @!p1 s12, s15  }
0x3d: {  	s13 =	simm.s32 @!p1 $0x0;
	s14 =	simm.s32 @!p1 $0x300;
	s9 =	sadd.s32 @!p1 $0x60, s9  }
0x3e: {  	[tilespmem:s14], [sflag:$0x4] =	stream.linear.gather @!p1 [hbm4b:s9+s13], $0x100, $0x38;
	[tilespmem:$0x1C000] =	vst v63  }
0x3f: {  	_ =	swait.ge [sflag:s28], $0x100  }
0x40: {  	[sflag:s28] =	ssyncset.done $0x0  }
0x41: {  	[sflag:s28] =	ssyncadd.s32 $0xFFFFFF00  }
0x42: {  	[tilespmem:s29], [sflag:$0x6] =	stream.indirect.gather [hbm4b:s5+s20], $0x80, s16, s20, $0xb8;
	[tilespmem:$0x1C000] =	vst v63  }
0x43: {  	_ =	swait.ge [sflag:s30], $0x4000  }
0x44: {  	[sflag:s30] =	ssyncset.done $0x0  }
0x45: {  	[sflag:s30] =	ssyncadd.s32 $0xFFFFC000  }
0x46: {  	[spmem:s1] =	stream.indirect.scatter.add.f32 [tilespmem:s29], [sflag:$0x8], $0x80, s31, s20, $0xb8;
	[tilespmem:$0x1C000] =	vst v63  }
0x47: {  	p1 =	seq.s32 s12, $0x980;
	_ =	swait.ge [sflag:s0], $0x4000  }
0x48: {  	s9 =	sadd.s32 @!p1 s12, s15;
	[sflag:s0] =	ssyncset.done $0x0  }
0x49: {  	s14 =	simm.s32 @!p1 $0x0;
	s13 =	sadd.s32 @!p1 $0x80, s9;
	[sflag:s0] =	ssyncadd.s32 $0xFFFFC000  }
0x4a: {  	[tilespmem:s14], [sflag:$0x1] =	stream.linear.gather @!p1 [hbm4b:s13+s14], $0x100, $0x38;
	[tilespmem:$0x1C000] =	vst v63  }
0x4b: {  	_ =	swait.ge [sflag:s3], $0x100  }
0x4c: {  	[sflag:s3] =	ssyncset.done $0x0  }
0x4d: {  	[sflag:s3] =	ssyncadd.s32 $0xFFFFFF00  }
0x4e: {  	[tilespmem:s21], [sflag:$0x5] =	stream.indirect.gather [hbm4b:s5+s20], $0x80, s17, s20, $0xb8;
	[tilespmem:$0x1C000] =	vst v63  }
0x4f: {  	_ =	swait.ge [sflag:s26], $0x4000  }
0x50: {  	[sflag:s26] =	ssyncset.done $0x0  }
0x51: {  	[sflag:s26] =	ssyncadd.s32 $0xFFFFC000  }
0x52: {  	[spmem:s1] =	stream.indirect.scatter.add.f32 [tilespmem:s21], [sflag:$0x7], $0x80, s7, s20, $0xb8;
	[tilespmem:$0x1C000] =	vst v63  }
0x53: {  	_ =	swait.ge [sflag:s8], $0x4000  }
0x54: {  	[sflag:s8] =	ssyncset.done $0x0  }
0x55: {  	s9 =	sadd.s32 @!p1 $0xA0, s9;
	s13 =	simm.s32 @!p1 $0x100;
	[sflag:s8] =	ssyncadd.s32 $0xFFFFC000  }
0x56: {  	[tilespmem:s13], [sflag:$0x2] =	stream.linear.gather @!p1 [hbm4b:s9+s14], $0x100, $0x38;
	[tilespmem:$0x1C000] =	vst v63  }
0x57: {  	_ =	swait.ge [sflag:s22], $0x100  }
0x58: {  	[sflag:s22] =	ssyncset.done $0x0  }
0x59: {  	[sflag:s22] =	ssyncadd.s32 $0xFFFFFF00  }
0x5a: {  	[tilespmem:s29], [sflag:$0x6] =	stream.indirect.gather [hbm4b:s5+s20], $0x80, s18, s20, $0xb8;
	[tilespmem:$0x1C000] =	vst v63  }
0x5b: {  	_ =	swait.ge [sflag:s30], $0x4000  }
0x5c: {  	[sflag:s30] =	ssyncset.done $0x0  }
.Ltmp3:
0x5d: {  	[sflag:s30] =	ssyncadd.s32 $0xFFFFC000;
	(pc) =	sbr.rel @p1 .LBB2_8-.Ltmp3, $4  }
0x5e: {  	[spmem:s1] =	stream.indirect.scatter.add.f32 [tilespmem:s29], [sflag:$0x8], $0x80, s6, s20, $0xb8;
	[tilespmem:$0x1C000] =	vst v63  }
0x5f: {  	_ =	swait.ge [sflag:s0], $0x4000  }
0x60: {  	[sflag:s0] =	ssyncset.done $0x0  }
0x61: {  	[sflag:s0] =	ssyncadd.s32 $0xFFFFC000  }
0x62: {  	s9 =	sadd.s32 s12, s15  }
0x63: {  	s9 =	sadd.s32 $0xC0, s9  }
0x64: {  	[tilespmem:s17], [sflag:$0x3] =	stream.linear.gather [hbm4b:s9+s2], $0x100, $0x38;
	[tilespmem:$0x1C000] =	vst v63  }
.Ltmp4:
0x65: {  	_ = 	snop;
	(pc) =	sbr.rel .LBB2_7-.Ltmp4, $4  }
0x66: {  	_ =	swait.ge [sflag:s19], $0x100  }
0x67: {  	[sflag:s19] =	ssyncset.done $0x0  }
0x68: {  	s12 =	sadd.s32 $0x80, s12;
	[sflag:s19] =	ssyncadd.s32 $0xFFFFFF00  }
0x69: {  	[tilespmem:s21], [sflag:$0x5] =	stream.indirect.gather [hbm4b:s5+s20], $0x80, s2, s20, $0xb8;
	[tilespmem:$0x1C000] =	vst v63  }
.LBB2_2:
0x6a: {  	[tilespmem:s21], [sflag:$0x5] =	stream.indirect.gather [hbm4b:s4+s20], $0x80, s12, s20, $0xb8;
	[tilespmem:$0x1C000] =	vst v63  }
0x6b: {  	s9 =	rddreg [dreg:$0xc]  }
0x6c: {  	s14 =	rddreg [dreg:$0x3];
	s23 =	sor.u32 $0x1C09, s9  }
0x6d: {  	[spmem:s24], [sflag:s23] =	dma.local [hbm:s14], $0x2780  }
0x6e: {  	_ =	swait.ge [sflag:s25], $0x2780  }
0x6f: {  	[sflag:s25] =	ssyncset.done $0x0  }
0x70: {  	[sflag:s25] =	ssyncadd.s32 $0xFFFFD880  }
0x71: {  	[bflag:$0x0] =	sbarrier.arrive $0xFFFF  }
.LBB2_3:
0x72: {  	_ =	swait.ge [sflag:s26], $0x4000  }
0x73: {  	p1 =	seq.s32 s12, $0x0;
	[sflag:s26] =	ssyncset.done $0x0  }
0x74: {  	s13 =	simm.s32 @!p1 $0x8;
	[sflag:s26] =	ssyncadd.s32 $0xFFFFC000  }
0x75: {  	[spmem:s1] =	stream.indirect.scatter.add.f32 [tilespmem:s21], [sflag:$0x7], $0x80, s20, s20, $0xb8;
	[tilespmem:$0x1C000] =	vst v63  }
0x76: {  	_ =	swait.ge @!p1 [sflag:s13], $0x4000  }
0x77: {  	[sflag:s13] =	ssyncset.done @!p1 $0x0  }
0x78: {  	[sflag:s13] =	ssyncadd.s32 @!p1 $0xFFFFC000;
	s13 =	sadd.s32 @!p1 s12, s15  }
0x79: {  	s14 =	simm.s32 @!p1 $0x0;
	s9 =	simm.s32 @!p1 $0x300;
	s13 =	sadd.s32 @!p1 $0x60, s13  }
0x7a: {  	[tilespmem:s9], [sflag:$0x4] =	stream.linear.gather @!p1 [hbm4b:s13+s14], $0x100, $0x38;
	[tilespmem:$0x1C000] =	vst v63  }
0x7b: {  	_ =	swait.ge [sflag:s28], $0x100  }
0x7c: {  	[sflag:s28] =	ssyncset.done $0x0  }
0x7d: {  	[sflag:s28] =	ssyncadd.s32 $0xFFFFFF00  }
0x7e: {  	[tilespmem:s29], [sflag:$0x6] =	stream.indirect.gather [hbm4b:s4+s20], $0x80, s16, s20, $0xb8;
	[tilespmem:$0x1C000] =	vst v63  }
0x7f: {  	_ =	swait.ge [sflag:s30], $0x4000  }
0x80: {  	[sflag:s30] =	ssyncset.done $0x0  }
0x81: {  	[sflag:s30] =	ssyncadd.s32 $0xFFFFC000  }
0x82: {  	[spmem:s1] =	stream.indirect.scatter.add.f32 [tilespmem:s29], [sflag:$0x8], $0x80, s31, s20, $0xb8;
	[tilespmem:$0x1C000] =	vst v63  }
0x83: {  	p1 =	seq.s32 s12, $0x980;
	_ =	swait.ge [sflag:s0], $0x4000  }
0x84: {  	s9 =	sadd.s32 @!p1 s12, s15;
	[sflag:s0] =	ssyncset.done $0x0  }
0x85: {  	s14 =	simm.s32 @!p1 $0x0;
	s13 =	sadd.s32 @!p1 $0x80, s9;
	[sflag:s0] =	ssyncadd.s32 $0xFFFFC000  }
0x86: {  	[tilespmem:s14], [sflag:$0x1] =	stream.linear.gather @!p1 [hbm4b:s13+s14], $0x100, $0x38;
	[tilespmem:$0x1C000] =	vst v63  }
0x87: {  	_ =	swait.ge [sflag:s3], $0x100  }
0x88: {  	[sflag:s3] =	ssyncset.done $0x0  }
0x89: {  	[sflag:s3] =	ssyncadd.s32 $0xFFFFFF00  }
0x8a: {  	[tilespmem:s21], [sflag:$0x5] =	stream.indirect.gather [hbm4b:s4+s20], $0x80, s17, s20, $0xb8;
	[tilespmem:$0x1C000] =	vst v63  }
0x8b: {  	_ =	swait.ge [sflag:s26], $0x4000  }
0x8c: {  	[sflag:s26] =	ssyncset.done $0x0  }
0x8d: {  	[sflag:s26] =	ssyncadd.s32 $0xFFFFC000  }
0x8e: {  	[spmem:s1] =	stream.indirect.scatter.add.f32 [tilespmem:s21], [sflag:$0x7], $0x80, s7, s20, $0xb8;
	[tilespmem:$0x1C000] =	vst v63  }
0x8f: {  	_ =	swait.ge [sflag:s8], $0x4000  }
0x90: {  	[sflag:s8] =	ssyncset.done $0x0  }
0x91: {  	s9 =	sadd.s32 @!p1 $0xA0, s9;
	s13 =	simm.s32 @!p1 $0x100;
	[sflag:s8] =	ssyncadd.s32 $0xFFFFC000  }
0x92: {  	[tilespmem:s13], [sflag:$0x2] =	stream.linear.gather @!p1 [hbm4b:s9+s14], $0x100, $0x38;
	[tilespmem:$0x1C000] =	vst v63  }
0x93: {  	_ =	swait.ge [sflag:s22], $0x100  }
0x94: {  	[sflag:s22] =	ssyncset.done $0x0  }
0x95: {  	[sflag:s22] =	ssyncadd.s32 $0xFFFFFF00  }
0x96: {  	[tilespmem:s29], [sflag:$0x6] =	stream.indirect.gather [hbm4b:s4+s20], $0x80, s18, s20, $0xb8;
	[tilespmem:$0x1C000] =	vst v63  }
0x97: {  	_ =	swait.ge [sflag:s30], $0x4000  }
0x98: {  	[sflag:s30] =	ssyncset.done $0x0  }
.Ltmp5:
0x99: {  	[sflag:s30] =	ssyncadd.s32 $0xFFFFC000;
	(pc) =	sbr.rel @p1 .LBB2_4-.Ltmp5, $4  }
0x9a: {  	[spmem:s1] =	stream.indirect.scatter.add.f32 [tilespmem:s29], [sflag:$0x8], $0x80, s6, s20, $0xb8;
	[tilespmem:$0x1C000] =	vst v63  }
0x9b: {  	_ =	swait.ge [sflag:s0], $0x4000  }
0x9c: {  	[sflag:s0] =	ssyncset.done $0x0  }
0x9d: {  	[sflag:s0] =	ssyncadd.s32 $0xFFFFC000  }
0x9e: {  	s9 =	sadd.s32 s12, s15  }
0x9f: {  	s9 =	sadd.s32 $0xC0, s9  }
0xa0: {  	[tilespmem:s17], [sflag:$0x3] =	stream.linear.gather [hbm4b:s9+s2], $0x100, $0x38;
	[tilespmem:$0x1C000] =	vst v63  }
.Ltmp6:
0xa1: {  	_ = 	snop;
	(pc) =	sbr.rel .LBB2_3-.Ltmp6, $4  }
0xa2: {  	_ =	swait.ge [sflag:s19], $0x100  }
0xa3: {  	[sflag:s19] =	ssyncset.done $0x0  }
0xa4: {  	s12 =	sadd.s32 $0x80, s12;
	[sflag:s19] =	ssyncadd.s32 $0xFFFFFF00  }
0xa5: {  	[tilespmem:s21], [sflag:$0x5] =	stream.indirect.gather [hbm4b:s4+s20], $0x80, s2, s20, $0xb8;
	[tilespmem:$0x1C000] =	vst v63  }
.LBB2_4:
.Ltmp7:
0xa6: {  	(pc) =	sbr.rel .LBB2_9-.Ltmp7, $2  }
0xa7: {  	_ =	sdelay $0x2  }
0xa8: {  	s12 =	rddreg [dreg:$0x4]  }
.LBB2_10:
0xa9: {  	_ =	sfence.sel $0x180000  }
0xaa: {  	[bflag:$0x0] =	sbarrier.arrive $0xFFFF  }
0xab: {  	_ =	strace $0x90000050  }
0xac: {  	s0 =	stileid.u32;
	[bflag:$0x2] =	sbarrier.arrive $0xFFFF  }
0xad: {  	p0 =	sne.s32 s0, $0x0;
	s0 =	rddreg [dreg:$0x2]  }
0xae: {  	s0 =	sadd.s32 @!p0 $0x100000, s0  }
0xaf: {  	[sflag:s0] =	ssyncadd.tile.s32 @!p0 $0x1;
	_ =	shalt  }
.Lfunc_end2:
_tile_overlayer_lowered:
.L_overlay_start_2:
0xb0: {  	(tag) =	ssettag $0x2  }
0xb1: {  	s0 =	rddreg [dreg:$0x0];
	s2 =	stileid.u32  }
0xb2: {  	s1 =	rddreg [dreg:$0x1];
	p0 =	sne.s32 s2, $0x0  }
0xb3: {  	s3 =	rddreg [dreg:$0x2];
	[bflag:$0x3] =	sbarrier.arrive $0xFFFF;
	s2 =	simm.s32 @!p0 $0x1C09  }
0xb4: {  	[timem:s3], [sflag:s2] =	dma.local @!p0 [hbm:s0], s1  }
0xb5: {  	s0 =	simm.s32 @!p0 $0x9  }
0xb6: {  	_ =	swait.ge @!p0 [sflag:s0], s1  }
0xb7: {  	s1 =	ssub.s32 @!p0 $0x0, s1;
	[sflag:s0] =	ssyncset.done @!p0 $0x0  }
0xb8: {  	[sflag:s0] =	ssyncadd.s32 @!p0 s1  }
0xb9: {  	[bflag:$0x3] =	sbarrier.arrive $0xFFFF  }
0xba: {  	_ =	shalt  }

</sc_bundles>
